<compile_context>
chip_gen: v7x
topology: tpu7x:2x2x1
jax: 0.10.2.dev20260603
libtpu: 0.0.44.dev20260713+nightly
codegen_flags: <defaults>
</compile_context>

<pallas_src>
import functools

import jax
import jax.numpy as jnp
from jax import lax
from jax.experimental import pallas as pl
from jax.experimental.pallas import tpu as pltpu
from jax.experimental.pallas import tpu_sc as plsc

NC, NS = 2, 16
NW = NC * NS
BLK = 80
HI = lax.Precision.HIGHEST


def _proj_body(x_ref, wa_ref, wb_ref, b1_ref, a_ref, b_ref):
    xb = x_ref[...]
    a_ref[...] = jnp.dot(xb, wa_ref[...].T, precision=HI) + b1_ref[...]
    b_ref[...] = jnp.dot(xb, wb_ref[...].T, precision=HI)


def _node_proj(x2, Wa, Wb, b1):
    n, c = x2.shape
    bn = 1000
    return pl.pallas_call(
        _proj_body,
        grid=(n // bn,),
        in_specs=[
            pl.BlockSpec((bn, c), lambda i: (i, 0)),
            pl.BlockSpec(Wa.shape, lambda i: (0, 0)),
            pl.BlockSpec(Wb.shape, lambda i: (0, 0)),
            pl.BlockSpec((1, b1.shape[1]), lambda i: (0, 0)),
        ],
        out_specs=[
            pl.BlockSpec((bn, Wa.shape[0]), lambda i: (i, 0)),
            pl.BlockSpec((bn, Wb.shape[0]), lambda i: (i, 0)),
        ],
        out_shape=[
            jax.ShapeDtypeStruct((n, Wa.shape[0]), jnp.float32),
            jax.ShapeDtypeStruct((n, Wb.shape[0]), jnp.float32),
        ],
    )(x2, Wa, Wb, b1)


NSLOT = 4


def _gather_body(nb, d, a_hbm, b_hbm, rowi_hbm, coli_hbm, g_hbm,
                 idxr, idxc, bufa, bufb, sga, sgb, so):
    c = lax.axis_index("c")
    s = lax.axis_index("s")
    w = s * NC + c
    base = w * (nb * BLK)
    pltpu.sync_copy(rowi_hbm.at[w], idxr)
    pltpu.sync_copy(coli_hbm.at[w], idxc)
    nk = d // 16

    def start_gather(j, b):
        pltpu.async_copy(a_hbm.at[idxr.at[j]], bufa.at[b], sga.at[b])
        pltpu.async_copy(b_hbm.at[idxc.at[j]], bufb.at[b], sgb.at[b])

    def wait_gather(b):
        pltpu.make_async_copy(g_hbm.at[pl.ds(0, BLK)], bufa.at[b], sga.at[b]).wait()
        pltpu.make_async_copy(g_hbm.at[pl.ds(0, BLK)], bufb.at[b], sgb.at[b]).wait()

    def add_rows(b):
        ba = bufa.at[b]
        bb = bufb.at[b]

        @pl.loop(0, BLK)
        def _(r):
            for k in range(nk):
                sl = pl.ds(k * 16, 16)
                ba[r, sl] = ba[r, sl] + bb[r, sl]

    def start_out(j, b):
        off = base + j * BLK
        pltpu.async_copy(bufa.at[b], g_hbm.at[pl.ds(off, BLK)], so.at[b])

    def wait_out(b):
        pltpu.make_async_copy(bufa.at[b], g_hbm.at[pl.ds(0, BLK)], so.at[b]).wait()

    start_gather(0, 0)
    start_gather(1, 1)
    nbp = (nb + NSLOT - 1) // NSLOT * NSLOT

    @pl.loop(0, nbp, step=NSLOT)
    def _(j0):
        for b in range(NSLOT):
            j = j0 + b

            @pl.when(j < nb)
            def _():
                wait_gather(b)
                add_rows(b)
                start_out(j, b)

            t = j + 2
            bt = (b + 2) % NSLOT

            @pl.when(jnp.logical_and(t >= NSLOT, t < nb))
            def _():
                wait_out(bt)

            @pl.when(t < nb)
            def _():
                start_gather(t, bt)

    for b in range(NSLOT):
        wait_out(b)


def _sc_gather(A, B, rowi, coli):
    nb = rowi.shape[1]
    e = NW * nb * BLK
    d = A.shape[1]
    mesh = plsc.VectorSubcoreMesh(core_axis_name="c", subcore_axis_name="s")
    kf = pl.kernel(
        functools.partial(_gather_body, nb, d),
        out_type=jax.ShapeDtypeStruct((e, d), jnp.float32),
        mesh=mesh,
        scratch_types=[
            pltpu.VMEM((nb, BLK), jnp.int32),
            pltpu.VMEM((nb, BLK), jnp.int32),
            pltpu.VMEM((NSLOT, BLK, d), jnp.float32),
            pltpu.VMEM((NSLOT, BLK, d), jnp.float32),
            pltpu.SemaphoreType.DMA((NSLOT,)),
            pltpu.SemaphoreType.DMA((NSLOT,)),
            pltpu.SemaphoreType.DMA((NSLOT,)),
        ],
    )
    return kf(A, B, rowi, coli)


def _edge_body(g_ref, p0_ref, p1_ref, w20_ref, b20_ref,
               w21_ref, b21_ref, m_ref):
    h = jnp.maximum(g_ref[...], 0.0)
    hdim = w20_ref.shape[1]
    h0 = h[:, :hdim]
    h1 = h[:, hdim:]
    m0 = jnp.maximum(jnp.dot(h0, w20_ref[...].T, precision=HI) + b20_ref[...], 0.0)
    m1 = jnp.maximum(jnp.dot(h1, w21_ref[...].T, precision=HI) + b21_ref[...], 0.0)
    m_ref[...] = m0 * p0_ref[...] + m1 * p1_ref[...]


def _edge_mlp(G, p0, p1, W20, b20, W21, b21):
    e, d = G.shape
    h = W20.shape[0]
    be = 3200
    return pl.pallas_call(
        _edge_body,
        grid=(e // be,),
        in_specs=[
            pl.BlockSpec((be, d), lambda i: (i, 0)),
            pl.BlockSpec((be, 1), lambda i: (i, 0)),
            pl.BlockSpec((be, 1), lambda i: (i, 0)),
            pl.BlockSpec(W20.shape, lambda i: (0, 0)),
            pl.BlockSpec((1, h), lambda i: (0, 0)),
            pl.BlockSpec(W21.shape, lambda i: (0, 0)),
            pl.BlockSpec((1, h), lambda i: (0, 0)),
        ],
        out_specs=pl.BlockSpec((be, h), lambda i: (i, 0)),
        out_shape=jax.ShapeDtypeStruct((e, h), jnp.float32),
    )(G, p0, p1, W20, b20, W21, b21)


def _scatter_body(nb, n, m_hbm, rowi_hbm, zer_hbm, out_hbm,
                  ib0, ib1, ib2, ib3, mbuf, smi, smm, sms, acc):
    c = lax.axis_index("c")
    s = lax.axis_index("s")
    w = s * NC + c
    base = w * (nb * BLK)
    nsl = n // NS
    ibs = [ib0, ib1, ib2, ib3]
    pltpu.sync_copy(zer_hbm.at[pl.ds(s * nsl, nsl)], acc.at[pl.ds(s * nsl, nsl)])
    plsc.subcore_barrier()

    def start_load(j, b):
        pltpu.async_copy(rowi_hbm.at[w].at[j], ibs[b], smi.at[b])
        pltpu.async_copy(m_hbm.at[pl.ds(base + j * BLK, BLK)], mbuf.at[b],
                         smm.at[b])

    def wait_load(b):
        pltpu.make_async_copy(rowi_hbm.at[w].at[0], ibs[b], smi.at[b]).wait()
        pltpu.make_async_copy(m_hbm.at[pl.ds(0, BLK)], mbuf.at[b],
                              smm.at[b]).wait()

    def start_scat(b):
        pltpu.async_copy(mbuf.at[b], acc.at[ibs[b]], sms.at[b], add=True)

    def wait_scat(b):
        pltpu.make_async_copy(mbuf.at[b], acc.at[ibs[b]], sms.at[b]).wait()

    start_load(0, 0)
    start_load(1, 1)
    nbp = (nb + NSLOT - 1) // NSLOT * NSLOT

    @pl.loop(0, nbp, step=NSLOT)
    def _(j0):
        for b in range(NSLOT):
            j = j0 + b

            @pl.when(j < nb)
            def _():
                wait_load(b)
                start_scat(b)

            t = j + 2
            bt = (b + 2) % NSLOT

            @pl.when(jnp.logical_and(t >= NSLOT, t < nb))
            def _():
                wait_scat(bt)

            @pl.when(t < nb)
            def _():
                start_load(t, bt)

    for b in range(NSLOT):
        wait_scat(b)
    plsc.subcore_barrier()
    pltpu.sync_copy(acc.at[pl.ds(s * nsl, nsl)],
                    out_hbm.at[c, pl.ds(s * nsl, nsl)])


def _sc_scatter(M, rowi, zer):
    nb = rowi.shape[1]
    n, h = zer.shape
    mesh = plsc.VectorSubcoreMesh(core_axis_name="c", subcore_axis_name="s")
    kf = pl.kernel(
        functools.partial(_scatter_body, nb, n),
        out_type=jax.ShapeDtypeStruct((NC, n, h), jnp.float32),
        mesh=mesh,
        scratch_types=[
            pltpu.VMEM((BLK,), jnp.int32),
            pltpu.VMEM((BLK,), jnp.int32),
            pltpu.VMEM((BLK,), jnp.int32),
            pltpu.VMEM((BLK,), jnp.int32),
            pltpu.VMEM((NSLOT, BLK, h), jnp.float32),
            pltpu.SemaphoreType.DMA((NSLOT,)),
            pltpu.SemaphoreType.DMA((NSLOT,)),
            pltpu.SemaphoreType.DMA((NSLOT,)),
            pltpu.VMEM_SHARED((n, h), jnp.float32),
        ],
        compiler_params=pltpu.CompilerParams(use_tc_tiling_on_sc=False),
    )
    return kf(M, rowi, zer)


def _out_body(x_ref, p_ref, w1_ref, b1_ref, w2_ref, b2_ref, w3_ref, b3_ref,
              o_ref):
    xb = x_ref[...]
    agg = p_ref[0] + p_ref[1]
    w1 = w1_ref[...]
    cdim = x_ref.shape[1]
    a1 = (jnp.dot(xb, w1[:, :cdim].T, precision=HI)
          + jnp.dot(agg, w1[:, cdim:].T, precision=HI) + b1_ref[...])
    hh = jnp.maximum(a1, 0.0)
    hh = jnp.maximum(jnp.dot(hh, w2_ref[...].T, precision=HI) + b2_ref[...], 0.0)
    o_ref[...] = jnp.dot(hh, w3_ref[...].T, precision=HI) + b3_ref[...] + xb


def _out_mlp(x2, P, W1, b1, W2, b2, W3, b3):
    n, c = x2.shape
    h = W2.shape[0]
    bn = 1000
    return pl.pallas_call(
        _out_body,
        grid=(n // bn,),
        in_specs=[
            pl.BlockSpec((bn, c), lambda i: (i, 0)),
            pl.BlockSpec((NC, bn, h), lambda i: (0, i, 0)),
            pl.BlockSpec(W1.shape, lambda i: (0, 0)),
            pl.BlockSpec((1, h), lambda i: (0, 0)),
            pl.BlockSpec(W2.shape, lambda i: (0, 0)),
            pl.BlockSpec((1, h), lambda i: (0, 0)),
            pl.BlockSpec(W3.shape, lambda i: (0, 0)),
            pl.BlockSpec((1, c), lambda i: (0, 0)),
        ],
        out_specs=pl.BlockSpec((bn, c), lambda i: (i, 0)),
        out_shape=jax.ShapeDtypeStruct((n, c), jnp.float32),
    )(x2, P, W1, b1, W2, b2, W3, b3)


def kernel(x, edge_index, edge_prob, W_msg1_0, b_msg1_0, W_msg1_1, b_msg1_1,
           W_msg2_0, b_msg2_0, W_msg2_1, b_msg2_1, W_out1, b_out1, W_out2,
           b_out2, W_out3, b_out3):
    _, n, c = x.shape
    e = edge_index.shape[1]
    h = W_msg2_0.shape[0]
    assert e % (NW * BLK) == 0 and n % NS == 0
    nb = e // (NW * BLK)

    x2 = x[0]
    Wa = jnp.concatenate([W_msg1_0[:, :c], W_msg1_1[:, :c]], axis=0)
    Wb = jnp.concatenate([W_msg1_0[:, c:], W_msg1_1[:, c:]], axis=0)
    b1c = jnp.concatenate([b_msg1_0, b_msg1_1]).reshape(1, 2 * h)

    A, B = _node_proj(x2, Wa, Wb, b1c)

    rowi = edge_index[0].reshape(NW, nb, BLK)
    coli = edge_index[1].reshape(NW, nb, BLK)
    G = _sc_gather(A, B, rowi, coli)

    p0 = edge_prob[0].reshape(e, 1)
    p1 = edge_prob[1].reshape(e, 1)
    M = _edge_mlp(G, p0, p1, W_msg2_0, b_msg2_0.reshape(1, -1),
                  W_msg2_1, b_msg2_1.reshape(1, -1))

    n_pad = ((n + 8 * NS - 1) // (8 * NS)) * (8 * NS)
    zer = jnp.zeros((n_pad, h), jnp.float32)
    P = _sc_scatter(M, rowi, zer)

    out = _out_mlp(x2, P, W_out1, b_out1.reshape(1, -1), W_out2,
                   b_out2.reshape(1, -1), W_out3, b_out3.reshape(1, -1))
    return out[None]

# --- scband reference (transcript-rebuilt; emitter-appended) ---
"""Pipeline reference for scband-conv-layer-50714973831732 (READ-ONLY COPY).

The authoritative reference and input builder live on the scoring server;
editing this copy changes nothing except your own understanding.
"""

import jax, jax.numpy as jnp
import numpy as np

N, E, C, H = 10000, 320000, 128, 64

def _lin(k, fan_out, fan_in):
    kw, kb = jax.random.split(k)
    s = 1.0 / np.sqrt(fan_in)
    W = jax.random.uniform(kw, (fan_out, fan_in), minval=-s, maxval=s, dtype=jnp.float32)
    b = jax.random.uniform(kb, (fan_out,), minval=-s, maxval=s, dtype=jnp.float32)
    return W, b

def setup_inputs(seed: int = 0):
    key = jax.random.key(seed)
    ks = jax.random.split(key, 12)
    inp = {}
    inp['x'] = jax.random.normal(ks[0], (1, N, C), dtype=jnp.float32)
    inp['edge_index'] = jax.random.randint(ks[1], (2, E), 0, N, dtype=jnp.int32)
    inp['edge_prob'] = jax.random.uniform(ks[2], (2, E), dtype=jnp.float32)
    inp['W_msg1_0'], inp['b_msg1_0'] = _lin(ks[3], H, 2 * C)
    inp['W_msg1_1'], inp['b_msg1_1'] = _lin(ks[4], H, 2 * C)
    inp['W_msg2_0'], inp['b_msg2_0'] = _lin(ks[5], H, H)
    inp['W_msg2_1'], inp['b_msg2_1'] = _lin(ks[6], H, H)
    inp['W_out1'], inp['b_out1'] = _lin(ks[7], H, C + H)
    inp['W_out2'], inp['b_out2'] = _lin(ks[8], H, H)
    inp['W_out3'], inp['b_out3'] = _lin(ks[9], C, H)
    return inp

def reference(x, edge_index, edge_prob, W_msg1_0, b_msg1_0, W_msg1_1, b_msg1_1, W_msg2_0, b_msg2_0, W_msg2_1, b_msg2_1, W_out1, b_out1, W_out2, b_out2, W_out3, b_out3):
    row = edge_index[0]
    col = edge_index[1]
    x0 = x
    pre_msg = jnp.concatenate([x[:, row, :], x[:, col, :]], axis=-1)
    W1 = [W_msg1_0, W_msg1_1]; b1 = [b_msg1_0, b_msg1_1]
    W2 = [W_msg2_0, W_msg2_1]; b2 = [b_msg2_0, b_msg2_1]
    all_msgs = None
    for i in range(2):
        msg = jax.nn.relu(pre_msg @ W1[i].T + b1[i])
        msg = jax.nn.relu(msg @ W2[i].T + b2[i])
        msg1 = msg * edge_prob[i][None, :, None]
        all_msgs = msg1 if all_msgs is None else all_msgs + msg1
    agg = jnp.zeros((x.shape[0], x.shape[1], all_msgs.shape[-1]), dtype=x.dtype).at[:, row, :].add(all_msgs)
    aug = jnp.concatenate([x0, agg], axis=-1)
    pred = jax.nn.relu(aug @ W_out1.T + b_out1)
    pred = jax.nn.relu(pred @ W_out2.T + b_out2)
    pred = pred @ W_out3.T + b_out3
    return pred + x0

if __name__ == "__main__":
    import jax
    _d = setup_inputs()
    print(jax.jit(kernel)(*tuple(_d.values())))

</pallas_src>

<mosaic_0001>
#map = affine_map<(d0, d1) -> (0, 0)>
#map1 = affine_map<(d0, d1) -> (0, 0, 0)>
module attributes {stable_mosaic.version = 14 : i64} {
  func.func @_gather_body(%arg0: i32, %arg1: i32, %arg2: memref<10000x128xf32, #tpu.memory_space<hbm>>, %arg3: memref<10000x128xf32, #tpu.memory_space<hbm>>, %arg4: memref<32x125x80xi32, #tpu.memory_space<hbm>>, %arg5: memref<32x125x80xi32, #tpu.memory_space<hbm>>, %arg6: memref<320000x128xf32, #tpu.memory_space<hbm>>, %arg7: memref<125x80xi32, #tpu.memory_space<vmem>>, %arg8: memref<125x80xi32, #tpu.memory_space<vmem>>, %arg9: memref<4x80x128xf32, #tpu.memory_space<vmem>>, %arg10: memref<4x80x128xf32, #tpu.memory_space<vmem>>, %arg11: memref<4x!tpu.dma_semaphore, #tpu.memory_space<semaphore_mem>>, %arg12: memref<4x!tpu.dma_semaphore, #tpu.memory_space<semaphore_mem>>, %arg13: memref<4x!tpu.dma_semaphore, #tpu.memory_space<semaphore_mem>>) attributes {dimension_semantics = [#tpu.dimension_semantics<core_parallel>, #tpu.dimension_semantics<subcore_parallel>], iteration_bounds = array<i64: 2, 16>, scalar_prefetch = 0 : i64, scratch_operands = 7 : i64, tpu.core_type = #tpu.core_type<sc_vector_subcore>, window_params = [{transform_indices = #map}, {transform_indices = #map}, {transform_indices = #map1}, {transform_indices = #map1}, {transform_indices = #map}]} {
    %mul3A = arith.constant 2 : i32
    %mul3A_0 = arith.muli %arg1, %mul3A : i32
    %add3A = arith.addi %mul3A_0, %arg0 : i32
    %mul3A_1 = arith.constant 10000 : i32
    %mul3A_2 = arith.muli %add3A, %mul3A_1 : i32
    "tpu.region"() ({
      %run_scoped3A = tpu.sem_alloc : memref<!tpu.dma_semaphore, #tpu.memory_space<semaphore_mem>>
      %dma_start3A_137 = arith.constant 0 : i32
      %dma_start3A_138 = arith.constant 0 : i32
      %dma_start3A_139 = tpu.memref_slice %arg4[%add3A, %dma_start3A_137, %dma_start3A_138] : memref<32x125x80xi32, #tpu.memory_space<hbm>> -> memref<1x125x80xi32, #tpu.memory_space<hbm>>
      %dma_start3A_140 = tpu.memref_squeeze %dma_start3A_139 : memref<1x125x80xi32, #tpu.memory_space<hbm>> -> memref<125x80xi32, #tpu.memory_space<hbm>>
      %dma_start3A_141 = arith.constant 0 : i32
      %dma_start3A_142 = arith.constant 0 : i32
      %dma_start3A_143 = tpu.memref_slice %arg4[%add3A, %dma_start3A_141, %dma_start3A_142] : memref<32x125x80xi32, #tpu.memory_space<hbm>> -> memref<1x125x80xi32, #tpu.memory_space<hbm>>
      %dma_start3A_144 = tpu.memref_squeeze %dma_start3A_143 : memref<1x125x80xi32, #tpu.memory_space<hbm>> -> memref<125x80xi32, #tpu.memory_space<hbm>>
      tpu.enqueue_dma source(%dma_start3A_144 : memref<125x80xi32, #tpu.memory_space<hbm>>) target(%arg7 : memref<125x80xi32, #tpu.memory_space<vmem>>) target_semaphore(%run_scoped3A : memref<!tpu.dma_semaphore, #tpu.memory_space<semaphore_mem>>)
      %dma_wait3A_145 = arith.constant 0 : i32
      %dma_wait3A_146 = arith.constant 0 : i32
      %dma_wait3A_147 = tpu.memref_slice %arg4[%add3A, %dma_wait3A_145, %dma_wait3A_146] : memref<32x125x80xi32, #tpu.memory_space<hbm>> -> memref<1x125x80xi32, #tpu.memory_space<hbm>>
      %dma_wait3A_148 = tpu.memref_squeeze %dma_wait3A_147 : memref<1x125x80xi32, #tpu.memory_space<hbm>> -> memref<125x80xi32, #tpu.memory_space<hbm>>
      %dma_wait3A_149 = arith.constant 0 : i32
      %dma_wait3A_150 = arith.constant 0 : i32
      %dma_wait3A_151 = tpu.memref_slice %arg4[%add3A, %dma_wait3A_149, %dma_wait3A_150] : memref<32x125x80xi32, #tpu.memory_space<hbm>> -> memref<1x125x80xi32, #tpu.memory_space<hbm>>
      %dma_wait3A_152 = tpu.memref_squeeze %dma_wait3A_151 : memref<1x125x80xi32, #tpu.memory_space<hbm>> -> memref<125x80xi32, #tpu.memory_space<hbm>>
      tpu.wait_dma2 semaphore(%run_scoped3A : memref<!tpu.dma_semaphore, #tpu.memory_space<semaphore_mem>>) src(%dma_wait3A_152 : memref<125x80xi32, #tpu.memory_space<hbm>>) dst(%arg7 : memref<125x80xi32, #tpu.memory_space<vmem>>)
      tpu.yield
    }) : () -> ()
    "tpu.region"() ({
      %run_scoped3A = tpu.sem_alloc : memref<!tpu.dma_semaphore, #tpu.memory_space<semaphore_mem>>
      %dma_start3A_137 = arith.constant 0 : i32
      %dma_start3A_138 = arith.constant 0 : i32
      %dma_start3A_139 = tpu.memref_slice %arg5[%add3A, %dma_start3A_137, %dma_start3A_138] : memref<32x125x80xi32, #tpu.memory_space<hbm>> -> memref<1x125x80xi32, #tpu.memory_space<hbm>>
      %dma_start3A_140 = tpu.memref_squeeze %dma_start3A_139 : memref<1x125x80xi32, #tpu.memory_space<hbm>> -> memref<125x80xi32, #tpu.memory_space<hbm>>
      %dma_start3A_141 = arith.constant 0 : i32
      %dma_start3A_142 = arith.constant 0 : i32
      %dma_start3A_143 = tpu.memref_slice %arg5[%add3A, %dma_start3A_141, %dma_start3A_142] : memref<32x125x80xi32, #tpu.memory_space<hbm>> -> memref<1x125x80xi32, #tpu.memory_space<hbm>>
      %dma_start3A_144 = tpu.memref_squeeze %dma_start3A_143 : memref<1x125x80xi32, #tpu.memory_space<hbm>> -> memref<125x80xi32, #tpu.memory_space<hbm>>
      tpu.enqueue_dma source(%dma_start3A_144 : memref<125x80xi32, #tpu.memory_space<hbm>>) target(%arg8 : memref<125x80xi32, #tpu.memory_space<vmem>>) target_semaphore(%run_scoped3A : memref<!tpu.dma_semaphore, #tpu.memory_space<semaphore_mem>>)
      %dma_wait3A_145 = arith.constant 0 : i32
      %dma_wait3A_146 = arith.constant 0 : i32
      %dma_wait3A_147 = tpu.memref_slice %arg5[%add3A, %dma_wait3A_145, %dma_wait3A_146] : memref<32x125x80xi32, #tpu.memory_space<hbm>> -> memref<1x125x80xi32, #tpu.memory_space<hbm>>
      %dma_wait3A_148 = tpu.memref_squeeze %dma_wait3A_147 : memref<1x125x80xi32, #tpu.memory_space<hbm>> -> memref<125x80xi32, #tpu.memory_space<hbm>>
      %dma_wait3A_149 = arith.constant 0 : i32
      %dma_wait3A_150 = arith.constant 0 : i32
      %dma_wait3A_151 = tpu.memref_slice %arg5[%add3A, %dma_wait3A_149, %dma_wait3A_150] : memref<32x125x80xi32, #tpu.memory_space<hbm>> -> memref<1x125x80xi32, #tpu.memory_space<hbm>>
      %dma_wait3A_152 = tpu.memref_squeeze %dma_wait3A_151 : memref<1x125x80xi32, #tpu.memory_space<hbm>> -> memref<125x80xi32, #tpu.memory_space<hbm>>
      tpu.wait_dma2 semaphore(%run_scoped3A : memref<!tpu.dma_semaphore, #tpu.memory_space<semaphore_mem>>) src(%dma_wait3A_152 : memref<125x80xi32, #tpu.memory_space<hbm>>) dst(%arg8 : memref<125x80xi32, #tpu.memory_space<vmem>>)
      tpu.yield
    }) : () -> ()
    %dma_start3A = arith.constant 0 : i32
    %dma_start3A_3 = arith.constant 0 : i32
    %dma_start3A_4 = arith.constant 0 : i32
    %dma_start3A_5 = arith.constant 0 : i32
    %dma_start3A_6 = arith.constant 0 : i32
    %dma_start3A_7 = tpu.memref_slice %arg9[%dma_start3A_3, %dma_start3A_5, %dma_start3A_6] : memref<4x80x128xf32, #tpu.memory_space<vmem>> -> memref<1x80x128xf32, #tpu.memory_space<vmem>>
    %dma_start3A_8 = tpu.memref_squeeze %dma_start3A_7 : memref<1x80x128xf32, #tpu.memory_space<vmem>> -> memref<80x128xf32, #tpu.memory_space<vmem>>
    %dma_start3A_9 = arith.constant 0 : i32
    %dma_start3A_10 = tpu.memref_slice %arg7[%dma_start3A, %dma_start3A_9] : memref<125x80xi32, #tpu.memory_space<vmem>> -> memref<1x80xi32, #tpu.memory_space<vmem>>
    %dma_start3A_11 = tpu.memref_squeeze %dma_start3A_10 : memref<1x80xi32, #tpu.memory_space<vmem>> -> memref<80xi32, #tpu.memory_space<vmem>>
    %dma_start3A_12 = arith.constant 0 : i32
    %dma_start3A_13 = arith.constant 0 : i32
    %dma_start3A_14 = tpu.memref_slice %arg2[%dma_start3A_12, %dma_start3A_13] : memref<10000x128xf32, #tpu.memory_space<hbm>> -> memref<10000x128xf32, #tpu.memory_space<hbm>>
    %dma_start3A_15 = tpu.memref_slice %arg11[%dma_start3A_4] : memref<4x!tpu.dma_semaphore, #tpu.memory_space<semaphore_mem>> -> memref<1x!tpu.dma_semaphore, #tpu.memory_space<semaphore_mem>>
    %dma_start3A_16 = tpu.memref_squeeze %dma_start3A_15 : memref<1x!tpu.dma_semaphore, #tpu.memory_space<semaphore_mem>> -> memref<!tpu.dma_semaphore, #tpu.memory_space<semaphore_mem>>
    tpu.enqueue_indirect_dma source(%dma_start3A_14 : memref<10000x128xf32, #tpu.memory_space<hbm>>) target(%dma_start3A_8 : memref<80x128xf32, #tpu.memory_space<vmem>>) offsets(%dma_start3A_11 : memref<80xi32, #tpu.memory_space<vmem>>) semaphore(%dma_start3A_16 : memref<!tpu.dma_semaphore, #tpu.memory_space<semaphore_mem>>)
    %dma_start3A_17 = arith.constant 0 : i32
    %dma_start3A_18 = arith.constant 0 : i32
    %dma_start3A_19 = arith.constant 0 : i32
    %dma_start3A_20 = arith.constant 0 : i32
    %dma_start3A_21 = arith.constant 0 : i32
    %dma_start3A_22 = tpu.memref_slice %arg10[%dma_start3A_18, %dma_start3A_20, %dma_start3A_21] : memref<4x80x128xf32, #tpu.memory_space<vmem>> -> memref<1x80x128xf32, #tpu.memory_space<vmem>>
    %dma_start3A_23 = tpu.memref_squeeze %dma_start3A_22 : memref<1x80x128xf32, #tpu.memory_space<vmem>> -> memref<80x128xf32, #tpu.memory_space<vmem>>
    %dma_start3A_24 = arith.constant 0 : i32
    %dma_start3A_25 = tpu.memref_slice %arg8[%dma_start3A_17, %dma_start3A_24] : memref<125x80xi32, #tpu.memory_space<vmem>> -> memref<1x80xi32, #tpu.memory_space<vmem>>
    %dma_start3A_26 = tpu.memref_squeeze %dma_start3A_25 : memref<1x80xi32, #tpu.memory_space<vmem>> -> memref<80xi32, #tpu.memory_space<vmem>>
    %dma_start3A_27 = arith.constant 0 : i32
    %dma_start3A_28 = arith.constant 0 : i32
    %dma_start3A_29 = tpu.memref_slice %arg3[%dma_start3A_27, %dma_start3A_28] : memref<10000x128xf32, #tpu.memory_space<hbm>> -> memref<10000x128xf32, #tpu.memory_space<hbm>>
    %dma_start3A_30 = tpu.memref_slice %arg12[%dma_start3A_19] : memref<4x!tpu.dma_semaphore, #tpu.memory_space<semaphore_mem>> -> memref<1x!tpu.dma_semaphore, #tpu.memory_space<semaphore_mem>>
    %dma_start3A_31 = tpu.memref_squeeze %dma_start3A_30 : memref<1x!tpu.dma_semaphore, #tpu.memory_space<semaphore_mem>> -> memref<!tpu.dma_semaphore, #tpu.memory_space<semaphore_mem>>
    tpu.enqueue_indirect_dma source(%dma_start3A_29 : memref<10000x128xf32, #tpu.memory_space<hbm>>) target(%dma_start3A_23 : memref<80x128xf32, #tpu.memory_space<vmem>>) offsets(%dma_start3A_26 : memref<80xi32, #tpu.memory_space<vmem>>) semaphore(%dma_start3A_31 : memref<!tpu.dma_semaphore, #tpu.memory_space<semaphore_mem>>)
    %dma_start3A_32 = arith.constant 1 : i32
    %dma_start3A_33 = arith.constant 1 : i32
    %dma_start3A_34 = arith.constant 1 : i32
    %dma_start3A_35 = arith.constant 0 : i32
    %dma_start3A_36 = arith.constant 0 : i32
    %dma_start3A_37 = tpu.memref_slice %arg9[%dma_start3A_33, %dma_start3A_35, %dma_start3A_36] : memref<4x80x128xf32, #tpu.memory_space<vmem>> -> memref<1x80x128xf32, #tpu.memory_space<vmem>>
    %dma_start3A_38 = tpu.memref_squeeze %dma_start3A_37 : memref<1x80x128xf32, #tpu.memory_space<vmem>> -> memref<80x128xf32, #tpu.memory_space<vmem>>
    %dma_start3A_39 = arith.constant 0 : i32
    %dma_start3A_40 = tpu.memref_slice %arg7[%dma_start3A_32, %dma_start3A_39] : memref<125x80xi32, #tpu.memory_space<vmem>> -> memref<1x80xi32, #tpu.memory_space<vmem>>
    %dma_start3A_41 = tpu.memref_squeeze %dma_start3A_40 : memref<1x80xi32, #tpu.memory_space<vmem>> -> memref<80xi32, #tpu.memory_space<vmem>>
    %dma_start3A_42 = arith.constant 0 : i32
    %dma_start3A_43 = arith.constant 0 : i32
    %dma_start3A_44 = tpu.memref_slice %arg2[%dma_start3A_42, %dma_start3A_43] : memref<10000x128xf32, #tpu.memory_space<hbm>> -> memref<10000x128xf32, #tpu.memory_space<hbm>>
    %dma_start3A_45 = tpu.memref_slice %arg11[%dma_start3A_34] : memref<4x!tpu.dma_semaphore, #tpu.memory_space<semaphore_mem>> -> memref<1x!tpu.dma_semaphore, #tpu.memory_space<semaphore_mem>>
    %dma_start3A_46 = tpu.memref_squeeze %dma_start3A_45 : memref<1x!tpu.dma_semaphore, #tpu.memory_space<semaphore_mem>> -> memref<!tpu.dma_semaphore, #tpu.memory_space<semaphore_mem>>
    tpu.enqueue_indirect_dma source(%dma_start3A_44 : memref<10000x128xf32, #tpu.memory_space<hbm>>) target(%dma_start3A_38 : memref<80x128xf32, #tpu.memory_space<vmem>>) offsets(%dma_start3A_41 : memref<80xi32, #tpu.memory_space<vmem>>) semaphore(%dma_start3A_46 : memref<!tpu.dma_semaphore, #tpu.memory_space<semaphore_mem>>)
    %dma_start3A_47 = arith.constant 1 : i32
    %dma_start3A_48 = arith.constant 1 : i32
    %dma_start3A_49 = arith.constant 1 : i32
    %dma_start3A_50 = arith.constant 0 : i32
    %dma_start3A_51 = arith.constant 0 : i32
    %dma_start3A_52 = tpu.memref_slice %arg10[%dma_start3A_48, %dma_start3A_50, %dma_start3A_51] : memref<4x80x128xf32, #tpu.memory_space<vmem>> -> memref<1x80x128xf32, #tpu.memory_space<vmem>>
    %dma_start3A_53 = tpu.memref_squeeze %dma_start3A_52 : memref<1x80x128xf32, #tpu.memory_space<vmem>> -> memref<80x128xf32, #tpu.memory_space<vmem>>
    %dma_start3A_54 = arith.constant 0 : i32
    %dma_start3A_55 = tpu.memref_slice %arg8[%dma_start3A_47, %dma_start3A_54] : memref<125x80xi32, #tpu.memory_space<vmem>> -> memref<1x80xi32, #tpu.memory_space<vmem>>
    %dma_start3A_56 = tpu.memref_squeeze %dma_start3A_55 : memref<1x80xi32, #tpu.memory_space<vmem>> -> memref<80xi32, #tpu.memory_space<vmem>>
    %dma_start3A_57 = arith.constant 0 : i32
    %dma_start3A_58 = arith.constant 0 : i32
    %dma_start3A_59 = tpu.memref_slice %arg3[%dma_start3A_57, %dma_start3A_58] : memref<10000x128xf32, #tpu.memory_space<hbm>> -> memref<10000x128xf32, #tpu.memory_space<hbm>>
    %dma_start3A_60 = tpu.memref_slice %arg12[%dma_start3A_49] : memref<4x!tpu.dma_semaphore, #tpu.memory_space<semaphore_mem>> -> memref<1x!tpu.dma_semaphore, #tpu.memory_space<semaphore_mem>>
    %dma_start3A_61 = tpu.memref_squeeze %dma_start3A_60 : memref<1x!tpu.dma_semaphore, #tpu.memory_space<semaphore_mem>> -> memref<!tpu.dma_semaphore, #tpu.memory_space<semaphore_mem>>
    tpu.enqueue_indirect_dma source(%dma_start3A_59 : memref<10000x128xf32, #tpu.memory_space<hbm>>) target(%dma_start3A_53 : memref<80x128xf32, #tpu.memory_space<vmem>>) offsets(%dma_start3A_56 : memref<80xi32, #tpu.memory_space<vmem>>) semaphore(%dma_start3A_61 : memref<!tpu.dma_semaphore, #tpu.memory_space<semaphore_mem>>)
    %scan3A = arith.constant 0 : i32
    %scan3A_62 = arith.constant 32 : i32
    %scan3A_63 = arith.addi %scan3A, %scan3A_62 : i32
    %scan3A_64 = arith.constant 1 : i32
    scf.for %scan3A_137 = %scan3A to %scan3A_63 step %scan3A_64  : i32 {
      %mul3A_138 = arith.constant 4 : i32
      %mul3A_139 = arith.muli %scan3A_137, %mul3A_138 : i32
      %add3A_140 = arith.constant 0 : i32
      %add3A_141 = arith.addi %add3A_140, %mul3A_139 : i32
      %add3A_142 = arith.constant 0 : i32
      %add3A_143 = arith.addi %add3A_141, %add3A_142 : i32
      %lt3A = arith.constant 125 : i32
      %lt3A_144 = arith.cmpi slt, %add3A_143, %lt3A : i32
      %convert_element_type3A = arith.extui %lt3A_144 : i1 to i32
      %cond3A = arith.constant 0 : i32
      %cond3A_145 = arith.cmpi ne, %convert_element_type3A, %cond3A : i32
      scf.if %cond3A_145 {
        %dma_wait3A_225 = arith.constant 0 : i32
        %dma_wait3A_226 = arith.constant 0 : i32
        %dma_wait3A_227 = arith.constant 0 : i32
        %dma_wait3A_228 = arith.constant 0 : i32
        %dma_wait3A_229 = tpu.memref_slice %arg9[%dma_wait3A_225, %dma_wait3A_227, %dma_wait3A_228] : memref<4x80x128xf32, #tpu.memory_space<vmem>> -> memref<1x80x128xf32, #tpu.memory_space<vmem>>
        %dma_wait3A_230 = tpu.memref_squeeze %dma_wait3A_229 : memref<1x80x128xf32, #tpu.memory_space<vmem>> -> memref<80x128xf32, #tpu.memory_space<vmem>>
        %dma_wait3A_231 = arith.constant 0 : i32
        %dma_wait3A_232 = arith.constant 0 : i32
        %dma_wait3A_233 = tpu.memref_slice %arg6[%dma_wait3A_231, %dma_wait3A_232] : memref<320000x128xf32, #tpu.memory_space<hbm>> -> memref<80x128xf32, #tpu.memory_space<hbm>>
        %dma_wait3A_234 = tpu.memref_slice %arg11[%dma_wait3A_226] : memref<4x!tpu.dma_semaphore, #tpu.memory_space<semaphore_mem>> -> memref<1x!tpu.dma_semaphore, #tpu.memory_space<semaphore_mem>>
        %dma_wait3A_235 = tpu.memref_squeeze %dma_wait3A_234 : memref<1x!tpu.dma_semaphore, #tpu.memory_space<semaphore_mem>> -> memref<!tpu.dma_semaphore, #tpu.memory_space<semaphore_mem>>
        %dma_wait3A_236 = arith.constant 0 : i32
        %dma_wait3A_237 = arith.constant 0 : i32
        %dma_wait3A_238 = tpu.memref_slice %arg9[%dma_wait3A_225, %dma_wait3A_236, %dma_wait3A_237] : memref<4x80x128xf32, #tpu.memory_space<vmem>> -> memref<1x80x128xf32, #tpu.memory_space<vmem>>
        %dma_wait3A_239 = tpu.memref_squeeze %dma_wait3A_238 : memref<1x80x128xf32, #tpu.memory_space<vmem>> -> memref<80x128xf32, #tpu.memory_space<vmem>>
        %dma_wait3A_240 = arith.constant 0 : i32
        %dma_wait3A_241 = arith.constant 0 : i32
        %dma_wait3A_242 = tpu.memref_slice %arg6[%dma_wait3A_240, %dma_wait3A_241] : memref<320000x128xf32, #tpu.memory_space<hbm>> -> memref<80x128xf32, #tpu.memory_space<hbm>>
        tpu.wait_dma2 semaphore(%dma_wait3A_235 : memref<!tpu.dma_semaphore, #tpu.memory_space<semaphore_mem>>) src(%dma_wait3A_242 : memref<80x128xf32, #tpu.memory_space<hbm>>) dst(%dma_wait3A_239 : memref<80x128xf32, #tpu.memory_space<vmem>>)
        %dma_wait3A_243 = arith.constant 0 : i32
        %dma_wait3A_244 = arith.constant 0 : i32
        %dma_wait3A_245 = arith.constant 0 : i32
        %dma_wait3A_246 = arith.constant 0 : i32
        %dma_wait3A_247 = tpu.memref_slice %arg10[%dma_wait3A_243, %dma_wait3A_245, %dma_wait3A_246] : memref<4x80x128xf32, #tpu.memory_space<vmem>> -> memref<1x80x128xf32, #tpu.memory_space<vmem>>
        %dma_wait3A_248 = tpu.memref_squeeze %dma_wait3A_247 : memref<1x80x128xf32, #tpu.memory_space<vmem>> -> memref<80x128xf32, #tpu.memory_space<vmem>>
        %dma_wait3A_249 = arith.constant 0 : i32
        %dma_wait3A_250 = arith.constant 0 : i32
        %dma_wait3A_251 = tpu.memref_slice %arg6[%dma_wait3A_249, %dma_wait3A_250] : memref<320000x128xf32, #tpu.memory_space<hbm>> -> memref<80x128xf32, #tpu.memory_space<hbm>>
        %dma_wait3A_252 = tpu.memref_slice %arg12[%dma_wait3A_244] : memref<4x!tpu.dma_semaphore, #tpu.memory_space<semaphore_mem>> -> memref<1x!tpu.dma_semaphore, #tpu.memory_space<semaphore_mem>>
        %dma_wait3A_253 = tpu.memref_squeeze %dma_wait3A_252 : memref<1x!tpu.dma_semaphore, #tpu.memory_space<semaphore_mem>> -> memref<!tpu.dma_semaphore, #tpu.memory_space<semaphore_mem>>
        %dma_wait3A_254 = arith.constant 0 : i32
        %dma_wait3A_255 = arith.constant 0 : i32
        %dma_wait3A_256 = tpu.memref_slice %arg10[%dma_wait3A_243, %dma_wait3A_254, %dma_wait3A_255] : memref<4x80x128xf32, #tpu.memory_space<vmem>> -> memref<1x80x128xf32, #tpu.memory_space<vmem>>
        %dma_wait3A_257 = tpu.memref_squeeze %dma_wait3A_256 : memref<1x80x128xf32, #tpu.memory_space<vmem>> -> memref<80x128xf32, #tpu.memory_space<vmem>>
        %dma_wait3A_258 = arith.constant 0 : i32
        %dma_wait3A_259 = arith.constant 0 : i32
        %dma_wait3A_260 = tpu.memref_slice %arg6[%dma_wait3A_258, %dma_wait3A_259] : memref<320000x128xf32, #tpu.memory_space<hbm>> -> memref<80x128xf32, #tpu.memory_space<hbm>>
        tpu.wait_dma2 semaphore(%dma_wait3A_253 : memref<!tpu.dma_semaphore, #tpu.memory_space<semaphore_mem>>) src(%dma_wait3A_260 : memref<80x128xf32, #tpu.memory_space<hbm>>) dst(%dma_wait3A_257 : memref<80x128xf32, #tpu.memory_space<vmem>>)
        %scan3A_261 = arith.constant 0 : i32
        %scan3A_262 = arith.constant 0 : i32
        %scan3A_263 = arith.constant 0 : i32
        %scan3A_264 = arith.constant 80 : i32
        %scan3A_265 = arith.addi %scan3A_263, %scan3A_264 : i32
        %scan3A_266 = arith.constant 1 : i32
        scf.for %scan3A_287 = %scan3A_263 to %scan3A_265 step %scan3A_266  : i32 {
          %mul3A_288 = arith.constant 1 : i32
          %mul3A_289 = arith.muli %scan3A_287, %mul3A_288 : i32
          %add3A_290 = arith.constant 0 : i32
          %add3A_291 = arith.addi %add3A_290, %mul3A_289 : i32
          %get3A = arith.constant 0 : i32
          %get3A_292 = arith.constant 0 : i32
          %get3A_293 = tpu.memref_slice %arg9[%scan3A_261, %get3A, %get3A_292] : memref<4x80x128xf32, #tpu.memory_space<vmem>> -> memref<1x80x128xf32, #tpu.memory_space<vmem>>
          %get3A_294 = tpu.memref_squeeze %get3A_293 : memref<1x80x128xf32, #tpu.memory_space<vmem>> -> memref<80x128xf32, #tpu.memory_space<vmem>>
          %get3A_295 = arith.index_cast %add3A_291 : i32 to index
          %get3A_296 = arith.constant 0 : index
          %get3A_297 = tpu.vector_load %get3A_294[%get3A_295, %get3A_296] {strides = array<i32>} : memref<80x128xf32, #tpu.memory_space<vmem>>, vector<1x16xf32>,
          %get3A_298 = vector.shape_cast %get3A_297 : vector<1x16xf32> to vector<16xf32>
          %get3A_299 = arith.constant 0 : i32
          %get3A_300 = arith.constant 0 : i32
          %get3A_301 = tpu.memref_slice %arg10[%scan3A_262, %get3A_299, %get3A_300] : memref<4x80x128xf32, #tpu.memory_space<vmem>> -> memref<1x80x128xf32, #tpu.memory_space<vmem>>
          %get3A_302 = tpu.memref_squeeze %get3A_301 : memref<1x80x128xf32, #tpu.memory_space<vmem>> -> memref<80x128xf32, #tpu.memory_space<vmem>>
          %get3A_303 = arith.index_cast %add3A_291 : i32 to index
          %get3A_304 = arith.constant 0 : index
          %get3A_305 = tpu.vector_load %get3A_302[%get3A_303, %get3A_304] {strides = array<i32>} : memref<80x128xf32, #tpu.memory_space<vmem>>, vector<1x16xf32>,
          %get3A_306 = vector.shape_cast %get3A_305 : vector<1x16xf32> to vector<16xf32>
          %add3A_307 = arith.addf %get3A_298, %get3A_306 : vector<16xf32>
          %swap3A = arith.constant 0 : i32
          %swap3A_308 = arith.constant 0 : i32
          %swap3A_309 = tpu.memref_slice %arg9[%scan3A_261, %swap3A, %swap3A_308] : memref<4x80x128xf32, #tpu.memory_space<vmem>> -> memref<1x80x128xf32, #tpu.memory_space<vmem>>
          %swap3A_310 = tpu.memref_squeeze %swap3A_309 : memref<1x80x128xf32, #tpu.memory_space<vmem>> -> memref<80x128xf32, #tpu.memory_space<vmem>>
          %swap3A_311 = arith.index_cast %add3A_291 : i32 to index
          %swap3A_312 = arith.constant 0 : index
          %swap3A_313 = tpu.vector_load %swap3A_310[%swap3A_311, %swap3A_312] {strides = array<i32>} : memref<80x128xf32, #tpu.memory_space<vmem>>, vector<1x16xf32>,
          %swap3A_314 = vector.shape_cast %swap3A_313 : vector<1x16xf32> to vector<16xf32>
          %swap3A_315 = vector.shape_cast %add3A_307 : vector<16xf32> to vector<1x16xf32>
          tpu.vector_store %swap3A_310[%swap3A_311, %swap3A_312], %swap3A_315 {strides = array<i32>} : memref<80x128xf32, #tpu.memory_space<vmem>>, vector<1x16xf32>,
          %get3A_316 = arith.constant 0 : i32
          %get3A_317 = arith.constant 0 : i32
          %get3A_318 = tpu.memref_slice %arg9[%scan3A_261, %get3A_316, %get3A_317] : memref<4x80x128xf32, #tpu.memory_space<vmem>> -> memref<1x80x128xf32, #tpu.memory_space<vmem>>
          %get3A_319 = tpu.memref_squeeze %get3A_318 : memref<1x80x128xf32, #tpu.memory_space<vmem>> -> memref<80x128xf32, #tpu.memory_space<vmem>>
          %get3A_320 = arith.index_cast %add3A_291 : i32 to index
          %get3A_321 = arith.constant 16 : index
          %get3A_322 = tpu.vector_load %get3A_319[%get3A_320, %get3A_321] {strides = array<i32>} : memref<80x128xf32, #tpu.memory_space<vmem>>, vector<1x16xf32>,
          %get3A_323 = vector.shape_cast %get3A_322 : vector<1x16xf32> to vector<16xf32>
          %get3A_324 = arith.constant 0 : i32
          %get3A_325 = arith.constant 0 : i32
          %get3A_326 = tpu.memref_slice %arg10[%scan3A_262, %get3A_324, %get3A_325] : memref<4x80x128xf32, #tpu.memory_space<vmem>> -> memref<1x80x128xf32, #tpu.memory_space<vmem>>
          %get3A_327 = tpu.memref_squeeze %get3A_326 : memref<1x80x128xf32, #tpu.memory_space<vmem>> -> memref<80x128xf32, #tpu.memory_space<vmem>>
          %get3A_328 = arith.index_cast %add3A_291 : i32 to index
          %get3A_329 = arith.constant 16 : index
          %get3A_330 = tpu.vector_load %get3A_327[%get3A_328, %get3A_329] {strides = array<i32>} : memref<80x128xf32, #tpu.memory_space<vmem>>, vector<1x16xf32>,
          %get3A_331 = vector.shape_cast %get3A_330 : vector<1x16xf32> to vector<16xf32>
          %add3A_332 = arith.addf %get3A_323, %get3A_331 : vector<16xf32>
          %swap3A_333 = arith.constant 0 : i32
          %swap3A_334 = arith.constant 0 : i32
          %swap3A_335 = tpu.memref_slice %arg9[%scan3A_261, %swap3A_333, %swap3A_334] : memref<4x80x128xf32, #tpu.memory_space<vmem>> -> memref<1x80x128xf32, #tpu.memory_space<vmem>>
          %swap3A_336 = tpu.memref_squeeze %swap3A_335 : memref<1x80x128xf32, #tpu.memory_space<vmem>> -> memref<80x128xf32, #tpu.memory_space<vmem>>
          %swap3A_337 = arith.index_cast %add3A_291 : i32 to index
          %swap3A_338 = arith.constant 16 : index
          %swap3A_339 = tpu.vector_load %swap3A_336[%swap3A_337, %swap3A_338] {strides = array<i32>} : memref<80x128xf32, #tpu.memory_space<vmem>>, vector<1x16xf32>,
          %swap3A_340 = vector.shape_cast %swap3A_339 : vector<1x16xf32> to vector<16xf32>
          %swap3A_341 = vector.shape_cast %add3A_332 : vector<16xf32> to vector<1x16xf32>
          tpu.vector_store %swap3A_336[%swap3A_337, %swap3A_338], %swap3A_341 {strides = array<i32>} : memref<80x128xf32, #tpu.memory_space<vmem>>, vector<1x16xf32>,
          %get3A_342 = arith.constant 0 : i32
          %get3A_343 = arith.constant 0 : i32
          %get3A_344 = tpu.memref_slice %arg9[%scan3A_261, %get3A_342, %get3A_343] : memref<4x80x128xf32, #tpu.memory_space<vmem>> -> memref<1x80x128xf32, #tpu.memory_space<vmem>>
          %get3A_345 = tpu.memref_squeeze %get3A_344 : memref<1x80x128xf32, #tpu.memory_space<vmem>> -> memref<80x128xf32, #tpu.memory_space<vmem>>
          %get3A_346 = arith.index_cast %add3A_291 : i32 to index
          %get3A_347 = arith.constant 32 : index
          %get3A_348 = tpu.vector_load %get3A_345[%get3A_346, %get3A_347] {strides = array<i32>} : memref<80x128xf32, #tpu.memory_space<vmem>>, vector<1x16xf32>,
          %get3A_349 = vector.shape_cast %get3A_348 : vector<1x16xf32> to vector<16xf32>
          %get3A_350 = arith.constant 0 : i32
          %get3A_351 = arith.constant 0 : i32
          %get3A_352 = tpu.memref_slice %arg10[%scan3A_262, %get3A_350, %get3A_351] : memref<4x80x128xf32, #tpu.memory_space<vmem>> -> memref<1x80x128xf32, #tpu.memory_space<vmem>>
          %get3A_353 = tpu.memref_squeeze %get3A_352 : memref<1x80x128xf32, #tpu.memory_space<vmem>> -> memref<80x128xf32, #tpu.memory_space<vmem>>
          %get3A_354 = arith.index_cast %add3A_291 : i32 to index
          %get3A_355 = arith.constant 32 : index
          %get3A_356 = tpu.vector_load %get3A_353[%get3A_354, %get3A_355] {strides = array<i32>} : memref<80x128xf32, #tpu.memory_space<vmem>>, vector<1x16xf32>,
          %get3A_357 = vector.shape_cast %get3A_356 : vector<1x16xf32> to vector<16xf32>
          %add3A_358 = arith.addf %get3A_349, %get3A_357 : vector<16xf32>
          %swap3A_359 = arith.constant 0 : i32
          %swap3A_360 = arith.constant 0 : i32
          %swap3A_361 = tpu.memref_slice %arg9[%scan3A_261, %swap3A_359, %swap3A_360] : memref<4x80x128xf32, #tpu.memory_space<vmem>> -> memref<1x80x128xf32, #tpu.memory_space<vmem>>
          %swap3A_362 = tpu.memref_squeeze %swap3A_361 : memref<1x80x128xf32, #tpu.memory_space<vmem>> -> memref<80x128xf32, #tpu.memory_space<vmem>>
          %swap3A_363 = arith.index_cast %add3A_291 : i32 to index
          %swap3A_364 = arith.constant 32 : index
          %swap3A_365 = tpu.vector_load %swap3A_362[%swap3A_363, %swap3A_364] {strides = array<i32>} : memref<80x128xf32, #tpu.memory_space<vmem>>, vector<1x16xf32>,
          %swap3A_366 = vector.shape_cast %swap3A_365 : vector<1x16xf32> to vector<16xf32>
          %swap3A_367 = vector.shape_cast %add3A_358 : vector<16xf32> to vector<1x16xf32>
          tpu.vector_store %swap3A_362[%swap3A_363, %swap3A_364], %swap3A_367 {strides = array<i32>} : memref<80x128xf32, #tpu.memory_space<vmem>>, vector<1x16xf32>,
          %get3A_368 = arith.constant 0 : i32
          %get3A_369 = arith.constant 0 : i32
          %get3A_370 = tpu.memref_slice %arg9[%scan3A_261, %get3A_368, %get3A_369] : memref<4x80x128xf32, #tpu.memory_space<vmem>> -> memref<1x80x128xf32, #tpu.memory_space<vmem>>
          %get3A_371 = tpu.memref_squeeze %get3A_370 : memref<1x80x128xf32, #tpu.memory_space<vmem>> -> memref<80x128xf32, #tpu.memory_space<vmem>>
          %get3A_372 = arith.index_cast %add3A_291 : i32 to index
          %get3A_373 = arith.constant 48 : index
          %get3A_374 = tpu.vector_load %get3A_371[%get3A_372, %get3A_373] {strides = array<i32>} : memref<80x128xf32, #tpu.memory_space<vmem>>, vector<1x16xf32>,
          %get3A_375 = vector.shape_cast %get3A_374 : vector<1x16xf32> to vector<16xf32>
          %get3A_376 = arith.constant 0 : i32
          %get3A_377 = arith.constant 0 : i32
          %get3A_378 = tpu.memref_slice %arg10[%scan3A_262, %get3A_376, %get3A_377] : memref<4x80x128xf32, #tpu.memory_space<vmem>> -> memref<1x80x128xf32, #tpu.memory_space<vmem>>
          %get3A_379 = tpu.memref_squeeze %get3A_378 : memref<1x80x128xf32, #tpu.memory_space<vmem>> -> memref<80x128xf32, #tpu.memory_space<vmem>>
          %get3A_380 = arith.index_cast %add3A_291 : i32 to index
          %get3A_381 = arith.constant 48 : index
          %get3A_382 = tpu.vector_load %get3A_379[%get3A_380, %get3A_381] {strides = array<i32>} : memref<80x128xf32, #tpu.memory_space<vmem>>, vector<1x16xf32>,
          %get3A_383 = vector.shape_cast %get3A_382 : vector<1x16xf32> to vector<16xf32>
          %add3A_384 = arith.addf %get3A_375, %get3A_383 : vector<16xf32>
          %swap3A_385 = arith.constant 0 : i32
          %swap3A_386 = arith.constant 0 : i32
          %swap3A_387 = tpu.memref_slice %arg9[%scan3A_261, %swap3A_385, %swap3A_386] : memref<4x80x128xf32, #tpu.memory_space<vmem>> -> memref<1x80x128xf32, #tpu.memory_space<vmem>>
          %swap3A_388 = tpu.memref_squeeze %swap3A_387 : memref<1x80x128xf32, #tpu.memory_space<vmem>> -> memref<80x128xf32, #tpu.memory_space<vmem>>
          %swap3A_389 = arith.index_cast %add3A_291 : i32 to index
          %swap3A_390 = arith.constant 48 : index
          %swap3A_391 = tpu.vector_load %swap3A_388[%swap3A_389, %swap3A_390] {strides = array<i32>} : memref<80x128xf32, #tpu.memory_space<vmem>>, vector<1x16xf32>,
          %swap3A_392 = vector.shape_cast %swap3A_391 : vector<1x16xf32> to vector<16xf32>
          %swap3A_393 = vector.shape_cast %add3A_384 : vector<16xf32> to vector<1x16xf32>
          tpu.vector_store %swap3A_388[%swap3A_389, %swap3A_390], %swap3A_393 {strides = array<i32>} : memref<80x128xf32, #tpu.memory_space<vmem>>, vector<1x16xf32>,
          %get3A_394 = arith.constant 0 : i32
          %get3A_395 = arith.constant 0 : i32
          %get3A_396 = tpu.memref_slice %arg9[%scan3A_261, %get3A_394, %get3A_395] : memref<4x80x128xf32, #tpu.memory_space<vmem>> -> memref<1x80x128xf32, #tpu.memory_space<vmem>>
          %get3A_397 = tpu.memref_squeeze %get3A_396 : memref<1x80x128xf32, #tpu.memory_space<vmem>> -> memref<80x128xf32, #tpu.memory_space<vmem>>
          %get3A_398 = arith.index_cast %add3A_291 : i32 to index
          %get3A_399 = arith.constant 64 : index
          %get3A_400 = tpu.vector_load %get3A_397[%get3A_398, %get3A_399] {strides = array<i32>} : memref<80x128xf32, #tpu.memory_space<vmem>>, vector<1x16xf32>,
          %get3A_401 = vector.shape_cast %get3A_400 : vector<1x16xf32> to vector<16xf32>
          %get3A_402 = arith.constant 0 : i32
          %get3A_403 = arith.constant 0 : i32
          %get3A_404 = tpu.memref_slice %arg10[%scan3A_262, %get3A_402, %get3A_403] : memref<4x80x128xf32, #tpu.memory_space<vmem>> -> memref<1x80x128xf32, #tpu.memory_space<vmem>>
          %get3A_405 = tpu.memref_squeeze %get3A_404 : memref<1x80x128xf32, #tpu.memory_space<vmem>> -> memref<80x128xf32, #tpu.memory_space<vmem>>
          %get3A_406 = arith.index_cast %add3A_291 : i32 to index
          %get3A_407 = arith.constant 64 : index
          %get3A_408 = tpu.vector_load %get3A_405[%get3A_406, %get3A_407] {strides = array<i32>} : memref<80x128xf32, #tpu.memory_space<vmem>>, vector<1x16xf32>,
          %get3A_409 = vector.shape_cast %get3A_408 : vector<1x16xf32> to vector<16xf32>
          %add3A_410 = arith.addf %get3A_401, %get3A_409 : vector<16xf32>
          %swap3A_411 = arith.constant 0 : i32
          %swap3A_412 = arith.constant 0 : i32
          %swap3A_413 = tpu.memref_slice %arg9[%scan3A_261, %swap3A_411, %swap3A_412] : memref<4x80x128xf32, #tpu.memory_space<vmem>> -> memref<1x80x128xf32, #tpu.memory_space<vmem>>
          %swap3A_414 = tpu.memref_squeeze %swap3A_413 : memref<1x80x128xf32, #tpu.memory_space<vmem>> -> memref<80x128xf32, #tpu.memory_space<vmem>>
          %swap3A_415 = arith.index_cast %add3A_291 : i32 to index
          %swap3A_416 = arith.constant 64 : index
          %swap3A_417 = tpu.vector_load %swap3A_414[%swap3A_415, %swap3A_416] {strides = array<i32>} : memref<80x128xf32, #tpu.memory_space<vmem>>, vector<1x16xf32>,
          %swap3A_418 = vector.shape_cast %swap3A_417 : vector<1x16xf32> to vector<16xf32>
          %swap3A_419 = vector.shape_cast %add3A_410 : vector<16xf32> to vector<1x16xf32>
          tpu.vector_store %swap3A_414[%swap3A_415, %swap3A_416], %swap3A_419 {strides = array<i32>} : memref<80x128xf32, #tpu.memory_space<vmem>>, vector<1x16xf32>,
          %get3A_420 = arith.constant 0 : i32
          %get3A_421 = arith.constant 0 : i32
          %get3A_422 = tpu.memref_slice %arg9[%scan3A_261, %get3A_420, %get3A_421] : memref<4x80x128xf32, #tpu.memory_space<vmem>> -> memref<1x80x128xf32, #tpu.memory_space<vmem>>
          %get3A_423 = tpu.memref_squeeze %get3A_422 : memref<1x80x128xf32, #tpu.memory_space<vmem>> -> memref<80x128xf32, #tpu.memory_space<vmem>>
          %get3A_424 = arith.index_cast %add3A_291 : i32 to index
          %get3A_425 = arith.constant 80 : index
          %get3A_426 = tpu.vector_load %get3A_423[%get3A_424, %get3A_425] {strides = array<i32>} : memref<80x128xf32, #tpu.memory_space<vmem>>, vector<1x16xf32>,
          %get3A_427 = vector.shape_cast %get3A_426 : vector<1x16xf32> to vector<16xf32>
          %get3A_428 = arith.constant 0 : i32
          %get3A_429 = arith.constant 0 : i32
          %get3A_430 = tpu.memref_slice %arg10[%scan3A_262, %get3A_428, %get3A_429] : memref<4x80x128xf32, #tpu.memory_space<vmem>> -> memref<1x80x128xf32, #tpu.memory_space<vmem>>
          %get3A_431 = tpu.memref_squeeze %get3A_430 : memref<1x80x128xf32, #tpu.memory_space<vmem>> -> memref<80x128xf32, #tpu.memory_space<vmem>>
          %get3A_432 = arith.index_cast %add3A_291 : i32 to index
          %get3A_433 = arith.constant 80 : index
          %get3A_434 = tpu.vector_load %get3A_431[%get3A_432, %get3A_433] {strides = array<i32>} : memref<80x128xf32, #tpu.memory_space<vmem>>, vector<1x16xf32>,
          %get3A_435 = vector.shape_cast %get3A_434 : vector<1x16xf32> to vector<16xf32>
          %add3A_436 = arith.addf %get3A_427, %get3A_435 : vector<16xf32>
          %swap3A_437 = arith.constant 0 : i32
          %swap3A_438 = arith.constant 0 : i32
          %swap3A_439 = tpu.memref_slice %arg9[%scan3A_261, %swap3A_437, %swap3A_438] : memref<4x80x128xf32, #tpu.memory_space<vmem>> -> memref<1x80x128xf32, #tpu.memory_space<vmem>>
          %swap3A_440 = tpu.memref_squeeze %swap3A_439 : memref<1x80x128xf32, #tpu.memory_space<vmem>> -> memref<80x128xf32, #tpu.memory_space<vmem>>
          %swap3A_441 = arith.index_cast %add3A_291 : i32 to index
          %swap3A_442 = arith.constant 80 : index
          %swap3A_443 = tpu.vector_load %swap3A_440[%swap3A_441, %swap3A_442] {strides = array<i32>} : memref<80x128xf32, #tpu.memory_space<vmem>>, vector<1x16xf32>,
          %swap3A_444 = vector.shape_cast %swap3A_443 : vector<1x16xf32> to vector<16xf32>
          %swap3A_445 = vector.shape_cast %add3A_436 : vector<16xf32> to vector<1x16xf32>
          tpu.vector_store %swap3A_440[%swap3A_441, %swap3A_442], %swap3A_445 {strides = array<i32>} : memref<80x128xf32, #tpu.memory_space<vmem>>, vector<1x16xf32>,
          %get3A_446 = arith.constant 0 : i32
          %get3A_447 = arith.constant 0 : i32
          %get3A_448 = tpu.memref_slice %arg9[%scan3A_261, %get3A_446, %get3A_447] : memref<4x80x128xf32, #tpu.memory_space<vmem>> -> memref<1x80x128xf32, #tpu.memory_space<vmem>>
          %get3A_449 = tpu.memref_squeeze %get3A_448 : memref<1x80x128xf32, #tpu.memory_space<vmem>> -> memref<80x128xf32, #tpu.memory_space<vmem>>
          %get3A_450 = arith.index_cast %add3A_291 : i32 to index
          %get3A_451 = arith.constant 96 : index
          %get3A_452 = tpu.vector_load %get3A_449[%get3A_450, %get3A_451] {strides = array<i32>} : memref<80x128xf32, #tpu.memory_space<vmem>>, vector<1x16xf32>,
          %get3A_453 = vector.shape_cast %get3A_452 : vector<1x16xf32> to vector<16xf32>
          %get3A_454 = arith.constant 0 : i32
          %get3A_455 = arith.constant 0 : i32
          %get3A_456 = tpu.memref_slice %arg10[%scan3A_262, %get3A_454, %get3A_455] : memref<4x80x128xf32, #tpu.memory_space<vmem>> -> memref<1x80x128xf32, #tpu.memory_space<vmem>>
          %get3A_457 = tpu.memref_squeeze %get3A_456 : memref<1x80x128xf32, #tpu.memory_space<vmem>> -> memref<80x128xf32, #tpu.memory_space<vmem>>
          %get3A_458 = arith.index_cast %add3A_291 : i32 to index
          %get3A_459 = arith.constant 96 : index
          %get3A_460 = tpu.vector_load %get3A_457[%get3A_458, %get3A_459] {strides = array<i32>} : memref<80x128xf32, #tpu.memory_space<vmem>>, vector<1x16xf32>,
          %get3A_461 = vector.shape_cast %get3A_460 : vector<1x16xf32> to vector<16xf32>
          %add3A_462 = arith.addf %get3A_453, %get3A_461 : vector<16xf32>
          %swap3A_463 = arith.constant 0 : i32
          %swap3A_464 = arith.constant 0 : i32
          %swap3A_465 = tpu.memref_slice %arg9[%scan3A_261, %swap3A_463, %swap3A_464] : memref<4x80x128xf32, #tpu.memory_space<vmem>> -> memref<1x80x128xf32, #tpu.memory_space<vmem>>
          %swap3A_466 = tpu.memref_squeeze %swap3A_465 : memref<1x80x128xf32, #tpu.memory_space<vmem>> -> memref<80x128xf32, #tpu.memory_space<vmem>>
          %swap3A_467 = arith.index_cast %add3A_291 : i32 to index
          %swap3A_468 = arith.constant 96 : index
          %swap3A_469 = tpu.vector_load %swap3A_466[%swap3A_467, %swap3A_468] {strides = array<i32>} : memref<80x128xf32, #tpu.memory_space<vmem>>, vector<1x16xf32>,
          %swap3A_470 = vector.shape_cast %swap3A_469 : vector<1x16xf32> to vector<16xf32>
          %swap3A_471 = vector.shape_cast %add3A_462 : vector<16xf32> to vector<1x16xf32>
          tpu.vector_store %swap3A_466[%swap3A_467, %swap3A_468], %swap3A_471 {strides = array<i32>} : memref<80x128xf32, #tpu.memory_space<vmem>>, vector<1x16xf32>,
          %get3A_472 = arith.constant 0 : i32
          %get3A_473 = arith.constant 0 : i32
          %get3A_474 = tpu.memref_slice %arg9[%scan3A_261, %get3A_472, %get3A_473] : memref<4x80x128xf32, #tpu.memory_space<vmem>> -> memref<1x80x128xf32, #tpu.memory_space<vmem>>
          %get3A_475 = tpu.memref_squeeze %get3A_474 : memref<1x80x128xf32, #tpu.memory_space<vmem>> -> memref<80x128xf32, #tpu.memory_space<vmem>>
          %get3A_476 = arith.index_cast %add3A_291 : i32 to index
          %get3A_477 = arith.constant 112 : index
          %get3A_478 = tpu.vector_load %get3A_475[%get3A_476, %get3A_477] {strides = array<i32>} : memref<80x128xf32, #tpu.memory_space<vmem>>, vector<1x16xf32>,
          %get3A_479 = vector.shape_cast %get3A_478 : vector<1x16xf32> to vector<16xf32>
          %get3A_480 = arith.constant 0 : i32
          %get3A_481 = arith.constant 0 : i32
          %get3A_482 = tpu.memref_slice %arg10[%scan3A_262, %get3A_480, %get3A_481] : memref<4x80x128xf32, #tpu.memory_space<vmem>> -> memref<1x80x128xf32, #tpu.memory_space<vmem>>
          %get3A_483 = tpu.memref_squeeze %get3A_482 : memref<1x80x128xf32, #tpu.memory_space<vmem>> -> memref<80x128xf32, #tpu.memory_space<vmem>>
          %get3A_484 = arith.index_cast %add3A_291 : i32 to index
          %get3A_485 = arith.constant 112 : index
          %get3A_486 = tpu.vector_load %get3A_483[%get3A_484, %get3A_485] {strides = array<i32>} : memref<80x128xf32, #tpu.memory_space<vmem>>, vector<1x16xf32>,
          %get3A_487 = vector.shape_cast %get3A_486 : vector<1x16xf32> to vector<16xf32>
          %add3A_488 = arith.addf %get3A_479, %get3A_487 : vector<16xf32>
          %swap3A_489 = arith.constant 0 : i32
          %swap3A_490 = arith.constant 0 : i32
          %swap3A_491 = tpu.memref_slice %arg9[%scan3A_261, %swap3A_489, %swap3A_490] : memref<4x80x128xf32, #tpu.memory_space<vmem>> -> memref<1x80x128xf32, #tpu.memory_space<vmem>>
          %swap3A_492 = tpu.memref_squeeze %swap3A_491 : memref<1x80x128xf32, #tpu.memory_space<vmem>> -> memref<80x128xf32, #tpu.memory_space<vmem>>
          %swap3A_493 = arith.index_cast %add3A_291 : i32 to index
          %swap3A_494 = arith.constant 112 : index
          %swap3A_495 = tpu.vector_load %swap3A_492[%swap3A_493, %swap3A_494] {strides = array<i32>} : memref<80x128xf32, #tpu.memory_space<vmem>>, vector<1x16xf32>,
          %swap3A_496 = vector.shape_cast %swap3A_495 : vector<1x16xf32> to vector<16xf32>
          %swap3A_497 = vector.shape_cast %add3A_488 : vector<16xf32> to vector<1x16xf32>
          tpu.vector_store %swap3A_492[%swap3A_493, %swap3A_494], %swap3A_497 {strides = array<i32>} : memref<80x128xf32, #tpu.memory_space<vmem>>, vector<1x16xf32>,
        }
        %scan3A_267 = arith.constant 80 : i32
        %mul3A_268 = arith.constant 80 : i32
        %mul3A_269 = arith.muli %add3A_143, %mul3A_268 : i32
        %add3A_270 = arith.addi %mul3A_2, %mul3A_269 : i32
        %dma_start3A_271 = arith.constant 0 : i32
        %dma_start3A_272 = arith.constant 0 : i32
        %dma_start3A_273 = arith.constant 0 : i32
        %dma_start3A_274 = arith.constant 0 : i32
        %dma_start3A_275 = tpu.memref_slice %arg9[%dma_start3A_271, %dma_start3A_273, %dma_start3A_274] : memref<4x80x128xf32, #tpu.memory_space<vmem>> -> memref<1x80x128xf32, #tpu.memory_space<vmem>>
        %dma_start3A_276 = tpu.memref_squeeze %dma_start3A_275 : memref<1x80x128xf32, #tpu.memory_space<vmem>> -> memref<80x128xf32, #tpu.memory_space<vmem>>
        %dma_start3A_277 = arith.constant 0 : i32
        %dma_start3A_278 = tpu.memref_slice %arg6[%add3A_270, %dma_start3A_277] : memref<320000x128xf32, #tpu.memory_space<hbm>> -> memref<80x128xf32, #tpu.memory_space<hbm>>
        %dma_start3A_279 = tpu.memref_slice %arg13[%dma_start3A_272] : memref<4x!tpu.dma_semaphore, #tpu.memory_space<semaphore_mem>> -> memref<1x!tpu.dma_semaphore, #tpu.memory_space<semaphore_mem>>
        %dma_start3A_280 = tpu.memref_squeeze %dma_start3A_279 : memref<1x!tpu.dma_semaphore, #tpu.memory_space<semaphore_mem>> -> memref<!tpu.dma_semaphore, #tpu.memory_space<semaphore_mem>>
        %dma_start3A_281 = arith.constant 0 : i32
        %dma_start3A_282 = tpu.memref_slice %arg6[%add3A_270, %dma_start3A_281] : memref<320000x128xf32, #tpu.memory_space<hbm>> -> memref<80x128xf32, #tpu.memory_space<hbm>>
        %dma_start3A_283 = arith.constant 0 : i32
        %dma_start3A_284 = arith.constant 0 : i32
        %dma_start3A_285 = tpu.memref_slice %arg9[%dma_start3A_271, %dma_start3A_283, %dma_start3A_284] : memref<4x80x128xf32, #tpu.memory_space<vmem>> -> memref<1x80x128xf32, #tpu.memory_space<vmem>>
        %dma_start3A_286 = tpu.memref_squeeze %dma_start3A_285 : memref<1x80x128xf32, #tpu.memory_space<vmem>> -> memref<80x128xf32, #tpu.memory_space<vmem>>
        tpu.enqueue_dma source(%dma_start3A_286 : memref<80x128xf32, #tpu.memory_space<vmem>>) target(%dma_start3A_282 : memref<80x128xf32, #tpu.memory_space<hbm>>) target_semaphore(%dma_start3A_280 : memref<!tpu.dma_semaphore, #tpu.memory_space<semaphore_mem>>)
      } else {
      }
      %add3A_146 = arith.constant 2 : i32
      %add3A_147 = arith.addi %add3A_143, %add3A_146 : i32
      %ge3A = arith.constant 4 : i32
      %ge3A_148 = arith.cmpi sge, %add3A_147, %ge3A : i32
      %lt3A_149 = arith.constant 125 : i32
      %lt3A_150 = arith.cmpi slt, %add3A_147, %lt3A_149 : i32
      %and3A = arith.andi %ge3A_148, %lt3A_150 : i1
      %convert_element_type3A_151 = arith.extui %and3A : i1 to i32
      %cond3A_152 = arith.constant 0 : i32
      %cond3A_153 = arith.cmpi ne, %convert_element_type3A_151, %cond3A_152 : i32
      scf.if %cond3A_153 {
        %dma_wait3A_225 = arith.constant 2 : i32
        %dma_wait3A_226 = arith.constant 2 : i32
        %dma_wait3A_227 = arith.constant 0 : i32
        %dma_wait3A_228 = arith.constant 0 : i32
        %dma_wait3A_229 = tpu.memref_slice %arg9[%dma_wait3A_225, %dma_wait3A_227, %dma_wait3A_228] : memref<4x80x128xf32, #tpu.memory_space<vmem>> -> memref<1x80x128xf32, #tpu.memory_space<vmem>>
        %dma_wait3A_230 = tpu.memref_squeeze %dma_wait3A_229 : memref<1x80x128xf32, #tpu.memory_space<vmem>> -> memref<80x128xf32, #tpu.memory_space<vmem>>
        %dma_wait3A_231 = arith.constant 0 : i32
        %dma_wait3A_232 = arith.constant 0 : i32
        %dma_wait3A_233 = tpu.memref_slice %arg6[%dma_wait3A_231, %dma_wait3A_232] : memref<320000x128xf32, #tpu.memory_space<hbm>> -> memref<80x128xf32, #tpu.memory_space<hbm>>
        %dma_wait3A_234 = tpu.memref_slice %arg13[%dma_wait3A_226] : memref<4x!tpu.dma_semaphore, #tpu.memory_space<semaphore_mem>> -> memref<1x!tpu.dma_semaphore, #tpu.memory_space<semaphore_mem>>
        %dma_wait3A_235 = tpu.memref_squeeze %dma_wait3A_234 : memref<1x!tpu.dma_semaphore, #tpu.memory_space<semaphore_mem>> -> memref<!tpu.dma_semaphore, #tpu.memory_space<semaphore_mem>>
        %dma_wait3A_236 = arith.constant 0 : i32
        %dma_wait3A_237 = arith.constant 0 : i32
        %dma_wait3A_238 = tpu.memref_slice %arg6[%dma_wait3A_236, %dma_wait3A_237] : memref<320000x128xf32, #tpu.memory_space<hbm>> -> memref<80x128xf32, #tpu.memory_space<hbm>>
        %dma_wait3A_239 = arith.constant 0 : i32
        %dma_wait3A_240 = arith.constant 0 : i32
        %dma_wait3A_241 = tpu.memref_slice %arg9[%dma_wait3A_225, %dma_wait3A_239, %dma_wait3A_240] : memref<4x80x128xf32, #tpu.memory_space<vmem>> -> memref<1x80x128xf32, #tpu.memory_space<vmem>>
        %dma_wait3A_242 = tpu.memref_squeeze %dma_wait3A_241 : memref<1x80x128xf32, #tpu.memory_space<vmem>> -> memref<80x128xf32, #tpu.memory_space<vmem>>
        tpu.wait_dma2 semaphore(%dma_wait3A_235 : memref<!tpu.dma_semaphore, #tpu.memory_space<semaphore_mem>>) src(%dma_wait3A_242 : memref<80x128xf32, #tpu.memory_space<vmem>>) dst(%dma_wait3A_238 : memref<80x128xf32, #tpu.memory_space<hbm>>)
      } else {
      }
      %lt3A_154 = arith.constant 125 : i32
      %lt3A_155 = arith.cmpi slt, %add3A_147, %lt3A_154 : i32
      %convert_element_type3A_156 = arith.extui %lt3A_155 : i1 to i32
      %cond3A_157 = arith.constant 0 : i32
      %cond3A_158 = arith.cmpi ne, %convert_element_type3A_156, %cond3A_157 : i32
      scf.if %cond3A_158 {
        %dma_start3A_225 = arith.constant 2 : i32
        %dma_start3A_226 = arith.constant 2 : i32
        %dma_start3A_227 = arith.constant 0 : i32
        %dma_start3A_228 = arith.constant 0 : i32
        %dma_start3A_229 = tpu.memref_slice %arg9[%dma_start3A_225, %dma_start3A_227, %dma_start3A_228] : memref<4x80x128xf32, #tpu.memory_space<vmem>> -> memref<1x80x128xf32, #tpu.memory_space<vmem>>
        %dma_start3A_230 = tpu.memref_squeeze %dma_start3A_229 : memref<1x80x128xf32, #tpu.memory_space<vmem>> -> memref<80x128xf32, #tpu.memory_space<vmem>>
        %dma_start3A_231 = arith.constant 0 : i32
        %dma_start3A_232 = tpu.memref_slice %arg7[%add3A_147, %dma_start3A_231] : memref<125x80xi32, #tpu.memory_space<vmem>> -> memref<1x80xi32, #tpu.memory_space<vmem>>
        %dma_start3A_233 = tpu.memref_squeeze %dma_start3A_232 : memref<1x80xi32, #tpu.memory_space<vmem>> -> memref<80xi32, #tpu.memory_space<vmem>>
        %dma_start3A_234 = arith.constant 0 : i32
        %dma_start3A_235 = arith.constant 0 : i32
        %dma_start3A_236 = tpu.memref_slice %arg2[%dma_start3A_234, %dma_start3A_235] : memref<10000x128xf32, #tpu.memory_space<hbm>> -> memref<10000x128xf32, #tpu.memory_space<hbm>>
        %dma_start3A_237 = tpu.memref_slice %arg11[%dma_start3A_226] : memref<4x!tpu.dma_semaphore, #tpu.memory_space<semaphore_mem>> -> memref<1x!tpu.dma_semaphore, #tpu.memory_space<semaphore_mem>>
        %dma_start3A_238 = tpu.memref_squeeze %dma_start3A_237 : memref<1x!tpu.dma_semaphore, #tpu.memory_space<semaphore_mem>> -> memref<!tpu.dma_semaphore, #tpu.memory_space<semaphore_mem>>
        tpu.enqueue_indirect_dma source(%dma_start3A_236 : memref<10000x128xf32, #tpu.memory_space<hbm>>) target(%dma_start3A_230 : memref<80x128xf32, #tpu.memory_space<vmem>>) offsets(%dma_start3A_233 : memref<80xi32, #tpu.memory_space<vmem>>) semaphore(%dma_start3A_238 : memref<!tpu.dma_semaphore, #tpu.memory_space<semaphore_mem>>)
        %dma_start3A_239 = arith.constant 2 : i32
        %dma_start3A_240 = arith.constant 2 : i32
        %dma_start3A_241 = arith.constant 0 : i32
        %dma_start3A_242 = arith.constant 0 : i32
        %dma_start3A_243 = tpu.memref_slice %arg10[%dma_start3A_239, %dma_start3A_241, %dma_start3A_242] : memref<4x80x128xf32, #tpu.memory_space<vmem>> -> memref<1x80x128xf32, #tpu.memory_space<vmem>>
        %dma_start3A_244 = tpu.memref_squeeze %dma_start3A_243 : memref<1x80x128xf32, #tpu.memory_space<vmem>> -> memref<80x128xf32, #tpu.memory_space<vmem>>
        %dma_start3A_245 = arith.constant 0 : i32
        %dma_start3A_246 = tpu.memref_slice %arg8[%add3A_147, %dma_start3A_245] : memref<125x80xi32, #tpu.memory_space<vmem>> -> memref<1x80xi32, #tpu.memory_space<vmem>>
        %dma_start3A_247 = tpu.memref_squeeze %dma_start3A_246 : memref<1x80xi32, #tpu.memory_space<vmem>> -> memref<80xi32, #tpu.memory_space<vmem>>
        %dma_start3A_248 = arith.constant 0 : i32
        %dma_start3A_249 = arith.constant 0 : i32
        %dma_start3A_250 = tpu.memref_slice %arg3[%dma_start3A_248, %dma_start3A_249] : memref<10000x128xf32, #tpu.memory_space<hbm>> -> memref<10000x128xf32, #tpu.memory_space<hbm>>
        %dma_start3A_251 = tpu.memref_slice %arg12[%dma_start3A_240] : memref<4x!tpu.dma_semaphore, #tpu.memory_space<semaphore_mem>> -> memref<1x!tpu.dma_semaphore, #tpu.memory_space<semaphore_mem>>
        %dma_start3A_252 = tpu.memref_squeeze %dma_start3A_251 : memref<1x!tpu.dma_semaphore, #tpu.memory_space<semaphore_mem>> -> memref<!tpu.dma_semaphore, #tpu.memory_space<semaphore_mem>>
        tpu.enqueue_indirect_dma source(%dma_start3A_250 : memref<10000x128xf32, #tpu.memory_space<hbm>>) target(%dma_start3A_244 : memref<80x128xf32, #tpu.memory_space<vmem>>) offsets(%dma_start3A_247 : memref<80xi32, #tpu.memory_space<vmem>>) semaphore(%dma_start3A_252 : memref<!tpu.dma_semaphore, #tpu.memory_space<semaphore_mem>>)
      } else {
      }
      %add3A_159 = arith.constant 1 : i32
      %add3A_160 = arith.addi %add3A_141, %add3A_159 : i32
      %lt3A_161 = arith.constant 125 : i32
      %lt3A_162 = arith.cmpi slt, %add3A_160, %lt3A_161 : i32
      %convert_element_type3A_163 = arith.extui %lt3A_162 : i1 to i32
      %cond3A_164 = arith.constant 0 : i32
      %cond3A_165 = arith.cmpi ne, %convert_element_type3A_163, %cond3A_164 : i32
      scf.if %cond3A_165 {
        %dma_wait3A_225 = arith.constant 1 : i32
        %dma_wait3A_226 = arith.constant 1 : i32
        %dma_wait3A_227 = arith.constant 0 : i32
        %dma_wait3A_228 = arith.constant 0 : i32
        %dma_wait3A_229 = tpu.memref_slice %arg9[%dma_wait3A_225, %dma_wait3A_227, %dma_wait3A_228] : memref<4x80x128xf32, #tpu.memory_space<vmem>> -> memref<1x80x128xf32, #tpu.memory_space<vmem>>
        %dma_wait3A_230 = tpu.memref_squeeze %dma_wait3A_229 : memref<1x80x128xf32, #tpu.memory_space<vmem>> -> memref<80x128xf32, #tpu.memory_space<vmem>>
        %dma_wait3A_231 = arith.constant 0 : i32
        %dma_wait3A_232 = arith.constant 0 : i32
        %dma_wait3A_233 = tpu.memref_slice %arg6[%dma_wait3A_231, %dma_wait3A_232] : memref<320000x128xf32, #tpu.memory_space<hbm>> -> memref<80x128xf32, #tpu.memory_space<hbm>>
        %dma_wait3A_234 = tpu.memref_slice %arg11[%dma_wait3A_226] : memref<4x!tpu.dma_semaphore, #tpu.memory_space<semaphore_mem>> -> memref<1x!tpu.dma_semaphore, #tpu.memory_space<semaphore_mem>>
        %dma_wait3A_235 = tpu.memref_squeeze %dma_wait3A_234 : memref<1x!tpu.dma_semaphore, #tpu.memory_space<semaphore_mem>> -> memref<!tpu.dma_semaphore, #tpu.memory_space<semaphore_mem>>
        %dma_wait3A_236 = arith.constant 0 : i32
        %dma_wait3A_237 = arith.constant 0 : i32
        %dma_wait3A_238 = tpu.memref_slice %arg9[%dma_wait3A_225, %dma_wait3A_236, %dma_wait3A_237] : memref<4x80x128xf32, #tpu.memory_space<vmem>> -> memref<1x80x128xf32, #tpu.memory_space<vmem>>
        %dma_wait3A_239 = tpu.memref_squeeze %dma_wait3A_238 : memref<1x80x128xf32, #tpu.memory_space<vmem>> -> memref<80x128xf32, #tpu.memory_space<vmem>>
        %dma_wait3A_240 = arith.constant 0 : i32
        %dma_wait3A_241 = arith.constant 0 : i32
        %dma_wait3A_242 = tpu.memref_slice %arg6[%dma_wait3A_240, %dma_wait3A_241] : memref<320000x128xf32, #tpu.memory_space<hbm>> -> memref<80x128xf32, #tpu.memory_space<hbm>>
        tpu.wait_dma2 semaphore(%dma_wait3A_235 : memref<!tpu.dma_semaphore, #tpu.memory_space<semaphore_mem>>) src(%dma_wait3A_242 : memref<80x128xf32, #tpu.memory_space<hbm>>) dst(%dma_wait3A_239 : memref<80x128xf32, #tpu.memory_space<vmem>>)
        %dma_wait3A_243 = arith.constant 1 : i32
        %dma_wait3A_244 = arith.constant 1 : i32
        %dma_wait3A_245 = arith.constant 0 : i32
        %dma_wait3A_246 = arith.constant 0 : i32
        %dma_wait3A_247 = tpu.memref_slice %arg10[%dma_wait3A_243, %dma_wait3A_245, %dma_wait3A_246] : memref<4x80x128xf32, #tpu.memory_space<vmem>> -> memref<1x80x128xf32, #tpu.memory_space<vmem>>
        %dma_wait3A_248 = tpu.memref_squeeze %dma_wait3A_247 : memref<1x80x128xf32, #tpu.memory_space<vmem>> -> memref<80x128xf32, #tpu.memory_space<vmem>>
        %dma_wait3A_249 = arith.constant 0 : i32
        %dma_wait3A_250 = arith.constant 0 : i32
        %dma_wait3A_251 = tpu.memref_slice %arg6[%dma_wait3A_249, %dma_wait3A_250] : memref<320000x128xf32, #tpu.memory_space<hbm>> -> memref<80x128xf32, #tpu.memory_space<hbm>>
        %dma_wait3A_252 = tpu.memref_slice %arg12[%dma_wait3A_244] : memref<4x!tpu.dma_semaphore, #tpu.memory_space<semaphore_mem>> -> memref<1x!tpu.dma_semaphore, #tpu.memory_space<semaphore_mem>>
        %dma_wait3A_253 = tpu.memref_squeeze %dma_wait3A_252 : memref<1x!tpu.dma_semaphore, #tpu.memory_space<semaphore_mem>> -> memref<!tpu.dma_semaphore, #tpu.memory_space<semaphore_mem>>
        %dma_wait3A_254 = arith.constant 0 : i32
        %dma_wait3A_255 = arith.constant 0 : i32
        %dma_wait3A_256 = tpu.memref_slice %arg10[%dma_wait3A_243, %dma_wait3A_254, %dma_wait3A_255] : memref<4x80x128xf32, #tpu.memory_space<vmem>> -> memref<1x80x128xf32, #tpu.memory_space<vmem>>
        %dma_wait3A_257 = tpu.memref_squeeze %dma_wait3A_256 : memref<1x80x128xf32, #tpu.memory_space<vmem>> -> memref<80x128xf32, #tpu.memory_space<vmem>>
        %dma_wait3A_258 = arith.constant 0 : i32
        %dma_wait3A_259 = arith.constant 0 : i32
        %dma_wait3A_260 = tpu.memref_slice %arg6[%dma_wait3A_258, %dma_wait3A_259] : memref<320000x128xf32, #tpu.memory_space<hbm>> -> memref<80x128xf32, #tpu.memory_space<hbm>>
        tpu.wait_dma2 semaphore(%dma_wait3A_253 : memref<!tpu.dma_semaphore, #tpu.memory_space<semaphore_mem>>) src(%dma_wait3A_260 : memref<80x128xf32, #tpu.memory_space<hbm>>) dst(%dma_wait3A_257 : memref<80x128xf32, #tpu.memory_space<vmem>>)
        %scan3A_261 = arith.constant 1 : i32
        %scan3A_262 = arith.constant 1 : i32
        %scan3A_263 = arith.constant 0 : i32
        %scan3A_264 = arith.constant 80 : i32
        %scan3A_265 = arith.addi %scan3A_263, %scan3A_264 : i32
        %scan3A_266 = arith.constant 1 : i32
        scf.for %scan3A_287 = %scan3A_263 to %scan3A_265 step %scan3A_266  : i32 {
          %mul3A_288 = arith.constant 1 : i32
          %mul3A_289 = arith.muli %scan3A_287, %mul3A_288 : i32
          %add3A_290 = arith.constant 0 : i32
          %add3A_291 = arith.addi %add3A_290, %mul3A_289 : i32
          %get3A = arith.constant 0 : i32
          %get3A_292 = arith.constant 0 : i32
          %get3A_293 = tpu.memref_slice %arg9[%scan3A_261, %get3A, %get3A_292] : memref<4x80x128xf32, #tpu.memory_space<vmem>> -> memref<1x80x128xf32, #tpu.memory_space<vmem>>
          %get3A_294 = tpu.memref_squeeze %get3A_293 : memref<1x80x128xf32, #tpu.memory_space<vmem>> -> memref<80x128xf32, #tpu.memory_space<vmem>>
          %get3A_295 = arith.index_cast %add3A_291 : i32 to index
          %get3A_296 = arith.constant 0 : index
          %get3A_297 = tpu.vector_load %get3A_294[%get3A_295, %get3A_296] {strides = array<i32>} : memref<80x128xf32, #tpu.memory_space<vmem>>, vector<1x16xf32>,
          %get3A_298 = vector.shape_cast %get3A_297 : vector<1x16xf32> to vector<16xf32>
          %get3A_299 = arith.constant 0 : i32
          %get3A_300 = arith.constant 0 : i32
          %get3A_301 = tpu.memref_slice %arg10[%scan3A_262, %get3A_299, %get3A_300] : memref<4x80x128xf32, #tpu.memory_space<vmem>> -> memref<1x80x128xf32, #tpu.memory_space<vmem>>
          %get3A_302 = tpu.memref_squeeze %get3A_301 : memref<1x80x128xf32, #tpu.memory_space<vmem>> -> memref<80x128xf32, #tpu.memory_space<vmem>>
          %get3A_303 = arith.index_cast %add3A_291 : i32 to index
          %get3A_304 = arith.constant 0 : index
          %get3A_305 = tpu.vector_load %get3A_302[%get3A_303, %get3A_304] {strides = array<i32>} : memref<80x128xf32, #tpu.memory_space<vmem>>, vector<1x16xf32>,
          %get3A_306 = vector.shape_cast %get3A_305 : vector<1x16xf32> to vector<16xf32>
          %add3A_307 = arith.addf %get3A_298, %get3A_306 : vector<16xf32>
          %swap3A = arith.constant 0 : i32
          %swap3A_308 = arith.constant 0 : i32
          %swap3A_309 = tpu.memref_slice %arg9[%scan3A_261, %swap3A, %swap3A_308] : memref<4x80x128xf32, #tpu.memory_space<vmem>> -> memref<1x80x128xf32, #tpu.memory_space<vmem>>
          %swap3A_310 = tpu.memref_squeeze %swap3A_309 : memref<1x80x128xf32, #tpu.memory_space<vmem>> -> memref<80x128xf32, #tpu.memory_space<vmem>>
          %swap3A_311 = arith.index_cast %add3A_291 : i32 to index
          %swap3A_312 = arith.constant 0 : index
          %swap3A_313 = tpu.vector_load %swap3A_310[%swap3A_311, %swap3A_312] {strides = array<i32>} : memref<80x128xf32, #tpu.memory_space<vmem>>, vector<1x16xf32>,
          %swap3A_314 = vector.shape_cast %swap3A_313 : vector<1x16xf32> to vector<16xf32>
          %swap3A_315 = vector.shape_cast %add3A_307 : vector<16xf32> to vector<1x16xf32>
          tpu.vector_store %swap3A_310[%swap3A_311, %swap3A_312], %swap3A_315 {strides = array<i32>} : memref<80x128xf32, #tpu.memory_space<vmem>>, vector<1x16xf32>,
          %get3A_316 = arith.constant 0 : i32
          %get3A_317 = arith.constant 0 : i32
          %get3A_318 = tpu.memref_slice %arg9[%scan3A_261, %get3A_316, %get3A_317] : memref<4x80x128xf32, #tpu.memory_space<vmem>> -> memref<1x80x128xf32, #tpu.memory_space<vmem>>
          %get3A_319 = tpu.memref_squeeze %get3A_318 : memref<1x80x128xf32, #tpu.memory_space<vmem>> -> memref<80x128xf32, #tpu.memory_space<vmem>>
          %get3A_320 = arith.index_cast %add3A_291 : i32 to index
          %get3A_321 = arith.constant 16 : index
          %get3A_322 = tpu.vector_load %get3A_319[%get3A_320, %get3A_321] {strides = array<i32>} : memref<80x128xf32, #tpu.memory_space<vmem>>, vector<1x16xf32>,
          %get3A_323 = vector.shape_cast %get3A_322 : vector<1x16xf32> to vector<16xf32>
          %get3A_324 = arith.constant 0 : i32
          %get3A_325 = arith.constant 0 : i32
          %get3A_326 = tpu.memref_slice %arg10[%scan3A_262, %get3A_324, %get3A_325] : memref<4x80x128xf32, #tpu.memory_space<vmem>> -> memref<1x80x128xf32, #tpu.memory_space<vmem>>
          %get3A_327 = tpu.memref_squeeze %get3A_326 : memref<1x80x128xf32, #tpu.memory_space<vmem>> -> memref<80x128xf32, #tpu.memory_space<vmem>>
          %get3A_328 = arith.index_cast %add3A_291 : i32 to index
          %get3A_329 = arith.constant 16 : index
          %get3A_330 = tpu.vector_load %get3A_327[%get3A_328, %get3A_329] {strides = array<i32>} : memref<80x128xf32, #tpu.memory_space<vmem>>, vector<1x16xf32>,
          %get3A_331 = vector.shape_cast %get3A_330 : vector<1x16xf32> to vector<16xf32>
          %add3A_332 = arith.addf %get3A_323, %get3A_331 : vector<16xf32>
          %swap3A_333 = arith.constant 0 : i32
          %swap3A_334 = arith.constant 0 : i32
          %swap3A_335 = tpu.memref_slice %arg9[%scan3A_261, %swap3A_333, %swap3A_334] : memref<4x80x128xf32, #tpu.memory_space<vmem>> -> memref<1x80x128xf32, #tpu.memory_space<vmem>>
          %swap3A_336 = tpu.memref_squeeze %swap3A_335 : memref<1x80x128xf32, #tpu.memory_space<vmem>> -> memref<80x128xf32, #tpu.memory_space<vmem>>
          %swap3A_337 = arith.index_cast %add3A_291 : i32 to index
          %swap3A_338 = arith.constant 16 : index
          %swap3A_339 = tpu.vector_load %swap3A_336[%swap3A_337, %swap3A_338] {strides = array<i32>} : memref<80x128xf32, #tpu.memory_space<vmem>>, vector<1x16xf32>,
          %swap3A_340 = vector.shape_cast %swap3A_339 : vector<1x16xf32> to vector<16xf32>
          %swap3A_341 = vector.shape_cast %add3A_332 : vector<16xf32> to vector<1x16xf32>
          tpu.vector_store %swap3A_336[%swap3A_337, %swap3A_338], %swap3A_341 {strides = array<i32>} : memref<80x128xf32, #tpu.memory_space<vmem>>, vector<1x16xf32>,
          %get3A_342 = arith.constant 0 : i32
          %get3A_343 = arith.constant 0 : i32
          %get3A_344 = tpu.memref_slice %arg9[%scan3A_261, %get3A_342, %get3A_343] : memref<4x80x128xf32, #tpu.memory_space<vmem>> -> memref<1x80x128xf32, #tpu.memory_space<vmem>>
          %get3A_345 = tpu.memref_squeeze %get3A_344 : memref<1x80x128xf32, #tpu.memory_space<vmem>> -> memref<80x128xf32, #tpu.memory_space<vmem>>
          %get3A_346 = arith.index_cast %add3A_291 : i32 to index
          %get3A_347 = arith.constant 32 : index
          %get3A_348 = tpu.vector_load %get3A_345[%get3A_346, %get3A_347] {strides = array<i32>} : memref<80x128xf32, #tpu.memory_space<vmem>>, vector<1x16xf32>,
          %get3A_349 = vector.shape_cast %get3A_348 : vector<1x16xf32> to vector<16xf32>
          %get3A_350 = arith.constant 0 : i32
          %get3A_351 = arith.constant 0 : i32
          %get3A_352 = tpu.memref_slice %arg10[%scan3A_262, %get3A_350, %get3A_351] : memref<4x80x128xf32, #tpu.memory_space<vmem>> -> memref<1x80x128xf32, #tpu.memory_space<vmem>>
          %get3A_353 = tpu.memref_squeeze %get3A_352 : memref<1x80x128xf32, #tpu.memory_space<vmem>> -> memref<80x128xf32, #tpu.memory_space<vmem>>
          %get3A_354 = arith.index_cast %add3A_291 : i32 to index
          %get3A_355 = arith.constant 32 : index
          %get3A_356 = tpu.vector_load %get3A_353[%get3A_354, %get3A_355] {strides = array<i32>} : memref<80x128xf32, #tpu.memory_space<vmem>>, vector<1x16xf32>,
          %get3A_357 = vector.shape_cast %get3A_356 : vector<1x16xf32> to vector<16xf32>
          %add3A_358 = arith.addf %get3A_349, %get3A_357 : vector<16xf32>
          %swap3A_359 = arith.constant 0 : i32
          %swap3A_360 = arith.constant 0 : i32
          %swap3A_361 = tpu.memref_slice %arg9[%scan3A_261, %swap3A_359, %swap3A_360] : memref<4x80x128xf32, #tpu.memory_space<vmem>> -> memref<1x80x128xf32, #tpu.memory_space<vmem>>
          %swap3A_362 = tpu.memref_squeeze %swap3A_361 : memref<1x80x128xf32, #tpu.memory_space<vmem>> -> memref<80x128xf32, #tpu.memory_space<vmem>>
          %swap3A_363 = arith.index_cast %add3A_291 : i32 to index
          %swap3A_364 = arith.constant 32 : index
          %swap3A_365 = tpu.vector_load %swap3A_362[%swap3A_363, %swap3A_364] {strides = array<i32>} : memref<80x128xf32, #tpu.memory_space<vmem>>, vector<1x16xf32>,
          %swap3A_366 = vector.shape_cast %swap3A_365 : vector<1x16xf32> to vector<16xf32>
          %swap3A_367 = vector.shape_cast %add3A_358 : vector<16xf32> to vector<1x16xf32>
          tpu.vector_store %swap3A_362[%swap3A_363, %swap3A_364], %swap3A_367 {strides = array<i32>} : memref<80x128xf32, #tpu.memory_space<vmem>>, vector<1x16xf32>,
          %get3A_368 = arith.constant 0 : i32
          %get3A_369 = arith.constant 0 : i32
          %get3A_370 = tpu.memref_slice %arg9[%scan3A_261, %get3A_368, %get3A_369] : memref<4x80x128xf32, #tpu.memory_space<vmem>> -> memref<1x80x128xf32, #tpu.memory_space<vmem>>
          %get3A_371 = tpu.memref_squeeze %get3A_370 : memref<1x80x128xf32, #tpu.memory_space<vmem>> -> memref<80x128xf32, #tpu.memory_space<vmem>>
          %get3A_372 = arith.index_cast %add3A_291 : i32 to index
          %get3A_373 = arith.constant 48 : index
          %get3A_374 = tpu.vector_load %get3A_371[%get3A_372, %get3A_373] {strides = array<i32>} : memref<80x128xf32, #tpu.memory_space<vmem>>, vector<1x16xf32>,
          %get3A_375 = vector.shape_cast %get3A_374 : vector<1x16xf32> to vector<16xf32>
          %get3A_376 = arith.constant 0 : i32
          %get3A_377 = arith.constant 0 : i32
          %get3A_378 = tpu.memref_slice %arg10[%scan3A_262, %get3A_376, %get3A_377] : memref<4x80x128xf32, #tpu.memory_space<vmem>> -> memref<1x80x128xf32, #tpu.memory_space<vmem>>
          %get3A_379 = tpu.memref_squeeze %get3A_378 : memref<1x80x128xf32, #tpu.memory_space<vmem>> -> memref<80x128xf32, #tpu.memory_space<vmem>>
          %get3A_380 = arith.index_cast %add3A_291 : i32 to index
          %get3A_381 = arith.constant 48 : index
          %get3A_382 = tpu.vector_load %get3A_379[%get3A_380, %get3A_381] {strides = array<i32>} : memref<80x128xf32, #tpu.memory_space<vmem>>, vector<1x16xf32>,
          %get3A_383 = vector.shape_cast %get3A_382 : vector<1x16xf32> to vector<16xf32>
          %add3A_384 = arith.addf %get3A_375, %get3A_383 : vector<16xf32>
          %swap3A_385 = arith.constant 0 : i32
          %swap3A_386 = arith.constant 0 : i32
          %swap3A_387 = tpu.memref_slice %arg9[%scan3A_261, %swap3A_385, %swap3A_386] : memref<4x80x128xf32, #tpu.memory_space<vmem>> -> memref<1x80x128xf32, #tpu.memory_space<vmem>>
          %swap3A_388 = tpu.memref_squeeze %swap3A_387 : memref<1x80x128xf32, #tpu.memory_space<vmem>> -> memref<80x128xf32, #tpu.memory_space<vmem>>
          %swap3A_389 = arith.index_cast %add3A_291 : i32 to index
          %swap3A_390 = arith.constant 48 : index
          %swap3A_391 = tpu.vector_load %swap3A_388[%swap3A_389, %swap3A_390] {strides = array<i32>} : memref<80x128xf32, #tpu.memory_space<vmem>>, vector<1x16xf32>,
          %swap3A_392 = vector.shape_cast %swap3A_391 : vector<1x16xf32> to vector<16xf32>
          %swap3A_393 = vector.shape_cast %add3A_384 : vector<16xf32> to vector<1x16xf32>
          tpu.vector_store %swap3A_388[%swap3A_389, %swap3A_390], %swap3A_393 {strides = array<i32>} : memref<80x128xf32, #tpu.memory_space<vmem>>, vector<1x16xf32>,
          %get3A_394 = arith.constant 0 : i32
          %get3A_395 = arith.constant 0 : i32
          %get3A_396 = tpu.memref_slice %arg9[%scan3A_261, %get3A_394, %get3A_395] : memref<4x80x128xf32, #tpu.memory_space<vmem>> -> memref<1x80x128xf32, #tpu.memory_space<vmem>>
          %get3A_397 = tpu.memref_squeeze %get3A_396 : memref<1x80x128xf32, #tpu.memory_space<vmem>> -> memref<80x128xf32, #tpu.memory_space<vmem>>
          %get3A_398 = arith.index_cast %add3A_291 : i32 to index
          %get3A_399 = arith.constant 64 : index
          %get3A_400 = tpu.vector_load %get3A_397[%get3A_398, %get3A_399] {strides = array<i32>} : memref<80x128xf32, #tpu.memory_space<vmem>>, vector<1x16xf32>,
          %get3A_401 = vector.shape_cast %get3A_400 : vector<1x16xf32> to vector<16xf32>
          %get3A_402 = arith.constant 0 : i32
          %get3A_403 = arith.constant 0 : i32
          %get3A_404 = tpu.memref_slice %arg10[%scan3A_262, %get3A_402, %get3A_403] : memref<4x80x128xf32, #tpu.memory_space<vmem>> -> memref<1x80x128xf32, #tpu.memory_space<vmem>>
          %get3A_405 = tpu.memref_squeeze %get3A_404 : memref<1x80x128xf32, #tpu.memory_space<vmem>> -> memref<80x128xf32, #tpu.memory_space<vmem>>
          %get3A_406 = arith.index_cast %add3A_291 : i32 to index
          %get3A_407 = arith.constant 64 : index
          %get3A_408 = tpu.vector_load %get3A_405[%get3A_406, %get3A_407] {strides = array<i32>} : memref<80x128xf32, #tpu.memory_space<vmem>>, vector<1x16xf32>,
          %get3A_409 = vector.shape_cast %get3A_408 : vector<1x16xf32> to vector<16xf32>
          %add3A_410 = arith.addf %get3A_401, %get3A_409 : vector<16xf32>
          %swap3A_411 = arith.constant 0 : i32
          %swap3A_412 = arith.constant 0 : i32
          %swap3A_413 = tpu.memref_slice %arg9[%scan3A_261, %swap3A_411, %swap3A_412] : memref<4x80x128xf32, #tpu.memory_space<vmem>> -> memref<1x80x128xf32, #tpu.memory_space<vmem>>
          %swap3A_414 = tpu.memref_squeeze %swap3A_413 : memref<1x80x128xf32, #tpu.memory_space<vmem>> -> memref<80x128xf32, #tpu.memory_space<vmem>>
          %swap3A_415 = arith.index_cast %add3A_291 : i32 to index
          %swap3A_416 = arith.constant 64 : index
          %swap3A_417 = tpu.vector_load %swap3A_414[%swap3A_415, %swap3A_416] {strides = array<i32>} : memref<80x128xf32, #tpu.memory_space<vmem>>, vector<1x16xf32>,
          %swap3A_418 = vector.shape_cast %swap3A_417 : vector<1x16xf32> to vector<16xf32>
          %swap3A_419 = vector.shape_cast %add3A_410 : vector<16xf32> to vector<1x16xf32>
          tpu.vector_store %swap3A_414[%swap3A_415, %swap3A_416], %swap3A_419 {strides = array<i32>} : memref<80x128xf32, #tpu.memory_space<vmem>>, vector<1x16xf32>,
          %get3A_420 = arith.constant 0 : i32
          %get3A_421 = arith.constant 0 : i32
          %get3A_422 = tpu.memref_slice %arg9[%scan3A_261, %get3A_420, %get3A_421] : memref<4x80x128xf32, #tpu.memory_space<vmem>> -> memref<1x80x128xf32, #tpu.memory_space<vmem>>
          %get3A_423 = tpu.memref_squeeze %get3A_422 : memref<1x80x128xf32, #tpu.memory_space<vmem>> -> memref<80x128xf32, #tpu.memory_space<vmem>>
          %get3A_424 = arith.index_cast %add3A_291 : i32 to index
          %get3A_425 = arith.constant 80 : index
          %get3A_426 = tpu.vector_load %get3A_423[%get3A_424, %get3A_425] {strides = array<i32>} : memref<80x128xf32, #tpu.memory_space<vmem>>, vector<1x16xf32>,
          %get3A_427 = vector.shape_cast %get3A_426 : vector<1x16xf32> to vector<16xf32>
          %get3A_428 = arith.constant 0 : i32
          %get3A_429 = arith.constant 0 : i32
          %get3A_430 = tpu.memref_slice %arg10[%scan3A_262, %get3A_428, %get3A_429] : memref<4x80x128xf32, #tpu.memory_space<vmem>> -> memref<1x80x128xf32, #tpu.memory_space<vmem>>
          %get3A_431 = tpu.memref_squeeze %get3A_430 : memref<1x80x128xf32, #tpu.memory_space<vmem>> -> memref<80x128xf32, #tpu.memory_space<vmem>>
          %get3A_432 = arith.index_cast %add3A_291 : i32 to index
          %get3A_433 = arith.constant 80 : index
          %get3A_434 = tpu.vector_load %get3A_431[%get3A_432, %get3A_433] {strides = array<i32>} : memref<80x128xf32, #tpu.memory_space<vmem>>, vector<1x16xf32>,
          %get3A_435 = vector.shape_cast %get3A_434 : vector<1x16xf32> to vector<16xf32>
          %add3A_436 = arith.addf %get3A_427, %get3A_435 : vector<16xf32>
          %swap3A_437 = arith.constant 0 : i32
          %swap3A_438 = arith.constant 0 : i32
          %swap3A_439 = tpu.memref_slice %arg9[%scan3A_261, %swap3A_437, %swap3A_438] : memref<4x80x128xf32, #tpu.memory_space<vmem>> -> memref<1x80x128xf32, #tpu.memory_space<vmem>>
          %swap3A_440 = tpu.memref_squeeze %swap3A_439 : memref<1x80x128xf32, #tpu.memory_space<vmem>> -> memref<80x128xf32, #tpu.memory_space<vmem>>
          %swap3A_441 = arith.index_cast %add3A_291 : i32 to index
          %swap3A_442 = arith.constant 80 : index
          %swap3A_443 = tpu.vector_load %swap3A_440[%swap3A_441, %swap3A_442] {strides = array<i32>} : memref<80x128xf32, #tpu.memory_space<vmem>>, vector<1x16xf32>,
          %swap3A_444 = vector.shape_cast %swap3A_443 : vector<1x16xf32> to vector<16xf32>
          %swap3A_445 = vector.shape_cast %add3A_436 : vector<16xf32> to vector<1x16xf32>
          tpu.vector_store %swap3A_440[%swap3A_441, %swap3A_442], %swap3A_445 {strides = array<i32>} : memref<80x128xf32, #tpu.memory_space<vmem>>, vector<1x16xf32>,
          %get3A_446 = arith.constant 0 : i32
          %get3A_447 = arith.constant 0 : i32
          %get3A_448 = tpu.memref_slice %arg9[%scan3A_261, %get3A_446, %get3A_447] : memref<4x80x128xf32, #tpu.memory_space<vmem>> -> memref<1x80x128xf32, #tpu.memory_space<vmem>>
          %get3A_449 = tpu.memref_squeeze %get3A_448 : memref<1x80x128xf32, #tpu.memory_space<vmem>> -> memref<80x128xf32, #tpu.memory_space<vmem>>
          %get3A_450 = arith.index_cast %add3A_291 : i32 to index
          %get3A_451 = arith.constant 96 : index
          %get3A_452 = tpu.vector_load %get3A_449[%get3A_450, %get3A_451] {strides = array<i32>} : memref<80x128xf32, #tpu.memory_space<vmem>>, vector<1x16xf32>,
          %get3A_453 = vector.shape_cast %get3A_452 : vector<1x16xf32> to vector<16xf32>
          %get3A_454 = arith.constant 0 : i32
          %get3A_455 = arith.constant 0 : i32
          %get3A_456 = tpu.memref_slice %arg10[%scan3A_262, %get3A_454, %get3A_455] : memref<4x80x128xf32, #tpu.memory_space<vmem>> -> memref<1x80x128xf32, #tpu.memory_space<vmem>>
          %get3A_457 = tpu.memref_squeeze %get3A_456 : memref<1x80x128xf32, #tpu.memory_space<vmem>> -> memref<80x128xf32, #tpu.memory_space<vmem>>
          %get3A_458 = arith.index_cast %add3A_291 : i32 to index
          %get3A_459 = arith.constant 96 : index
          %get3A_460 = tpu.vector_load %get3A_457[%get3A_458, %get3A_459] {strides = array<i32>} : memref<80x128xf32, #tpu.memory_space<vmem>>, vector<1x16xf32>,
          %get3A_461 = vector.shape_cast %get3A_460 : vector<1x16xf32> to vector<16xf32>
          %add3A_462 = arith.addf %get3A_453, %get3A_461 : vector<16xf32>
          %swap3A_463 = arith.constant 0 : i32
          %swap3A_464 = arith.constant 0 : i32
          %swap3A_465 = tpu.memref_slice %arg9[%scan3A_261, %swap3A_463, %swap3A_464] : memref<4x80x128xf32, #tpu.memory_space<vmem>> -> memref<1x80x128xf32, #tpu.memory_space<vmem>>
          %swap3A_466 = tpu.memref_squeeze %swap3A_465 : memref<1x80x128xf32, #tpu.memory_space<vmem>> -> memref<80x128xf32, #tpu.memory_space<vmem>>
          %swap3A_467 = arith.index_cast %add3A_291 : i32 to index
          %swap3A_468 = arith.constant 96 : index
          %swap3A_469 = tpu.vector_load %swap3A_466[%swap3A_467, %swap3A_468] {strides = array<i32>} : memref<80x128xf32, #tpu.memory_space<vmem>>, vector<1x16xf32>,
          %swap3A_470 = vector.shape_cast %swap3A_469 : vector<1x16xf32> to vector<16xf32>
          %swap3A_471 = vector.shape_cast %add3A_462 : vector<16xf32> to vector<1x16xf32>
          tpu.vector_store %swap3A_466[%swap3A_467, %swap3A_468], %swap3A_471 {strides = array<i32>} : memref<80x128xf32, #tpu.memory_space<vmem>>, vector<1x16xf32>,
          %get3A_472 = arith.constant 0 : i32
          %get3A_473 = arith.constant 0 : i32
          %get3A_474 = tpu.memref_slice %arg9[%scan3A_261, %get3A_472, %get3A_473] : memref<4x80x128xf32, #tpu.memory_space<vmem>> -> memref<1x80x128xf32, #tpu.memory_space<vmem>>
          %get3A_475 = tpu.memref_squeeze %get3A_474 : memref<1x80x128xf32, #tpu.memory_space<vmem>> -> memref<80x128xf32, #tpu.memory_space<vmem>>
          %get3A_476 = arith.index_cast %add3A_291 : i32 to index
          %get3A_477 = arith.constant 112 : index
          %get3A_478 = tpu.vector_load %get3A_475[%get3A_476, %get3A_477] {strides = array<i32>} : memref<80x128xf32, #tpu.memory_space<vmem>>, vector<1x16xf32>,
          %get3A_479 = vector.shape_cast %get3A_478 : vector<1x16xf32> to vector<16xf32>
          %get3A_480 = arith.constant 0 : i32
          %get3A_481 = arith.constant 0 : i32
          %get3A_482 = tpu.memref_slice %arg10[%scan3A_262, %get3A_480, %get3A_481] : memref<4x80x128xf32, #tpu.memory_space<vmem>> -> memref<1x80x128xf32, #tpu.memory_space<vmem>>
          %get3A_483 = tpu.memref_squeeze %get3A_482 : memref<1x80x128xf32, #tpu.memory_space<vmem>> -> memref<80x128xf32, #tpu.memory_space<vmem>>
          %get3A_484 = arith.index_cast %add3A_291 : i32 to index
          %get3A_485 = arith.constant 112 : index
          %get3A_486 = tpu.vector_load %get3A_483[%get3A_484, %get3A_485] {strides = array<i32>} : memref<80x128xf32, #tpu.memory_space<vmem>>, vector<1x16xf32>,
          %get3A_487 = vector.shape_cast %get3A_486 : vector<1x16xf32> to vector<16xf32>
          %add3A_488 = arith.addf %get3A_479, %get3A_487 : vector<16xf32>
          %swap3A_489 = arith.constant 0 : i32
          %swap3A_490 = arith.constant 0 : i32
          %swap3A_491 = tpu.memref_slice %arg9[%scan3A_261, %swap3A_489, %swap3A_490] : memref<4x80x128xf32, #tpu.memory_space<vmem>> -> memref<1x80x128xf32, #tpu.memory_space<vmem>>
          %swap3A_492 = tpu.memref_squeeze %swap3A_491 : memref<1x80x128xf32, #tpu.memory_space<vmem>> -> memref<80x128xf32, #tpu.memory_space<vmem>>
          %swap3A_493 = arith.index_cast %add3A_291 : i32 to index
          %swap3A_494 = arith.constant 112 : index
          %swap3A_495 = tpu.vector_load %swap3A_492[%swap3A_493, %swap3A_494] {strides = array<i32>} : memref<80x128xf32, #tpu.memory_space<vmem>>, vector<1x16xf32>,
          %swap3A_496 = vector.shape_cast %swap3A_495 : vector<1x16xf32> to vector<16xf32>
          %swap3A_497 = vector.shape_cast %add3A_488 : vector<16xf32> to vector<1x16xf32>
          tpu.vector_store %swap3A_492[%swap3A_493, %swap3A_494], %swap3A_497 {strides = array<i32>} : memref<80x128xf32, #tpu.memory_space<vmem>>, vector<1x16xf32>,
        }
        %scan3A_267 = arith.constant 80 : i32
        %mul3A_268 = arith.constant 80 : i32
        %mul3A_269 = arith.muli %add3A_160, %mul3A_268 : i32
        %add3A_270 = arith.addi %mul3A_2, %mul3A_269 : i32
        %dma_start3A_271 = arith.constant 1 : i32
        %dma_start3A_272 = arith.constant 1 : i32
        %dma_start3A_273 = arith.constant 0 : i32
        %dma_start3A_274 = arith.constant 0 : i32
        %dma_start3A_275 = tpu.memref_slice %arg9[%dma_start3A_271, %dma_start3A_273, %dma_start3A_274] : memref<4x80x128xf32, #tpu.memory_space<vmem>> -> memref<1x80x128xf32, #tpu.memory_space<vmem>>
        %dma_start3A_276 = tpu.memref_squeeze %dma_start3A_275 : memref<1x80x128xf32, #tpu.memory_space<vmem>> -> memref<80x128xf32, #tpu.memory_space<vmem>>
        %dma_start3A_277 = arith.constant 0 : i32
        %dma_start3A_278 = tpu.memref_slice %arg6[%add3A_270, %dma_start3A_277] : memref<320000x128xf32, #tpu.memory_space<hbm>> -> memref<80x128xf32, #tpu.memory_space<hbm>>
        %dma_start3A_279 = tpu.memref_slice %arg13[%dma_start3A_272] : memref<4x!tpu.dma_semaphore, #tpu.memory_space<semaphore_mem>> -> memref<1x!tpu.dma_semaphore, #tpu.memory_space<semaphore_mem>>
        %dma_start3A_280 = tpu.memref_squeeze %dma_start3A_279 : memref<1x!tpu.dma_semaphore, #tpu.memory_space<semaphore_mem>> -> memref<!tpu.dma_semaphore, #tpu.memory_space<semaphore_mem>>
        %dma_start3A_281 = arith.constant 0 : i32
        %dma_start3A_282 = tpu.memref_slice %arg6[%add3A_270, %dma_start3A_281] : memref<320000x128xf32, #tpu.memory_space<hbm>> -> memref<80x128xf32, #tpu.memory_space<hbm>>
        %dma_start3A_283 = arith.constant 0 : i32
        %dma_start3A_284 = arith.constant 0 : i32
        %dma_start3A_285 = tpu.memref_slice %arg9[%dma_start3A_271, %dma_start3A_283, %dma_start3A_284] : memref<4x80x128xf32, #tpu.memory_space<vmem>> -> memref<1x80x128xf32, #tpu.memory_space<vmem>>
        %dma_start3A_286 = tpu.memref_squeeze %dma_start3A_285 : memref<1x80x128xf32, #tpu.memory_space<vmem>> -> memref<80x128xf32, #tpu.memory_space<vmem>>
        tpu.enqueue_dma source(%dma_start3A_286 : memref<80x128xf32, #tpu.memory_space<vmem>>) target(%dma_start3A_282 : memref<80x128xf32, #tpu.memory_space<hbm>>) target_semaphore(%dma_start3A_280 : memref<!tpu.dma_semaphore, #tpu.memory_space<semaphore_mem>>)
      } else {
      }
      %add3A_166 = arith.constant 2 : i32
      %add3A_167 = arith.addi %add3A_160, %add3A_166 : i32
      %ge3A_168 = arith.constant 4 : i32
      %ge3A_169 = arith.cmpi sge, %add3A_167, %ge3A_168 : i32
      %lt3A_170 = arith.constant 125 : i32
      %lt3A_171 = arith.cmpi slt, %add3A_167, %lt3A_170 : i32
      %and3A_172 = arith.andi %ge3A_169, %lt3A_171 : i1
      %convert_element_type3A_173 = arith.extui %and3A_172 : i1 to i32
      %cond3A_174 = arith.constant 0 : i32
      %cond3A_175 = arith.cmpi ne, %convert_element_type3A_173, %cond3A_174 : i32
      scf.if %cond3A_175 {
        %dma_wait3A_225 = arith.constant 3 : i32
        %dma_wait3A_226 = arith.constant 3 : i32
        %dma_wait3A_227 = arith.constant 0 : i32
        %dma_wait3A_228 = arith.constant 0 : i32
        %dma_wait3A_229 = tpu.memref_slice %arg9[%dma_wait3A_225, %dma_wait3A_227, %dma_wait3A_228] : memref<4x80x128xf32, #tpu.memory_space<vmem>> -> memref<1x80x128xf32, #tpu.memory_space<vmem>>
        %dma_wait3A_230 = tpu.memref_squeeze %dma_wait3A_229 : memref<1x80x128xf32, #tpu.memory_space<vmem>> -> memref<80x128xf32, #tpu.memory_space<vmem>>
        %dma_wait3A_231 = arith.constant 0 : i32
        %dma_wait3A_232 = arith.constant 0 : i32
        %dma_wait3A_233 = tpu.memref_slice %arg6[%dma_wait3A_231, %dma_wait3A_232] : memref<320000x128xf32, #tpu.memory_space<hbm>> -> memref<80x128xf32, #tpu.memory_space<hbm>>
        %dma_wait3A_234 = tpu.memref_slice %arg13[%dma_wait3A_226] : memref<4x!tpu.dma_semaphore, #tpu.memory_space<semaphore_mem>> -> memref<1x!tpu.dma_semaphore, #tpu.memory_space<semaphore_mem>>
        %dma_wait3A_235 = tpu.memref_squeeze %dma_wait3A_234 : memref<1x!tpu.dma_semaphore, #tpu.memory_space<semaphore_mem>> -> memref<!tpu.dma_semaphore, #tpu.memory_space<semaphore_mem>>
        %dma_wait3A_236 = arith.constant 0 : i32
        %dma_wait3A_237 = arith.constant 0 : i32
        %dma_wait3A_238 = tpu.memref_slice %arg6[%dma_wait3A_236, %dma_wait3A_237] : memref<320000x128xf32, #tpu.memory_space<hbm>> -> memref<80x128xf32, #tpu.memory_space<hbm>>
        %dma_wait3A_239 = arith.constant 0 : i32
        %dma_wait3A_240 = arith.constant 0 : i32
        %dma_wait3A_241 = tpu.memref_slice %arg9[%dma_wait3A_225, %dma_wait3A_239, %dma_wait3A_240] : memref<4x80x128xf32, #tpu.memory_space<vmem>> -> memref<1x80x128xf32, #tpu.memory_space<vmem>>
        %dma_wait3A_242 = tpu.memref_squeeze %dma_wait3A_241 : memref<1x80x128xf32, #tpu.memory_space<vmem>> -> memref<80x128xf32, #tpu.memory_space<vmem>>
        tpu.wait_dma2 semaphore(%dma_wait3A_235 : memref<!tpu.dma_semaphore, #tpu.memory_space<semaphore_mem>>) src(%dma_wait3A_242 : memref<80x128xf32, #tpu.memory_space<vmem>>) dst(%dma_wait3A_238 : memref<80x128xf32, #tpu.memory_space<hbm>>)
      } else {
      }
      %lt3A_176 = arith.constant 125 : i32
      %lt3A_177 = arith.cmpi slt, %add3A_167, %lt3A_176 : i32
      %convert_element_type3A_178 = arith.extui %lt3A_177 : i1 to i32
      %cond3A_179 = arith.constant 0 : i32
      %cond3A_180 = arith.cmpi ne, %convert_element_type3A_178, %cond3A_179 : i32
      scf.if %cond3A_180 {
        %dma_start3A_225 = arith.constant 3 : i32
        %dma_start3A_226 = arith.constant 3 : i32
        %dma_start3A_227 = arith.constant 0 : i32
        %dma_start3A_228 = arith.constant 0 : i32
        %dma_start3A_229 = tpu.memref_slice %arg9[%dma_start3A_225, %dma_start3A_227, %dma_start3A_228] : memref<4x80x128xf32, #tpu.memory_space<vmem>> -> memref<1x80x128xf32, #tpu.memory_space<vmem>>
        %dma_start3A_230 = tpu.memref_squeeze %dma_start3A_229 : memref<1x80x128xf32, #tpu.memory_space<vmem>> -> memref<80x128xf32, #tpu.memory_space<vmem>>
        %dma_start3A_231 = arith.constant 0 : i32
        %dma_start3A_232 = tpu.memref_slice %arg7[%add3A_167, %dma_start3A_231] : memref<125x80xi32, #tpu.memory_space<vmem>> -> memref<1x80xi32, #tpu.memory_space<vmem>>
        %dma_start3A_233 = tpu.memref_squeeze %dma_start3A_232 : memref<1x80xi32, #tpu.memory_space<vmem>> -> memref<80xi32, #tpu.memory_space<vmem>>
        %dma_start3A_234 = arith.constant 0 : i32
        %dma_start3A_235 = arith.constant 0 : i32
        %dma_start3A_236 = tpu.memref_slice %arg2[%dma_start3A_234, %dma_start3A_235] : memref<10000x128xf32, #tpu.memory_space<hbm>> -> memref<10000x128xf32, #tpu.memory_space<hbm>>
        %dma_start3A_237 = tpu.memref_slice %arg11[%dma_start3A_226] : memref<4x!tpu.dma_semaphore, #tpu.memory_space<semaphore_mem>> -> memref<1x!tpu.dma_semaphore, #tpu.memory_space<semaphore_mem>>
        %dma_start3A_238 = tpu.memref_squeeze %dma_start3A_237 : memref<1x!tpu.dma_semaphore, #tpu.memory_space<semaphore_mem>> -> memref<!tpu.dma_semaphore, #tpu.memory_space<semaphore_mem>>
        tpu.enqueue_indirect_dma source(%dma_start3A_236 : memref<10000x128xf32, #tpu.memory_space<hbm>>) target(%dma_start3A_230 : memref<80x128xf32, #tpu.memory_space<vmem>>) offsets(%dma_start3A_233 : memref<80xi32, #tpu.memory_space<vmem>>) semaphore(%dma_start3A_238 : memref<!tpu.dma_semaphore, #tpu.memory_space<semaphore_mem>>)
        %dma_start3A_239 = arith.constant 3 : i32
        %dma_start3A_240 = arith.constant 3 : i32
        %dma_start3A_241 = arith.constant 0 : i32
        %dma_start3A_242 = arith.constant 0 : i32
        %dma_start3A_243 = tpu.memref_slice %arg10[%dma_start3A_239, %dma_start3A_241, %dma_start3A_242] : memref<4x80x128xf32, #tpu.memory_space<vmem>> -> memref<1x80x128xf32, #tpu.memory_space<vmem>>
        %dma_start3A_244 = tpu.memref_squeeze %dma_start3A_243 : memref<1x80x128xf32, #tpu.memory_space<vmem>> -> memref<80x128xf32, #tpu.memory_space<vmem>>
        %dma_start3A_245 = arith.constant 0 : i32
        %dma_start3A_246 = tpu.memref_slice %arg8[%add3A_167, %dma_start3A_245] : memref<125x80xi32, #tpu.memory_space<vmem>> -> memref<1x80xi32, #tpu.memory_space<vmem>>
        %dma_start3A_247 = tpu.memref_squeeze %dma_start3A_246 : memref<1x80xi32, #tpu.memory_space<vmem>> -> memref<80xi32, #tpu.memory_space<vmem>>
        %dma_start3A_248 = arith.constant 0 : i32
        %dma_start3A_249 = arith.constant 0 : i32
        %dma_start3A_250 = tpu.memref_slice %arg3[%dma_start3A_248, %dma_start3A_249] : memref<10000x128xf32, #tpu.memory_space<hbm>> -> memref<10000x128xf32, #tpu.memory_space<hbm>>
        %dma_start3A_251 = tpu.memref_slice %arg12[%dma_start3A_240] : memref<4x!tpu.dma_semaphore, #tpu.memory_space<semaphore_mem>> -> memref<1x!tpu.dma_semaphore, #tpu.memory_space<semaphore_mem>>
        %dma_start3A_252 = tpu.memref_squeeze %dma_start3A_251 : memref<1x!tpu.dma_semaphore, #tpu.memory_space<semaphore_mem>> -> memref<!tpu.dma_semaphore, #tpu.memory_space<semaphore_mem>>
        tpu.enqueue_indirect_dma source(%dma_start3A_250 : memref<10000x128xf32, #tpu.memory_space<hbm>>) target(%dma_start3A_244 : memref<80x128xf32, #tpu.memory_space<vmem>>) offsets(%dma_start3A_247 : memref<80xi32, #tpu.memory_space<vmem>>) semaphore(%dma_start3A_252 : memref<!tpu.dma_semaphore, #tpu.memory_space<semaphore_mem>>)
      } else {
      }
      %add3A_181 = arith.constant 2 : i32
      %add3A_182 = arith.addi %add3A_141, %add3A_181 : i32
      %lt3A_183 = arith.constant 125 : i32
      %lt3A_184 = arith.cmpi slt, %add3A_182, %lt3A_183 : i32
      %convert_element_type3A_185 = arith.extui %lt3A_184 : i1 to i32
      %cond3A_186 = arith.constant 0 : i32
      %cond3A_187 = arith.cmpi ne, %convert_element_type3A_185, %cond3A_186 : i32
      scf.if %cond3A_187 {
        %dma_wait3A_225 = arith.constant 2 : i32
        %dma_wait3A_226 = arith.constant 2 : i32
        %dma_wait3A_227 = arith.constant 0 : i32
        %dma_wait3A_228 = arith.constant 0 : i32
        %dma_wait3A_229 = tpu.memref_slice %arg9[%dma_wait3A_225, %dma_wait3A_227, %dma_wait3A_228] : memref<4x80x128xf32, #tpu.memory_space<vmem>> -> memref<1x80x128xf32, #tpu.memory_space<vmem>>
        %dma_wait3A_230 = tpu.memref_squeeze %dma_wait3A_229 : memref<1x80x128xf32, #tpu.memory_space<vmem>> -> memref<80x128xf32, #tpu.memory_space<vmem>>
        %dma_wait3A_231 = arith.constant 0 : i32
        %dma_wait3A_232 = arith.constant 0 : i32
        %dma_wait3A_233 = tpu.memref_slice %arg6[%dma_wait3A_231, %dma_wait3A_232] : memref<320000x128xf32, #tpu.memory_space<hbm>> -> memref<80x128xf32, #tpu.memory_space<hbm>>
        %dma_wait3A_234 = tpu.memref_slice %arg11[%dma_wait3A_226] : memref<4x!tpu.dma_semaphore, #tpu.memory_space<semaphore_mem>> -> memref<1x!tpu.dma_semaphore, #tpu.memory_space<semaphore_mem>>
        %dma_wait3A_235 = tpu.memref_squeeze %dma_wait3A_234 : memref<1x!tpu.dma_semaphore, #tpu.memory_space<semaphore_mem>> -> memref<!tpu.dma_semaphore, #tpu.memory_space<semaphore_mem>>
        %dma_wait3A_236 = arith.constant 0 : i32
        %dma_wait3A_237 = arith.constant 0 : i32
        %dma_wait3A_238 = tpu.memref_slice %arg9[%dma_wait3A_225, %dma_wait3A_236, %dma_wait3A_237] : memref<4x80x128xf32, #tpu.memory_space<vmem>> -> memref<1x80x128xf32, #tpu.memory_space<vmem>>
        %dma_wait3A_239 = tpu.memref_squeeze %dma_wait3A_238 : memref<1x80x128xf32, #tpu.memory_space<vmem>> -> memref<80x128xf32, #tpu.memory_space<vmem>>
        %dma_wait3A_240 = arith.constant 0 : i32
        %dma_wait3A_241 = arith.constant 0 : i32
        %dma_wait3A_242 = tpu.memref_slice %arg6[%dma_wait3A_240, %dma_wait3A_241] : memref<320000x128xf32, #tpu.memory_space<hbm>> -> memref<80x128xf32, #tpu.memory_space<hbm>>
        tpu.wait_dma2 semaphore(%dma_wait3A_235 : memref<!tpu.dma_semaphore, #tpu.memory_space<semaphore_mem>>) src(%dma_wait3A_242 : memref<80x128xf32, #tpu.memory_space<hbm>>) dst(%dma_wait3A_239 : memref<80x128xf32, #tpu.memory_space<vmem>>)
        %dma_wait3A_243 = arith.constant 2 : i32
        %dma_wait3A_244 = arith.constant 2 : i32
        %dma_wait3A_245 = arith.constant 0 : i32
        %dma_wait3A_246 = arith.constant 0 : i32
        %dma_wait3A_247 = tpu.memref_slice %arg10[%dma_wait3A_243, %dma_wait3A_245, %dma_wait3A_246] : memref<4x80x128xf32, #tpu.memory_space<vmem>> -> memref<1x80x128xf32, #tpu.memory_space<vmem>>
        %dma_wait3A_248 = tpu.memref_squeeze %dma_wait3A_247 : memref<1x80x128xf32, #tpu.memory_space<vmem>> -> memref<80x128xf32, #tpu.memory_space<vmem>>
        %dma_wait3A_249 = arith.constant 0 : i32
        %dma_wait3A_250 = arith.constant 0 : i32
        %dma_wait3A_251 = tpu.memref_slice %arg6[%dma_wait3A_249, %dma_wait3A_250] : memref<320000x128xf32, #tpu.memory_space<hbm>> -> memref<80x128xf32, #tpu.memory_space<hbm>>
        %dma_wait3A_252 = tpu.memref_slice %arg12[%dma_wait3A_244] : memref<4x!tpu.dma_semaphore, #tpu.memory_space<semaphore_mem>> -> memref<1x!tpu.dma_semaphore, #tpu.memory_space<semaphore_mem>>
        %dma_wait3A_253 = tpu.memref_squeeze %dma_wait3A_252 : memref<1x!tpu.dma_semaphore, #tpu.memory_space<semaphore_mem>> -> memref<!tpu.dma_semaphore, #tpu.memory_space<semaphore_mem>>
        %dma_wait3A_254 = arith.constant 0 : i32
        %dma_wait3A_255 = arith.constant 0 : i32
        %dma_wait3A_256 = tpu.memref_slice %arg10[%dma_wait3A_243, %dma_wait3A_254, %dma_wait3A_255] : memref<4x80x128xf32, #tpu.memory_space<vmem>> -> memref<1x80x128xf32, #tpu.memory_space<vmem>>
        %dma_wait3A_257 = tpu.memref_squeeze %dma_wait3A_256 : memref<1x80x128xf32, #tpu.memory_space<vmem>> -> memref<80x128xf32, #tpu.memory_space<vmem>>
        %dma_wait3A_258 = arith.constant 0 : i32
        %dma_wait3A_259 = arith.constant 0 : i32
        %dma_wait3A_260 = tpu.memref_slice %arg6[%dma_wait3A_258, %dma_wait3A_259] : memref<320000x128xf32, #tpu.memory_space<hbm>> -> memref<80x128xf32, #tpu.memory_space<hbm>>
        tpu.wait_dma2 semaphore(%dma_wait3A_253 : memref<!tpu.dma_semaphore, #tpu.memory_space<semaphore_mem>>) src(%dma_wait3A_260 : memref<80x128xf32, #tpu.memory_space<hbm>>) dst(%dma_wait3A_257 : memref<80x128xf32, #tpu.memory_space<vmem>>)
        %scan3A_261 = arith.constant 2 : i32
        %scan3A_262 = arith.constant 2 : i32
        %scan3A_263 = arith.constant 0 : i32
        %scan3A_264 = arith.constant 80 : i32
        %scan3A_265 = arith.addi %scan3A_263, %scan3A_264 : i32
        %scan3A_266 = arith.constant 1 : i32
        scf.for %scan3A_287 = %scan3A_263 to %scan3A_265 step %scan3A_266  : i32 {
          %mul3A_288 = arith.constant 1 : i32
          %mul3A_289 = arith.muli %scan3A_287, %mul3A_288 : i32
          %add3A_290 = arith.constant 0 : i32
          %add3A_291 = arith.addi %add3A_290, %mul3A_289 : i32
          %get3A = arith.constant 0 : i32
          %get3A_292 = arith.constant 0 : i32
          %get3A_293 = tpu.memref_slice %arg9[%scan3A_261, %get3A, %get3A_292] : memref<4x80x128xf32, #tpu.memory_space<vmem>> -> memref<1x80x128xf32, #tpu.memory_space<vmem>>
          %get3A_294 = tpu.memref_squeeze %get3A_293 : memref<1x80x128xf32, #tpu.memory_space<vmem>> -> memref<80x128xf32, #tpu.memory_space<vmem>>
          %get3A_295 = arith.index_cast %add3A_291 : i32 to index
          %get3A_296 = arith.constant 0 : index
          %get3A_297 = tpu.vector_load %get3A_294[%get3A_295, %get3A_296] {strides = array<i32>} : memref<80x128xf32, #tpu.memory_space<vmem>>, vector<1x16xf32>,
          %get3A_298 = vector.shape_cast %get3A_297 : vector<1x16xf32> to vector<16xf32>
          %get3A_299 = arith.constant 0 : i32
          %get3A_300 = arith.constant 0 : i32
          %get3A_301 = tpu.memref_slice %arg10[%scan3A_262, %get3A_299, %get3A_300] : memref<4x80x128xf32, #tpu.memory_space<vmem>> -> memref<1x80x128xf32, #tpu.memory_space<vmem>>
          %get3A_302 = tpu.memref_squeeze %get3A_301 : memref<1x80x128xf32, #tpu.memory_space<vmem>> -> memref<80x128xf32, #tpu.memory_space<vmem>>
          %get3A_303 = arith.index_cast %add3A_291 : i32 to index
          %get3A_304 = arith.constant 0 : index
          %get3A_305 = tpu.vector_load %get3A_302[%get3A_303, %get3A_304] {strides = array<i32>} : memref<80x128xf32, #tpu.memory_space<vmem>>, vector<1x16xf32>,
          %get3A_306 = vector.shape_cast %get3A_305 : vector<1x16xf32> to vector<16xf32>
          %add3A_307 = arith.addf %get3A_298, %get3A_306 : vector<16xf32>
          %swap3A = arith.constant 0 : i32
          %swap3A_308 = arith.constant 0 : i32
          %swap3A_309 = tpu.memref_slice %arg9[%scan3A_261, %swap3A, %swap3A_308] : memref<4x80x128xf32, #tpu.memory_space<vmem>> -> memref<1x80x128xf32, #tpu.memory_space<vmem>>
          %swap3A_310 = tpu.memref_squeeze %swap3A_309 : memref<1x80x128xf32, #tpu.memory_space<vmem>> -> memref<80x128xf32, #tpu.memory_space<vmem>>
          %swap3A_311 = arith.index_cast %add3A_291 : i32 to index
          %swap3A_312 = arith.constant 0 : index
          %swap3A_313 = tpu.vector_load %swap3A_310[%swap3A_311, %swap3A_312] {strides = array<i32>} : memref<80x128xf32, #tpu.memory_space<vmem>>, vector<1x16xf32>,
          %swap3A_314 = vector.shape_cast %swap3A_313 : vector<1x16xf32> to vector<16xf32>
          %swap3A_315 = vector.shape_cast %add3A_307 : vector<16xf32> to vector<1x16xf32>
          tpu.vector_store %swap3A_310[%swap3A_311, %swap3A_312], %swap3A_315 {strides = array<i32>} : memref<80x128xf32, #tpu.memory_space<vmem>>, vector<1x16xf32>,
          %get3A_316 = arith.constant 0 : i32
          %get3A_317 = arith.constant 0 : i32
          %get3A_318 = tpu.memref_slice %arg9[%scan3A_261, %get3A_316, %get3A_317] : memref<4x80x128xf32, #tpu.memory_space<vmem>> -> memref<1x80x128xf32, #tpu.memory_space<vmem>>
          %get3A_319 = tpu.memref_squeeze %get3A_318 : memref<1x80x128xf32, #tpu.memory_space<vmem>> -> memref<80x128xf32, #tpu.memory_space<vmem>>
          %get3A_320 = arith.index_cast %add3A_291 : i32 to index
          %get3A_321 = arith.constant 16 : index
          %get3A_322 = tpu.vector_load %get3A_319[%get3A_320, %get3A_321] {strides = array<i32>} : memref<80x128xf32, #tpu.memory_space<vmem>>, vector<1x16xf32>,
          %get3A_323 = vector.shape_cast %get3A_322 : vector<1x16xf32> to vector<16xf32>
          %get3A_324 = arith.constant 0 : i32
          %get3A_325 = arith.constant 0 : i32
          %get3A_326 = tpu.memref_slice %arg10[%scan3A_262, %get3A_324, %get3A_325] : memref<4x80x128xf32, #tpu.memory_space<vmem>> -> memref<1x80x128xf32, #tpu.memory_space<vmem>>
          %get3A_327 = tpu.memref_squeeze %get3A_326 : memref<1x80x128xf32, #tpu.memory_space<vmem>> -> memref<80x128xf32, #tpu.memory_space<vmem>>
          %get3A_328 = arith.index_cast %add3A_291 : i32 to index
          %get3A_329 = arith.constant 16 : index
          %get3A_330 = tpu.vector_load %get3A_327[%get3A_328, %get3A_329] {strides = array<i32>} : memref<80x128xf32, #tpu.memory_space<vmem>>, vector<1x16xf32>,
          %get3A_331 = vector.shape_cast %get3A_330 : vector<1x16xf32> to vector<16xf32>
          %add3A_332 = arith.addf %get3A_323, %get3A_331 : vector<16xf32>
          %swap3A_333 = arith.constant 0 : i32
          %swap3A_334 = arith.constant 0 : i32
          %swap3A_335 = tpu.memref_slice %arg9[%scan3A_261, %swap3A_333, %swap3A_334] : memref<4x80x128xf32, #tpu.memory_space<vmem>> -> memref<1x80x128xf32, #tpu.memory_space<vmem>>
          %swap3A_336 = tpu.memref_squeeze %swap3A_335 : memref<1x80x128xf32, #tpu.memory_space<vmem>> -> memref<80x128xf32, #tpu.memory_space<vmem>>
          %swap3A_337 = arith.index_cast %add3A_291 : i32 to index
          %swap3A_338 = arith.constant 16 : index
          %swap3A_339 = tpu.vector_load %swap3A_336[%swap3A_337, %swap3A_338] {strides = array<i32>} : memref<80x128xf32, #tpu.memory_space<vmem>>, vector<1x16xf32>,
          %swap3A_340 = vector.shape_cast %swap3A_339 : vector<1x16xf32> to vector<16xf32>
          %swap3A_341 = vector.shape_cast %add3A_332 : vector<16xf32> to vector<1x16xf32>
          tpu.vector_store %swap3A_336[%swap3A_337, %swap3A_338], %swap3A_341 {strides = array<i32>} : memref<80x128xf32, #tpu.memory_space<vmem>>, vector<1x16xf32>,
          %get3A_342 = arith.constant 0 : i32
          %get3A_343 = arith.constant 0 : i32
          %get3A_344 = tpu.memref_slice %arg9[%scan3A_261, %get3A_342, %get3A_343] : memref<4x80x128xf32, #tpu.memory_space<vmem>> -> memref<1x80x128xf32, #tpu.memory_space<vmem>>
          %get3A_345 = tpu.memref_squeeze %get3A_344 : memref<1x80x128xf32, #tpu.memory_space<vmem>> -> memref<80x128xf32, #tpu.memory_space<vmem>>
          %get3A_346 = arith.index_cast %add3A_291 : i32 to index
          %get3A_347 = arith.constant 32 : index
          %get3A_348 = tpu.vector_load %get3A_345[%get3A_346, %get3A_347] {strides = array<i32>} : memref<80x128xf32, #tpu.memory_space<vmem>>, vector<1x16xf32>,
          %get3A_349 = vector.shape_cast %get3A_348 : vector<1x16xf32> to vector<16xf32>
          %get3A_350 = arith.constant 0 : i32
          %get3A_351 = arith.constant 0 : i32
          %get3A_352 = tpu.memref_slice %arg10[%scan3A_262, %get3A_350, %get3A_351] : memref<4x80x128xf32, #tpu.memory_space<vmem>> -> memref<1x80x128xf32, #tpu.memory_space<vmem>>
          %get3A_353 = tpu.memref_squeeze %get3A_352 : memref<1x80x128xf32, #tpu.memory_space<vmem>> -> memref<80x128xf32, #tpu.memory_space<vmem>>
          %get3A_354 = arith.index_cast %add3A_291 : i32 to index
          %get3A_355 = arith.constant 32 : index
          %get3A_356 = tpu.vector_load %get3A_353[%get3A_354, %get3A_355] {strides = array<i32>} : memref<80x128xf32, #tpu.memory_space<vmem>>, vector<1x16xf32>,
          %get3A_357 = vector.shape_cast %get3A_356 : vector<1x16xf32> to vector<16xf32>
          %add3A_358 = arith.addf %get3A_349, %get3A_357 : vector<16xf32>
          %swap3A_359 = arith.constant 0 : i32
          %swap3A_360 = arith.constant 0 : i32
          %swap3A_361 = tpu.memref_slice %arg9[%scan3A_261, %swap3A_359, %swap3A_360] : memref<4x80x128xf32, #tpu.memory_space<vmem>> -> memref<1x80x128xf32, #tpu.memory_space<vmem>>
          %swap3A_362 = tpu.memref_squeeze %swap3A_361 : memref<1x80x128xf32, #tpu.memory_space<vmem>> -> memref<80x128xf32, #tpu.memory_space<vmem>>
          %swap3A_363 = arith.index_cast %add3A_291 : i32 to index
          %swap3A_364 = arith.constant 32 : index
          %swap3A_365 = tpu.vector_load %swap3A_362[%swap3A_363, %swap3A_364] {strides = array<i32>} : memref<80x128xf32, #tpu.memory_space<vmem>>, vector<1x16xf32>,
          %swap3A_366 = vector.shape_cast %swap3A_365 : vector<1x16xf32> to vector<16xf32>
          %swap3A_367 = vector.shape_cast %add3A_358 : vector<16xf32> to vector<1x16xf32>
          tpu.vector_store %swap3A_362[%swap3A_363, %swap3A_364], %swap3A_367 {strides = array<i32>} : memref<80x128xf32, #tpu.memory_space<vmem>>, vector<1x16xf32>,
          %get3A_368 = arith.constant 0 : i32
          %get3A_369 = arith.constant 0 : i32
          %get3A_370 = tpu.memref_slice %arg9[%scan3A_261, %get3A_368, %get3A_369] : memref<4x80x128xf32, #tpu.memory_space<vmem>> -> memref<1x80x128xf32, #tpu.memory_space<vmem>>
          %get3A_371 = tpu.memref_squeeze %get3A_370 : memref<1x80x128xf32, #tpu.memory_space<vmem>> -> memref<80x128xf32, #tpu.memory_space<vmem>>
          %get3A_372 = arith.index_cast %add3A_291 : i32 to index
          %get3A_373 = arith.constant 48 : index
          %get3A_374 = tpu.vector_load %get3A_371[%get3A_372, %get3A_373] {strides = array<i32>} : memref<80x128xf32, #tpu.memory_space<vmem>>, vector<1x16xf32>,
          %get3A_375 = vector.shape_cast %get3A_374 : vector<1x16xf32> to vector<16xf32>
          %get3A_376 = arith.constant 0 : i32
          %get3A_377 = arith.constant 0 : i32
          %get3A_378 = tpu.memref_slice %arg10[%scan3A_262, %get3A_376, %get3A_377] : memref<4x80x128xf32, #tpu.memory_space<vmem>> -> memref<1x80x128xf32, #tpu.memory_space<vmem>>
          %get3A_379 = tpu.memref_squeeze %get3A_378 : memref<1x80x128xf32, #tpu.memory_space<vmem>> -> memref<80x128xf32, #tpu.memory_space<vmem>>
          %get3A_380 = arith.index_cast %add3A_291 : i32 to index
          %get3A_381 = arith.constant 48 : index
          %get3A_382 = tpu.vector_load %get3A_379[%get3A_380, %get3A_381] {strides = array<i32>} : memref<80x128xf32, #tpu.memory_space<vmem>>, vector<1x16xf32>,
          %get3A_383 = vector.shape_cast %get3A_382 : vector<1x16xf32> to vector<16xf32>
          %add3A_384 = arith.addf %get3A_375, %get3A_383 : vector<16xf32>
          %swap3A_385 = arith.constant 0 : i32
          %swap3A_386 = arith.constant 0 : i32
          %swap3A_387 = tpu.memref_slice %arg9[%scan3A_261, %swap3A_385, %swap3A_386] : memref<4x80x128xf32, #tpu.memory_space<vmem>> -> memref<1x80x128xf32, #tpu.memory_space<vmem>>
          %swap3A_388 = tpu.memref_squeeze %swap3A_387 : memref<1x80x128xf32, #tpu.memory_space<vmem>> -> memref<80x128xf32, #tpu.memory_space<vmem>>
          %swap3A_389 = arith.index_cast %add3A_291 : i32 to index
          %swap3A_390 = arith.constant 48 : index
          %swap3A_391 = tpu.vector_load %swap3A_388[%swap3A_389, %swap3A_390] {strides = array<i32>} : memref<80x128xf32, #tpu.memory_space<vmem>>, vector<1x16xf32>,
          %swap3A_392 = vector.shape_cast %swap3A_391 : vector<1x16xf32> to vector<16xf32>
          %swap3A_393 = vector.shape_cast %add3A_384 : vector<16xf32> to vector<1x16xf32>
          tpu.vector_store %swap3A_388[%swap3A_389, %swap3A_390], %swap3A_393 {strides = array<i32>} : memref<80x128xf32, #tpu.memory_space<vmem>>, vector<1x16xf32>,
          %get3A_394 = arith.constant 0 : i32
          %get3A_395 = arith.constant 0 : i32
          %get3A_396 = tpu.memref_slice %arg9[%scan3A_261, %get3A_394, %get3A_395] : memref<4x80x128xf32, #tpu.memory_space<vmem>> -> memref<1x80x128xf32, #tpu.memory_space<vmem>>
          %get3A_397 = tpu.memref_squeeze %get3A_396 : memref<1x80x128xf32, #tpu.memory_space<vmem>> -> memref<80x128xf32, #tpu.memory_space<vmem>>
          %get3A_398 = arith.index_cast %add3A_291 : i32 to index
          %get3A_399 = arith.constant 64 : index
          %get3A_400 = tpu.vector_load %get3A_397[%get3A_398, %get3A_399] {strides = array<i32>} : memref<80x128xf32, #tpu.memory_space<vmem>>, vector<1x16xf32>,
          %get3A_401 = vector.shape_cast %get3A_400 : vector<1x16xf32> to vector<16xf32>
          %get3A_402 = arith.constant 0 : i32
          %get3A_403 = arith.constant 0 : i32
          %get3A_404 = tpu.memref_slice %arg10[%scan3A_262, %get3A_402, %get3A_403] : memref<4x80x128xf32, #tpu.memory_space<vmem>> -> memref<1x80x128xf32, #tpu.memory_space<vmem>>
          %get3A_405 = tpu.memref_squeeze %get3A_404 : memref<1x80x128xf32, #tpu.memory_space<vmem>> -> memref<80x128xf32, #tpu.memory_space<vmem>>
          %get3A_406 = arith.index_cast %add3A_291 : i32 to index
          %get3A_407 = arith.constant 64 : index
          %get3A_408 = tpu.vector_load %get3A_405[%get3A_406, %get3A_407] {strides = array<i32>} : memref<80x128xf32, #tpu.memory_space<vmem>>, vector<1x16xf32>,
          %get3A_409 = vector.shape_cast %get3A_408 : vector<1x16xf32> to vector<16xf32>
          %add3A_410 = arith.addf %get3A_401, %get3A_409 : vector<16xf32>
          %swap3A_411 = arith.constant 0 : i32
          %swap3A_412 = arith.constant 0 : i32
          %swap3A_413 = tpu.memref_slice %arg9[%scan3A_261, %swap3A_411, %swap3A_412] : memref<4x80x128xf32, #tpu.memory_space<vmem>> -> memref<1x80x128xf32, #tpu.memory_space<vmem>>
          %swap3A_414 = tpu.memref_squeeze %swap3A_413 : memref<1x80x128xf32, #tpu.memory_space<vmem>> -> memref<80x128xf32, #tpu.memory_space<vmem>>
          %swap3A_415 = arith.index_cast %add3A_291 : i32 to index
          %swap3A_416 = arith.constant 64 : index
          %swap3A_417 = tpu.vector_load %swap3A_414[%swap3A_415, %swap3A_416] {strides = array<i32>} : memref<80x128xf32, #tpu.memory_space<vmem>>, vector<1x16xf32>,
          %swap3A_418 = vector.shape_cast %swap3A_417 : vector<1x16xf32> to vector<16xf32>
          %swap3A_419 = vector.shape_cast %add3A_410 : vector<16xf32> to vector<1x16xf32>
          tpu.vector_store %swap3A_414[%swap3A_415, %swap3A_416], %swap3A_419 {strides = array<i32>} : memref<80x128xf32, #tpu.memory_space<vmem>>, vector<1x16xf32>,
          %get3A_420 = arith.constant 0 : i32
          %get3A_421 = arith.constant 0 : i32
          %get3A_422 = tpu.memref_slice %arg9[%scan3A_261, %get3A_420, %get3A_421] : memref<4x80x128xf32, #tpu.memory_space<vmem>> -> memref<1x80x128xf32, #tpu.memory_space<vmem>>
          %get3A_423 = tpu.memref_squeeze %get3A_422 : memref<1x80x128xf32, #tpu.memory_space<vmem>> -> memref<80x128xf32, #tpu.memory_space<vmem>>
          %get3A_424 = arith.index_cast %add3A_291 : i32 to index
          %get3A_425 = arith.constant 80 : index
          %get3A_426 = tpu.vector_load %get3A_423[%get3A_424, %get3A_425] {strides = array<i32>} : memref<80x128xf32, #tpu.memory_space<vmem>>, vector<1x16xf32>,
          %get3A_427 = vector.shape_cast %get3A_426 : vector<1x16xf32> to vector<16xf32>
          %get3A_428 = arith.constant 0 : i32
          %get3A_429 = arith.constant 0 : i32
          %get3A_430 = tpu.memref_slice %arg10[%scan3A_262, %get3A_428, %get3A_429] : memref<4x80x128xf32, #tpu.memory_space<vmem>> -> memref<1x80x128xf32, #tpu.memory_space<vmem>>
          %get3A_431 = tpu.memref_squeeze %get3A_430 : memref<1x80x128xf32, #tpu.memory_space<vmem>> -> memref<80x128xf32, #tpu.memory_space<vmem>>
          %get3A_432 = arith.index_cast %add3A_291 : i32 to index
          %get3A_433 = arith.constant 80 : index
          %get3A_434 = tpu.vector_load %get3A_431[%get3A_432, %get3A_433] {strides = array<i32>} : memref<80x128xf32, #tpu.memory_space<vmem>>, vector<1x16xf32>,
          %get3A_435 = vector.shape_cast %get3A_434 : vector<1x16xf32> to vector<16xf32>
          %add3A_436 = arith.addf %get3A_427, %get3A_435 : vector<16xf32>
          %swap3A_437 = arith.constant 0 : i32
          %swap3A_438 = arith.constant 0 : i32
          %swap3A_439 = tpu.memref_slice %arg9[%scan3A_261, %swap3A_437, %swap3A_438] : memref<4x80x128xf32, #tpu.memory_space<vmem>> -> memref<1x80x128xf32, #tpu.memory_space<vmem>>
          %swap3A_440 = tpu.memref_squeeze %swap3A_439 : memref<1x80x128xf32, #tpu.memory_space<vmem>> -> memref<80x128xf32, #tpu.memory_space<vmem>>
          %swap3A_441 = arith.index_cast %add3A_291 : i32 to index
          %swap3A_442 = arith.constant 80 : index
          %swap3A_443 = tpu.vector_load %swap3A_440[%swap3A_441, %swap3A_442] {strides = array<i32>} : memref<80x128xf32, #tpu.memory_space<vmem>>, vector<1x16xf32>,
          %swap3A_444 = vector.shape_cast %swap3A_443 : vector<1x16xf32> to vector<16xf32>
          %swap3A_445 = vector.shape_cast %add3A_436 : vector<16xf32> to vector<1x16xf32>
          tpu.vector_store %swap3A_440[%swap3A_441, %swap3A_442], %swap3A_445 {strides = array<i32>} : memref<80x128xf32, #tpu.memory_space<vmem>>, vector<1x16xf32>,
          %get3A_446 = arith.constant 0 : i32
          %get3A_447 = arith.constant 0 : i32
          %get3A_448 = tpu.memref_slice %arg9[%scan3A_261, %get3A_446, %get3A_447] : memref<4x80x128xf32, #tpu.memory_space<vmem>> -> memref<1x80x128xf32, #tpu.memory_space<vmem>>
          %get3A_449 = tpu.memref_squeeze %get3A_448 : memref<1x80x128xf32, #tpu.memory_space<vmem>> -> memref<80x128xf32, #tpu.memory_space<vmem>>
          %get3A_450 = arith.index_cast %add3A_291 : i32 to index
          %get3A_451 = arith.constant 96 : index
          %get3A_452 = tpu.vector_load %get3A_449[%get3A_450, %get3A_451] {strides = array<i32>} : memref<80x128xf32, #tpu.memory_space<vmem>>, vector<1x16xf32>,
          %get3A_453 = vector.shape_cast %get3A_452 : vector<1x16xf32> to vector<16xf32>
          %get3A_454 = arith.constant 0 : i32
          %get3A_455 = arith.constant 0 : i32
          %get3A_456 = tpu.memref_slice %arg10[%scan3A_262, %get3A_454, %get3A_455] : memref<4x80x128xf32, #tpu.memory_space<vmem>> -> memref<1x80x128xf32, #tpu.memory_space<vmem>>
          %get3A_457 = tpu.memref_squeeze %get3A_456 : memref<1x80x128xf32, #tpu.memory_space<vmem>> -> memref<80x128xf32, #tpu.memory_space<vmem>>
          %get3A_458 = arith.index_cast %add3A_291 : i32 to index
          %get3A_459 = arith.constant 96 : index
          %get3A_460 = tpu.vector_load %get3A_457[%get3A_458, %get3A_459] {strides = array<i32>} : memref<80x128xf32, #tpu.memory_space<vmem>>, vector<1x16xf32>,
          %get3A_461 = vector.shape_cast %get3A_460 : vector<1x16xf32> to vector<16xf32>
          %add3A_462 = arith.addf %get3A_453, %get3A_461 : vector<16xf32>
          %swap3A_463 = arith.constant 0 : i32
          %swap3A_464 = arith.constant 0 : i32
          %swap3A_465 = tpu.memref_slice %arg9[%scan3A_261, %swap3A_463, %swap3A_464] : memref<4x80x128xf32, #tpu.memory_space<vmem>> -> memref<1x80x128xf32, #tpu.memory_space<vmem>>
          %swap3A_466 = tpu.memref_squeeze %swap3A_465 : memref<1x80x128xf32, #tpu.memory_space<vmem>> -> memref<80x128xf32, #tpu.memory_space<vmem>>
          %swap3A_467 = arith.index_cast %add3A_291 : i32 to index
          %swap3A_468 = arith.constant 96 : index
          %swap3A_469 = tpu.vector_load %swap3A_466[%swap3A_467, %swap3A_468] {strides = array<i32>} : memref<80x128xf32, #tpu.memory_space<vmem>>, vector<1x16xf32>,
          %swap3A_470 = vector.shape_cast %swap3A_469 : vector<1x16xf32> to vector<16xf32>
          %swap3A_471 = vector.shape_cast %add3A_462 : vector<16xf32> to vector<1x16xf32>
          tpu.vector_store %swap3A_466[%swap3A_467, %swap3A_468], %swap3A_471 {strides = array<i32>} : memref<80x128xf32, #tpu.memory_space<vmem>>, vector<1x16xf32>,
          %get3A_472 = arith.constant 0 : i32
          %get3A_473 = arith.constant 0 : i32
          %get3A_474 = tpu.memref_slice %arg9[%scan3A_261, %get3A_472, %get3A_473] : memref<4x80x128xf32, #tpu.memory_space<vmem>> -> memref<1x80x128xf32, #tpu.memory_space<vmem>>
          %get3A_475 = tpu.memref_squeeze %get3A_474 : memref<1x80x128xf32, #tpu.memory_space<vmem>> -> memref<80x128xf32, #tpu.memory_space<vmem>>
          %get3A_476 = arith.index_cast %add3A_291 : i32 to index
          %get3A_477 = arith.constant 112 : index
          %get3A_478 = tpu.vector_load %get3A_475[%get3A_476, %get3A_477] {strides = array<i32>} : memref<80x128xf32, #tpu.memory_space<vmem>>, vector<1x16xf32>,
          %get3A_479 = vector.shape_cast %get3A_478 : vector<1x16xf32> to vector<16xf32>
          %get3A_480 = arith.constant 0 : i32
          %get3A_481 = arith.constant 0 : i32
          %get3A_482 = tpu.memref_slice %arg10[%scan3A_262, %get3A_480, %get3A_481] : memref<4x80x128xf32, #tpu.memory_space<vmem>> -> memref<1x80x128xf32, #tpu.memory_space<vmem>>
          %get3A_483 = tpu.memref_squeeze %get3A_482 : memref<1x80x128xf32, #tpu.memory_space<vmem>> -> memref<80x128xf32, #tpu.memory_space<vmem>>
          %get3A_484 = arith.index_cast %add3A_291 : i32 to index
          %get3A_485 = arith.constant 112 : index
          %get3A_486 = tpu.vector_load %get3A_483[%get3A_484, %get3A_485] {strides = array<i32>} : memref<80x128xf32, #tpu.memory_space<vmem>>, vector<1x16xf32>,
          %get3A_487 = vector.shape_cast %get3A_486 : vector<1x16xf32> to vector<16xf32>
          %add3A_488 = arith.addf %get3A_479, %get3A_487 : vector<16xf32>
          %swap3A_489 = arith.constant 0 : i32
          %swap3A_490 = arith.constant 0 : i32
          %swap3A_491 = tpu.memref_slice %arg9[%scan3A_261, %swap3A_489, %swap3A_490] : memref<4x80x128xf32, #tpu.memory_space<vmem>> -> memref<1x80x128xf32, #tpu.memory_space<vmem>>
          %swap3A_492 = tpu.memref_squeeze %swap3A_491 : memref<1x80x128xf32, #tpu.memory_space<vmem>> -> memref<80x128xf32, #tpu.memory_space<vmem>>
          %swap3A_493 = arith.index_cast %add3A_291 : i32 to index
          %swap3A_494 = arith.constant 112 : index
          %swap3A_495 = tpu.vector_load %swap3A_492[%swap3A_493, %swap3A_494] {strides = array<i32>} : memref<80x128xf32, #tpu.memory_space<vmem>>, vector<1x16xf32>,
          %swap3A_496 = vector.shape_cast %swap3A_495 : vector<1x16xf32> to vector<16xf32>
          %swap3A_497 = vector.shape_cast %add3A_488 : vector<16xf32> to vector<1x16xf32>
          tpu.vector_store %swap3A_492[%swap3A_493, %swap3A_494], %swap3A_497 {strides = array<i32>} : memref<80x128xf32, #tpu.memory_space<vmem>>, vector<1x16xf32>,
        }
        %scan3A_267 = arith.constant 80 : i32
        %mul3A_268 = arith.constant 80 : i32
        %mul3A_269 = arith.muli %add3A_182, %mul3A_268 : i32
        %add3A_270 = arith.addi %mul3A_2, %mul3A_269 : i32
        %dma_start3A_271 = arith.constant 2 : i32
        %dma_start3A_272 = arith.constant 2 : i32
        %dma_start3A_273 = arith.constant 0 : i32
        %dma_start3A_274 = arith.constant 0 : i32
        %dma_start3A_275 = tpu.memref_slice %arg9[%dma_start3A_271, %dma_start3A_273, %dma_start3A_274] : memref<4x80x128xf32, #tpu.memory_space<vmem>> -> memref<1x80x128xf32, #tpu.memory_space<vmem>>
        %dma_start3A_276 = tpu.memref_squeeze %dma_start3A_275 : memref<1x80x128xf32, #tpu.memory_space<vmem>> -> memref<80x128xf32, #tpu.memory_space<vmem>>
        %dma_start3A_277 = arith.constant 0 : i32
        %dma_start3A_278 = tpu.memref_slice %arg6[%add3A_270, %dma_start3A_277] : memref<320000x128xf32, #tpu.memory_space<hbm>> -> memref<80x128xf32, #tpu.memory_space<hbm>>
        %dma_start3A_279 = tpu.memref_slice %arg13[%dma_start3A_272] : memref<4x!tpu.dma_semaphore, #tpu.memory_space<semaphore_mem>> -> memref<1x!tpu.dma_semaphore, #tpu.memory_space<semaphore_mem>>
        %dma_start3A_280 = tpu.memref_squeeze %dma_start3A_279 : memref<1x!tpu.dma_semaphore, #tpu.memory_space<semaphore_mem>> -> memref<!tpu.dma_semaphore, #tpu.memory_space<semaphore_mem>>
        %dma_start3A_281 = arith.constant 0 : i32
        %dma_start3A_282 = tpu.memref_slice %arg6[%add3A_270, %dma_start3A_281] : memref<320000x128xf32, #tpu.memory_space<hbm>> -> memref<80x128xf32, #tpu.memory_space<hbm>>
        %dma_start3A_283 = arith.constant 0 : i32
        %dma_start3A_284 = arith.constant 0 : i32
        %dma_start3A_285 = tpu.memref_slice %arg9[%dma_start3A_271, %dma_start3A_283, %dma_start3A_284] : memref<4x80x128xf32, #tpu.memory_space<vmem>> -> memref<1x80x128xf32, #tpu.memory_space<vmem>>
        %dma_start3A_286 = tpu.memref_squeeze %dma_start3A_285 : memref<1x80x128xf32, #tpu.memory_space<vmem>> -> memref<80x128xf32, #tpu.memory_space<vmem>>
        tpu.enqueue_dma source(%dma_start3A_286 : memref<80x128xf32, #tpu.memory_space<vmem>>) target(%dma_start3A_282 : memref<80x128xf32, #tpu.memory_space<hbm>>) target_semaphore(%dma_start3A_280 : memref<!tpu.dma_semaphore, #tpu.memory_space<semaphore_mem>>)
      } else {
      }
      %add3A_188 = arith.constant 2 : i32
      %add3A_189 = arith.addi %add3A_182, %add3A_188 : i32
      %ge3A_190 = arith.constant 4 : i32
      %ge3A_191 = arith.cmpi sge, %add3A_189, %ge3A_190 : i32
      %lt3A_192 = arith.constant 125 : i32
      %lt3A_193 = arith.cmpi slt, %add3A_189, %lt3A_192 : i32
      %and3A_194 = arith.andi %ge3A_191, %lt3A_193 : i1
      %convert_element_type3A_195 = arith.extui %and3A_194 : i1 to i32
      %cond3A_196 = arith.constant 0 : i32
      %cond3A_197 = arith.cmpi ne, %convert_element_type3A_195, %cond3A_196 : i32
      scf.if %cond3A_197 {
        %dma_wait3A_225 = arith.constant 0 : i32
        %dma_wait3A_226 = arith.constant 0 : i32
        %dma_wait3A_227 = arith.constant 0 : i32
        %dma_wait3A_228 = arith.constant 0 : i32
        %dma_wait3A_229 = tpu.memref_slice %arg9[%dma_wait3A_225, %dma_wait3A_227, %dma_wait3A_228] : memref<4x80x128xf32, #tpu.memory_space<vmem>> -> memref<1x80x128xf32, #tpu.memory_space<vmem>>
        %dma_wait3A_230 = tpu.memref_squeeze %dma_wait3A_229 : memref<1x80x128xf32, #tpu.memory_space<vmem>> -> memref<80x128xf32, #tpu.memory_space<vmem>>
        %dma_wait3A_231 = arith.constant 0 : i32
        %dma_wait3A_232 = arith.constant 0 : i32
        %dma_wait3A_233 = tpu.memref_slice %arg6[%dma_wait3A_231, %dma_wait3A_232] : memref<320000x128xf32, #tpu.memory_space<hbm>> -> memref<80x128xf32, #tpu.memory_space<hbm>>
        %dma_wait3A_234 = tpu.memref_slice %arg13[%dma_wait3A_226] : memref<4x!tpu.dma_semaphore, #tpu.memory_space<semaphore_mem>> -> memref<1x!tpu.dma_semaphore, #tpu.memory_space<semaphore_mem>>
        %dma_wait3A_235 = tpu.memref_squeeze %dma_wait3A_234 : memref<1x!tpu.dma_semaphore, #tpu.memory_space<semaphore_mem>> -> memref<!tpu.dma_semaphore, #tpu.memory_space<semaphore_mem>>
        %dma_wait3A_236 = arith.constant 0 : i32
        %dma_wait3A_237 = arith.constant 0 : i32
        %dma_wait3A_238 = tpu.memref_slice %arg6[%dma_wait3A_236, %dma_wait3A_237] : memref<320000x128xf32, #tpu.memory_space<hbm>> -> memref<80x128xf32, #tpu.memory_space<hbm>>
        %dma_wait3A_239 = arith.constant 0 : i32
        %dma_wait3A_240 = arith.constant 0 : i32
        %dma_wait3A_241 = tpu.memref_slice %arg9[%dma_wait3A_225, %dma_wait3A_239, %dma_wait3A_240] : memref<4x80x128xf32, #tpu.memory_space<vmem>> -> memref<1x80x128xf32, #tpu.memory_space<vmem>>
        %dma_wait3A_242 = tpu.memref_squeeze %dma_wait3A_241 : memref<1x80x128xf32, #tpu.memory_space<vmem>> -> memref<80x128xf32, #tpu.memory_space<vmem>>
        tpu.wait_dma2 semaphore(%dma_wait3A_235 : memref<!tpu.dma_semaphore, #tpu.memory_space<semaphore_mem>>) src(%dma_wait3A_242 : memref<80x128xf32, #tpu.memory_space<vmem>>) dst(%dma_wait3A_238 : memref<80x128xf32, #tpu.memory_space<hbm>>)
      } else {
      }
      %lt3A_198 = arith.constant 125 : i32
      %lt3A_199 = arith.cmpi slt, %add3A_189, %lt3A_198 : i32
      %convert_element_type3A_200 = arith.extui %lt3A_199 : i1 to i32
      %cond3A_201 = arith.constant 0 : i32
      %cond3A_202 = arith.cmpi ne, %convert_element_type3A_200, %cond3A_201 : i32
      scf.if %cond3A_202 {
        %dma_start3A_225 = arith.constant 0 : i32
        %dma_start3A_226 = arith.constant 0 : i32
        %dma_start3A_227 = arith.constant 0 : i32
        %dma_start3A_228 = arith.constant 0 : i32
        %dma_start3A_229 = tpu.memref_slice %arg9[%dma_start3A_225, %dma_start3A_227, %dma_start3A_228] : memref<4x80x128xf32, #tpu.memory_space<vmem>> -> memref<1x80x128xf32, #tpu.memory_space<vmem>>
        %dma_start3A_230 = tpu.memref_squeeze %dma_start3A_229 : memref<1x80x128xf32, #tpu.memory_space<vmem>> -> memref<80x128xf32, #tpu.memory_space<vmem>>
        %dma_start3A_231 = arith.constant 0 : i32
        %dma_start3A_232 = tpu.memref_slice %arg7[%add3A_189, %dma_start3A_231] : memref<125x80xi32, #tpu.memory_space<vmem>> -> memref<1x80xi32, #tpu.memory_space<vmem>>
        %dma_start3A_233 = tpu.memref_squeeze %dma_start3A_232 : memref<1x80xi32, #tpu.memory_space<vmem>> -> memref<80xi32, #tpu.memory_space<vmem>>
        %dma_start3A_234 = arith.constant 0 : i32
        %dma_start3A_235 = arith.constant 0 : i32
        %dma_start3A_236 = tpu.memref_slice %arg2[%dma_start3A_234, %dma_start3A_235] : memref<10000x128xf32, #tpu.memory_space<hbm>> -> memref<10000x128xf32, #tpu.memory_space<hbm>>
        %dma_start3A_237 = tpu.memref_slice %arg11[%dma_start3A_226] : memref<4x!tpu.dma_semaphore, #tpu.memory_space<semaphore_mem>> -> memref<1x!tpu.dma_semaphore, #tpu.memory_space<semaphore_mem>>
        %dma_start3A_238 = tpu.memref_squeeze %dma_start3A_237 : memref<1x!tpu.dma_semaphore, #tpu.memory_space<semaphore_mem>> -> memref<!tpu.dma_semaphore, #tpu.memory_space<semaphore_mem>>
        tpu.enqueue_indirect_dma source(%dma_start3A_236 : memref<10000x128xf32, #tpu.memory_space<hbm>>) target(%dma_start3A_230 : memref<80x128xf32, #tpu.memory_space<vmem>>) offsets(%dma_start3A_233 : memref<80xi32, #tpu.memory_space<vmem>>) semaphore(%dma_start3A_238 : memref<!tpu.dma_semaphore, #tpu.memory_space<semaphore_mem>>)
        %dma_start3A_239 = arith.constant 0 : i32
        %dma_start3A_240 = arith.constant 0 : i32
        %dma_start3A_241 = arith.constant 0 : i32
        %dma_start3A_242 = arith.constant 0 : i32
        %dma_start3A_243 = tpu.memref_slice %arg10[%dma_start3A_239, %dma_start3A_241, %dma_start3A_242] : memref<4x80x128xf32, #tpu.memory_space<vmem>> -> memref<1x80x128xf32, #tpu.memory_space<vmem>>
        %dma_start3A_244 = tpu.memref_squeeze %dma_start3A_243 : memref<1x80x128xf32, #tpu.memory_space<vmem>> -> memref<80x128xf32, #tpu.memory_space<vmem>>
        %dma_start3A_245 = arith.constant 0 : i32
        %dma_start3A_246 = tpu.memref_slice %arg8[%add3A_189, %dma_start3A_245] : memref<125x80xi32, #tpu.memory_space<vmem>> -> memref<1x80xi32, #tpu.memory_space<vmem>>
        %dma_start3A_247 = tpu.memref_squeeze %dma_start3A_246 : memref<1x80xi32, #tpu.memory_space<vmem>> -> memref<80xi32, #tpu.memory_space<vmem>>
        %dma_start3A_248 = arith.constant 0 : i32
        %dma_start3A_249 = arith.constant 0 : i32
        %dma_start3A_250 = tpu.memref_slice %arg3[%dma_start3A_248, %dma_start3A_249] : memref<10000x128xf32, #tpu.memory_space<hbm>> -> memref<10000x128xf32, #tpu.memory_space<hbm>>
        %dma_start3A_251 = tpu.memref_slice %arg12[%dma_start3A_240] : memref<4x!tpu.dma_semaphore, #tpu.memory_space<semaphore_mem>> -> memref<1x!tpu.dma_semaphore, #tpu.memory_space<semaphore_mem>>
        %dma_start3A_252 = tpu.memref_squeeze %dma_start3A_251 : memref<1x!tpu.dma_semaphore, #tpu.memory_space<semaphore_mem>> -> memref<!tpu.dma_semaphore, #tpu.memory_space<semaphore_mem>>
        tpu.enqueue_indirect_dma source(%dma_start3A_250 : memref<10000x128xf32, #tpu.memory_space<hbm>>) target(%dma_start3A_244 : memref<80x128xf32, #tpu.memory_space<vmem>>) offsets(%dma_start3A_247 : memref<80xi32, #tpu.memory_space<vmem>>) semaphore(%dma_start3A_252 : memref<!tpu.dma_semaphore, #tpu.memory_space<semaphore_mem>>)
      } else {
      }
      %add3A_203 = arith.constant 3 : i32
      %add3A_204 = arith.addi %add3A_141, %add3A_203 : i32
      %lt3A_205 = arith.constant 125 : i32
      %lt3A_206 = arith.cmpi slt, %add3A_204, %lt3A_205 : i32
      %convert_element_type3A_207 = arith.extui %lt3A_206 : i1 to i32
      %cond3A_208 = arith.constant 0 : i32
      %cond3A_209 = arith.cmpi ne, %convert_element_type3A_207, %cond3A_208 : i32
      scf.if %cond3A_209 {
        %dma_wait3A_225 = arith.constant 3 : i32
        %dma_wait3A_226 = arith.constant 3 : i32
        %dma_wait3A_227 = arith.constant 0 : i32
        %dma_wait3A_228 = arith.constant 0 : i32
        %dma_wait3A_229 = tpu.memref_slice %arg9[%dma_wait3A_225, %dma_wait3A_227, %dma_wait3A_228] : memref<4x80x128xf32, #tpu.memory_space<vmem>> -> memref<1x80x128xf32, #tpu.memory_space<vmem>>
        %dma_wait3A_230 = tpu.memref_squeeze %dma_wait3A_229 : memref<1x80x128xf32, #tpu.memory_space<vmem>> -> memref<80x128xf32, #tpu.memory_space<vmem>>
        %dma_wait3A_231 = arith.constant 0 : i32
        %dma_wait3A_232 = arith.constant 0 : i32
        %dma_wait3A_233 = tpu.memref_slice %arg6[%dma_wait3A_231, %dma_wait3A_232] : memref<320000x128xf32, #tpu.memory_space<hbm>> -> memref<80x128xf32, #tpu.memory_space<hbm>>
        %dma_wait3A_234 = tpu.memref_slice %arg11[%dma_wait3A_226] : memref<4x!tpu.dma_semaphore, #tpu.memory_space<semaphore_mem>> -> memref<1x!tpu.dma_semaphore, #tpu.memory_space<semaphore_mem>>
        %dma_wait3A_235 = tpu.memref_squeeze %dma_wait3A_234 : memref<1x!tpu.dma_semaphore, #tpu.memory_space<semaphore_mem>> -> memref<!tpu.dma_semaphore, #tpu.memory_space<semaphore_mem>>
        %dma_wait3A_236 = arith.constant 0 : i32
        %dma_wait3A_237 = arith.constant 0 : i32
        %dma_wait3A_238 = tpu.memref_slice %arg9[%dma_wait3A_225, %dma_wait3A_236, %dma_wait3A_237] : memref<4x80x128xf32, #tpu.memory_space<vmem>> -> memref<1x80x128xf32, #tpu.memory_space<vmem>>
        %dma_wait3A_239 = tpu.memref_squeeze %dma_wait3A_238 : memref<1x80x128xf32, #tpu.memory_space<vmem>> -> memref<80x128xf32, #tpu.memory_space<vmem>>
        %dma_wait3A_240 = arith.constant 0 : i32
        %dma_wait3A_241 = arith.constant 0 : i32
        %dma_wait3A_242 = tpu.memref_slice %arg6[%dma_wait3A_240, %dma_wait3A_241] : memref<320000x128xf32, #tpu.memory_space<hbm>> -> memref<80x128xf32, #tpu.memory_space<hbm>>
        tpu.wait_dma2 semaphore(%dma_wait3A_235 : memref<!tpu.dma_semaphore, #tpu.memory_space<semaphore_mem>>) src(%dma_wait3A_242 : memref<80x128xf32, #tpu.memory_space<hbm>>) dst(%dma_wait3A_239 : memref<80x128xf32, #tpu.memory_space<vmem>>)
        %dma_wait3A_243 = arith.constant 3 : i32
        %dma_wait3A_244 = arith.constant 3 : i32
        %dma_wait3A_245 = arith.constant 0 : i32
        %dma_wait3A_246 = arith.constant 0 : i32
        %dma_wait3A_247 = tpu.memref_slice %arg10[%dma_wait3A_243, %dma_wait3A_245, %dma_wait3A_246] : memref<4x80x128xf32, #tpu.memory_space<vmem>> -> memref<1x80x128xf32, #tpu.memory_space<vmem>>
        %dma_wait3A_248 = tpu.memref_squeeze %dma_wait3A_247 : memref<1x80x128xf32, #tpu.memory_space<vmem>> -> memref<80x128xf32, #tpu.memory_space<vmem>>
        %dma_wait3A_249 = arith.constant 0 : i32
        %dma_wait3A_250 = arith.constant 0 : i32
        %dma_wait3A_251 = tpu.memref_slice %arg6[%dma_wait3A_249, %dma_wait3A_250] : memref<320000x128xf32, #tpu.memory_space<hbm>> -> memref<80x128xf32, #tpu.memory_space<hbm>>
        %dma_wait3A_252 = tpu.memref_slice %arg12[%dma_wait3A_244] : memref<4x!tpu.dma_semaphore, #tpu.memory_space<semaphore_mem>> -> memref<1x!tpu.dma_semaphore, #tpu.memory_space<semaphore_mem>>
        %dma_wait3A_253 = tpu.memref_squeeze %dma_wait3A_252 : memref<1x!tpu.dma_semaphore, #tpu.memory_space<semaphore_mem>> -> memref<!tpu.dma_semaphore, #tpu.memory_space<semaphore_mem>>
        %dma_wait3A_254 = arith.constant 0 : i32
        %dma_wait3A_255 = arith.constant 0 : i32
        %dma_wait3A_256 = tpu.memref_slice %arg10[%dma_wait3A_243, %dma_wait3A_254, %dma_wait3A_255] : memref<4x80x128xf32, #tpu.memory_space<vmem>> -> memref<1x80x128xf32, #tpu.memory_space<vmem>>
        %dma_wait3A_257 = tpu.memref_squeeze %dma_wait3A_256 : memref<1x80x128xf32, #tpu.memory_space<vmem>> -> memref<80x128xf32, #tpu.memory_space<vmem>>
        %dma_wait3A_258 = arith.constant 0 : i32
        %dma_wait3A_259 = arith.constant 0 : i32
        %dma_wait3A_260 = tpu.memref_slice %arg6[%dma_wait3A_258, %dma_wait3A_259] : memref<320000x128xf32, #tpu.memory_space<hbm>> -> memref<80x128xf32, #tpu.memory_space<hbm>>
        tpu.wait_dma2 semaphore(%dma_wait3A_253 : memref<!tpu.dma_semaphore, #tpu.memory_space<semaphore_mem>>) src(%dma_wait3A_260 : memref<80x128xf32, #tpu.memory_space<hbm>>) dst(%dma_wait3A_257 : memref<80x128xf32, #tpu.memory_space<vmem>>)
        %scan3A_261 = arith.constant 3 : i32
        %scan3A_262 = arith.constant 3 : i32
        %scan3A_263 = arith.constant 0 : i32
        %scan3A_264 = arith.constant 80 : i32
        %scan3A_265 = arith.addi %scan3A_263, %scan3A_264 : i32
        %scan3A_266 = arith.constant 1 : i32
        scf.for %scan3A_287 = %scan3A_263 to %scan3A_265 step %scan3A_266  : i32 {
          %mul3A_288 = arith.constant 1 : i32
          %mul3A_289 = arith.muli %scan3A_287, %mul3A_288 : i32
          %add3A_290 = arith.constant 0 : i32
          %add3A_291 = arith.addi %add3A_290, %mul3A_289 : i32
          %get3A = arith.constant 0 : i32
          %get3A_292 = arith.constant 0 : i32
          %get3A_293 = tpu.memref_slice %arg9[%scan3A_261, %get3A, %get3A_292] : memref<4x80x128xf32, #tpu.memory_space<vmem>> -> memref<1x80x128xf32, #tpu.memory_space<vmem>>
          %get3A_294 = tpu.memref_squeeze %get3A_293 : memref<1x80x128xf32, #tpu.memory_space<vmem>> -> memref<80x128xf32, #tpu.memory_space<vmem>>
          %get3A_295 = arith.index_cast %add3A_291 : i32 to index
          %get3A_296 = arith.constant 0 : index
          %get3A_297 = tpu.vector_load %get3A_294[%get3A_295, %get3A_296] {strides = array<i32>} : memref<80x128xf32, #tpu.memory_space<vmem>>, vector<1x16xf32>,
          %get3A_298 = vector.shape_cast %get3A_297 : vector<1x16xf32> to vector<16xf32>
          %get3A_299 = arith.constant 0 : i32
          %get3A_300 = arith.constant 0 : i32
          %get3A_301 = tpu.memref_slice %arg10[%scan3A_262, %get3A_299, %get3A_300] : memref<4x80x128xf32, #tpu.memory_space<vmem>> -> memref<1x80x128xf32, #tpu.memory_space<vmem>>
          %get3A_302 = tpu.memref_squeeze %get3A_301 : memref<1x80x128xf32, #tpu.memory_space<vmem>> -> memref<80x128xf32, #tpu.memory_space<vmem>>
          %get3A_303 = arith.index_cast %add3A_291 : i32 to index
          %get3A_304 = arith.constant 0 : index
          %get3A_305 = tpu.vector_load %get3A_302[%get3A_303, %get3A_304] {strides = array<i32>} : memref<80x128xf32, #tpu.memory_space<vmem>>, vector<1x16xf32>,
          %get3A_306 = vector.shape_cast %get3A_305 : vector<1x16xf32> to vector<16xf32>
          %add3A_307 = arith.addf %get3A_298, %get3A_306 : vector<16xf32>
          %swap3A = arith.constant 0 : i32
          %swap3A_308 = arith.constant 0 : i32
          %swap3A_309 = tpu.memref_slice %arg9[%scan3A_261, %swap3A, %swap3A_308] : memref<4x80x128xf32, #tpu.memory_space<vmem>> -> memref<1x80x128xf32, #tpu.memory_space<vmem>>
          %swap3A_310 = tpu.memref_squeeze %swap3A_309 : memref<1x80x128xf32, #tpu.memory_space<vmem>> -> memref<80x128xf32, #tpu.memory_space<vmem>>
          %swap3A_311 = arith.index_cast %add3A_291 : i32 to index
          %swap3A_312 = arith.constant 0 : index
          %swap3A_313 = tpu.vector_load %swap3A_310[%swap3A_311, %swap3A_312] {strides = array<i32>} : memref<80x128xf32, #tpu.memory_space<vmem>>, vector<1x16xf32>,
          %swap3A_314 = vector.shape_cast %swap3A_313 : vector<1x16xf32> to vector<16xf32>
          %swap3A_315 = vector.shape_cast %add3A_307 : vector<16xf32> to vector<1x16xf32>
          tpu.vector_store %swap3A_310[%swap3A_311, %swap3A_312], %swap3A_315 {strides = array<i32>} : memref<80x128xf32, #tpu.memory_space<vmem>>, vector<1x16xf32>,
          %get3A_316 = arith.constant 0 : i32
          %get3A_317 = arith.constant 0 : i32
          %get3A_318 = tpu.memref_slice %arg9[%scan3A_261, %get3A_316, %get3A_317] : memref<4x80x128xf32, #tpu.memory_space<vmem>> -> memref<1x80x128xf32, #tpu.memory_space<vmem>>
          %get3A_319 = tpu.memref_squeeze %get3A_318 : memref<1x80x128xf32, #tpu.memory_space<vmem>> -> memref<80x128xf32, #tpu.memory_space<vmem>>
          %get3A_320 = arith.index_cast %add3A_291 : i32 to index
          %get3A_321 = arith.constant 16 : index
          %get3A_322 = tpu.vector_load %get3A_319[%get3A_320, %get3A_321] {strides = array<i32>} : memref<80x128xf32, #tpu.memory_space<vmem>>, vector<1x16xf32>,
          %get3A_323 = vector.shape_cast %get3A_322 : vector<1x16xf32> to vector<16xf32>
          %get3A_324 = arith.constant 0 : i32
          %get3A_325 = arith.constant 0 : i32
          %get3A_326 = tpu.memref_slice %arg10[%scan3A_262, %get3A_324, %get3A_325] : memref<4x80x128xf32, #tpu.memory_space<vmem>> -> memref<1x80x128xf32, #tpu.memory_space<vmem>>
          %get3A_327 = tpu.memref_squeeze %get3A_326 : memref<1x80x128xf32, #tpu.memory_space<vmem>> -> memref<80x128xf32, #tpu.memory_space<vmem>>
          %get3A_328 = arith.index_cast %add3A_291 : i32 to index
          %get3A_329 = arith.constant 16 : index
          %get3A_330 = tpu.vector_load %get3A_327[%get3A_328, %get3A_329] {strides = array<i32>} : memref<80x128xf32, #tpu.memory_space<vmem>>, vector<1x16xf32>,
          %get3A_331 = vector.shape_cast %get3A_330 : vector<1x16xf32> to vector<16xf32>
          %add3A_332 = arith.addf %get3A_323, %get3A_331 : vector<16xf32>
          %swap3A_333 = arith.constant 0 : i32
          %swap3A_334 = arith.constant 0 : i32
          %swap3A_335 = tpu.memref_slice %arg9[%scan3A_261, %swap3A_333, %swap3A_334] : memref<4x80x128xf32, #tpu.memory_space<vmem>> -> memref<1x80x128xf32, #tpu.memory_space<vmem>>
          %swap3A_336 = tpu.memref_squeeze %swap3A_335 : memref<1x80x128xf32, #tpu.memory_space<vmem>> -> memref<80x128xf32, #tpu.memory_space<vmem>>
          %swap3A_337 = arith.index_cast %add3A_291 : i32 to index
          %swap3A_338 = arith.constant 16 : index
          %swap3A_339 = tpu.vector_load %swap3A_336[%swap3A_337, %swap3A_338] {strides = array<i32>} : memref<80x128xf32, #tpu.memory_space<vmem>>, vector<1x16xf32>,
          %swap3A_340 = vector.shape_cast %swap3A_339 : vector<1x16xf32> to vector<16xf32>
          %swap3A_341 = vector.shape_cast %add3A_332 : vector<16xf32> to vector<1x16xf32>
          tpu.vector_store %swap3A_336[%swap3A_337, %swap3A_338], %swap3A_341 {strides = array<i32>} : memref<80x128xf32, #tpu.memory_space<vmem>>, vector<1x16xf32>,
          %get3A_342 = arith.constant 0 : i32
          %get3A_343 = arith.constant 0 : i32
          %get3A_344 = tpu.memref_slice %arg9[%scan3A_261, %get3A_342, %get3A_343] : memref<4x80x128xf32, #tpu.memory_space<vmem>> -> memref<1x80x128xf32, #tpu.memory_space<vmem>>
          %get3A_345 = tpu.memref_squeeze %get3A_344 : memref<1x80x128xf32, #tpu.memory_space<vmem>> -> memref<80x128xf32, #tpu.memory_space<vmem>>
          %get3A_346 = arith.index_cast %add3A_291 : i32 to index
          %get3A_347 = arith.constant 32 : index
          %get3A_348 = tpu.vector_load %get3A_345[%get3A_346, %get3A_347] {strides = array<i32>} : memref<80x128xf32, #tpu.memory_space<vmem>>, vector<1x16xf32>,
          %get3A_349 = vector.shape_cast %get3A_348 : vector<1x16xf32> to vector<16xf32>
          %get3A_350 = arith.constant 0 : i32
          %get3A_351 = arith.constant 0 : i32
          %get3A_352 = tpu.memref_slice %arg10[%scan3A_262, %get3A_350, %get3A_351] : memref<4x80x128xf32, #tpu.memory_space<vmem>> -> memref<1x80x128xf32, #tpu.memory_space<vmem>>
          %get3A_353 = tpu.memref_squeeze %get3A_352 : memref<1x80x128xf32, #tpu.memory_space<vmem>> -> memref<80x128xf32, #tpu.memory_space<vmem>>
          %get3A_354 = arith.index_cast %add3A_291 : i32 to index
          %get3A_355 = arith.constant 32 : index
          %get3A_356 = tpu.vector_load %get3A_353[%get3A_354, %get3A_355] {strides = array<i32>} : memref<80x128xf32, #tpu.memory_space<vmem>>, vector<1x16xf32>,
          %get3A_357 = vector.shape_cast %get3A_356 : vector<1x16xf32> to vector<16xf32>
          %add3A_358 = arith.addf %get3A_349, %get3A_357 : vector<16xf32>
          %swap3A_359 = arith.constant 0 : i32
          %swap3A_360 = arith.constant 0 : i32
          %swap3A_361 = tpu.memref_slice %arg9[%scan3A_261, %swap3A_359, %swap3A_360] : memref<4x80x128xf32, #tpu.memory_space<vmem>> -> memref<1x80x128xf32, #tpu.memory_space<vmem>>
          %swap3A_362 = tpu.memref_squeeze %swap3A_361 : memref<1x80x128xf32, #tpu.memory_space<vmem>> -> memref<80x128xf32, #tpu.memory_space<vmem>>
          %swap3A_363 = arith.index_cast %add3A_291 : i32 to index
          %swap3A_364 = arith.constant 32 : index
          %swap3A_365 = tpu.vector_load %swap3A_362[%swap3A_363, %swap3A_364] {strides = array<i32>} : memref<80x128xf32, #tpu.memory_space<vmem>>, vector<1x16xf32>,
          %swap3A_366 = vector.shape_cast %swap3A_365 : vector<1x16xf32> to vector<16xf32>
          %swap3A_367 = vector.shape_cast %add3A_358 : vector<16xf32> to vector<1x16xf32>
          tpu.vector_store %swap3A_362[%swap3A_363, %swap3A_364], %swap3A_367 {strides = array<i32>} : memref<80x128xf32, #tpu.memory_space<vmem>>, vector<1x16xf32>,
          %get3A_368 = arith.constant 0 : i32
          %get3A_369 = arith.constant 0 : i32
          %get3A_370 = tpu.memref_slice %arg9[%scan3A_261, %get3A_368, %get3A_369] : memref<4x80x128xf32, #tpu.memory_space<vmem>> -> memref<1x80x128xf32, #tpu.memory_space<vmem>>
          %get3A_371 = tpu.memref_squeeze %get3A_370 : memref<1x80x128xf32, #tpu.memory_space<vmem>> -> memref<80x128xf32, #tpu.memory_space<vmem>>
          %get3A_372 = arith.index_cast %add3A_291 : i32 to index
          %get3A_373 = arith.constant 48 : index
          %get3A_374 = tpu.vector_load %get3A_371[%get3A_372, %get3A_373] {strides = array<i32>} : memref<80x128xf32, #tpu.memory_space<vmem>>, vector<1x16xf32>,
          %get3A_375 = vector.shape_cast %get3A_374 : vector<1x16xf32> to vector<16xf32>
          %get3A_376 = arith.constant 0 : i32
          %get3A_377 = arith.constant 0 : i32
          %get3A_378 = tpu.memref_slice %arg10[%scan3A_262, %get3A_376, %get3A_377] : memref<4x80x128xf32, #tpu.memory_space<vmem>> -> memref<1x80x128xf32, #tpu.memory_space<vmem>>
          %get3A_379 = tpu.memref_squeeze %get3A_378 : memref<1x80x128xf32, #tpu.memory_space<vmem>> -> memref<80x128xf32, #tpu.memory_space<vmem>>
          %get3A_380 = arith.index_cast %add3A_291 : i32 to index
          %get3A_381 = arith.constant 48 : index
          %get3A_382 = tpu.vector_load %get3A_379[%get3A_380, %get3A_381] {strides = array<i32>} : memref<80x128xf32, #tpu.memory_space<vmem>>, vector<1x16xf32>,
          %get3A_383 = vector.shape_cast %get3A_382 : vector<1x16xf32> to vector<16xf32>
          %add3A_384 = arith.addf %get3A_375, %get3A_383 : vector<16xf32>
          %swap3A_385 = arith.constant 0 : i32
          %swap3A_386 = arith.constant 0 : i32
          %swap3A_387 = tpu.memref_slice %arg9[%scan3A_261, %swap3A_385, %swap3A_386] : memref<4x80x128xf32, #tpu.memory_space<vmem>> -> memref<1x80x128xf32, #tpu.memory_space<vmem>>
          %swap3A_388 = tpu.memref_squeeze %swap3A_387 : memref<1x80x128xf32, #tpu.memory_space<vmem>> -> memref<80x128xf32, #tpu.memory_space<vmem>>
          %swap3A_389 = arith.index_cast %add3A_291 : i32 to index
          %swap3A_390 = arith.constant 48 : index
          %swap3A_391 = tpu.vector_load %swap3A_388[%swap3A_389, %swap3A_390] {strides = array<i32>} : memref<80x128xf32, #tpu.memory_space<vmem>>, vector<1x16xf32>,
          %swap3A_392 = vector.shape_cast %swap3A_391 : vector<1x16xf32> to vector<16xf32>
          %swap3A_393 = vector.shape_cast %add3A_384 : vector<16xf32> to vector<1x16xf32>
          tpu.vector_store %swap3A_388[%swap3A_389, %swap3A_390], %swap3A_393 {strides = array<i32>} : memref<80x128xf32, #tpu.memory_space<vmem>>, vector<1x16xf32>,
          %get3A_394 = arith.constant 0 : i32
          %get3A_395 = arith.constant 0 : i32
          %get3A_396 = tpu.memref_slice %arg9[%scan3A_261, %get3A_394, %get3A_395] : memref<4x80x128xf32, #tpu.memory_space<vmem>> -> memref<1x80x128xf32, #tpu.memory_space<vmem>>
          %get3A_397 = tpu.memref_squeeze %get3A_396 : memref<1x80x128xf32, #tpu.memory_space<vmem>> -> memref<80x128xf32, #tpu.memory_space<vmem>>
          %get3A_398 = arith.index_cast %add3A_291 : i32 to index
          %get3A_399 = arith.constant 64 : index
          %get3A_400 = tpu.vector_load %get3A_397[%get3A_398, %get3A_399] {strides = array<i32>} : memref<80x128xf32, #tpu.memory_space<vmem>>, vector<1x16xf32>,
          %get3A_401 = vector.shape_cast %get3A_400 : vector<1x16xf32> to vector<16xf32>
          %get3A_402 = arith.constant 0 : i32
          %get3A_403 = arith.constant 0 : i32
          %get3A_404 = tpu.memref_slice %arg10[%scan3A_262, %get3A_402, %get3A_403] : memref<4x80x128xf32, #tpu.memory_space<vmem>> -> memref<1x80x128xf32, #tpu.memory_space<vmem>>
          %get3A_405 = tpu.memref_squeeze %get3A_404 : memref<1x80x128xf32, #tpu.memory_space<vmem>> -> memref<80x128xf32, #tpu.memory_space<vmem>>
          %get3A_406 = arith.index_cast %add3A_291 : i32 to index
          %get3A_407 = arith.constant 64 : index
          %get3A_408 = tpu.vector_load %get3A_405[%get3A_406, %get3A_407] {strides = array<i32>} : memref<80x128xf32, #tpu.memory_space<vmem>>, vector<1x16xf32>,
          %get3A_409 = vector.shape_cast %get3A_408 : vector<1x16xf32> to vector<16xf32>
          %add3A_410 = arith.addf %get3A_401, %get3A_409 : vector<16xf32>
          %swap3A_411 = arith.constant 0 : i32
          %swap3A_412 = arith.constant 0 : i32
          %swap3A_413 = tpu.memref_slice %arg9[%scan3A_261, %swap3A_411, %swap3A_412] : memref<4x80x128xf32, #tpu.memory_space<vmem>> -> memref<1x80x128xf32, #tpu.memory_space<vmem>>
          %swap3A_414 = tpu.memref_squeeze %swap3A_413 : memref<1x80x128xf32, #tpu.memory_space<vmem>> -> memref<80x128xf32, #tpu.memory_space<vmem>>
          %swap3A_415 = arith.index_cast %add3A_291 : i32 to index
          %swap3A_416 = arith.constant 64 : index
          %swap3A_417 = tpu.vector_load %swap3A_414[%swap3A_415, %swap3A_416] {strides = array<i32>} : memref<80x128xf32, #tpu.memory_space<vmem>>, vector<1x16xf32>,
          %swap3A_418 = vector.shape_cast %swap3A_417 : vector<1x16xf32> to vector<16xf32>
          %swap3A_419 = vector.shape_cast %add3A_410 : vector<16xf32> to vector<1x16xf32>
          tpu.vector_store %swap3A_414[%swap3A_415, %swap3A_416], %swap3A_419 {strides = array<i32>} : memref<80x128xf32, #tpu.memory_space<vmem>>, vector<1x16xf32>,
          %get3A_420 = arith.constant 0 : i32
          %get3A_421 = arith.constant 0 : i32
          %get3A_422 = tpu.memref_slice %arg9[%scan3A_261, %get3A_420, %get3A_421] : memref<4x80x128xf32, #tpu.memory_space<vmem>> -> memref<1x80x128xf32, #tpu.memory_space<vmem>>
          %get3A_423 = tpu.memref_squeeze %get3A_422 : memref<1x80x128xf32, #tpu.memory_space<vmem>> -> memref<80x128xf32, #tpu.memory_space<vmem>>
          %get3A_424 = arith.index_cast %add3A_291 : i32 to index
          %get3A_425 = arith.constant 80 : index
          %get3A_426 = tpu.vector_load %get3A_423[%get3A_424, %get3A_425] {strides = array<i32>} : memref<80x128xf32, #tpu.memory_space<vmem>>, vector<1x16xf32>,
          %get3A_427 = vector.shape_cast %get3A_426 : vector<1x16xf32> to vector<16xf32>
          %get3A_428 = arith.constant 0 : i32
          %get3A_429 = arith.constant 0 : i32
          %get3A_430 = tpu.memref_slice %arg10[%scan3A_262, %get3A_428, %get3A_429] : memref<4x80x128xf32, #tpu.memory_space<vmem>> -> memref<1x80x128xf32, #tpu.memory_space<vmem>>
          %get3A_431 = tpu.memref_squeeze %get3A_430 : memref<1x80x128xf32, #tpu.memory_space<vmem>> -> memref<80x128xf32, #tpu.memory_space<vmem>>
          %get3A_432 = arith.index_cast %add3A_291 : i32 to index
          %get3A_433 = arith.constant 80 : index
          %get3A_434 = tpu.vector_load %get3A_431[%get3A_432, %get3A_433] {strides = array<i32>} : memref<80x128xf32, #tpu.memory_space<vmem>>, vector<1x16xf32>,
          %get3A_435 = vector.shape_cast %get3A_434 : vector<1x16xf32> to vector<16xf32>
          %add3A_436 = arith.addf %get3A_427, %get3A_435 : vector<16xf32>
          %swap3A_437 = arith.constant 0 : i32
          %swap3A_438 = arith.constant 0 : i32
          %swap3A_439 = tpu.memref_slice %arg9[%scan3A_261, %swap3A_437, %swap3A_438] : memref<4x80x128xf32, #tpu.memory_space<vmem>> -> memref<1x80x128xf32, #tpu.memory_space<vmem>>
          %swap3A_440 = tpu.memref_squeeze %swap3A_439 : memref<1x80x128xf32, #tpu.memory_space<vmem>> -> memref<80x128xf32, #tpu.memory_space<vmem>>
          %swap3A_441 = arith.index_cast %add3A_291 : i32 to index
          %swap3A_442 = arith.constant 80 : index
          %swap3A_443 = tpu.vector_load %swap3A_440[%swap3A_441, %swap3A_442] {strides = array<i32>} : memref<80x128xf32, #tpu.memory_space<vmem>>, vector<1x16xf32>,
          %swap3A_444 = vector.shape_cast %swap3A_443 : vector<1x16xf32> to vector<16xf32>
          %swap3A_445 = vector.shape_cast %add3A_436 : vector<16xf32> to vector<1x16xf32>
          tpu.vector_store %swap3A_440[%swap3A_441, %swap3A_442], %swap3A_445 {strides = array<i32>} : memref<80x128xf32, #tpu.memory_space<vmem>>, vector<1x16xf32>,
          %get3A_446 = arith.constant 0 : i32
          %get3A_447 = arith.constant 0 : i32
          %get3A_448 = tpu.memref_slice %arg9[%scan3A_261, %get3A_446, %get3A_447] : memref<4x80x128xf32, #tpu.memory_space<vmem>> -> memref<1x80x128xf32, #tpu.memory_space<vmem>>
          %get3A_449 = tpu.memref_squeeze %get3A_448 : memref<1x80x128xf32, #tpu.memory_space<vmem>> -> memref<80x128xf32, #tpu.memory_space<vmem>>
          %get3A_450 = arith.index_cast %add3A_291 : i32 to index
          %get3A_451 = arith.constant 96 : index
          %get3A_452 = tpu.vector_load %get3A_449[%get3A_450, %get3A_451] {strides = array<i32>} : memref<80x128xf32, #tpu.memory_space<vmem>>, vector<1x16xf32>,
          %get3A_453 = vector.shape_cast %get3A_452 : vector<1x16xf32> to vector<16xf32>
          %get3A_454 = arith.constant 0 : i32
          %get3A_455 = arith.constant 0 : i32
          %get3A_456 = tpu.memref_slice %arg10[%scan3A_262, %get3A_454, %get3A_455] : memref<4x80x128xf32, #tpu.memory_space<vmem>> -> memref<1x80x128xf32, #tpu.memory_space<vmem>>
          %get3A_457 = tpu.memref_squeeze %get3A_456 : memref<1x80x128xf32, #tpu.memory_space<vmem>> -> memref<80x128xf32, #tpu.memory_space<vmem>>
          %get3A_458 = arith.index_cast %add3A_291 : i32 to index
          %get3A_459 = arith.constant 96 : index
          %get3A_460 = tpu.vector_load %get3A_457[%get3A_458, %get3A_459] {strides = array<i32>} : memref<80x128xf32, #tpu.memory_space<vmem>>, vector<1x16xf32>,
          %get3A_461 = vector.shape_cast %get3A_460 : vector<1x16xf32> to vector<16xf32>
          %add3A_462 = arith.addf %get3A_453, %get3A_461 : vector<16xf32>
          %swap3A_463 = arith.constant 0 : i32
          %swap3A_464 = arith.constant 0 : i32
          %swap3A_465 = tpu.memref_slice %arg9[%scan3A_261, %swap3A_463, %swap3A_464] : memref<4x80x128xf32, #tpu.memory_space<vmem>> -> memref<1x80x128xf32, #tpu.memory_space<vmem>>
          %swap3A_466 = tpu.memref_squeeze %swap3A_465 : memref<1x80x128xf32, #tpu.memory_space<vmem>> -> memref<80x128xf32, #tpu.memory_space<vmem>>
          %swap3A_467 = arith.index_cast %add3A_291 : i32 to index
          %swap3A_468 = arith.constant 96 : index
          %swap3A_469 = tpu.vector_load %swap3A_466[%swap3A_467, %swap3A_468] {strides = array<i32>} : memref<80x128xf32, #tpu.memory_space<vmem>>, vector<1x16xf32>,
          %swap3A_470 = vector.shape_cast %swap3A_469 : vector<1x16xf32> to vector<16xf32>
          %swap3A_471 = vector.shape_cast %add3A_462 : vector<16xf32> to vector<1x16xf32>
          tpu.vector_store %swap3A_466[%swap3A_467, %swap3A_468], %swap3A_471 {strides = array<i32>} : memref<80x128xf32, #tpu.memory_space<vmem>>, vector<1x16xf32>,
          %get3A_472 = arith.constant 0 : i32
          %get3A_473 = arith.constant 0 : i32
          %get3A_474 = tpu.memref_slice %arg9[%scan3A_261, %get3A_472, %get3A_473] : memref<4x80x128xf32, #tpu.memory_space<vmem>> -> memref<1x80x128xf32, #tpu.memory_space<vmem>>
          %get3A_475 = tpu.memref_squeeze %get3A_474 : memref<1x80x128xf32, #tpu.memory_space<vmem>> -> memref<80x128xf32, #tpu.memory_space<vmem>>
          %get3A_476 = arith.index_cast %add3A_291 : i32 to index
          %get3A_477 = arith.constant 112 : index
          %get3A_478 = tpu.vector_load %get3A_475[%get3A_476, %get3A_477] {strides = array<i32>} : memref<80x128xf32, #tpu.memory_space<vmem>>, vector<1x16xf32>,
          %get3A_479 = vector.shape_cast %get3A_478 : vector<1x16xf32> to vector<16xf32>
          %get3A_480 = arith.constant 0 : i32
          %get3A_481 = arith.constant 0 : i32
          %get3A_482 = tpu.memref_slice %arg10[%scan3A_262, %get3A_480, %get3A_481] : memref<4x80x128xf32, #tpu.memory_space<vmem>> -> memref<1x80x128xf32, #tpu.memory_space<vmem>>
          %get3A_483 = tpu.memref_squeeze %get3A_482 : memref<1x80x128xf32, #tpu.memory_space<vmem>> -> memref<80x128xf32, #tpu.memory_space<vmem>>
          %get3A_484 = arith.index_cast %add3A_291 : i32 to index
          %get3A_485 = arith.constant 112 : index
          %get3A_486 = tpu.vector_load %get3A_483[%get3A_484, %get3A_485] {strides = array<i32>} : memref<80x128xf32, #tpu.memory_space<vmem>>, vector<1x16xf32>,
          %get3A_487 = vector.shape_cast %get3A_486 : vector<1x16xf32> to vector<16xf32>
          %add3A_488 = arith.addf %get3A_479, %get3A_487 : vector<16xf32>
          %swap3A_489 = arith.constant 0 : i32
          %swap3A_490 = arith.constant 0 : i32
          %swap3A_491 = tpu.memref_slice %arg9[%scan3A_261, %swap3A_489, %swap3A_490] : memref<4x80x128xf32, #tpu.memory_space<vmem>> -> memref<1x80x128xf32, #tpu.memory_space<vmem>>
          %swap3A_492 = tpu.memref_squeeze %swap3A_491 : memref<1x80x128xf32, #tpu.memory_space<vmem>> -> memref<80x128xf32, #tpu.memory_space<vmem>>
          %swap3A_493 = arith.index_cast %add3A_291 : i32 to index
          %swap3A_494 = arith.constant 112 : index
          %swap3A_495 = tpu.vector_load %swap3A_492[%swap3A_493, %swap3A_494] {strides = array<i32>} : memref<80x128xf32, #tpu.memory_space<vmem>>, vector<1x16xf32>,
          %swap3A_496 = vector.shape_cast %swap3A_495 : vector<1x16xf32> to vector<16xf32>
          %swap3A_497 = vector.shape_cast %add3A_488 : vector<16xf32> to vector<1x16xf32>
          tpu.vector_store %swap3A_492[%swap3A_493, %swap3A_494], %swap3A_497 {strides = array<i32>} : memref<80x128xf32, #tpu.memory_space<vmem>>, vector<1x16xf32>,
        }
        %scan3A_267 = arith.constant 80 : i32
        %mul3A_268 = arith.constant 80 : i32
        %mul3A_269 = arith.muli %add3A_204, %mul3A_268 : i32
        %add3A_270 = arith.addi %mul3A_2, %mul3A_269 : i32
        %dma_start3A_271 = arith.constant 3 : i32
        %dma_start3A_272 = arith.constant 3 : i32
        %dma_start3A_273 = arith.constant 0 : i32
        %dma_start3A_274 = arith.constant 0 : i32
        %dma_start3A_275 = tpu.memref_slice %arg9[%dma_start3A_271, %dma_start3A_273, %dma_start3A_274] : memref<4x80x128xf32, #tpu.memory_space<vmem>> -> memref<1x80x128xf32, #tpu.memory_space<vmem>>
        %dma_start3A_276 = tpu.memref_squeeze %dma_start3A_275 : memref<1x80x128xf32, #tpu.memory_space<vmem>> -> memref<80x128xf32, #tpu.memory_space<vmem>>
        %dma_start3A_277 = arith.constant 0 : i32
        %dma_start3A_278 = tpu.memref_slice %arg6[%add3A_270, %dma_start3A_277] : memref<320000x128xf32, #tpu.memory_space<hbm>> -> memref<80x128xf32, #tpu.memory_space<hbm>>
        %dma_start3A_279 = tpu.memref_slice %arg13[%dma_start3A_272] : memref<4x!tpu.dma_semaphore, #tpu.memory_space<semaphore_mem>> -> memref<1x!tpu.dma_semaphore, #tpu.memory_space<semaphore_mem>>
        %dma_start3A_280 = tpu.memref_squeeze %dma_start3A_279 : memref<1x!tpu.dma_semaphore, #tpu.memory_space<semaphore_mem>> -> memref<!tpu.dma_semaphore, #tpu.memory_space<semaphore_mem>>
        %dma_start3A_281 = arith.constant 0 : i32
        %dma_start3A_282 = tpu.memref_slice %arg6[%add3A_270, %dma_start3A_281] : memref<320000x128xf32, #tpu.memory_space<hbm>> -> memref<80x128xf32, #tpu.memory_space<hbm>>
        %dma_start3A_283 = arith.constant 0 : i32
        %dma_start3A_284 = arith.constant 0 : i32
        %dma_start3A_285 = tpu.memref_slice %arg9[%dma_start3A_271, %dma_start3A_283, %dma_start3A_284] : memref<4x80x128xf32, #tpu.memory_space<vmem>> -> memref<1x80x128xf32, #tpu.memory_space<vmem>>
        %dma_start3A_286 = tpu.memref_squeeze %dma_start3A_285 : memref<1x80x128xf32, #tpu.memory_space<vmem>> -> memref<80x128xf32, #tpu.memory_space<vmem>>
        tpu.enqueue_dma source(%dma_start3A_286 : memref<80x128xf32, #tpu.memory_space<vmem>>) target(%dma_start3A_282 : memref<80x128xf32, #tpu.memory_space<hbm>>) target_semaphore(%dma_start3A_280 : memref<!tpu.dma_semaphore, #tpu.memory_space<semaphore_mem>>)
      } else {
      }
      %add3A_210 = arith.constant 2 : i32
      %add3A_211 = arith.addi %add3A_204, %add3A_210 : i32
      %ge3A_212 = arith.constant 4 : i32
      %ge3A_213 = arith.cmpi sge, %add3A_211, %ge3A_212 : i32
      %lt3A_214 = arith.constant 125 : i32
      %lt3A_215 = arith.cmpi slt, %add3A_211, %lt3A_214 : i32
      %and3A_216 = arith.andi %ge3A_213, %lt3A_215 : i1
      %convert_element_type3A_217 = arith.extui %and3A_216 : i1 to i32
      %cond3A_218 = arith.constant 0 : i32
      %cond3A_219 = arith.cmpi ne, %convert_element_type3A_217, %cond3A_218 : i32
      scf.if %cond3A_219 {
        %dma_wait3A_225 = arith.constant 1 : i32
        %dma_wait3A_226 = arith.constant 1 : i32
        %dma_wait3A_227 = arith.constant 0 : i32
        %dma_wait3A_228 = arith.constant 0 : i32
        %dma_wait3A_229 = tpu.memref_slice %arg9[%dma_wait3A_225, %dma_wait3A_227, %dma_wait3A_228] : memref<4x80x128xf32, #tpu.memory_space<vmem>> -> memref<1x80x128xf32, #tpu.memory_space<vmem>>
        %dma_wait3A_230 = tpu.memref_squeeze %dma_wait3A_229 : memref<1x80x128xf32, #tpu.memory_space<vmem>> -> memref<80x128xf32, #tpu.memory_space<vmem>>
        %dma_wait3A_231 = arith.constant 0 : i32
        %dma_wait3A_232 = arith.constant 0 : i32
        %dma_wait3A_233 = tpu.memref_slice %arg6[%dma_wait3A_231, %dma_wait3A_232] : memref<320000x128xf32, #tpu.memory_space<hbm>> -> memref<80x128xf32, #tpu.memory_space<hbm>>
        %dma_wait3A_234 = tpu.memref_slice %arg13[%dma_wait3A_226] : memref<4x!tpu.dma_semaphore, #tpu.memory_space<semaphore_mem>> -> memref<1x!tpu.dma_semaphore, #tpu.memory_space<semaphore_mem>>
        %dma_wait3A_235 = tpu.memref_squeeze %dma_wait3A_234 : memref<1x!tpu.dma_semaphore, #tpu.memory_space<semaphore_mem>> -> memref<!tpu.dma_semaphore, #tpu.memory_space<semaphore_mem>>
        %dma_wait3A_236 = arith.constant 0 : i32
        %dma_wait3A_237 = arith.constant 0 : i32
        %dma_wait3A_238 = tpu.memref_slice %arg6[%dma_wait3A_236, %dma_wait3A_237] : memref<320000x128xf32, #tpu.memory_space<hbm>> -> memref<80x128xf32, #tpu.memory_space<hbm>>
        %dma_wait3A_239 = arith.constant 0 : i32
        %dma_wait3A_240 = arith.constant 0 : i32
        %dma_wait3A_241 = tpu.memref_slice %arg9[%dma_wait3A_225, %dma_wait3A_239, %dma_wait3A_240] : memref<4x80x128xf32, #tpu.memory_space<vmem>> -> memref<1x80x128xf32, #tpu.memory_space<vmem>>
        %dma_wait3A_242 = tpu.memref_squeeze %dma_wait3A_241 : memref<1x80x128xf32, #tpu.memory_space<vmem>> -> memref<80x128xf32, #tpu.memory_space<vmem>>
        tpu.wait_dma2 semaphore(%dma_wait3A_235 : memref<!tpu.dma_semaphore, #tpu.memory_space<semaphore_mem>>) src(%dma_wait3A_242 : memref<80x128xf32, #tpu.memory_space<vmem>>) dst(%dma_wait3A_238 : memref<80x128xf32, #tpu.memory_space<hbm>>)
      } else {
      }
      %lt3A_220 = arith.constant 125 : i32
      %lt3A_221 = arith.cmpi slt, %add3A_211, %lt3A_220 : i32
      %convert_element_type3A_222 = arith.extui %lt3A_221 : i1 to i32
      %cond3A_223 = arith.constant 0 : i32
      %cond3A_224 = arith.cmpi ne, %convert_element_type3A_222, %cond3A_223 : i32
      scf.if %cond3A_224 {
        %dma_start3A_225 = arith.constant 1 : i32
        %dma_start3A_226 = arith.constant 1 : i32
        %dma_start3A_227 = arith.constant 0 : i32
        %dma_start3A_228 = arith.constant 0 : i32
        %dma_start3A_229 = tpu.memref_slice %arg9[%dma_start3A_225, %dma_start3A_227, %dma_start3A_228] : memref<4x80x128xf32, #tpu.memory_space<vmem>> -> memref<1x80x128xf32, #tpu.memory_space<vmem>>
        %dma_start3A_230 = tpu.memref_squeeze %dma_start3A_229 : memref<1x80x128xf32, #tpu.memory_space<vmem>> -> memref<80x128xf32, #tpu.memory_space<vmem>>
        %dma_start3A_231 = arith.constant 0 : i32
        %dma_start3A_232 = tpu.memref_slice %arg7[%add3A_211, %dma_start3A_231] : memref<125x80xi32, #tpu.memory_space<vmem>> -> memref<1x80xi32, #tpu.memory_space<vmem>>
        %dma_start3A_233 = tpu.memref_squeeze %dma_start3A_232 : memref<1x80xi32, #tpu.memory_space<vmem>> -> memref<80xi32, #tpu.memory_space<vmem>>
        %dma_start3A_234 = arith.constant 0 : i32
        %dma_start3A_235 = arith.constant 0 : i32
        %dma_start3A_236 = tpu.memref_slice %arg2[%dma_start3A_234, %dma_start3A_235] : memref<10000x128xf32, #tpu.memory_space<hbm>> -> memref<10000x128xf32, #tpu.memory_space<hbm>>
        %dma_start3A_237 = tpu.memref_slice %arg11[%dma_start3A_226] : memref<4x!tpu.dma_semaphore, #tpu.memory_space<semaphore_mem>> -> memref<1x!tpu.dma_semaphore, #tpu.memory_space<semaphore_mem>>
        %dma_start3A_238 = tpu.memref_squeeze %dma_start3A_237 : memref<1x!tpu.dma_semaphore, #tpu.memory_space<semaphore_mem>> -> memref<!tpu.dma_semaphore, #tpu.memory_space<semaphore_mem>>
        tpu.enqueue_indirect_dma source(%dma_start3A_236 : memref<10000x128xf32, #tpu.memory_space<hbm>>) target(%dma_start3A_230 : memref<80x128xf32, #tpu.memory_space<vmem>>) offsets(%dma_start3A_233 : memref<80xi32, #tpu.memory_space<vmem>>) semaphore(%dma_start3A_238 : memref<!tpu.dma_semaphore, #tpu.memory_space<semaphore_mem>>)
        %dma_start3A_239 = arith.constant 1 : i32
        %dma_start3A_240 = arith.constant 1 : i32
        %dma_start3A_241 = arith.constant 0 : i32
        %dma_start3A_242 = arith.constant 0 : i32
        %dma_start3A_243 = tpu.memref_slice %arg10[%dma_start3A_239, %dma_start3A_241, %dma_start3A_242] : memref<4x80x128xf32, #tpu.memory_space<vmem>> -> memref<1x80x128xf32, #tpu.memory_space<vmem>>
        %dma_start3A_244 = tpu.memref_squeeze %dma_start3A_243 : memref<1x80x128xf32, #tpu.memory_space<vmem>> -> memref<80x128xf32, #tpu.memory_space<vmem>>
        %dma_start3A_245 = arith.constant 0 : i32
        %dma_start3A_246 = tpu.memref_slice %arg8[%add3A_211, %dma_start3A_245] : memref<125x80xi32, #tpu.memory_space<vmem>> -> memref<1x80xi32, #tpu.memory_space<vmem>>
        %dma_start3A_247 = tpu.memref_squeeze %dma_start3A_246 : memref<1x80xi32, #tpu.memory_space<vmem>> -> memref<80xi32, #tpu.memory_space<vmem>>
        %dma_start3A_248 = arith.constant 0 : i32
        %dma_start3A_249 = arith.constant 0 : i32
        %dma_start3A_250 = tpu.memref_slice %arg3[%dma_start3A_248, %dma_start3A_249] : memref<10000x128xf32, #tpu.memory_space<hbm>> -> memref<10000x128xf32, #tpu.memory_space<hbm>>
        %dma_start3A_251 = tpu.memref_slice %arg12[%dma_start3A_240] : memref<4x!tpu.dma_semaphore, #tpu.memory_space<semaphore_mem>> -> memref<1x!tpu.dma_semaphore, #tpu.memory_space<semaphore_mem>>
        %dma_start3A_252 = tpu.memref_squeeze %dma_start3A_251 : memref<1x!tpu.dma_semaphore, #tpu.memory_space<semaphore_mem>> -> memref<!tpu.dma_semaphore, #tpu.memory_space<semaphore_mem>>
        tpu.enqueue_indirect_dma source(%dma_start3A_250 : memref<10000x128xf32, #tpu.memory_space<hbm>>) target(%dma_start3A_244 : memref<80x128xf32, #tpu.memory_space<vmem>>) offsets(%dma_start3A_247 : memref<80xi32, #tpu.memory_space<vmem>>) semaphore(%dma_start3A_252 : memref<!tpu.dma_semaphore, #tpu.memory_space<semaphore_mem>>)
      } else {
      }
    }
    %scan3A_65 = arith.constant 32 : i32
    %dma_wait3A = arith.constant 0 : i32
    %dma_wait3A_66 = arith.constant 0 : i32
    %dma_wait3A_67 = arith.constant 0 : i32
    %dma_wait3A_68 = arith.constant 0 : i32
    %dma_wait3A_69 = tpu.memref_slice %arg9[%dma_wait3A, %dma_wait3A_67, %dma_wait3A_68] : memref<4x80x128xf32, #tpu.memory_space<vmem>> -> memref<1x80x128xf32, #tpu.memory_space<vmem>>
    %dma_wait3A_70 = tpu.memref_squeeze %dma_wait3A_69 : memref<1x80x128xf32, #tpu.memory_space<vmem>> -> memref<80x128xf32, #tpu.memory_space<vmem>>
    %dma_wait3A_71 = arith.constant 0 : i32
    %dma_wait3A_72 = arith.constant 0 : i32
    %dma_wait3A_73 = tpu.memref_slice %arg6[%dma_wait3A_71, %dma_wait3A_72] : memref<320000x128xf32, #tpu.memory_space<hbm>> -> memref<80x128xf32, #tpu.memory_space<hbm>>
    %dma_wait3A_74 = tpu.memref_slice %arg13[%dma_wait3A_66] : memref<4x!tpu.dma_semaphore, #tpu.memory_space<semaphore_mem>> -> memref<1x!tpu.dma_semaphore, #tpu.memory_space<semaphore_mem>>
    %dma_wait3A_75 = tpu.memref_squeeze %dma_wait3A_74 : memref<1x!tpu.dma_semaphore, #tpu.memory_space<semaphore_mem>> -> memref<!tpu.dma_semaphore, #tpu.memory_space<semaphore_mem>>
    %dma_wait3A_76 = arith.constant 0 : i32
    %dma_wait3A_77 = arith.constant 0 : i32
    %dma_wait3A_78 = tpu.memref_slice %arg6[%dma_wait3A_76, %dma_wait3A_77] : memref<320000x128xf32, #tpu.memory_space<hbm>> -> memref<80x128xf32, #tpu.memory_space<hbm>>
    %dma_wait3A_79 = arith.constant 0 : i32
    %dma_wait3A_80 = arith.constant 0 : i32
    %dma_wait3A_81 = tpu.memref_slice %arg9[%dma_wait3A, %dma_wait3A_79, %dma_wait3A_80] : memref<4x80x128xf32, #tpu.memory_space<vmem>> -> memref<1x80x128xf32, #tpu.memory_space<vmem>>
    %dma_wait3A_82 = tpu.memref_squeeze %dma_wait3A_81 : memref<1x80x128xf32, #tpu.memory_space<vmem>> -> memref<80x128xf32, #tpu.memory_space<vmem>>
    tpu.wait_dma2 semaphore(%dma_wait3A_75 : memref<!tpu.dma_semaphore, #tpu.memory_space<semaphore_mem>>) src(%dma_wait3A_82 : memref<80x128xf32, #tpu.memory_space<vmem>>) dst(%dma_wait3A_78 : memref<80x128xf32, #tpu.memory_space<hbm>>)
    %dma_wait3A_83 = arith.constant 1 : i32
    %dma_wait3A_84 = arith.constant 1 : i32
    %dma_wait3A_85 = arith.constant 0 : i32
    %dma_wait3A_86 = arith.constant 0 : i32
    %dma_wait3A_87 = tpu.memref_slice %arg9[%dma_wait3A_83, %dma_wait3A_85, %dma_wait3A_86] : memref<4x80x128xf32, #tpu.memory_space<vmem>> -> memref<1x80x128xf32, #tpu.memory_space<vmem>>
    %dma_wait3A_88 = tpu.memref_squeeze %dma_wait3A_87 : memref<1x80x128xf32, #tpu.memory_space<vmem>> -> memref<80x128xf32, #tpu.memory_space<vmem>>
    %dma_wait3A_89 = arith.constant 0 : i32
    %dma_wait3A_90 = arith.constant 0 : i32
    %dma_wait3A_91 = tpu.memref_slice %arg6[%dma_wait3A_89, %dma_wait3A_90] : memref<320000x128xf32, #tpu.memory_space<hbm>> -> memref<80x128xf32, #tpu.memory_space<hbm>>
    %dma_wait3A_92 = tpu.memref_slice %arg13[%dma_wait3A_84] : memref<4x!tpu.dma_semaphore, #tpu.memory_space<semaphore_mem>> -> memref<1x!tpu.dma_semaphore, #tpu.memory_space<semaphore_mem>>
    %dma_wait3A_93 = tpu.memref_squeeze %dma_wait3A_92 : memref<1x!tpu.dma_semaphore, #tpu.memory_space<semaphore_mem>> -> memref<!tpu.dma_semaphore, #tpu.memory_space<semaphore_mem>>
    %dma_wait3A_94 = arith.constant 0 : i32
    %dma_wait3A_95 = arith.constant 0 : i32
    %dma_wait3A_96 = tpu.memref_slice %arg6[%dma_wait3A_94, %dma_wait3A_95] : memref<320000x128xf32, #tpu.memory_space<hbm>> -> memref<80x128xf32, #tpu.memory_space<hbm>>
    %dma_wait3A_97 = arith.constant 0 : i32
    %dma_wait3A_98 = arith.constant 0 : i32
    %dma_wait3A_99 = tpu.memref_slice %arg9[%dma_wait3A_83, %dma_wait3A_97, %dma_wait3A_98] : memref<4x80x128xf32, #tpu.memory_space<vmem>> -> memref<1x80x128xf32, #tpu.memory_space<vmem>>
    %dma_wait3A_100 = tpu.memref_squeeze %dma_wait3A_99 : memref<1x80x128xf32, #tpu.memory_space<vmem>> -> memref<80x128xf32, #tpu.memory_space<vmem>>
    tpu.wait_dma2 semaphore(%dma_wait3A_93 : memref<!tpu.dma_semaphore, #tpu.memory_space<semaphore_mem>>) src(%dma_wait3A_100 : memref<80x128xf32, #tpu.memory_space<vmem>>) dst(%dma_wait3A_96 : memref<80x128xf32, #tpu.memory_space<hbm>>)
    %dma_wait3A_101 = arith.constant 2 : i32
    %dma_wait3A_102 = arith.constant 2 : i32
    %dma_wait3A_103 = arith.constant 0 : i32
    %dma_wait3A_104 = arith.constant 0 : i32
    %dma_wait3A_105 = tpu.memref_slice %arg9[%dma_wait3A_101, %dma_wait3A_103, %dma_wait3A_104] : memref<4x80x128xf32, #tpu.memory_space<vmem>> -> memref<1x80x128xf32, #tpu.memory_space<vmem>>
    %dma_wait3A_106 = tpu.memref_squeeze %dma_wait3A_105 : memref<1x80x128xf32, #tpu.memory_space<vmem>> -> memref<80x128xf32, #tpu.memory_space<vmem>>
    %dma_wait3A_107 = arith.constant 0 : i32
    %dma_wait3A_108 = arith.constant 0 : i32
    %dma_wait3A_109 = tpu.memref_slice %arg6[%dma_wait3A_107, %dma_wait3A_108] : memref<320000x128xf32, #tpu.memory_space<hbm>> -> memref<80x128xf32, #tpu.memory_space<hbm>>
    %dma_wait3A_110 = tpu.memref_slice %arg13[%dma_wait3A_102] : memref<4x!tpu.dma_semaphore, #tpu.memory_space<semaphore_mem>> -> memref<1x!tpu.dma_semaphore, #tpu.memory_space<semaphore_mem>>
    %dma_wait3A_111 = tpu.memref_squeeze %dma_wait3A_110 : memref<1x!tpu.dma_semaphore, #tpu.memory_space<semaphore_mem>> -> memref<!tpu.dma_semaphore, #tpu.memory_space<semaphore_mem>>
    %dma_wait3A_112 = arith.constant 0 : i32
    %dma_wait3A_113 = arith.constant 0 : i32
    %dma_wait3A_114 = tpu.memref_slice %arg6[%dma_wait3A_112, %dma_wait3A_113] : memref<320000x128xf32, #tpu.memory_space<hbm>> -> memref<80x128xf32, #tpu.memory_space<hbm>>
    %dma_wait3A_115 = arith.constant 0 : i32
    %dma_wait3A_116 = arith.constant 0 : i32
    %dma_wait3A_117 = tpu.memref_slice %arg9[%dma_wait3A_101, %dma_wait3A_115, %dma_wait3A_116] : memref<4x80x128xf32, #tpu.memory_space<vmem>> -> memref<1x80x128xf32, #tpu.memory_space<vmem>>
    %dma_wait3A_118 = tpu.memref_squeeze %dma_wait3A_117 : memref<1x80x128xf32, #tpu.memory_space<vmem>> -> memref<80x128xf32, #tpu.memory_space<vmem>>
    tpu.wait_dma2 semaphore(%dma_wait3A_111 : memref<!tpu.dma_semaphore, #tpu.memory_space<semaphore_mem>>) src(%dma_wait3A_118 : memref<80x128xf32, #tpu.memory_space<vmem>>) dst(%dma_wait3A_114 : memref<80x128xf32, #tpu.memory_space<hbm>>)
    %dma_wait3A_119 = arith.constant 3 : i32
    %dma_wait3A_120 = arith.constant 3 : i32
    %dma_wait3A_121 = arith.constant 0 : i32
    %dma_wait3A_122 = arith.constant 0 : i32
    %dma_wait3A_123 = tpu.memref_slice %arg9[%dma_wait3A_119, %dma_wait3A_121, %dma_wait3A_122] : memref<4x80x128xf32, #tpu.memory_space<vmem>> -> memref<1x80x128xf32, #tpu.memory_space<vmem>>
    %dma_wait3A_124 = tpu.memref_squeeze %dma_wait3A_123 : memref<1x80x128xf32, #tpu.memory_space<vmem>> -> memref<80x128xf32, #tpu.memory_space<vmem>>
    %dma_wait3A_125 = arith.constant 0 : i32
    %dma_wait3A_126 = arith.constant 0 : i32
    %dma_wait3A_127 = tpu.memref_slice %arg6[%dma_wait3A_125, %dma_wait3A_126] : memref<320000x128xf32, #tpu.memory_space<hbm>> -> memref<80x128xf32, #tpu.memory_space<hbm>>
    %dma_wait3A_128 = tpu.memref_slice %arg13[%dma_wait3A_120] : memref<4x!tpu.dma_semaphore, #tpu.memory_space<semaphore_mem>> -> memref<1x!tpu.dma_semaphore, #tpu.memory_space<semaphore_mem>>
    %dma_wait3A_129 = tpu.memref_squeeze %dma_wait3A_128 : memref<1x!tpu.dma_semaphore, #tpu.memory_space<semaphore_mem>> -> memref<!tpu.dma_semaphore, #tpu.memory_space<semaphore_mem>>
    %dma_wait3A_130 = arith.constant 0 : i32
    %dma_wait3A_131 = arith.constant 0 : i32
    %dma_wait3A_132 = tpu.memref_slice %arg6[%dma_wait3A_130, %dma_wait3A_131] : memref<320000x128xf32, #tpu.memory_space<hbm>> -> memref<80x128xf32, #tpu.memory_space<hbm>>
    %dma_wait3A_133 = arith.constant 0 : i32
    %dma_wait3A_134 = arith.constant 0 : i32
    %dma_wait3A_135 = tpu.memref_slice %arg9[%dma_wait3A_119, %dma_wait3A_133, %dma_wait3A_134] : memref<4x80x128xf32, #tpu.memory_space<vmem>> -> memref<1x80x128xf32, #tpu.memory_space<vmem>>
    %dma_wait3A_136 = tpu.memref_squeeze %dma_wait3A_135 : memref<1x80x128xf32, #tpu.memory_space<vmem>> -> memref<80x128xf32, #tpu.memory_space<vmem>>
    tpu.wait_dma2 semaphore(%dma_wait3A_129 : memref<!tpu.dma_semaphore, #tpu.memory_space<semaphore_mem>>) src(%dma_wait3A_136 : memref<80x128xf32, #tpu.memory_space<vmem>>) dst(%dma_wait3A_132 : memref<80x128xf32, #tpu.memory_space<hbm>>)
    return
  }
}

#map = affine_map<(d0, d1) -> (0, 0)>
#map1 = affine_map<(d0, d1) -> (0, 0, 0)>
module attributes {stable_mosaic.version = 14 : i64} {
  func.func @_scatter_body(%arg0: i32, %arg1: i32, %arg2: memref<320000x64xf32, #tpu.memory_space<hbm>>, %arg3: memref<32x125x80xi32, #tpu.memory_space<hbm>>, %arg4: memref<10112x64xf32, #tpu.memory_space<hbm>>, %arg5: memref<2x10112x64xf32, #tpu.memory_space<hbm>>, %arg6: memref<80xi32, #tpu.memory_space<vmem>>, %arg7: memref<80xi32, #tpu.memory_space<vmem>>, %arg8: memref<80xi32, #tpu.memory_space<vmem>>, %arg9: memref<80xi32, #tpu.memory_space<vmem>>, %arg10: memref<4x80x64xf32, #tpu.memory_space<vmem>>, %arg11: memref<4x!tpu.dma_semaphore, #tpu.memory_space<semaphore_mem>>, %arg12: memref<4x!tpu.dma_semaphore, #tpu.memory_space<semaphore_mem>>, %arg13: memref<4x!tpu.dma_semaphore, #tpu.memory_space<semaphore_mem>>, %arg14: memref<10112x64xf32, #tpu.memory_space<vmem_shared>>) attributes {dimension_semantics = [#tpu.dimension_semantics<core_parallel>, #tpu.dimension_semantics<subcore_parallel>], iteration_bounds = array<i64: 2, 16>, scalar_prefetch = 0 : i64, scratch_operands = 9 : i64, tpu.core_type = #tpu.core_type<sc_vector_subcore>, window_params = [{transform_indices = #map}, {transform_indices = #map1}, {transform_indices = #map}, {transform_indices = #map1}]} {
    %mul3A = arith.constant 2 : i32
    %mul3A_0 = arith.muli %arg1, %mul3A : i32
    %add3A = arith.addi %mul3A_0, %arg0 : i32
    %mul3A_1 = arith.constant 10000 : i32
    %mul3A_2 = arith.muli %add3A, %mul3A_1 : i32
    %mul3A_3 = arith.constant 632 : i32
    %mul3A_4 = arith.muli %arg1, %mul3A_3 : i32
    %mul3A_5 = arith.constant 632 : i32
    %mul3A_6 = arith.muli %arg1, %mul3A_5 : i32
    "tpu.region"() ({
      %run_scoped3A = tpu.sem_alloc : memref<!tpu.dma_semaphore, #tpu.memory_space<semaphore_mem>>
      %dma_start3A_130 = arith.constant 0 : i32
      %dma_start3A_131 = tpu.memref_slice %arg14[%mul3A_6, %dma_start3A_130] : memref<10112x64xf32, #tpu.memory_space<vmem_shared>> -> memref<632x64xf32, #tpu.memory_space<vmem_shared>>
      %dma_start3A_132 = arith.constant 0 : i32
      %dma_start3A_133 = tpu.memref_slice %arg4[%mul3A_4, %dma_start3A_132] : memref<10112x64xf32, #tpu.memory_space<hbm>> -> memref<632x64xf32, #tpu.memory_space<hbm>>
      tpu.enqueue_dma source(%dma_start3A_133 : memref<632x64xf32, #tpu.memory_space<hbm>>) target(%dma_start3A_131 : memref<632x64xf32, #tpu.memory_space<vmem_shared>>) target_semaphore(%run_scoped3A : memref<!tpu.dma_semaphore, #tpu.memory_space<semaphore_mem>>)
      %dma_wait3A_134 = arith.constant 0 : i32
      %dma_wait3A_135 = tpu.memref_slice %arg14[%mul3A_6, %dma_wait3A_134] : memref<10112x64xf32, #tpu.memory_space<vmem_shared>> -> memref<632x64xf32, #tpu.memory_space<vmem_shared>>
      %dma_wait3A_136 = arith.constant 0 : i32
      %dma_wait3A_137 = tpu.memref_slice %arg4[%mul3A_4, %dma_wait3A_136] : memref<10112x64xf32, #tpu.memory_space<hbm>> -> memref<632x64xf32, #tpu.memory_space<hbm>>
      tpu.wait_dma2 semaphore(%run_scoped3A : memref<!tpu.dma_semaphore, #tpu.memory_space<semaphore_mem>>) src(%dma_wait3A_137 : memref<632x64xf32, #tpu.memory_space<hbm>>) dst(%dma_wait3A_135 : memref<632x64xf32, #tpu.memory_space<vmem_shared>>)
      tpu.yield
    }) : () -> ()
    %barrier3A = arith.constant 0 : index
    tpu.barrier barrier_id(%barrier3A)
    %dma_start3A = arith.constant 0 : i32
    %dma_start3A_7 = arith.constant 0 : i32
    %dma_start3A_8 = arith.constant 0 : i32
    %dma_start3A_9 = arith.constant 0 : i32
    %dma_start3A_10 = tpu.memref_slice %arg3[%add3A, %dma_start3A_8, %dma_start3A_9] : memref<32x125x80xi32, #tpu.memory_space<hbm>> -> memref<1x125x80xi32, #tpu.memory_space<hbm>>
    %dma_start3A_11 = tpu.memref_squeeze %dma_start3A_10 : memref<1x125x80xi32, #tpu.memory_space<hbm>> -> memref<125x80xi32, #tpu.memory_space<hbm>>
    %dma_start3A_12 = arith.constant 0 : i32
    %dma_start3A_13 = tpu.memref_slice %dma_start3A_11[%dma_start3A, %dma_start3A_12] : memref<125x80xi32, #tpu.memory_space<hbm>> -> memref<1x80xi32, #tpu.memory_space<hbm>>
    %dma_start3A_14 = tpu.memref_squeeze %dma_start3A_13 : memref<1x80xi32, #tpu.memory_space<hbm>> -> memref<80xi32, #tpu.memory_space<hbm>>
    %dma_start3A_15 = tpu.memref_slice %arg11[%dma_start3A_7] : memref<4x!tpu.dma_semaphore, #tpu.memory_space<semaphore_mem>> -> memref<1x!tpu.dma_semaphore, #tpu.memory_space<semaphore_mem>>
    %dma_start3A_16 = tpu.memref_squeeze %dma_start3A_15 : memref<1x!tpu.dma_semaphore, #tpu.memory_space<semaphore_mem>> -> memref<!tpu.dma_semaphore, #tpu.memory_space<semaphore_mem>>
    %dma_start3A_17 = arith.constant 0 : i32
    %dma_start3A_18 = arith.constant 0 : i32
    %dma_start3A_19 = tpu.memref_slice %arg3[%add3A, %dma_start3A_17, %dma_start3A_18] : memref<32x125x80xi32, #tpu.memory_space<hbm>> -> memref<1x125x80xi32, #tpu.memory_space<hbm>>
    %dma_start3A_20 = tpu.memref_squeeze %dma_start3A_19 : memref<1x125x80xi32, #tpu.memory_space<hbm>> -> memref<125x80xi32, #tpu.memory_space<hbm>>
    %dma_start3A_21 = arith.constant 0 : i32
    %dma_start3A_22 = tpu.memref_slice %dma_start3A_20[%dma_start3A, %dma_start3A_21] : memref<125x80xi32, #tpu.memory_space<hbm>> -> memref<1x80xi32, #tpu.memory_space<hbm>>
    %dma_start3A_23 = tpu.memref_squeeze %dma_start3A_22 : memref<1x80xi32, #tpu.memory_space<hbm>> -> memref<80xi32, #tpu.memory_space<hbm>>
    tpu.enqueue_dma source(%dma_start3A_23 : memref<80xi32, #tpu.memory_space<hbm>>) target(%arg6 : memref<80xi32, #tpu.memory_space<vmem>>) target_semaphore(%dma_start3A_16 : memref<!tpu.dma_semaphore, #tpu.memory_space<semaphore_mem>>)
    %add3A_24 = arith.constant 0 : i32
    %add3A_25 = arith.addi %mul3A_2, %add3A_24 : i32
    %dma_start3A_26 = arith.constant 0 : i32
    %dma_start3A_27 = arith.constant 0 : i32
    %dma_start3A_28 = arith.constant 0 : i32
    %dma_start3A_29 = arith.constant 0 : i32
    %dma_start3A_30 = tpu.memref_slice %arg10[%dma_start3A_26, %dma_start3A_28, %dma_start3A_29] : memref<4x80x64xf32, #tpu.memory_space<vmem>> -> memref<1x80x64xf32, #tpu.memory_space<vmem>>
    %dma_start3A_31 = tpu.memref_squeeze %dma_start3A_30 : memref<1x80x64xf32, #tpu.memory_space<vmem>> -> memref<80x64xf32, #tpu.memory_space<vmem>>
    %dma_start3A_32 = arith.constant 0 : i32
    %dma_start3A_33 = tpu.memref_slice %arg2[%add3A_25, %dma_start3A_32] : memref<320000x64xf32, #tpu.memory_space<hbm>> -> memref<80x64xf32, #tpu.memory_space<hbm>>
    %dma_start3A_34 = tpu.memref_slice %arg12[%dma_start3A_27] : memref<4x!tpu.dma_semaphore, #tpu.memory_space<semaphore_mem>> -> memref<1x!tpu.dma_semaphore, #tpu.memory_space<semaphore_mem>>
    %dma_start3A_35 = tpu.memref_squeeze %dma_start3A_34 : memref<1x!tpu.dma_semaphore, #tpu.memory_space<semaphore_mem>> -> memref<!tpu.dma_semaphore, #tpu.memory_space<semaphore_mem>>
    %dma_start3A_36 = arith.constant 0 : i32
    %dma_start3A_37 = arith.constant 0 : i32
    %dma_start3A_38 = tpu.memref_slice %arg10[%dma_start3A_26, %dma_start3A_36, %dma_start3A_37] : memref<4x80x64xf32, #tpu.memory_space<vmem>> -> memref<1x80x64xf32, #tpu.memory_space<vmem>>
    %dma_start3A_39 = tpu.memref_squeeze %dma_start3A_38 : memref<1x80x64xf32, #tpu.memory_space<vmem>> -> memref<80x64xf32, #tpu.memory_space<vmem>>
    %dma_start3A_40 = arith.constant 0 : i32
    %dma_start3A_41 = tpu.memref_slice %arg2[%add3A_25, %dma_start3A_40] : memref<320000x64xf32, #tpu.memory_space<hbm>> -> memref<80x64xf32, #tpu.memory_space<hbm>>
    tpu.enqueue_dma source(%dma_start3A_41 : memref<80x64xf32, #tpu.memory_space<hbm>>) target(%dma_start3A_39 : memref<80x64xf32, #tpu.memory_space<vmem>>) target_semaphore(%dma_start3A_35 : memref<!tpu.dma_semaphore, #tpu.memory_space<semaphore_mem>>)
    %dma_start3A_42 = arith.constant 1 : i32
    %dma_start3A_43 = arith.constant 1 : i32
    %dma_start3A_44 = arith.constant 0 : i32
    %dma_start3A_45 = arith.constant 0 : i32
    %dma_start3A_46 = tpu.memref_slice %arg3[%add3A, %dma_start3A_44, %dma_start3A_45] : memref<32x125x80xi32, #tpu.memory_space<hbm>> -> memref<1x125x80xi32, #tpu.memory_space<hbm>>
    %dma_start3A_47 = tpu.memref_squeeze %dma_start3A_46 : memref<1x125x80xi32, #tpu.memory_space<hbm>> -> memref<125x80xi32, #tpu.memory_space<hbm>>
    %dma_start3A_48 = arith.constant 0 : i32
    %dma_start3A_49 = tpu.memref_slice %dma_start3A_47[%dma_start3A_42, %dma_start3A_48] : memref<125x80xi32, #tpu.memory_space<hbm>> -> memref<1x80xi32, #tpu.memory_space<hbm>>
    %dma_start3A_50 = tpu.memref_squeeze %dma_start3A_49 : memref<1x80xi32, #tpu.memory_space<hbm>> -> memref<80xi32, #tpu.memory_space<hbm>>
    %dma_start3A_51 = tpu.memref_slice %arg11[%dma_start3A_43] : memref<4x!tpu.dma_semaphore, #tpu.memory_space<semaphore_mem>> -> memref<1x!tpu.dma_semaphore, #tpu.memory_space<semaphore_mem>>
    %dma_start3A_52 = tpu.memref_squeeze %dma_start3A_51 : memref<1x!tpu.dma_semaphore, #tpu.memory_space<semaphore_mem>> -> memref<!tpu.dma_semaphore, #tpu.memory_space<semaphore_mem>>
    %dma_start3A_53 = arith.constant 0 : i32
    %dma_start3A_54 = arith.constant 0 : i32
    %dma_start3A_55 = tpu.memref_slice %arg3[%add3A, %dma_start3A_53, %dma_start3A_54] : memref<32x125x80xi32, #tpu.memory_space<hbm>> -> memref<1x125x80xi32, #tpu.memory_space<hbm>>
    %dma_start3A_56 = tpu.memref_squeeze %dma_start3A_55 : memref<1x125x80xi32, #tpu.memory_space<hbm>> -> memref<125x80xi32, #tpu.memory_space<hbm>>
    %dma_start3A_57 = arith.constant 0 : i32
    %dma_start3A_58 = tpu.memref_slice %dma_start3A_56[%dma_start3A_42, %dma_start3A_57] : memref<125x80xi32, #tpu.memory_space<hbm>> -> memref<1x80xi32, #tpu.memory_space<hbm>>
    %dma_start3A_59 = tpu.memref_squeeze %dma_start3A_58 : memref<1x80xi32, #tpu.memory_space<hbm>> -> memref<80xi32, #tpu.memory_space<hbm>>
    tpu.enqueue_dma source(%dma_start3A_59 : memref<80xi32, #tpu.memory_space<hbm>>) target(%arg7 : memref<80xi32, #tpu.memory_space<vmem>>) target_semaphore(%dma_start3A_52 : memref<!tpu.dma_semaphore, #tpu.memory_space<semaphore_mem>>)
    %add3A_60 = arith.constant 80 : i32
    %add3A_61 = arith.addi %mul3A_2, %add3A_60 : i32
    %dma_start3A_62 = arith.constant 1 : i32
    %dma_start3A_63 = arith.constant 1 : i32
    %dma_start3A_64 = arith.constant 0 : i32
    %dma_start3A_65 = arith.constant 0 : i32
    %dma_start3A_66 = tpu.memref_slice %arg10[%dma_start3A_62, %dma_start3A_64, %dma_start3A_65] : memref<4x80x64xf32, #tpu.memory_space<vmem>> -> memref<1x80x64xf32, #tpu.memory_space<vmem>>
    %dma_start3A_67 = tpu.memref_squeeze %dma_start3A_66 : memref<1x80x64xf32, #tpu.memory_space<vmem>> -> memref<80x64xf32, #tpu.memory_space<vmem>>
    %dma_start3A_68 = arith.constant 0 : i32
    %dma_start3A_69 = tpu.memref_slice %arg2[%add3A_61, %dma_start3A_68] : memref<320000x64xf32, #tpu.memory_space<hbm>> -> memref<80x64xf32, #tpu.memory_space<hbm>>
    %dma_start3A_70 = tpu.memref_slice %arg12[%dma_start3A_63] : memref<4x!tpu.dma_semaphore, #tpu.memory_space<semaphore_mem>> -> memref<1x!tpu.dma_semaphore, #tpu.memory_space<semaphore_mem>>
    %dma_start3A_71 = tpu.memref_squeeze %dma_start3A_70 : memref<1x!tpu.dma_semaphore, #tpu.memory_space<semaphore_mem>> -> memref<!tpu.dma_semaphore, #tpu.memory_space<semaphore_mem>>
    %dma_start3A_72 = arith.constant 0 : i32
    %dma_start3A_73 = arith.constant 0 : i32
    %dma_start3A_74 = tpu.memref_slice %arg10[%dma_start3A_62, %dma_start3A_72, %dma_start3A_73] : memref<4x80x64xf32, #tpu.memory_space<vmem>> -> memref<1x80x64xf32, #tpu.memory_space<vmem>>
    %dma_start3A_75 = tpu.memref_squeeze %dma_start3A_74 : memref<1x80x64xf32, #tpu.memory_space<vmem>> -> memref<80x64xf32, #tpu.memory_space<vmem>>
    %dma_start3A_76 = arith.constant 0 : i32
    %dma_start3A_77 = tpu.memref_slice %arg2[%add3A_61, %dma_start3A_76] : memref<320000x64xf32, #tpu.memory_space<hbm>> -> memref<80x64xf32, #tpu.memory_space<hbm>>
    tpu.enqueue_dma source(%dma_start3A_77 : memref<80x64xf32, #tpu.memory_space<hbm>>) target(%dma_start3A_75 : memref<80x64xf32, #tpu.memory_space<vmem>>) target_semaphore(%dma_start3A_71 : memref<!tpu.dma_semaphore, #tpu.memory_space<semaphore_mem>>)
    %scan3A = arith.constant 0 : i32
    %scan3A_78 = arith.constant 32 : i32
    %scan3A_79 = arith.addi %scan3A, %scan3A_78 : i32
    %scan3A_80 = arith.constant 1 : i32
    scf.for %scan3A_130 = %scan3A to %scan3A_79 step %scan3A_80  : i32 {
      %mul3A_131 = arith.constant 4 : i32
      %mul3A_132 = arith.muli %scan3A_130, %mul3A_131 : i32
      %add3A_133 = arith.constant 0 : i32
      %add3A_134 = arith.addi %add3A_133, %mul3A_132 : i32
      %add3A_135 = arith.constant 0 : i32
      %add3A_136 = arith.addi %add3A_134, %add3A_135 : i32
      %lt3A = arith.constant 125 : i32
      %lt3A_137 = arith.cmpi slt, %add3A_136, %lt3A : i32
      %convert_element_type3A = arith.extui %lt3A_137 : i1 to i32
      %cond3A = arith.constant 0 : i32
      %cond3A_138 = arith.cmpi ne, %convert_element_type3A, %cond3A : i32
      scf.if %cond3A_138 {
        %dma_wait3A_218 = arith.constant 0 : i32
        %dma_wait3A_219 = arith.constant 0 : i32
        %dma_wait3A_220 = arith.constant 0 : i32
        %dma_wait3A_221 = arith.constant 0 : i32
        %dma_wait3A_222 = tpu.memref_slice %arg3[%add3A, %dma_wait3A_220, %dma_wait3A_221] : memref<32x125x80xi32, #tpu.memory_space<hbm>> -> memref<1x125x80xi32, #tpu.memory_space<hbm>>
        %dma_wait3A_223 = tpu.memref_squeeze %dma_wait3A_222 : memref<1x125x80xi32, #tpu.memory_space<hbm>> -> memref<125x80xi32, #tpu.memory_space<hbm>>
        %dma_wait3A_224 = arith.constant 0 : i32
        %dma_wait3A_225 = tpu.memref_slice %dma_wait3A_223[%dma_wait3A_218, %dma_wait3A_224] : memref<125x80xi32, #tpu.memory_space<hbm>> -> memref<1x80xi32, #tpu.memory_space<hbm>>
        %dma_wait3A_226 = tpu.memref_squeeze %dma_wait3A_225 : memref<1x80xi32, #tpu.memory_space<hbm>> -> memref<80xi32, #tpu.memory_space<hbm>>
        %dma_wait3A_227 = tpu.memref_slice %arg11[%dma_wait3A_219] : memref<4x!tpu.dma_semaphore, #tpu.memory_space<semaphore_mem>> -> memref<1x!tpu.dma_semaphore, #tpu.memory_space<semaphore_mem>>
        %dma_wait3A_228 = tpu.memref_squeeze %dma_wait3A_227 : memref<1x!tpu.dma_semaphore, #tpu.memory_space<semaphore_mem>> -> memref<!tpu.dma_semaphore, #tpu.memory_space<semaphore_mem>>
        %dma_wait3A_229 = arith.constant 0 : i32
        %dma_wait3A_230 = arith.constant 0 : i32
        %dma_wait3A_231 = tpu.memref_slice %arg3[%add3A, %dma_wait3A_229, %dma_wait3A_230] : memref<32x125x80xi32, #tpu.memory_space<hbm>> -> memref<1x125x80xi32, #tpu.memory_space<hbm>>
        %dma_wait3A_232 = tpu.memref_squeeze %dma_wait3A_231 : memref<1x125x80xi32, #tpu.memory_space<hbm>> -> memref<125x80xi32, #tpu.memory_space<hbm>>
        %dma_wait3A_233 = arith.constant 0 : i32
        %dma_wait3A_234 = tpu.memref_slice %dma_wait3A_232[%dma_wait3A_218, %dma_wait3A_233] : memref<125x80xi32, #tpu.memory_space<hbm>> -> memref<1x80xi32, #tpu.memory_space<hbm>>
        %dma_wait3A_235 = tpu.memref_squeeze %dma_wait3A_234 : memref<1x80xi32, #tpu.memory_space<hbm>> -> memref<80xi32, #tpu.memory_space<hbm>>
        tpu.wait_dma2 semaphore(%dma_wait3A_228 : memref<!tpu.dma_semaphore, #tpu.memory_space<semaphore_mem>>) src(%dma_wait3A_235 : memref<80xi32, #tpu.memory_space<hbm>>) dst(%arg6 : memref<80xi32, #tpu.memory_space<vmem>>)
        %dma_wait3A_236 = arith.constant 0 : i32
        %dma_wait3A_237 = arith.constant 0 : i32
        %dma_wait3A_238 = arith.constant 0 : i32
        %dma_wait3A_239 = arith.constant 0 : i32
        %dma_wait3A_240 = tpu.memref_slice %arg10[%dma_wait3A_236, %dma_wait3A_238, %dma_wait3A_239] : memref<4x80x64xf32, #tpu.memory_space<vmem>> -> memref<1x80x64xf32, #tpu.memory_space<vmem>>
        %dma_wait3A_241 = tpu.memref_squeeze %dma_wait3A_240 : memref<1x80x64xf32, #tpu.memory_space<vmem>> -> memref<80x64xf32, #tpu.memory_space<vmem>>
        %dma_wait3A_242 = arith.constant 0 : i32
        %dma_wait3A_243 = arith.constant 0 : i32
        %dma_wait3A_244 = tpu.memref_slice %arg2[%dma_wait3A_242, %dma_wait3A_243] : memref<320000x64xf32, #tpu.memory_space<hbm>> -> memref<80x64xf32, #tpu.memory_space<hbm>>
        %dma_wait3A_245 = tpu.memref_slice %arg12[%dma_wait3A_237] : memref<4x!tpu.dma_semaphore, #tpu.memory_space<semaphore_mem>> -> memref<1x!tpu.dma_semaphore, #tpu.memory_space<semaphore_mem>>
        %dma_wait3A_246 = tpu.memref_squeeze %dma_wait3A_245 : memref<1x!tpu.dma_semaphore, #tpu.memory_space<semaphore_mem>> -> memref<!tpu.dma_semaphore, #tpu.memory_space<semaphore_mem>>
        %dma_wait3A_247 = arith.constant 0 : i32
        %dma_wait3A_248 = arith.constant 0 : i32
        %dma_wait3A_249 = tpu.memref_slice %arg10[%dma_wait3A_236, %dma_wait3A_247, %dma_wait3A_248] : memref<4x80x64xf32, #tpu.memory_space<vmem>> -> memref<1x80x64xf32, #tpu.memory_space<vmem>>
        %dma_wait3A_250 = tpu.memref_squeeze %dma_wait3A_249 : memref<1x80x64xf32, #tpu.memory_space<vmem>> -> memref<80x64xf32, #tpu.memory_space<vmem>>
        %dma_wait3A_251 = arith.constant 0 : i32
        %dma_wait3A_252 = arith.constant 0 : i32
        %dma_wait3A_253 = tpu.memref_slice %arg2[%dma_wait3A_251, %dma_wait3A_252] : memref<320000x64xf32, #tpu.memory_space<hbm>> -> memref<80x64xf32, #tpu.memory_space<hbm>>
        tpu.wait_dma2 semaphore(%dma_wait3A_246 : memref<!tpu.dma_semaphore, #tpu.memory_space<semaphore_mem>>) src(%dma_wait3A_253 : memref<80x64xf32, #tpu.memory_space<hbm>>) dst(%dma_wait3A_250 : memref<80x64xf32, #tpu.memory_space<vmem>>)
        %dma_start3A_254 = arith.constant 0 : i32
        %dma_start3A_255 = arith.constant 0 : i32
        %dma_start3A_256 = arith.constant 0 : i32
        %dma_start3A_257 = arith.constant 0 : i32
        %dma_start3A_258 = tpu.memref_slice %arg10[%dma_start3A_254, %dma_start3A_256, %dma_start3A_257] : memref<4x80x64xf32, #tpu.memory_space<vmem>> -> memref<1x80x64xf32, #tpu.memory_space<vmem>>
        %dma_start3A_259 = tpu.memref_squeeze %dma_start3A_258 : memref<1x80x64xf32, #tpu.memory_space<vmem>> -> memref<80x64xf32, #tpu.memory_space<vmem>>
        %dma_start3A_260 = arith.constant 0 : i32
        %dma_start3A_261 = arith.constant 0 : i32
        %dma_start3A_262 = tpu.memref_slice %arg14[%dma_start3A_260, %dma_start3A_261] : memref<10112x64xf32, #tpu.memory_space<vmem_shared>> -> memref<10112x64xf32, #tpu.memory_space<vmem_shared>>
        %dma_start3A_263 = tpu.memref_slice %arg13[%dma_start3A_255] : memref<4x!tpu.dma_semaphore, #tpu.memory_space<semaphore_mem>> -> memref<1x!tpu.dma_semaphore, #tpu.memory_space<semaphore_mem>>
        %dma_start3A_264 = tpu.memref_squeeze %dma_start3A_263 : memref<1x!tpu.dma_semaphore, #tpu.memory_space<semaphore_mem>> -> memref<!tpu.dma_semaphore, #tpu.memory_space<semaphore_mem>>
        tpu.enqueue_indirect_dma source(%dma_start3A_259 : memref<80x64xf32, #tpu.memory_space<vmem>>) target(%dma_start3A_262 : memref<10112x64xf32, #tpu.memory_space<vmem_shared>>) offsets(%arg6 : memref<80xi32, #tpu.memory_space<vmem>>) semaphore(%dma_start3A_264 : memref<!tpu.dma_semaphore, #tpu.memory_space<semaphore_mem>>) {add = true}
      } else {
      }
      %add3A_139 = arith.constant 2 : i32
      %add3A_140 = arith.addi %add3A_136, %add3A_139 : i32
      %ge3A = arith.constant 4 : i32
      %ge3A_141 = arith.cmpi sge, %add3A_140, %ge3A : i32
      %lt3A_142 = arith.constant 125 : i32
      %lt3A_143 = arith.cmpi slt, %add3A_140, %lt3A_142 : i32
      %and3A = arith.andi %ge3A_141, %lt3A_143 : i1
      %convert_element_type3A_144 = arith.extui %and3A : i1 to i32
      %cond3A_145 = arith.constant 0 : i32
      %cond3A_146 = arith.cmpi ne, %convert_element_type3A_144, %cond3A_145 : i32
      scf.if %cond3A_146 {
        %dma_wait3A_218 = arith.constant 2 : i32
        %dma_wait3A_219 = arith.constant 2 : i32
        %dma_wait3A_220 = arith.constant 0 : i32
        %dma_wait3A_221 = arith.constant 0 : i32
        %dma_wait3A_222 = tpu.memref_slice %arg10[%dma_wait3A_218, %dma_wait3A_220, %dma_wait3A_221] : memref<4x80x64xf32, #tpu.memory_space<vmem>> -> memref<1x80x64xf32, #tpu.memory_space<vmem>>
        %dma_wait3A_223 = tpu.memref_squeeze %dma_wait3A_222 : memref<1x80x64xf32, #tpu.memory_space<vmem>> -> memref<80x64xf32, #tpu.memory_space<vmem>>
        %dma_wait3A_224 = arith.constant 0 : i32
        %dma_wait3A_225 = arith.constant 0 : i32
        %dma_wait3A_226 = tpu.memref_slice %arg14[%dma_wait3A_224, %dma_wait3A_225] : memref<10112x64xf32, #tpu.memory_space<vmem_shared>> -> memref<10112x64xf32, #tpu.memory_space<vmem_shared>>
        %dma_wait3A_227 = tpu.memref_slice %arg13[%dma_wait3A_219] : memref<4x!tpu.dma_semaphore, #tpu.memory_space<semaphore_mem>> -> memref<1x!tpu.dma_semaphore, #tpu.memory_space<semaphore_mem>>
        %dma_wait3A_228 = tpu.memref_squeeze %dma_wait3A_227 : memref<1x!tpu.dma_semaphore, #tpu.memory_space<semaphore_mem>> -> memref<!tpu.dma_semaphore, #tpu.memory_space<semaphore_mem>>
        tpu.wait_indirect_dma semaphore(%dma_wait3A_228 : memref<!tpu.dma_semaphore, #tpu.memory_space<semaphore_mem>>) src(%dma_wait3A_223 : memref<80x64xf32, #tpu.memory_space<vmem>>) dst(%dma_wait3A_226 : memref<10112x64xf32, #tpu.memory_space<vmem_shared>>)
      } else {
      }
      %lt3A_147 = arith.constant 125 : i32
      %lt3A_148 = arith.cmpi slt, %add3A_140, %lt3A_147 : i32
      %convert_element_type3A_149 = arith.extui %lt3A_148 : i1 to i32
      %cond3A_150 = arith.constant 0 : i32
      %cond3A_151 = arith.cmpi ne, %convert_element_type3A_149, %cond3A_150 : i32
      scf.if %cond3A_151 {
        %dma_start3A_218 = arith.constant 2 : i32
        %dma_start3A_219 = arith.constant 0 : i32
        %dma_start3A_220 = arith.constant 0 : i32
        %dma_start3A_221 = tpu.memref_slice %arg3[%add3A, %dma_start3A_219, %dma_start3A_220] : memref<32x125x80xi32, #tpu.memory_space<hbm>> -> memref<1x125x80xi32, #tpu.memory_space<hbm>>
        %dma_start3A_222 = tpu.memref_squeeze %dma_start3A_221 : memref<1x125x80xi32, #tpu.memory_space<hbm>> -> memref<125x80xi32, #tpu.memory_space<hbm>>
        %dma_start3A_223 = arith.constant 0 : i32
        %dma_start3A_224 = tpu.memref_slice %dma_start3A_222[%add3A_140, %dma_start3A_223] : memref<125x80xi32, #tpu.memory_space<hbm>> -> memref<1x80xi32, #tpu.memory_space<hbm>>
        %dma_start3A_225 = tpu.memref_squeeze %dma_start3A_224 : memref<1x80xi32, #tpu.memory_space<hbm>> -> memref<80xi32, #tpu.memory_space<hbm>>
        %dma_start3A_226 = tpu.memref_slice %arg11[%dma_start3A_218] : memref<4x!tpu.dma_semaphore, #tpu.memory_space<semaphore_mem>> -> memref<1x!tpu.dma_semaphore, #tpu.memory_space<semaphore_mem>>
        %dma_start3A_227 = tpu.memref_squeeze %dma_start3A_226 : memref<1x!tpu.dma_semaphore, #tpu.memory_space<semaphore_mem>> -> memref<!tpu.dma_semaphore, #tpu.memory_space<semaphore_mem>>
        %dma_start3A_228 = arith.constant 0 : i32
        %dma_start3A_229 = arith.constant 0 : i32
        %dma_start3A_230 = tpu.memref_slice %arg3[%add3A, %dma_start3A_228, %dma_start3A_229] : memref<32x125x80xi32, #tpu.memory_space<hbm>> -> memref<1x125x80xi32, #tpu.memory_space<hbm>>
        %dma_start3A_231 = tpu.memref_squeeze %dma_start3A_230 : memref<1x125x80xi32, #tpu.memory_space<hbm>> -> memref<125x80xi32, #tpu.memory_space<hbm>>
        %dma_start3A_232 = arith.constant 0 : i32
        %dma_start3A_233 = tpu.memref_slice %dma_start3A_231[%add3A_140, %dma_start3A_232] : memref<125x80xi32, #tpu.memory_space<hbm>> -> memref<1x80xi32, #tpu.memory_space<hbm>>
        %dma_start3A_234 = tpu.memref_squeeze %dma_start3A_233 : memref<1x80xi32, #tpu.memory_space<hbm>> -> memref<80xi32, #tpu.memory_space<hbm>>
        tpu.enqueue_dma source(%dma_start3A_234 : memref<80xi32, #tpu.memory_space<hbm>>) target(%arg8 : memref<80xi32, #tpu.memory_space<vmem>>) target_semaphore(%dma_start3A_227 : memref<!tpu.dma_semaphore, #tpu.memory_space<semaphore_mem>>)
        %mul3A_235 = arith.constant 80 : i32
        %mul3A_236 = arith.muli %add3A_140, %mul3A_235 : i32
        %add3A_237 = arith.addi %mul3A_2, %mul3A_236 : i32
        %dma_start3A_238 = arith.constant 2 : i32
        %dma_start3A_239 = arith.constant 2 : i32
        %dma_start3A_240 = arith.constant 0 : i32
        %dma_start3A_241 = arith.constant 0 : i32
        %dma_start3A_242 = tpu.memref_slice %arg10[%dma_start3A_238, %dma_start3A_240, %dma_start3A_241] : memref<4x80x64xf32, #tpu.memory_space<vmem>> -> memref<1x80x64xf32, #tpu.memory_space<vmem>>
        %dma_start3A_243 = tpu.memref_squeeze %dma_start3A_242 : memref<1x80x64xf32, #tpu.memory_space<vmem>> -> memref<80x64xf32, #tpu.memory_space<vmem>>
        %dma_start3A_244 = arith.constant 0 : i32
        %dma_start3A_245 = tpu.memref_slice %arg2[%add3A_237, %dma_start3A_244] : memref<320000x64xf32, #tpu.memory_space<hbm>> -> memref<80x64xf32, #tpu.memory_space<hbm>>
        %dma_start3A_246 = tpu.memref_slice %arg12[%dma_start3A_239] : memref<4x!tpu.dma_semaphore, #tpu.memory_space<semaphore_mem>> -> memref<1x!tpu.dma_semaphore, #tpu.memory_space<semaphore_mem>>
        %dma_start3A_247 = tpu.memref_squeeze %dma_start3A_246 : memref<1x!tpu.dma_semaphore, #tpu.memory_space<semaphore_mem>> -> memref<!tpu.dma_semaphore, #tpu.memory_space<semaphore_mem>>
        %dma_start3A_248 = arith.constant 0 : i32
        %dma_start3A_249 = arith.constant 0 : i32
        %dma_start3A_250 = tpu.memref_slice %arg10[%dma_start3A_238, %dma_start3A_248, %dma_start3A_249] : memref<4x80x64xf32, #tpu.memory_space<vmem>> -> memref<1x80x64xf32, #tpu.memory_space<vmem>>
        %dma_start3A_251 = tpu.memref_squeeze %dma_start3A_250 : memref<1x80x64xf32, #tpu.memory_space<vmem>> -> memref<80x64xf32, #tpu.memory_space<vmem>>
        %dma_start3A_252 = arith.constant 0 : i32
        %dma_start3A_253 = tpu.memref_slice %arg2[%add3A_237, %dma_start3A_252] : memref<320000x64xf32, #tpu.memory_space<hbm>> -> memref<80x64xf32, #tpu.memory_space<hbm>>
        tpu.enqueue_dma source(%dma_start3A_253 : memref<80x64xf32, #tpu.memory_space<hbm>>) target(%dma_start3A_251 : memref<80x64xf32, #tpu.memory_space<vmem>>) target_semaphore(%dma_start3A_247 : memref<!tpu.dma_semaphore, #tpu.memory_space<semaphore_mem>>)
      } else {
      }
      %add3A_152 = arith.constant 1 : i32
      %add3A_153 = arith.addi %add3A_134, %add3A_152 : i32
      %lt3A_154 = arith.constant 125 : i32
      %lt3A_155 = arith.cmpi slt, %add3A_153, %lt3A_154 : i32
      %convert_element_type3A_156 = arith.extui %lt3A_155 : i1 to i32
      %cond3A_157 = arith.constant 0 : i32
      %cond3A_158 = arith.cmpi ne, %convert_element_type3A_156, %cond3A_157 : i32
      scf.if %cond3A_158 {
        %dma_wait3A_218 = arith.constant 0 : i32
        %dma_wait3A_219 = arith.constant 1 : i32
        %dma_wait3A_220 = arith.constant 0 : i32
        %dma_wait3A_221 = arith.constant 0 : i32
        %dma_wait3A_222 = tpu.memref_slice %arg3[%add3A, %dma_wait3A_220, %dma_wait3A_221] : memref<32x125x80xi32, #tpu.memory_space<hbm>> -> memref<1x125x80xi32, #tpu.memory_space<hbm>>
        %dma_wait3A_223 = tpu.memref_squeeze %dma_wait3A_222 : memref<1x125x80xi32, #tpu.memory_space<hbm>> -> memref<125x80xi32, #tpu.memory_space<hbm>>
        %dma_wait3A_224 = arith.constant 0 : i32
        %dma_wait3A_225 = tpu.memref_slice %dma_wait3A_223[%dma_wait3A_218, %dma_wait3A_224] : memref<125x80xi32, #tpu.memory_space<hbm>> -> memref<1x80xi32, #tpu.memory_space<hbm>>
        %dma_wait3A_226 = tpu.memref_squeeze %dma_wait3A_225 : memref<1x80xi32, #tpu.memory_space<hbm>> -> memref<80xi32, #tpu.memory_space<hbm>>
        %dma_wait3A_227 = tpu.memref_slice %arg11[%dma_wait3A_219] : memref<4x!tpu.dma_semaphore, #tpu.memory_space<semaphore_mem>> -> memref<1x!tpu.dma_semaphore, #tpu.memory_space<semaphore_mem>>
        %dma_wait3A_228 = tpu.memref_squeeze %dma_wait3A_227 : memref<1x!tpu.dma_semaphore, #tpu.memory_space<semaphore_mem>> -> memref<!tpu.dma_semaphore, #tpu.memory_space<semaphore_mem>>
        %dma_wait3A_229 = arith.constant 0 : i32
        %dma_wait3A_230 = arith.constant 0 : i32
        %dma_wait3A_231 = tpu.memref_slice %arg3[%add3A, %dma_wait3A_229, %dma_wait3A_230] : memref<32x125x80xi32, #tpu.memory_space<hbm>> -> memref<1x125x80xi32, #tpu.memory_space<hbm>>
        %dma_wait3A_232 = tpu.memref_squeeze %dma_wait3A_231 : memref<1x125x80xi32, #tpu.memory_space<hbm>> -> memref<125x80xi32, #tpu.memory_space<hbm>>
        %dma_wait3A_233 = arith.constant 0 : i32
        %dma_wait3A_234 = tpu.memref_slice %dma_wait3A_232[%dma_wait3A_218, %dma_wait3A_233] : memref<125x80xi32, #tpu.memory_space<hbm>> -> memref<1x80xi32, #tpu.memory_space<hbm>>
        %dma_wait3A_235 = tpu.memref_squeeze %dma_wait3A_234 : memref<1x80xi32, #tpu.memory_space<hbm>> -> memref<80xi32, #tpu.memory_space<hbm>>
        tpu.wait_dma2 semaphore(%dma_wait3A_228 : memref<!tpu.dma_semaphore, #tpu.memory_space<semaphore_mem>>) src(%dma_wait3A_235 : memref<80xi32, #tpu.memory_space<hbm>>) dst(%arg7 : memref<80xi32, #tpu.memory_space<vmem>>)
        %dma_wait3A_236 = arith.constant 1 : i32
        %dma_wait3A_237 = arith.constant 1 : i32
        %dma_wait3A_238 = arith.constant 0 : i32
        %dma_wait3A_239 = arith.constant 0 : i32
        %dma_wait3A_240 = tpu.memref_slice %arg10[%dma_wait3A_236, %dma_wait3A_238, %dma_wait3A_239] : memref<4x80x64xf32, #tpu.memory_space<vmem>> -> memref<1x80x64xf32, #tpu.memory_space<vmem>>
        %dma_wait3A_241 = tpu.memref_squeeze %dma_wait3A_240 : memref<1x80x64xf32, #tpu.memory_space<vmem>> -> memref<80x64xf32, #tpu.memory_space<vmem>>
        %dma_wait3A_242 = arith.constant 0 : i32
        %dma_wait3A_243 = arith.constant 0 : i32
        %dma_wait3A_244 = tpu.memref_slice %arg2[%dma_wait3A_242, %dma_wait3A_243] : memref<320000x64xf32, #tpu.memory_space<hbm>> -> memref<80x64xf32, #tpu.memory_space<hbm>>
        %dma_wait3A_245 = tpu.memref_slice %arg12[%dma_wait3A_237] : memref<4x!tpu.dma_semaphore, #tpu.memory_space<semaphore_mem>> -> memref<1x!tpu.dma_semaphore, #tpu.memory_space<semaphore_mem>>
        %dma_wait3A_246 = tpu.memref_squeeze %dma_wait3A_245 : memref<1x!tpu.dma_semaphore, #tpu.memory_space<semaphore_mem>> -> memref<!tpu.dma_semaphore, #tpu.memory_space<semaphore_mem>>
        %dma_wait3A_247 = arith.constant 0 : i32
        %dma_wait3A_248 = arith.constant 0 : i32
        %dma_wait3A_249 = tpu.memref_slice %arg10[%dma_wait3A_236, %dma_wait3A_247, %dma_wait3A_248] : memref<4x80x64xf32, #tpu.memory_space<vmem>> -> memref<1x80x64xf32, #tpu.memory_space<vmem>>
        %dma_wait3A_250 = tpu.memref_squeeze %dma_wait3A_249 : memref<1x80x64xf32, #tpu.memory_space<vmem>> -> memref<80x64xf32, #tpu.memory_space<vmem>>
        %dma_wait3A_251 = arith.constant 0 : i32
        %dma_wait3A_252 = arith.constant 0 : i32
        %dma_wait3A_253 = tpu.memref_slice %arg2[%dma_wait3A_251, %dma_wait3A_252] : memref<320000x64xf32, #tpu.memory_space<hbm>> -> memref<80x64xf32, #tpu.memory_space<hbm>>
        tpu.wait_dma2 semaphore(%dma_wait3A_246 : memref<!tpu.dma_semaphore, #tpu.memory_space<semaphore_mem>>) src(%dma_wait3A_253 : memref<80x64xf32, #tpu.memory_space<hbm>>) dst(%dma_wait3A_250 : memref<80x64xf32, #tpu.memory_space<vmem>>)
        %dma_start3A_254 = arith.constant 1 : i32
        %dma_start3A_255 = arith.constant 1 : i32
        %dma_start3A_256 = arith.constant 0 : i32
        %dma_start3A_257 = arith.constant 0 : i32
        %dma_start3A_258 = tpu.memref_slice %arg10[%dma_start3A_254, %dma_start3A_256, %dma_start3A_257] : memref<4x80x64xf32, #tpu.memory_space<vmem>> -> memref<1x80x64xf32, #tpu.memory_space<vmem>>
        %dma_start3A_259 = tpu.memref_squeeze %dma_start3A_258 : memref<1x80x64xf32, #tpu.memory_space<vmem>> -> memref<80x64xf32, #tpu.memory_space<vmem>>
        %dma_start3A_260 = arith.constant 0 : i32
        %dma_start3A_261 = arith.constant 0 : i32
        %dma_start3A_262 = tpu.memref_slice %arg14[%dma_start3A_260, %dma_start3A_261] : memref<10112x64xf32, #tpu.memory_space<vmem_shared>> -> memref<10112x64xf32, #tpu.memory_space<vmem_shared>>
        %dma_start3A_263 = tpu.memref_slice %arg13[%dma_start3A_255] : memref<4x!tpu.dma_semaphore, #tpu.memory_space<semaphore_mem>> -> memref<1x!tpu.dma_semaphore, #tpu.memory_space<semaphore_mem>>
        %dma_start3A_264 = tpu.memref_squeeze %dma_start3A_263 : memref<1x!tpu.dma_semaphore, #tpu.memory_space<semaphore_mem>> -> memref<!tpu.dma_semaphore, #tpu.memory_space<semaphore_mem>>
        tpu.enqueue_indirect_dma source(%dma_start3A_259 : memref<80x64xf32, #tpu.memory_space<vmem>>) target(%dma_start3A_262 : memref<10112x64xf32, #tpu.memory_space<vmem_shared>>) offsets(%arg7 : memref<80xi32, #tpu.memory_space<vmem>>) semaphore(%dma_start3A_264 : memref<!tpu.dma_semaphore, #tpu.memory_space<semaphore_mem>>) {add = true}
      } else {
      }
      %add3A_159 = arith.constant 2 : i32
      %add3A_160 = arith.addi %add3A_153, %add3A_159 : i32
      %ge3A_161 = arith.constant 4 : i32
      %ge3A_162 = arith.cmpi sge, %add3A_160, %ge3A_161 : i32
      %lt3A_163 = arith.constant 125 : i32
      %lt3A_164 = arith.cmpi slt, %add3A_160, %lt3A_163 : i32
      %and3A_165 = arith.andi %ge3A_162, %lt3A_164 : i1
      %convert_element_type3A_166 = arith.extui %and3A_165 : i1 to i32
      %cond3A_167 = arith.constant 0 : i32
      %cond3A_168 = arith.cmpi ne, %convert_element_type3A_166, %cond3A_167 : i32
      scf.if %cond3A_168 {
        %dma_wait3A_218 = arith.constant 3 : i32
        %dma_wait3A_219 = arith.constant 3 : i32
        %dma_wait3A_220 = arith.constant 0 : i32
        %dma_wait3A_221 = arith.constant 0 : i32
        %dma_wait3A_222 = tpu.memref_slice %arg10[%dma_wait3A_218, %dma_wait3A_220, %dma_wait3A_221] : memref<4x80x64xf32, #tpu.memory_space<vmem>> -> memref<1x80x64xf32, #tpu.memory_space<vmem>>
        %dma_wait3A_223 = tpu.memref_squeeze %dma_wait3A_222 : memref<1x80x64xf32, #tpu.memory_space<vmem>> -> memref<80x64xf32, #tpu.memory_space<vmem>>
        %dma_wait3A_224 = arith.constant 0 : i32
        %dma_wait3A_225 = arith.constant 0 : i32
        %dma_wait3A_226 = tpu.memref_slice %arg14[%dma_wait3A_224, %dma_wait3A_225] : memref<10112x64xf32, #tpu.memory_space<vmem_shared>> -> memref<10112x64xf32, #tpu.memory_space<vmem_shared>>
        %dma_wait3A_227 = tpu.memref_slice %arg13[%dma_wait3A_219] : memref<4x!tpu.dma_semaphore, #tpu.memory_space<semaphore_mem>> -> memref<1x!tpu.dma_semaphore, #tpu.memory_space<semaphore_mem>>
        %dma_wait3A_228 = tpu.memref_squeeze %dma_wait3A_227 : memref<1x!tpu.dma_semaphore, #tpu.memory_space<semaphore_mem>> -> memref<!tpu.dma_semaphore, #tpu.memory_space<semaphore_mem>>
        tpu.wait_indirect_dma semaphore(%dma_wait3A_228 : memref<!tpu.dma_semaphore, #tpu.memory_space<semaphore_mem>>) src(%dma_wait3A_223 : memref<80x64xf32, #tpu.memory_space<vmem>>) dst(%dma_wait3A_226 : memref<10112x64xf32, #tpu.memory_space<vmem_shared>>)
      } else {
      }
      %lt3A_169 = arith.constant 125 : i32
      %lt3A_170 = arith.cmpi slt, %add3A_160, %lt3A_169 : i32
      %convert_element_type3A_171 = arith.extui %lt3A_170 : i1 to i32
      %cond3A_172 = arith.constant 0 : i32
      %cond3A_173 = arith.cmpi ne, %convert_element_type3A_171, %cond3A_172 : i32
      scf.if %cond3A_173 {
        %dma_start3A_218 = arith.constant 3 : i32
        %dma_start3A_219 = arith.constant 0 : i32
        %dma_start3A_220 = arith.constant 0 : i32
        %dma_start3A_221 = tpu.memref_slice %arg3[%add3A, %dma_start3A_219, %dma_start3A_220] : memref<32x125x80xi32, #tpu.memory_space<hbm>> -> memref<1x125x80xi32, #tpu.memory_space<hbm>>
        %dma_start3A_222 = tpu.memref_squeeze %dma_start3A_221 : memref<1x125x80xi32, #tpu.memory_space<hbm>> -> memref<125x80xi32, #tpu.memory_space<hbm>>
        %dma_start3A_223 = arith.constant 0 : i32
        %dma_start3A_224 = tpu.memref_slice %dma_start3A_222[%add3A_160, %dma_start3A_223] : memref<125x80xi32, #tpu.memory_space<hbm>> -> memref<1x80xi32, #tpu.memory_space<hbm>>
        %dma_start3A_225 = tpu.memref_squeeze %dma_start3A_224 : memref<1x80xi32, #tpu.memory_space<hbm>> -> memref<80xi32, #tpu.memory_space<hbm>>
        %dma_start3A_226 = tpu.memref_slice %arg11[%dma_start3A_218] : memref<4x!tpu.dma_semaphore, #tpu.memory_space<semaphore_mem>> -> memref<1x!tpu.dma_semaphore, #tpu.memory_space<semaphore_mem>>
        %dma_start3A_227 = tpu.memref_squeeze %dma_start3A_226 : memref<1x!tpu.dma_semaphore, #tpu.memory_space<semaphore_mem>> -> memref<!tpu.dma_semaphore, #tpu.memory_space<semaphore_mem>>
        %dma_start3A_228 = arith.constant 0 : i32
        %dma_start3A_229 = arith.constant 0 : i32
        %dma_start3A_230 = tpu.memref_slice %arg3[%add3A, %dma_start3A_228, %dma_start3A_229] : memref<32x125x80xi32, #tpu.memory_space<hbm>> -> memref<1x125x80xi32, #tpu.memory_space<hbm>>
        %dma_start3A_231 = tpu.memref_squeeze %dma_start3A_230 : memref<1x125x80xi32, #tpu.memory_space<hbm>> -> memref<125x80xi32, #tpu.memory_space<hbm>>
        %dma_start3A_232 = arith.constant 0 : i32
        %dma_start3A_233 = tpu.memref_slice %dma_start3A_231[%add3A_160, %dma_start3A_232] : memref<125x80xi32, #tpu.memory_space<hbm>> -> memref<1x80xi32, #tpu.memory_space<hbm>>
        %dma_start3A_234 = tpu.memref_squeeze %dma_start3A_233 : memref<1x80xi32, #tpu.memory_space<hbm>> -> memref<80xi32, #tpu.memory_space<hbm>>
        tpu.enqueue_dma source(%dma_start3A_234 : memref<80xi32, #tpu.memory_space<hbm>>) target(%arg9 : memref<80xi32, #tpu.memory_space<vmem>>) target_semaphore(%dma_start3A_227 : memref<!tpu.dma_semaphore, #tpu.memory_space<semaphore_mem>>)
        %mul3A_235 = arith.constant 80 : i32
        %mul3A_236 = arith.muli %add3A_160, %mul3A_235 : i32
        %add3A_237 = arith.addi %mul3A_2, %mul3A_236 : i32
        %dma_start3A_238 = arith.constant 3 : i32
        %dma_start3A_239 = arith.constant 3 : i32
        %dma_start3A_240 = arith.constant 0 : i32
        %dma_start3A_241 = arith.constant 0 : i32
        %dma_start3A_242 = tpu.memref_slice %arg10[%dma_start3A_238, %dma_start3A_240, %dma_start3A_241] : memref<4x80x64xf32, #tpu.memory_space<vmem>> -> memref<1x80x64xf32, #tpu.memory_space<vmem>>
        %dma_start3A_243 = tpu.memref_squeeze %dma_start3A_242 : memref<1x80x64xf32, #tpu.memory_space<vmem>> -> memref<80x64xf32, #tpu.memory_space<vmem>>
        %dma_start3A_244 = arith.constant 0 : i32
        %dma_start3A_245 = tpu.memref_slice %arg2[%add3A_237, %dma_start3A_244] : memref<320000x64xf32, #tpu.memory_space<hbm>> -> memref<80x64xf32, #tpu.memory_space<hbm>>
        %dma_start3A_246 = tpu.memref_slice %arg12[%dma_start3A_239] : memref<4x!tpu.dma_semaphore, #tpu.memory_space<semaphore_mem>> -> memref<1x!tpu.dma_semaphore, #tpu.memory_space<semaphore_mem>>
        %dma_start3A_247 = tpu.memref_squeeze %dma_start3A_246 : memref<1x!tpu.dma_semaphore, #tpu.memory_space<semaphore_mem>> -> memref<!tpu.dma_semaphore, #tpu.memory_space<semaphore_mem>>
        %dma_start3A_248 = arith.constant 0 : i32
        %dma_start3A_249 = arith.constant 0 : i32
        %dma_start3A_250 = tpu.memref_slice %arg10[%dma_start3A_238, %dma_start3A_248, %dma_start3A_249] : memref<4x80x64xf32, #tpu.memory_space<vmem>> -> memref<1x80x64xf32, #tpu.memory_space<vmem>>
        %dma_start3A_251 = tpu.memref_squeeze %dma_start3A_250 : memref<1x80x64xf32, #tpu.memory_space<vmem>> -> memref<80x64xf32, #tpu.memory_space<vmem>>
        %dma_start3A_252 = arith.constant 0 : i32
        %dma_start3A_253 = tpu.memref_slice %arg2[%add3A_237, %dma_start3A_252] : memref<320000x64xf32, #tpu.memory_space<hbm>> -> memref<80x64xf32, #tpu.memory_space<hbm>>
        tpu.enqueue_dma source(%dma_start3A_253 : memref<80x64xf32, #tpu.memory_space<hbm>>) target(%dma_start3A_251 : memref<80x64xf32, #tpu.memory_space<vmem>>) target_semaphore(%dma_start3A_247 : memref<!tpu.dma_semaphore, #tpu.memory_space<semaphore_mem>>)
      } else {
      }
      %add3A_174 = arith.constant 2 : i32
      %add3A_175 = arith.addi %add3A_134, %add3A_174 : i32
      %lt3A_176 = arith.constant 125 : i32
      %lt3A_177 = arith.cmpi slt, %add3A_175, %lt3A_176 : i32
      %convert_element_type3A_178 = arith.extui %lt3A_177 : i1 to i32
      %cond3A_179 = arith.constant 0 : i32
      %cond3A_180 = arith.cmpi ne, %convert_element_type3A_178, %cond3A_179 : i32
      scf.if %cond3A_180 {
        %dma_wait3A_218 = arith.constant 0 : i32
        %dma_wait3A_219 = arith.constant 2 : i32
        %dma_wait3A_220 = arith.constant 0 : i32
        %dma_wait3A_221 = arith.constant 0 : i32
        %dma_wait3A_222 = tpu.memref_slice %arg3[%add3A, %dma_wait3A_220, %dma_wait3A_221] : memref<32x125x80xi32, #tpu.memory_space<hbm>> -> memref<1x125x80xi32, #tpu.memory_space<hbm>>
        %dma_wait3A_223 = tpu.memref_squeeze %dma_wait3A_222 : memref<1x125x80xi32, #tpu.memory_space<hbm>> -> memref<125x80xi32, #tpu.memory_space<hbm>>
        %dma_wait3A_224 = arith.constant 0 : i32
        %dma_wait3A_225 = tpu.memref_slice %dma_wait3A_223[%dma_wait3A_218, %dma_wait3A_224] : memref<125x80xi32, #tpu.memory_space<hbm>> -> memref<1x80xi32, #tpu.memory_space<hbm>>
        %dma_wait3A_226 = tpu.memref_squeeze %dma_wait3A_225 : memref<1x80xi32, #tpu.memory_space<hbm>> -> memref<80xi32, #tpu.memory_space<hbm>>
        %dma_wait3A_227 = tpu.memref_slice %arg11[%dma_wait3A_219] : memref<4x!tpu.dma_semaphore, #tpu.memory_space<semaphore_mem>> -> memref<1x!tpu.dma_semaphore, #tpu.memory_space<semaphore_mem>>
        %dma_wait3A_228 = tpu.memref_squeeze %dma_wait3A_227 : memref<1x!tpu.dma_semaphore, #tpu.memory_space<semaphore_mem>> -> memref<!tpu.dma_semaphore, #tpu.memory_space<semaphore_mem>>
        %dma_wait3A_229 = arith.constant 0 : i32
        %dma_wait3A_230 = arith.constant 0 : i32
        %dma_wait3A_231 = tpu.memref_slice %arg3[%add3A, %dma_wait3A_229, %dma_wait3A_230] : memref<32x125x80xi32, #tpu.memory_space<hbm>> -> memref<1x125x80xi32, #tpu.memory_space<hbm>>
        %dma_wait3A_232 = tpu.memref_squeeze %dma_wait3A_231 : memref<1x125x80xi32, #tpu.memory_space<hbm>> -> memref<125x80xi32, #tpu.memory_space<hbm>>
        %dma_wait3A_233 = arith.constant 0 : i32
        %dma_wait3A_234 = tpu.memref_slice %dma_wait3A_232[%dma_wait3A_218, %dma_wait3A_233] : memref<125x80xi32, #tpu.memory_space<hbm>> -> memref<1x80xi32, #tpu.memory_space<hbm>>
        %dma_wait3A_235 = tpu.memref_squeeze %dma_wait3A_234 : memref<1x80xi32, #tpu.memory_space<hbm>> -> memref<80xi32, #tpu.memory_space<hbm>>
        tpu.wait_dma2 semaphore(%dma_wait3A_228 : memref<!tpu.dma_semaphore, #tpu.memory_space<semaphore_mem>>) src(%dma_wait3A_235 : memref<80xi32, #tpu.memory_space<hbm>>) dst(%arg8 : memref<80xi32, #tpu.memory_space<vmem>>)
        %dma_wait3A_236 = arith.constant 2 : i32
        %dma_wait3A_237 = arith.constant 2 : i32
        %dma_wait3A_238 = arith.constant 0 : i32
        %dma_wait3A_239 = arith.constant 0 : i32
        %dma_wait3A_240 = tpu.memref_slice %arg10[%dma_wait3A_236, %dma_wait3A_238, %dma_wait3A_239] : memref<4x80x64xf32, #tpu.memory_space<vmem>> -> memref<1x80x64xf32, #tpu.memory_space<vmem>>
        %dma_wait3A_241 = tpu.memref_squeeze %dma_wait3A_240 : memref<1x80x64xf32, #tpu.memory_space<vmem>> -> memref<80x64xf32, #tpu.memory_space<vmem>>
        %dma_wait3A_242 = arith.constant 0 : i32
        %dma_wait3A_243 = arith.constant 0 : i32
        %dma_wait3A_244 = tpu.memref_slice %arg2[%dma_wait3A_242, %dma_wait3A_243] : memref<320000x64xf32, #tpu.memory_space<hbm>> -> memref<80x64xf32, #tpu.memory_space<hbm>>
        %dma_wait3A_245 = tpu.memref_slice %arg12[%dma_wait3A_237] : memref<4x!tpu.dma_semaphore, #tpu.memory_space<semaphore_mem>> -> memref<1x!tpu.dma_semaphore, #tpu.memory_space<semaphore_mem>>
        %dma_wait3A_246 = tpu.memref_squeeze %dma_wait3A_245 : memref<1x!tpu.dma_semaphore, #tpu.memory_space<semaphore_mem>> -> memref<!tpu.dma_semaphore, #tpu.memory_space<semaphore_mem>>
        %dma_wait3A_247 = arith.constant 0 : i32
        %dma_wait3A_248 = arith.constant 0 : i32
        %dma_wait3A_249 = tpu.memref_slice %arg10[%dma_wait3A_236, %dma_wait3A_247, %dma_wait3A_248] : memref<4x80x64xf32, #tpu.memory_space<vmem>> -> memref<1x80x64xf32, #tpu.memory_space<vmem>>
        %dma_wait3A_250 = tpu.memref_squeeze %dma_wait3A_249 : memref<1x80x64xf32, #tpu.memory_space<vmem>> -> memref<80x64xf32, #tpu.memory_space<vmem>>
        %dma_wait3A_251 = arith.constant 0 : i32
        %dma_wait3A_252 = arith.constant 0 : i32
        %dma_wait3A_253 = tpu.memref_slice %arg2[%dma_wait3A_251, %dma_wait3A_252] : memref<320000x64xf32, #tpu.memory_space<hbm>> -> memref<80x64xf32, #tpu.memory_space<hbm>>
        tpu.wait_dma2 semaphore(%dma_wait3A_246 : memref<!tpu.dma_semaphore, #tpu.memory_space<semaphore_mem>>) src(%dma_wait3A_253 : memref<80x64xf32, #tpu.memory_space<hbm>>) dst(%dma_wait3A_250 : memref<80x64xf32, #tpu.memory_space<vmem>>)
        %dma_start3A_254 = arith.constant 2 : i32
        %dma_start3A_255 = arith.constant 2 : i32
        %dma_start3A_256 = arith.constant 0 : i32
        %dma_start3A_257 = arith.constant 0 : i32
        %dma_start3A_258 = tpu.memref_slice %arg10[%dma_start3A_254, %dma_start3A_256, %dma_start3A_257] : memref<4x80x64xf32, #tpu.memory_space<vmem>> -> memref<1x80x64xf32, #tpu.memory_space<vmem>>
        %dma_start3A_259 = tpu.memref_squeeze %dma_start3A_258 : memref<1x80x64xf32, #tpu.memory_space<vmem>> -> memref<80x64xf32, #tpu.memory_space<vmem>>
        %dma_start3A_260 = arith.constant 0 : i32
        %dma_start3A_261 = arith.constant 0 : i32
        %dma_start3A_262 = tpu.memref_slice %arg14[%dma_start3A_260, %dma_start3A_261] : memref<10112x64xf32, #tpu.memory_space<vmem_shared>> -> memref<10112x64xf32, #tpu.memory_space<vmem_shared>>
        %dma_start3A_263 = tpu.memref_slice %arg13[%dma_start3A_255] : memref<4x!tpu.dma_semaphore, #tpu.memory_space<semaphore_mem>> -> memref<1x!tpu.dma_semaphore, #tpu.memory_space<semaphore_mem>>
        %dma_start3A_264 = tpu.memref_squeeze %dma_start3A_263 : memref<1x!tpu.dma_semaphore, #tpu.memory_space<semaphore_mem>> -> memref<!tpu.dma_semaphore, #tpu.memory_space<semaphore_mem>>
        tpu.enqueue_indirect_dma source(%dma_start3A_259 : memref<80x64xf32, #tpu.memory_space<vmem>>) target(%dma_start3A_262 : memref<10112x64xf32, #tpu.memory_space<vmem_shared>>) offsets(%arg8 : memref<80xi32, #tpu.memory_space<vmem>>) semaphore(%dma_start3A_264 : memref<!tpu.dma_semaphore, #tpu.memory_space<semaphore_mem>>) {add = true}
      } else {
      }
      %add3A_181 = arith.constant 2 : i32
      %add3A_182 = arith.addi %add3A_175, %add3A_181 : i32
      %ge3A_183 = arith.constant 4 : i32
      %ge3A_184 = arith.cmpi sge, %add3A_182, %ge3A_183 : i32
      %lt3A_185 = arith.constant 125 : i32
      %lt3A_186 = arith.cmpi slt, %add3A_182, %lt3A_185 : i32
      %and3A_187 = arith.andi %ge3A_184, %lt3A_186 : i1
      %convert_element_type3A_188 = arith.extui %and3A_187 : i1 to i32
      %cond3A_189 = arith.constant 0 : i32
      %cond3A_190 = arith.cmpi ne, %convert_element_type3A_188, %cond3A_189 : i32
      scf.if %cond3A_190 {
        %dma_wait3A_218 = arith.constant 0 : i32
        %dma_wait3A_219 = arith.constant 0 : i32
        %dma_wait3A_220 = arith.constant 0 : i32
        %dma_wait3A_221 = arith.constant 0 : i32
        %dma_wait3A_222 = tpu.memref_slice %arg10[%dma_wait3A_218, %dma_wait3A_220, %dma_wait3A_221] : memref<4x80x64xf32, #tpu.memory_space<vmem>> -> memref<1x80x64xf32, #tpu.memory_space<vmem>>
        %dma_wait3A_223 = tpu.memref_squeeze %dma_wait3A_222 : memref<1x80x64xf32, #tpu.memory_space<vmem>> -> memref<80x64xf32, #tpu.memory_space<vmem>>
        %dma_wait3A_224 = arith.constant 0 : i32
        %dma_wait3A_225 = arith.constant 0 : i32
        %dma_wait3A_226 = tpu.memref_slice %arg14[%dma_wait3A_224, %dma_wait3A_225] : memref<10112x64xf32, #tpu.memory_space<vmem_shared>> -> memref<10112x64xf32, #tpu.memory_space<vmem_shared>>
        %dma_wait3A_227 = tpu.memref_slice %arg13[%dma_wait3A_219] : memref<4x!tpu.dma_semaphore, #tpu.memory_space<semaphore_mem>> -> memref<1x!tpu.dma_semaphore, #tpu.memory_space<semaphore_mem>>
        %dma_wait3A_228 = tpu.memref_squeeze %dma_wait3A_227 : memref<1x!tpu.dma_semaphore, #tpu.memory_space<semaphore_mem>> -> memref<!tpu.dma_semaphore, #tpu.memory_space<semaphore_mem>>
        tpu.wait_indirect_dma semaphore(%dma_wait3A_228 : memref<!tpu.dma_semaphore, #tpu.memory_space<semaphore_mem>>) src(%dma_wait3A_223 : memref<80x64xf32, #tpu.memory_space<vmem>>) dst(%dma_wait3A_226 : memref<10112x64xf32, #tpu.memory_space<vmem_shared>>)
      } else {
      }
      %lt3A_191 = arith.constant 125 : i32
      %lt3A_192 = arith.cmpi slt, %add3A_182, %lt3A_191 : i32
      %convert_element_type3A_193 = arith.extui %lt3A_192 : i1 to i32
      %cond3A_194 = arith.constant 0 : i32
      %cond3A_195 = arith.cmpi ne, %convert_element_type3A_193, %cond3A_194 : i32
      scf.if %cond3A_195 {
        %dma_start3A_218 = arith.constant 0 : i32
        %dma_start3A_219 = arith.constant 0 : i32
        %dma_start3A_220 = arith.constant 0 : i32
        %dma_start3A_221 = tpu.memref_slice %arg3[%add3A, %dma_start3A_219, %dma_start3A_220] : memref<32x125x80xi32, #tpu.memory_space<hbm>> -> memref<1x125x80xi32, #tpu.memory_space<hbm>>
        %dma_start3A_222 = tpu.memref_squeeze %dma_start3A_221 : memref<1x125x80xi32, #tpu.memory_space<hbm>> -> memref<125x80xi32, #tpu.memory_space<hbm>>
        %dma_start3A_223 = arith.constant 0 : i32
        %dma_start3A_224 = tpu.memref_slice %dma_start3A_222[%add3A_182, %dma_start3A_223] : memref<125x80xi32, #tpu.memory_space<hbm>> -> memref<1x80xi32, #tpu.memory_space<hbm>>
        %dma_start3A_225 = tpu.memref_squeeze %dma_start3A_224 : memref<1x80xi32, #tpu.memory_space<hbm>> -> memref<80xi32, #tpu.memory_space<hbm>>
        %dma_start3A_226 = tpu.memref_slice %arg11[%dma_start3A_218] : memref<4x!tpu.dma_semaphore, #tpu.memory_space<semaphore_mem>> -> memref<1x!tpu.dma_semaphore, #tpu.memory_space<semaphore_mem>>
        %dma_start3A_227 = tpu.memref_squeeze %dma_start3A_226 : memref<1x!tpu.dma_semaphore, #tpu.memory_space<semaphore_mem>> -> memref<!tpu.dma_semaphore, #tpu.memory_space<semaphore_mem>>
        %dma_start3A_228 = arith.constant 0 : i32
        %dma_start3A_229 = arith.constant 0 : i32
        %dma_start3A_230 = tpu.memref_slice %arg3[%add3A, %dma_start3A_228, %dma_start3A_229] : memref<32x125x80xi32, #tpu.memory_space<hbm>> -> memref<1x125x80xi32, #tpu.memory_space<hbm>>
        %dma_start3A_231 = tpu.memref_squeeze %dma_start3A_230 : memref<1x125x80xi32, #tpu.memory_space<hbm>> -> memref<125x80xi32, #tpu.memory_space<hbm>>
        %dma_start3A_232 = arith.constant 0 : i32
        %dma_start3A_233 = tpu.memref_slice %dma_start3A_231[%add3A_182, %dma_start3A_232] : memref<125x80xi32, #tpu.memory_space<hbm>> -> memref<1x80xi32, #tpu.memory_space<hbm>>
        %dma_start3A_234 = tpu.memref_squeeze %dma_start3A_233 : memref<1x80xi32, #tpu.memory_space<hbm>> -> memref<80xi32, #tpu.memory_space<hbm>>
        tpu.enqueue_dma source(%dma_start3A_234 : memref<80xi32, #tpu.memory_space<hbm>>) target(%arg6 : memref<80xi32, #tpu.memory_space<vmem>>) target_semaphore(%dma_start3A_227 : memref<!tpu.dma_semaphore, #tpu.memory_space<semaphore_mem>>)
        %mul3A_235 = arith.constant 80 : i32
        %mul3A_236 = arith.muli %add3A_182, %mul3A_235 : i32
        %add3A_237 = arith.addi %mul3A_2, %mul3A_236 : i32
        %dma_start3A_238 = arith.constant 0 : i32
        %dma_start3A_239 = arith.constant 0 : i32
        %dma_start3A_240 = arith.constant 0 : i32
        %dma_start3A_241 = arith.constant 0 : i32
        %dma_start3A_242 = tpu.memref_slice %arg10[%dma_start3A_238, %dma_start3A_240, %dma_start3A_241] : memref<4x80x64xf32, #tpu.memory_space<vmem>> -> memref<1x80x64xf32, #tpu.memory_space<vmem>>
        %dma_start3A_243 = tpu.memref_squeeze %dma_start3A_242 : memref<1x80x64xf32, #tpu.memory_space<vmem>> -> memref<80x64xf32, #tpu.memory_space<vmem>>
        %dma_start3A_244 = arith.constant 0 : i32
        %dma_start3A_245 = tpu.memref_slice %arg2[%add3A_237, %dma_start3A_244] : memref<320000x64xf32, #tpu.memory_space<hbm>> -> memref<80x64xf32, #tpu.memory_space<hbm>>
        %dma_start3A_246 = tpu.memref_slice %arg12[%dma_start3A_239] : memref<4x!tpu.dma_semaphore, #tpu.memory_space<semaphore_mem>> -> memref<1x!tpu.dma_semaphore, #tpu.memory_space<semaphore_mem>>
        %dma_start3A_247 = tpu.memref_squeeze %dma_start3A_246 : memref<1x!tpu.dma_semaphore, #tpu.memory_space<semaphore_mem>> -> memref<!tpu.dma_semaphore, #tpu.memory_space<semaphore_mem>>
        %dma_start3A_248 = arith.constant 0 : i32
        %dma_start3A_249 = arith.constant 0 : i32
        %dma_start3A_250 = tpu.memref_slice %arg10[%dma_start3A_238, %dma_start3A_248, %dma_start3A_249] : memref<4x80x64xf32, #tpu.memory_space<vmem>> -> memref<1x80x64xf32, #tpu.memory_space<vmem>>
        %dma_start3A_251 = tpu.memref_squeeze %dma_start3A_250 : memref<1x80x64xf32, #tpu.memory_space<vmem>> -> memref<80x64xf32, #tpu.memory_space<vmem>>
        %dma_start3A_252 = arith.constant 0 : i32
        %dma_start3A_253 = tpu.memref_slice %arg2[%add3A_237, %dma_start3A_252] : memref<320000x64xf32, #tpu.memory_space<hbm>> -> memref<80x64xf32, #tpu.memory_space<hbm>>
        tpu.enqueue_dma source(%dma_start3A_253 : memref<80x64xf32, #tpu.memory_space<hbm>>) target(%dma_start3A_251 : memref<80x64xf32, #tpu.memory_space<vmem>>) target_semaphore(%dma_start3A_247 : memref<!tpu.dma_semaphore, #tpu.memory_space<semaphore_mem>>)
      } else {
      }
      %add3A_196 = arith.constant 3 : i32
      %add3A_197 = arith.addi %add3A_134, %add3A_196 : i32
      %lt3A_198 = arith.constant 125 : i32
      %lt3A_199 = arith.cmpi slt, %add3A_197, %lt3A_198 : i32
      %convert_element_type3A_200 = arith.extui %lt3A_199 : i1 to i32
      %cond3A_201 = arith.constant 0 : i32
      %cond3A_202 = arith.cmpi ne, %convert_element_type3A_200, %cond3A_201 : i32
      scf.if %cond3A_202 {
        %dma_wait3A_218 = arith.constant 0 : i32
        %dma_wait3A_219 = arith.constant 3 : i32
        %dma_wait3A_220 = arith.constant 0 : i32
        %dma_wait3A_221 = arith.constant 0 : i32
        %dma_wait3A_222 = tpu.memref_slice %arg3[%add3A, %dma_wait3A_220, %dma_wait3A_221] : memref<32x125x80xi32, #tpu.memory_space<hbm>> -> memref<1x125x80xi32, #tpu.memory_space<hbm>>
        %dma_wait3A_223 = tpu.memref_squeeze %dma_wait3A_222 : memref<1x125x80xi32, #tpu.memory_space<hbm>> -> memref<125x80xi32, #tpu.memory_space<hbm>>
        %dma_wait3A_224 = arith.constant 0 : i32
        %dma_wait3A_225 = tpu.memref_slice %dma_wait3A_223[%dma_wait3A_218, %dma_wait3A_224] : memref<125x80xi32, #tpu.memory_space<hbm>> -> memref<1x80xi32, #tpu.memory_space<hbm>>
        %dma_wait3A_226 = tpu.memref_squeeze %dma_wait3A_225 : memref<1x80xi32, #tpu.memory_space<hbm>> -> memref<80xi32, #tpu.memory_space<hbm>>
        %dma_wait3A_227 = tpu.memref_slice %arg11[%dma_wait3A_219] : memref<4x!tpu.dma_semaphore, #tpu.memory_space<semaphore_mem>> -> memref<1x!tpu.dma_semaphore, #tpu.memory_space<semaphore_mem>>
        %dma_wait3A_228 = tpu.memref_squeeze %dma_wait3A_227 : memref<1x!tpu.dma_semaphore, #tpu.memory_space<semaphore_mem>> -> memref<!tpu.dma_semaphore, #tpu.memory_space<semaphore_mem>>
        %dma_wait3A_229 = arith.constant 0 : i32
        %dma_wait3A_230 = arith.constant 0 : i32
        %dma_wait3A_231 = tpu.memref_slice %arg3[%add3A, %dma_wait3A_229, %dma_wait3A_230] : memref<32x125x80xi32, #tpu.memory_space<hbm>> -> memref<1x125x80xi32, #tpu.memory_space<hbm>>
        %dma_wait3A_232 = tpu.memref_squeeze %dma_wait3A_231 : memref<1x125x80xi32, #tpu.memory_space<hbm>> -> memref<125x80xi32, #tpu.memory_space<hbm>>
        %dma_wait3A_233 = arith.constant 0 : i32
        %dma_wait3A_234 = tpu.memref_slice %dma_wait3A_232[%dma_wait3A_218, %dma_wait3A_233] : memref<125x80xi32, #tpu.memory_space<hbm>> -> memref<1x80xi32, #tpu.memory_space<hbm>>
        %dma_wait3A_235 = tpu.memref_squeeze %dma_wait3A_234 : memref<1x80xi32, #tpu.memory_space<hbm>> -> memref<80xi32, #tpu.memory_space<hbm>>
        tpu.wait_dma2 semaphore(%dma_wait3A_228 : memref<!tpu.dma_semaphore, #tpu.memory_space<semaphore_mem>>) src(%dma_wait3A_235 : memref<80xi32, #tpu.memory_space<hbm>>) dst(%arg9 : memref<80xi32, #tpu.memory_space<vmem>>)
        %dma_wait3A_236 = arith.constant 3 : i32
        %dma_wait3A_237 = arith.constant 3 : i32
        %dma_wait3A_238 = arith.constant 0 : i32
        %dma_wait3A_239 = arith.constant 0 : i32
        %dma_wait3A_240 = tpu.memref_slice %arg10[%dma_wait3A_236, %dma_wait3A_238, %dma_wait3A_239] : memref<4x80x64xf32, #tpu.memory_space<vmem>> -> memref<1x80x64xf32, #tpu.memory_space<vmem>>
        %dma_wait3A_241 = tpu.memref_squeeze %dma_wait3A_240 : memref<1x80x64xf32, #tpu.memory_space<vmem>> -> memref<80x64xf32, #tpu.memory_space<vmem>>
        %dma_wait3A_242 = arith.constant 0 : i32
        %dma_wait3A_243 = arith.constant 0 : i32
        %dma_wait3A_244 = tpu.memref_slice %arg2[%dma_wait3A_242, %dma_wait3A_243] : memref<320000x64xf32, #tpu.memory_space<hbm>> -> memref<80x64xf32, #tpu.memory_space<hbm>>
        %dma_wait3A_245 = tpu.memref_slice %arg12[%dma_wait3A_237] : memref<4x!tpu.dma_semaphore, #tpu.memory_space<semaphore_mem>> -> memref<1x!tpu.dma_semaphore, #tpu.memory_space<semaphore_mem>>
        %dma_wait3A_246 = tpu.memref_squeeze %dma_wait3A_245 : memref<1x!tpu.dma_semaphore, #tpu.memory_space<semaphore_mem>> -> memref<!tpu.dma_semaphore, #tpu.memory_space<semaphore_mem>>
        %dma_wait3A_247 = arith.constant 0 : i32
        %dma_wait3A_248 = arith.constant 0 : i32
        %dma_wait3A_249 = tpu.memref_slice %arg10[%dma_wait3A_236, %dma_wait3A_247, %dma_wait3A_248] : memref<4x80x64xf32, #tpu.memory_space<vmem>> -> memref<1x80x64xf32, #tpu.memory_space<vmem>>
        %dma_wait3A_250 = tpu.memref_squeeze %dma_wait3A_249 : memref<1x80x64xf32, #tpu.memory_space<vmem>> -> memref<80x64xf32, #tpu.memory_space<vmem>>
        %dma_wait3A_251 = arith.constant 0 : i32
        %dma_wait3A_252 = arith.constant 0 : i32
        %dma_wait3A_253 = tpu.memref_slice %arg2[%dma_wait3A_251, %dma_wait3A_252] : memref<320000x64xf32, #tpu.memory_space<hbm>> -> memref<80x64xf32, #tpu.memory_space<hbm>>
        tpu.wait_dma2 semaphore(%dma_wait3A_246 : memref<!tpu.dma_semaphore, #tpu.memory_space<semaphore_mem>>) src(%dma_wait3A_253 : memref<80x64xf32, #tpu.memory_space<hbm>>) dst(%dma_wait3A_250 : memref<80x64xf32, #tpu.memory_space<vmem>>)
        %dma_start3A_254 = arith.constant 3 : i32
        %dma_start3A_255 = arith.constant 3 : i32
        %dma_start3A_256 = arith.constant 0 : i32
        %dma_start3A_257 = arith.constant 0 : i32
        %dma_start3A_258 = tpu.memref_slice %arg10[%dma_start3A_254, %dma_start3A_256, %dma_start3A_257] : memref<4x80x64xf32, #tpu.memory_space<vmem>> -> memref<1x80x64xf32, #tpu.memory_space<vmem>>
        %dma_start3A_259 = tpu.memref_squeeze %dma_start3A_258 : memref<1x80x64xf32, #tpu.memory_space<vmem>> -> memref<80x64xf32, #tpu.memory_space<vmem>>
        %dma_start3A_260 = arith.constant 0 : i32
        %dma_start3A_261 = arith.constant 0 : i32
        %dma_start3A_262 = tpu.memref_slice %arg14[%dma_start3A_260, %dma_start3A_261] : memref<10112x64xf32, #tpu.memory_space<vmem_shared>> -> memref<10112x64xf32, #tpu.memory_space<vmem_shared>>
        %dma_start3A_263 = tpu.memref_slice %arg13[%dma_start3A_255] : memref<4x!tpu.dma_semaphore, #tpu.memory_space<semaphore_mem>> -> memref<1x!tpu.dma_semaphore, #tpu.memory_space<semaphore_mem>>
        %dma_start3A_264 = tpu.memref_squeeze %dma_start3A_263 : memref<1x!tpu.dma_semaphore, #tpu.memory_space<semaphore_mem>> -> memref<!tpu.dma_semaphore, #tpu.memory_space<semaphore_mem>>
        tpu.enqueue_indirect_dma source(%dma_start3A_259 : memref<80x64xf32, #tpu.memory_space<vmem>>) target(%dma_start3A_262 : memref<10112x64xf32, #tpu.memory_space<vmem_shared>>) offsets(%arg9 : memref<80xi32, #tpu.memory_space<vmem>>) semaphore(%dma_start3A_264 : memref<!tpu.dma_semaphore, #tpu.memory_space<semaphore_mem>>) {add = true}
      } else {
      }
      %add3A_203 = arith.constant 2 : i32
      %add3A_204 = arith.addi %add3A_197, %add3A_203 : i32
      %ge3A_205 = arith.constant 4 : i32
      %ge3A_206 = arith.cmpi sge, %add3A_204, %ge3A_205 : i32
      %lt3A_207 = arith.constant 125 : i32
      %lt3A_208 = arith.cmpi slt, %add3A_204, %lt3A_207 : i32
      %and3A_209 = arith.andi %ge3A_206, %lt3A_208 : i1
      %convert_element_type3A_210 = arith.extui %and3A_209 : i1 to i32
      %cond3A_211 = arith.constant 0 : i32
      %cond3A_212 = arith.cmpi ne, %convert_element_type3A_210, %cond3A_211 : i32
      scf.if %cond3A_212 {
        %dma_wait3A_218 = arith.constant 1 : i32
        %dma_wait3A_219 = arith.constant 1 : i32
        %dma_wait3A_220 = arith.constant 0 : i32
        %dma_wait3A_221 = arith.constant 0 : i32
        %dma_wait3A_222 = tpu.memref_slice %arg10[%dma_wait3A_218, %dma_wait3A_220, %dma_wait3A_221] : memref<4x80x64xf32, #tpu.memory_space<vmem>> -> memref<1x80x64xf32, #tpu.memory_space<vmem>>
        %dma_wait3A_223 = tpu.memref_squeeze %dma_wait3A_222 : memref<1x80x64xf32, #tpu.memory_space<vmem>> -> memref<80x64xf32, #tpu.memory_space<vmem>>
        %dma_wait3A_224 = arith.constant 0 : i32
        %dma_wait3A_225 = arith.constant 0 : i32
        %dma_wait3A_226 = tpu.memref_slice %arg14[%dma_wait3A_224, %dma_wait3A_225] : memref<10112x64xf32, #tpu.memory_space<vmem_shared>> -> memref<10112x64xf32, #tpu.memory_space<vmem_shared>>
        %dma_wait3A_227 = tpu.memref_slice %arg13[%dma_wait3A_219] : memref<4x!tpu.dma_semaphore, #tpu.memory_space<semaphore_mem>> -> memref<1x!tpu.dma_semaphore, #tpu.memory_space<semaphore_mem>>
        %dma_wait3A_228 = tpu.memref_squeeze %dma_wait3A_227 : memref<1x!tpu.dma_semaphore, #tpu.memory_space<semaphore_mem>> -> memref<!tpu.dma_semaphore, #tpu.memory_space<semaphore_mem>>
        tpu.wait_indirect_dma semaphore(%dma_wait3A_228 : memref<!tpu.dma_semaphore, #tpu.memory_space<semaphore_mem>>) src(%dma_wait3A_223 : memref<80x64xf32, #tpu.memory_space<vmem>>) dst(%dma_wait3A_226 : memref<10112x64xf32, #tpu.memory_space<vmem_shared>>)
      } else {
      }
      %lt3A_213 = arith.constant 125 : i32
      %lt3A_214 = arith.cmpi slt, %add3A_204, %lt3A_213 : i32
      %convert_element_type3A_215 = arith.extui %lt3A_214 : i1 to i32
      %cond3A_216 = arith.constant 0 : i32
      %cond3A_217 = arith.cmpi ne, %convert_element_type3A_215, %cond3A_216 : i32
      scf.if %cond3A_217 {
        %dma_start3A_218 = arith.constant 1 : i32
        %dma_start3A_219 = arith.constant 0 : i32
        %dma_start3A_220 = arith.constant 0 : i32
        %dma_start3A_221 = tpu.memref_slice %arg3[%add3A, %dma_start3A_219, %dma_start3A_220] : memref<32x125x80xi32, #tpu.memory_space<hbm>> -> memref<1x125x80xi32, #tpu.memory_space<hbm>>
        %dma_start3A_222 = tpu.memref_squeeze %dma_start3A_221 : memref<1x125x80xi32, #tpu.memory_space<hbm>> -> memref<125x80xi32, #tpu.memory_space<hbm>>
        %dma_start3A_223 = arith.constant 0 : i32
        %dma_start3A_224 = tpu.memref_slice %dma_start3A_222[%add3A_204, %dma_start3A_223] : memref<125x80xi32, #tpu.memory_space<hbm>> -> memref<1x80xi32, #tpu.memory_space<hbm>>
        %dma_start3A_225 = tpu.memref_squeeze %dma_start3A_224 : memref<1x80xi32, #tpu.memory_space<hbm>> -> memref<80xi32, #tpu.memory_space<hbm>>
        %dma_start3A_226 = tpu.memref_slice %arg11[%dma_start3A_218] : memref<4x!tpu.dma_semaphore, #tpu.memory_space<semaphore_mem>> -> memref<1x!tpu.dma_semaphore, #tpu.memory_space<semaphore_mem>>
        %dma_start3A_227 = tpu.memref_squeeze %dma_start3A_226 : memref<1x!tpu.dma_semaphore, #tpu.memory_space<semaphore_mem>> -> memref<!tpu.dma_semaphore, #tpu.memory_space<semaphore_mem>>
        %dma_start3A_228 = arith.constant 0 : i32
        %dma_start3A_229 = arith.constant 0 : i32
        %dma_start3A_230 = tpu.memref_slice %arg3[%add3A, %dma_start3A_228, %dma_start3A_229] : memref<32x125x80xi32, #tpu.memory_space<hbm>> -> memref<1x125x80xi32, #tpu.memory_space<hbm>>
        %dma_start3A_231 = tpu.memref_squeeze %dma_start3A_230 : memref<1x125x80xi32, #tpu.memory_space<hbm>> -> memref<125x80xi32, #tpu.memory_space<hbm>>
        %dma_start3A_232 = arith.constant 0 : i32
        %dma_start3A_233 = tpu.memref_slice %dma_start3A_231[%add3A_204, %dma_start3A_232] : memref<125x80xi32, #tpu.memory_space<hbm>> -> memref<1x80xi32, #tpu.memory_space<hbm>>
        %dma_start3A_234 = tpu.memref_squeeze %dma_start3A_233 : memref<1x80xi32, #tpu.memory_space<hbm>> -> memref<80xi32, #tpu.memory_space<hbm>>
        tpu.enqueue_dma source(%dma_start3A_234 : memref<80xi32, #tpu.memory_space<hbm>>) target(%arg7 : memref<80xi32, #tpu.memory_space<vmem>>) target_semaphore(%dma_start3A_227 : memref<!tpu.dma_semaphore, #tpu.memory_space<semaphore_mem>>)
        %mul3A_235 = arith.constant 80 : i32
        %mul3A_236 = arith.muli %add3A_204, %mul3A_235 : i32
        %add3A_237 = arith.addi %mul3A_2, %mul3A_236 : i32
        %dma_start3A_238 = arith.constant 1 : i32
        %dma_start3A_239 = arith.constant 1 : i32
        %dma_start3A_240 = arith.constant 0 : i32
        %dma_start3A_241 = arith.constant 0 : i32
        %dma_start3A_242 = tpu.memref_slice %arg10[%dma_start3A_238, %dma_start3A_240, %dma_start3A_241] : memref<4x80x64xf32, #tpu.memory_space<vmem>> -> memref<1x80x64xf32, #tpu.memory_space<vmem>>
        %dma_start3A_243 = tpu.memref_squeeze %dma_start3A_242 : memref<1x80x64xf32, #tpu.memory_space<vmem>> -> memref<80x64xf32, #tpu.memory_space<vmem>>
        %dma_start3A_244 = arith.constant 0 : i32
        %dma_start3A_245 = tpu.memref_slice %arg2[%add3A_237, %dma_start3A_244] : memref<320000x64xf32, #tpu.memory_space<hbm>> -> memref<80x64xf32, #tpu.memory_space<hbm>>
        %dma_start3A_246 = tpu.memref_slice %arg12[%dma_start3A_239] : memref<4x!tpu.dma_semaphore, #tpu.memory_space<semaphore_mem>> -> memref<1x!tpu.dma_semaphore, #tpu.memory_space<semaphore_mem>>
        %dma_start3A_247 = tpu.memref_squeeze %dma_start3A_246 : memref<1x!tpu.dma_semaphore, #tpu.memory_space<semaphore_mem>> -> memref<!tpu.dma_semaphore, #tpu.memory_space<semaphore_mem>>
        %dma_start3A_248 = arith.constant 0 : i32
        %dma_start3A_249 = arith.constant 0 : i32
        %dma_start3A_250 = tpu.memref_slice %arg10[%dma_start3A_238, %dma_start3A_248, %dma_start3A_249] : memref<4x80x64xf32, #tpu.memory_space<vmem>> -> memref<1x80x64xf32, #tpu.memory_space<vmem>>
        %dma_start3A_251 = tpu.memref_squeeze %dma_start3A_250 : memref<1x80x64xf32, #tpu.memory_space<vmem>> -> memref<80x64xf32, #tpu.memory_space<vmem>>
        %dma_start3A_252 = arith.constant 0 : i32
        %dma_start3A_253 = tpu.memref_slice %arg2[%add3A_237, %dma_start3A_252] : memref<320000x64xf32, #tpu.memory_space<hbm>> -> memref<80x64xf32, #tpu.memory_space<hbm>>
        tpu.enqueue_dma source(%dma_start3A_253 : memref<80x64xf32, #tpu.memory_space<hbm>>) target(%dma_start3A_251 : memref<80x64xf32, #tpu.memory_space<vmem>>) target_semaphore(%dma_start3A_247 : memref<!tpu.dma_semaphore, #tpu.memory_space<semaphore_mem>>)
      } else {
      }
    }
    %scan3A_81 = arith.constant 32 : i32
    %dma_wait3A = arith.constant 0 : i32
    %dma_wait3A_82 = arith.constant 0 : i32
    %dma_wait3A_83 = arith.constant 0 : i32
    %dma_wait3A_84 = arith.constant 0 : i32
    %dma_wait3A_85 = tpu.memref_slice %arg10[%dma_wait3A, %dma_wait3A_83, %dma_wait3A_84] : memref<4x80x64xf32, #tpu.memory_space<vmem>> -> memref<1x80x64xf32, #tpu.memory_space<vmem>>
    %dma_wait3A_86 = tpu.memref_squeeze %dma_wait3A_85 : memref<1x80x64xf32, #tpu.memory_space<vmem>> -> memref<80x64xf32, #tpu.memory_space<vmem>>
    %dma_wait3A_87 = arith.constant 0 : i32
    %dma_wait3A_88 = arith.constant 0 : i32
    %dma_wait3A_89 = tpu.memref_slice %arg14[%dma_wait3A_87, %dma_wait3A_88] : memref<10112x64xf32, #tpu.memory_space<vmem_shared>> -> memref<10112x64xf32, #tpu.memory_space<vmem_shared>>
    %dma_wait3A_90 = tpu.memref_slice %arg13[%dma_wait3A_82] : memref<4x!tpu.dma_semaphore, #tpu.memory_space<semaphore_mem>> -> memref<1x!tpu.dma_semaphore, #tpu.memory_space<semaphore_mem>>
    %dma_wait3A_91 = tpu.memref_squeeze %dma_wait3A_90 : memref<1x!tpu.dma_semaphore, #tpu.memory_space<semaphore_mem>> -> memref<!tpu.dma_semaphore, #tpu.memory_space<semaphore_mem>>
    tpu.wait_indirect_dma semaphore(%dma_wait3A_91 : memref<!tpu.dma_semaphore, #tpu.memory_space<semaphore_mem>>) src(%dma_wait3A_86 : memref<80x64xf32, #tpu.memory_space<vmem>>) dst(%dma_wait3A_89 : memref<10112x64xf32, #tpu.memory_space<vmem_shared>>)
    %dma_wait3A_92 = arith.constant 1 : i32
    %dma_wait3A_93 = arith.constant 1 : i32
    %dma_wait3A_94 = arith.constant 0 : i32
    %dma_wait3A_95 = arith.constant 0 : i32
    %dma_wait3A_96 = tpu.memref_slice %arg10[%dma_wait3A_92, %dma_wait3A_94, %dma_wait3A_95] : memref<4x80x64xf32, #tpu.memory_space<vmem>> -> memref<1x80x64xf32, #tpu.memory_space<vmem>>
    %dma_wait3A_97 = tpu.memref_squeeze %dma_wait3A_96 : memref<1x80x64xf32, #tpu.memory_space<vmem>> -> memref<80x64xf32, #tpu.memory_space<vmem>>
    %dma_wait3A_98 = arith.constant 0 : i32
    %dma_wait3A_99 = arith.constant 0 : i32
    %dma_wait3A_100 = tpu.memref_slice %arg14[%dma_wait3A_98, %dma_wait3A_99] : memref<10112x64xf32, #tpu.memory_space<vmem_shared>> -> memref<10112x64xf32, #tpu.memory_space<vmem_shared>>
    %dma_wait3A_101 = tpu.memref_slice %arg13[%dma_wait3A_93] : memref<4x!tpu.dma_semaphore, #tpu.memory_space<semaphore_mem>> -> memref<1x!tpu.dma_semaphore, #tpu.memory_space<semaphore_mem>>
    %dma_wait3A_102 = tpu.memref_squeeze %dma_wait3A_101 : memref<1x!tpu.dma_semaphore, #tpu.memory_space<semaphore_mem>> -> memref<!tpu.dma_semaphore, #tpu.memory_space<semaphore_mem>>
    tpu.wait_indirect_dma semaphore(%dma_wait3A_102 : memref<!tpu.dma_semaphore, #tpu.memory_space<semaphore_mem>>) src(%dma_wait3A_97 : memref<80x64xf32, #tpu.memory_space<vmem>>) dst(%dma_wait3A_100 : memref<10112x64xf32, #tpu.memory_space<vmem_shared>>)
    %dma_wait3A_103 = arith.constant 2 : i32
    %dma_wait3A_104 = arith.constant 2 : i32
    %dma_wait3A_105 = arith.constant 0 : i32
    %dma_wait3A_106 = arith.constant 0 : i32
    %dma_wait3A_107 = tpu.memref_slice %arg10[%dma_wait3A_103, %dma_wait3A_105, %dma_wait3A_106] : memref<4x80x64xf32, #tpu.memory_space<vmem>> -> memref<1x80x64xf32, #tpu.memory_space<vmem>>
    %dma_wait3A_108 = tpu.memref_squeeze %dma_wait3A_107 : memref<1x80x64xf32, #tpu.memory_space<vmem>> -> memref<80x64xf32, #tpu.memory_space<vmem>>
    %dma_wait3A_109 = arith.constant 0 : i32
    %dma_wait3A_110 = arith.constant 0 : i32
    %dma_wait3A_111 = tpu.memref_slice %arg14[%dma_wait3A_109, %dma_wait3A_110] : memref<10112x64xf32, #tpu.memory_space<vmem_shared>> -> memref<10112x64xf32, #tpu.memory_space<vmem_shared>>
    %dma_wait3A_112 = tpu.memref_slice %arg13[%dma_wait3A_104] : memref<4x!tpu.dma_semaphore, #tpu.memory_space<semaphore_mem>> -> memref<1x!tpu.dma_semaphore, #tpu.memory_space<semaphore_mem>>
    %dma_wait3A_113 = tpu.memref_squeeze %dma_wait3A_112 : memref<1x!tpu.dma_semaphore, #tpu.memory_space<semaphore_mem>> -> memref<!tpu.dma_semaphore, #tpu.memory_space<semaphore_mem>>
    tpu.wait_indirect_dma semaphore(%dma_wait3A_113 : memref<!tpu.dma_semaphore, #tpu.memory_space<semaphore_mem>>) src(%dma_wait3A_108 : memref<80x64xf32, #tpu.memory_space<vmem>>) dst(%dma_wait3A_111 : memref<10112x64xf32, #tpu.memory_space<vmem_shared>>)
    %dma_wait3A_114 = arith.constant 3 : i32
    %dma_wait3A_115 = arith.constant 3 : i32
    %dma_wait3A_116 = arith.constant 0 : i32
    %dma_wait3A_117 = arith.constant 0 : i32
    %dma_wait3A_118 = tpu.memref_slice %arg10[%dma_wait3A_114, %dma_wait3A_116, %dma_wait3A_117] : memref<4x80x64xf32, #tpu.memory_space<vmem>> -> memref<1x80x64xf32, #tpu.memory_space<vmem>>
    %dma_wait3A_119 = tpu.memref_squeeze %dma_wait3A_118 : memref<1x80x64xf32, #tpu.memory_space<vmem>> -> memref<80x64xf32, #tpu.memory_space<vmem>>
    %dma_wait3A_120 = arith.constant 0 : i32
    %dma_wait3A_121 = arith.constant 0 : i32
    %dma_wait3A_122 = tpu.memref_slice %arg14[%dma_wait3A_120, %dma_wait3A_121] : memref<10112x64xf32, #tpu.memory_space<vmem_shared>> -> memref<10112x64xf32, #tpu.memory_space<vmem_shared>>
    %dma_wait3A_123 = tpu.memref_slice %arg13[%dma_wait3A_115] : memref<4x!tpu.dma_semaphore, #tpu.memory_space<semaphore_mem>> -> memref<1x!tpu.dma_semaphore, #tpu.memory_space<semaphore_mem>>
    %dma_wait3A_124 = tpu.memref_squeeze %dma_wait3A_123 : memref<1x!tpu.dma_semaphore, #tpu.memory_space<semaphore_mem>> -> memref<!tpu.dma_semaphore, #tpu.memory_space<semaphore_mem>>
    tpu.wait_indirect_dma semaphore(%dma_wait3A_124 : memref<!tpu.dma_semaphore, #tpu.memory_space<semaphore_mem>>) src(%dma_wait3A_119 : memref<80x64xf32, #tpu.memory_space<vmem>>) dst(%dma_wait3A_122 : memref<10112x64xf32, #tpu.memory_space<vmem_shared>>)
    %barrier3A_125 = arith.constant 0 : index
    tpu.barrier barrier_id(%barrier3A_125)
    %mul3A_126 = arith.constant 632 : i32
    %mul3A_127 = arith.muli %arg1, %mul3A_126 : i32
    %mul3A_128 = arith.constant 632 : i32
    %mul3A_129 = arith.muli %arg1, %mul3A_128 : i32
    "tpu.region"() ({
      %run_scoped3A = tpu.sem_alloc : memref<!tpu.dma_semaphore, #tpu.memory_space<semaphore_mem>>
      %dma_start3A_130 = arith.constant 0 : i32
      %dma_start3A_131 = tpu.memref_slice %arg5[%arg0, %mul3A_129, %dma_start3A_130] : memref<2x10112x64xf32, #tpu.memory_space<hbm>> -> memref<1x632x64xf32, #tpu.memory_space<hbm>>
      %dma_start3A_132 = tpu.memref_squeeze %dma_start3A_131 : memref<1x632x64xf32, #tpu.memory_space<hbm>> -> memref<632x64xf32, #tpu.memory_space<hbm>>
      %dma_start3A_133 = arith.constant 0 : i32
      %dma_start3A_134 = tpu.memref_slice %arg14[%mul3A_127, %dma_start3A_133] : memref<10112x64xf32, #tpu.memory_space<vmem_shared>> -> memref<632x64xf32, #tpu.memory_space<vmem_shared>>
      tpu.enqueue_dma source(%dma_start3A_134 : memref<632x64xf32, #tpu.memory_space<vmem_shared>>) target(%dma_start3A_132 : memref<632x64xf32, #tpu.memory_space<hbm>>) target_semaphore(%run_scoped3A : memref<!tpu.dma_semaphore, #tpu.memory_space<semaphore_mem>>)
      %dma_wait3A_135 = arith.constant 0 : i32
      %dma_wait3A_136 = tpu.memref_slice %arg5[%arg0, %mul3A_129, %dma_wait3A_135] : memref<2x10112x64xf32, #tpu.memory_space<hbm>> -> memref<1x632x64xf32, #tpu.memory_space<hbm>>
      %dma_wait3A_137 = tpu.memref_squeeze %dma_wait3A_136 : memref<1x632x64xf32, #tpu.memory_space<hbm>> -> memref<632x64xf32, #tpu.memory_space<hbm>>
      %dma_wait3A_138 = arith.constant 0 : i32
      %dma_wait3A_139 = tpu.memref_slice %arg14[%mul3A_127, %dma_wait3A_138] : memref<10112x64xf32, #tpu.memory_space<vmem_shared>> -> memref<632x64xf32, #tpu.memory_space<vmem_shared>>
      tpu.wait_dma2 semaphore(%run_scoped3A : memref<!tpu.dma_semaphore, #tpu.memory_space<semaphore_mem>>) src(%dma_wait3A_139 : memref<632x64xf32, #tpu.memory_space<vmem_shared>>) dst(%dma_wait3A_137 : memref<632x64xf32, #tpu.memory_space<hbm>>)
      tpu.yield
    }) : () -> ()
    return
  }
}

module attributes {stable_mosaic.version = 14 : i64} {
  func.func @_proj_body(%arg0: i32, %arg1: memref<1000x128xf32, #tpu.memory_space<vmem>>, %arg2: memref<128x128xf32, #tpu.memory_space<vmem>>, %arg3: memref<128x128xf32, #tpu.memory_space<vmem>>, %arg4: memref<1x128xf32, #tpu.memory_space<vmem>>, %arg5: memref<1000x128xf32, #tpu.memory_space<vmem>>, %arg6: memref<1000x128xf32, #tpu.memory_space<vmem>>) attributes {dimension_semantics = [#tpu.dimension_semantics<arbitrary>], iteration_bounds = array<i64: 10>, scalar_prefetch = 0 : i64, scratch_operands = 0 : i64, tpu.core_type = #tpu.core_type<tc>, window_params = [{transform_indices = @transform_0, window_bounds = array<i64: 1000, 128>}, {pipeline_mode = #tpu.pipeline_mode<synchronous>, transform_indices = @transform_1, window_bounds = array<i64: 128, 128>}, {pipeline_mode = #tpu.pipeline_mode<synchronous>, transform_indices = @transform_2, window_bounds = array<i64: 128, 128>}, {pipeline_mode = #tpu.pipeline_mode<synchronous>, transform_indices = @transform_3, window_bounds = array<i64: 1, 128>}, {transform_indices = @transform_4, window_bounds = array<i64: 1000, 128>}, {transform_indices = @transform_5, window_bounds = array<i64: 1000, 128>}]} {
    %get3A = arith.constant 0 : index
    %get3A_0 = arith.constant 0 : index
    %get3A_1 = vector.load %arg1[%get3A, %get3A_0] : memref<1000x128xf32, #tpu.memory_space<vmem>>, vector<1000x128xf32>
    %get3A_2 = arith.constant 0 : index
    %get3A_3 = arith.constant 0 : index
    %get3A_4 = vector.load %arg2[%get3A_2, %get3A_3] : memref<128x128xf32, #tpu.memory_space<vmem>>, vector<128x128xf32>
    %transpose3A = tpu.transpose %get3A_4, [1, 0] : vector<128x128xf32> -> vector<128x128xf32>
    %dot_general3A = arith.constant dense<0.000000e+00> : vector<1000x128xf32>
    %dot_general3A_5 = tpu.matmul %get3A_1, %transpose3A, %dot_general3A {dimension_numbers = #tpu.dot_dimension_numbers<[1], [0], [0], [1], [0, 0, 1, 1], [], []>, precision = #tpu.contract_precision<fp32>, transpose_lhs_hint = false} : vector<1000x128xf32>, vector<128x128xf32>, vector<1000x128xf32> -> vector<1000x128xf32>
    %get3A_6 = arith.constant 0 : index
    %get3A_7 = arith.constant 0 : index
    %get3A_8 = vector.load %arg4[%get3A_6, %get3A_7] : memref<1x128xf32, #tpu.memory_space<vmem>>, vector<1x128xf32>
    %add3A = vector.broadcast %get3A_8 : vector<1x128xf32> to vector<1000x128xf32>
    %add3A_9 = arith.addf %dot_general3A_5, %add3A : vector<1000x128xf32>
    %swap3A = arith.constant 0 : index
    %swap3A_10 = arith.constant 0 : index
    %swap3A_11 = vector.load %arg5[%swap3A, %swap3A_10] : memref<1000x128xf32, #tpu.memory_space<vmem>>, vector<1000x128xf32>
    tpu.vector_store %arg5[%swap3A, %swap3A_10], %add3A_9 {strides = array<i32>} : memref<1000x128xf32, #tpu.memory_space<vmem>>, vector<1000x128xf32>,
    %get3A_12 = arith.constant 0 : index
    %get3A_13 = arith.constant 0 : index
    %get3A_14 = vector.load %arg3[%get3A_12, %get3A_13] : memref<128x128xf32, #tpu.memory_space<vmem>>, vector<128x128xf32>
    %transpose3A_15 = tpu.transpose %get3A_14, [1, 0] : vector<128x128xf32> -> vector<128x128xf32>
    %dot_general3A_16 = arith.constant dense<0.000000e+00> : vector<1000x128xf32>
    %dot_general3A_17 = tpu.matmul %get3A_1, %transpose3A_15, %dot_general3A_16 {dimension_numbers = #tpu.dot_dimension_numbers<[1], [0], [0], [1], [0, 0, 1, 1], [], []>, precision = #tpu.contract_precision<fp32>, transpose_lhs_hint = false} : vector<1000x128xf32>, vector<128x128xf32>, vector<1000x128xf32> -> vector<1000x128xf32>
    %swap3A_18 = arith.constant 0 : index
    %swap3A_19 = arith.constant 0 : index
    %swap3A_20 = vector.load %arg6[%swap3A_18, %swap3A_19] : memref<1000x128xf32, #tpu.memory_space<vmem>>, vector<1000x128xf32>
    tpu.vector_store %arg6[%swap3A_18, %swap3A_19], %dot_general3A_17 {strides = array<i32>} : memref<1000x128xf32, #tpu.memory_space<vmem>>, vector<1000x128xf32>,
    return
  }
  func.func @transform_0(%arg0: i32) -> (i32, i32) {
    %c0_i32 = arith.constant 0 : i32
    %c0_i32_0 = arith.constant 0 : i32
    return %arg0, %c0_i32 : i32, i32
  }
  func.func @transform_1(%arg0: i32) -> (i32, i32) {
    %c0_i32 = arith.constant 0 : i32
    %c0_i32_0 = arith.constant 0 : i32
    %c0_i32_1 = arith.constant 0 : i32
    return %c0_i32, %c0_i32_0 : i32, i32
  }
  func.func @transform_2(%arg0: i32) -> (i32, i32) {
    %c0_i32 = arith.constant 0 : i32
    %c0_i32_0 = arith.constant 0 : i32
    %c0_i32_1 = arith.constant 0 : i32
    return %c0_i32, %c0_i32_0 : i32, i32
  }
  func.func @transform_3(%arg0: i32) -> (i32, i32) {
    %c0_i32 = arith.constant 0 : i32
    %c0_i32_0 = arith.constant 0 : i32
    %c0_i32_1 = arith.constant 0 : i32
    return %c0_i32, %c0_i32_0 : i32, i32
  }
  func.func @transform_4(%arg0: i32) -> (i32, i32) {
    %c0_i32 = arith.constant 0 : i32
    %c0_i32_0 = arith.constant 0 : i32
    return %arg0, %c0_i32 : i32, i32
  }
  func.func @transform_5(%arg0: i32) -> (i32, i32) {
    %c0_i32 = arith.constant 0 : i32
    %c0_i32_0 = arith.constant 0 : i32
    return %arg0, %c0_i32 : i32, i32
  }
}

module attributes {stable_mosaic.version = 14 : i64} {
  func.func @_edge_body(%arg0: i32, %arg1: memref<3200x128xf32, #tpu.memory_space<vmem>>, %arg2: memref<3200x1xf32, #tpu.memory_space<vmem>>, %arg3: memref<3200x1xf32, #tpu.memory_space<vmem>>, %arg4: memref<64x64xf32, #tpu.memory_space<vmem>>, %arg5: memref<1x64xf32, #tpu.memory_space<vmem>>, %arg6: memref<64x64xf32, #tpu.memory_space<vmem>>, %arg7: memref<1x64xf32, #tpu.memory_space<vmem>>, %arg8: memref<3200x64xf32, #tpu.memory_space<vmem>>) attributes {dimension_semantics = [#tpu.dimension_semantics<arbitrary>], iteration_bounds = array<i64: 100>, scalar_prefetch = 0 : i64, scratch_operands = 0 : i64, tpu.core_type = #tpu.core_type<tc>, window_params = [{transform_indices = @transform_0, window_bounds = array<i64: 3200, 128>}, {transform_indices = @transform_1, window_bounds = array<i64: 3200, 1>}, {transform_indices = @transform_2, window_bounds = array<i64: 3200, 1>}, {pipeline_mode = #tpu.pipeline_mode<synchronous>, transform_indices = @transform_3, window_bounds = array<i64: 64, 64>}, {pipeline_mode = #tpu.pipeline_mode<synchronous>, transform_indices = @transform_4, window_bounds = array<i64: 1, 64>}, {pipeline_mode = #tpu.pipeline_mode<synchronous>, transform_indices = @transform_5, window_bounds = array<i64: 64, 64>}, {pipeline_mode = #tpu.pipeline_mode<synchronous>, transform_indices = @transform_6, window_bounds = array<i64: 1, 64>}, {transform_indices = @transform_7, window_bounds = array<i64: 3200, 64>}]} {
    %get3A = arith.constant 0 : index
    %get3A_0 = arith.constant 0 : index
    %get3A_1 = vector.load %arg1[%get3A, %get3A_0] : memref<3200x128xf32, #tpu.memory_space<vmem>>, vector<3200x128xf32>
    %max3A = arith.constant 0.000000e+00 : f32
    %max3A_2 = vector.broadcast %max3A : f32 to vector<3200x128xf32>
    %max3A_3 = arith.maximumf %get3A_1, %max3A_2 : vector<3200x128xf32>
    %slice3A = vector.extract_strided_slice %max3A_3 {offsets = [0, 0], sizes = [3200, 64], strides = [1, 1]} : vector<3200x128xf32> to vector<3200x64xf32>
    %slice3A_4 = vector.extract_strided_slice %max3A_3 {offsets = [0, 64], sizes = [3200, 64], strides = [1, 1]} : vector<3200x128xf32> to vector<3200x64xf32>
    %get3A_5 = arith.constant 0 : index
    %get3A_6 = arith.constant 0 : index
    %get3A_7 = vector.load %arg4[%get3A_5, %get3A_6] : memref<64x64xf32, #tpu.memory_space<vmem>>, vector<64x64xf32>
    %transpose3A = tpu.transpose %get3A_7, [1, 0] : vector<64x64xf32> -> vector<64x64xf32>
    %dot_general3A = arith.constant dense<0.000000e+00> : vector<3200x64xf32>
    %dot_general3A_8 = tpu.matmul %slice3A, %transpose3A, %dot_general3A {dimension_numbers = #tpu.dot_dimension_numbers<[1], [0], [0], [1], [0, 0, 1, 1], [], []>, precision = #tpu.contract_precision<fp32>, transpose_lhs_hint = false} : vector<3200x64xf32>, vector<64x64xf32>, vector<3200x64xf32> -> vector<3200x64xf32>
    %get3A_9 = arith.constant 0 : index
    %get3A_10 = arith.constant 0 : index
    %get3A_11 = vector.load %arg5[%get3A_9, %get3A_10] : memref<1x64xf32, #tpu.memory_space<vmem>>, vector<1x64xf32>
    %add3A = vector.broadcast %get3A_11 : vector<1x64xf32> to vector<3200x64xf32>
    %add3A_12 = arith.addf %dot_general3A_8, %add3A : vector<3200x64xf32>
    %max3A_13 = arith.constant 0.000000e+00 : f32
    %max3A_14 = vector.broadcast %max3A_13 : f32 to vector<3200x64xf32>
    %max3A_15 = arith.maximumf %add3A_12, %max3A_14 : vector<3200x64xf32>
    %get3A_16 = arith.constant 0 : index
    %get3A_17 = arith.constant 0 : index
    %get3A_18 = vector.load %arg6[%get3A_16, %get3A_17] : memref<64x64xf32, #tpu.memory_space<vmem>>, vector<64x64xf32>
    %transpose3A_19 = tpu.transpose %get3A_18, [1, 0] : vector<64x64xf32> -> vector<64x64xf32>
    %dot_general3A_20 = arith.constant dense<0.000000e+00> : vector<3200x64xf32>
    %dot_general3A_21 = tpu.matmul %slice3A_4, %transpose3A_19, %dot_general3A_20 {dimension_numbers = #tpu.dot_dimension_numbers<[1], [0], [0], [1], [0, 0, 1, 1], [], []>, precision = #tpu.contract_precision<fp32>, transpose_lhs_hint = false} : vector<3200x64xf32>, vector<64x64xf32>, vector<3200x64xf32> -> vector<3200x64xf32>
    %get3A_22 = arith.constant 0 : index
    %get3A_23 = arith.constant 0 : index
    %get3A_24 = vector.load %arg7[%get3A_22, %get3A_23] : memref<1x64xf32, #tpu.memory_space<vmem>>, vector<1x64xf32>
    %add3A_25 = vector.broadcast %get3A_24 : vector<1x64xf32> to vector<3200x64xf32>
    %add3A_26 = arith.addf %dot_general3A_21, %add3A_25 : vector<3200x64xf32>
    %max3A_27 = arith.constant 0.000000e+00 : f32
    %max3A_28 = vector.broadcast %max3A_27 : f32 to vector<3200x64xf32>
    %max3A_29 = arith.maximumf %add3A_26, %max3A_28 : vector<3200x64xf32>
    %get3A_30 = arith.constant 0 : index
    %get3A_31 = arith.constant 0 : index
    %get3A_32 = vector.load %arg2[%get3A_30, %get3A_31] : memref<3200x1xf32, #tpu.memory_space<vmem>>, vector<3200x1xf32>
    %mul3A = vector.broadcast %get3A_32 : vector<3200x1xf32> to vector<3200x64xf32>
    %mul3A_33 = arith.mulf %max3A_15, %mul3A : vector<3200x64xf32>
    %get3A_34 = arith.constant 0 : index
    %get3A_35 = arith.constant 0 : index
    %get3A_36 = vector.load %arg3[%get3A_34, %get3A_35] : memref<3200x1xf32, #tpu.memory_space<vmem>>, vector<3200x1xf32>
    %mul3A_37 = vector.broadcast %get3A_36 : vector<3200x1xf32> to vector<3200x64xf32>
    %mul3A_38 = arith.mulf %max3A_29, %mul3A_37 : vector<3200x64xf32>
    %add3A_39 = arith.addf %mul3A_33, %mul3A_38 : vector<3200x64xf32>
    %swap3A = arith.constant 0 : index
    %swap3A_40 = arith.constant 0 : index
    %swap3A_41 = vector.load %arg8[%swap3A, %swap3A_40] : memref<3200x64xf32, #tpu.memory_space<vmem>>, vector<3200x64xf32>
    tpu.vector_store %arg8[%swap3A, %swap3A_40], %add3A_39 {strides = array<i32>} : memref<3200x64xf32, #tpu.memory_space<vmem>>, vector<3200x64xf32>,
    return
  }
  func.func @transform_0(%arg0: i32) -> (i32, i32) {
    %c0_i32 = arith.constant 0 : i32
    %c0_i32_0 = arith.constant 0 : i32
    return %arg0, %c0_i32 : i32, i32
  }
  func.func @transform_1(%arg0: i32) -> (i32, i32) {
    %c0_i32 = arith.constant 0 : i32
    %c0_i32_0 = arith.constant 0 : i32
    return %arg0, %c0_i32 : i32, i32
  }
  func.func @transform_2(%arg0: i32) -> (i32, i32) {
    %c0_i32 = arith.constant 0 : i32
    %c0_i32_0 = arith.constant 0 : i32
    return %arg0, %c0_i32 : i32, i32
  }
  func.func @transform_3(%arg0: i32) -> (i32, i32) {
    %c0_i32 = arith.constant 0 : i32
    %c0_i32_0 = arith.constant 0 : i32
    %c0_i32_1 = arith.constant 0 : i32
    return %c0_i32, %c0_i32_0 : i32, i32
  }
  func.func @transform_4(%arg0: i32) -> (i32, i32) {
    %c0_i32 = arith.constant 0 : i32
    %c0_i32_0 = arith.constant 0 : i32
    %c0_i32_1 = arith.constant 0 : i32
    return %c0_i32, %c0_i32_0 : i32, i32
  }
  func.func @transform_5(%arg0: i32) -> (i32, i32) {
    %c0_i32 = arith.constant 0 : i32
    %c0_i32_0 = arith.constant 0 : i32
    %c0_i32_1 = arith.constant 0 : i32
    return %c0_i32, %c0_i32_0 : i32, i32
  }
  func.func @transform_6(%arg0: i32) -> (i32, i32) {
    %c0_i32 = arith.constant 0 : i32
    %c0_i32_0 = arith.constant 0 : i32
    %c0_i32_1 = arith.constant 0 : i32
    return %c0_i32, %c0_i32_0 : i32, i32
  }
  func.func @transform_7(%arg0: i32) -> (i32, i32) {
    %c0_i32 = arith.constant 0 : i32
    %c0_i32_0 = arith.constant 0 : i32
    return %arg0, %c0_i32 : i32, i32
  }
}

module attributes {stable_mosaic.version = 14 : i64} {
  func.func @_out_body(%arg0: i32, %arg1: memref<1000x128xf32, #tpu.memory_space<vmem>>, %arg2: memref<2x1000x64xf32, #tpu.memory_space<vmem>>, %arg3: memref<64x192xf32, #tpu.memory_space<vmem>>, %arg4: memref<1x64xf32, #tpu.memory_space<vmem>>, %arg5: memref<64x64xf32, #tpu.memory_space<vmem>>, %arg6: memref<1x64xf32, #tpu.memory_space<vmem>>, %arg7: memref<128x64xf32, #tpu.memory_space<vmem>>, %arg8: memref<1x128xf32, #tpu.memory_space<vmem>>, %arg9: memref<1000x128xf32, #tpu.memory_space<vmem>>) attributes {dimension_semantics = [#tpu.dimension_semantics<arbitrary>], iteration_bounds = array<i64: 10>, scalar_prefetch = 0 : i64, scratch_operands = 0 : i64, tpu.core_type = #tpu.core_type<tc>, window_params = [{transform_indices = @transform_0, window_bounds = array<i64: 1000, 128>}, {transform_indices = @transform_1, window_bounds = array<i64: 2, 1000, 64>}, {pipeline_mode = #tpu.pipeline_mode<synchronous>, transform_indices = @transform_2, window_bounds = array<i64: 64, 192>}, {pipeline_mode = #tpu.pipeline_mode<synchronous>, transform_indices = @transform_3, window_bounds = array<i64: 1, 64>}, {pipeline_mode = #tpu.pipeline_mode<synchronous>, transform_indices = @transform_4, window_bounds = array<i64: 64, 64>}, {pipeline_mode = #tpu.pipeline_mode<synchronous>, transform_indices = @transform_5, window_bounds = array<i64: 1, 64>}, {pipeline_mode = #tpu.pipeline_mode<synchronous>, transform_indices = @transform_6, window_bounds = array<i64: 128, 64>}, {pipeline_mode = #tpu.pipeline_mode<synchronous>, transform_indices = @transform_7, window_bounds = array<i64: 1, 128>}, {transform_indices = @transform_8, window_bounds = array<i64: 1000, 128>}]} {
    %get3A = arith.constant 0 : index
    %get3A_0 = arith.constant 0 : index
    %get3A_1 = vector.load %arg1[%get3A, %get3A_0] : memref<1000x128xf32, #tpu.memory_space<vmem>>, vector<1000x128xf32>
    %get3A_2 = arith.constant 0 : index
    %get3A_3 = arith.constant 0 : index
    %get3A_4 = arith.constant 0 : index
    %get3A_5 = vector.load %arg2[%get3A_2, %get3A_3, %get3A_4] : memref<2x1000x64xf32, #tpu.memory_space<vmem>>, vector<1x1000x64xf32>
    %get3A_6 = vector.shape_cast %get3A_5 : vector<1x1000x64xf32> to vector<1000x64xf32>
    %get3A_7 = arith.constant 1 : index
    %get3A_8 = arith.constant 0 : index
    %get3A_9 = arith.constant 0 : index
    %get3A_10 = vector.load %arg2[%get3A_7, %get3A_8, %get3A_9] : memref<2x1000x64xf32, #tpu.memory_space<vmem>>, vector<1x1000x64xf32>
    %get3A_11 = vector.shape_cast %get3A_10 : vector<1x1000x64xf32> to vector<1000x64xf32>
    %add3A = arith.addf %get3A_6, %get3A_11 : vector<1000x64xf32>
    %get3A_12 = arith.constant 0 : index
    %get3A_13 = arith.constant 0 : index
    %get3A_14 = vector.load %arg3[%get3A_12, %get3A_13] : memref<64x192xf32, #tpu.memory_space<vmem>>, vector<64x192xf32>
    %slice3A = vector.extract_strided_slice %get3A_14 {offsets = [0, 0], sizes = [64, 128], strides = [1, 1]} : vector<64x192xf32> to vector<64x128xf32>
    %transpose3A = tpu.transpose %slice3A, [1, 0] : vector<64x128xf32> -> vector<128x64xf32>
    %dot_general3A = arith.constant dense<0.000000e+00> : vector<1000x64xf32>
    %dot_general3A_15 = tpu.matmul %get3A_1, %transpose3A, %dot_general3A {dimension_numbers = #tpu.dot_dimension_numbers<[1], [0], [0], [1], [0, 0, 1, 1], [], []>, precision = #tpu.contract_precision<fp32>, transpose_lhs_hint = false} : vector<1000x128xf32>, vector<128x64xf32>, vector<1000x64xf32> -> vector<1000x64xf32>
    %slice3A_16 = vector.extract_strided_slice %get3A_14 {offsets = [0, 128], sizes = [64, 64], strides = [1, 1]} : vector<64x192xf32> to vector<64x64xf32>
    %transpose3A_17 = tpu.transpose %slice3A_16, [1, 0] : vector<64x64xf32> -> vector<64x64xf32>
    %dot_general3A_18 = arith.constant dense<0.000000e+00> : vector<1000x64xf32>
    %dot_general3A_19 = tpu.matmul %add3A, %transpose3A_17, %dot_general3A_18 {dimension_numbers = #tpu.dot_dimension_numbers<[1], [0], [0], [1], [0, 0, 1, 1], [], []>, precision = #tpu.contract_precision<fp32>, transpose_lhs_hint = false} : vector<1000x64xf32>, vector<64x64xf32>, vector<1000x64xf32> -> vector<1000x64xf32>
    %add3A_20 = arith.addf %dot_general3A_15, %dot_general3A_19 : vector<1000x64xf32>
    %get3A_21 = arith.constant 0 : index
    %get3A_22 = arith.constant 0 : index
    %get3A_23 = vector.load %arg4[%get3A_21, %get3A_22] : memref<1x64xf32, #tpu.memory_space<vmem>>, vector<1x64xf32>
    %add3A_24 = vector.broadcast %get3A_23 : vector<1x64xf32> to vector<1000x64xf32>
    %add3A_25 = arith.addf %add3A_20, %add3A_24 : vector<1000x64xf32>
    %max3A = arith.constant 0.000000e+00 : f32
    %max3A_26 = vector.broadcast %max3A : f32 to vector<1000x64xf32>
    %max3A_27 = arith.maximumf %add3A_25, %max3A_26 : vector<1000x64xf32>
    %get3A_28 = arith.constant 0 : index
    %get3A_29 = arith.constant 0 : index
    %get3A_30 = vector.load %arg5[%get3A_28, %get3A_29] : memref<64x64xf32, #tpu.memory_space<vmem>>, vector<64x64xf32>
    %transpose3A_31 = tpu.transpose %get3A_30, [1, 0] : vector<64x64xf32> -> vector<64x64xf32>
    %dot_general3A_32 = arith.constant dense<0.000000e+00> : vector<1000x64xf32>
    %dot_general3A_33 = tpu.matmul %max3A_27, %transpose3A_31, %dot_general3A_32 {dimension_numbers = #tpu.dot_dimension_numbers<[1], [0], [0], [1], [0, 0, 1, 1], [], []>, precision = #tpu.contract_precision<fp32>, transpose_lhs_hint = false} : vector<1000x64xf32>, vector<64x64xf32>, vector<1000x64xf32> -> vector<1000x64xf32>
    %get3A_34 = arith.constant 0 : index
    %get3A_35 = arith.constant 0 : index
    %get3A_36 = vector.load %arg6[%get3A_34, %get3A_35] : memref<1x64xf32, #tpu.memory_space<vmem>>, vector<1x64xf32>
    %add3A_37 = vector.broadcast %get3A_36 : vector<1x64xf32> to vector<1000x64xf32>
    %add3A_38 = arith.addf %dot_general3A_33, %add3A_37 : vector<1000x64xf32>
    %max3A_39 = arith.constant 0.000000e+00 : f32
    %max3A_40 = vector.broadcast %max3A_39 : f32 to vector<1000x64xf32>
    %max3A_41 = arith.maximumf %add3A_38, %max3A_40 : vector<1000x64xf32>
    %get3A_42 = arith.constant 0 : index
    %get3A_43 = arith.constant 0 : index
    %get3A_44 = vector.load %arg7[%get3A_42, %get3A_43] : memref<128x64xf32, #tpu.memory_space<vmem>>, vector<128x64xf32>
    %transpose3A_45 = tpu.transpose %get3A_44, [1, 0] : vector<128x64xf32> -> vector<64x128xf32>
    %dot_general3A_46 = arith.constant dense<0.000000e+00> : vector<1000x128xf32>
    %dot_general3A_47 = tpu.matmul %max3A_41, %transpose3A_45, %dot_general3A_46 {dimension_numbers = #tpu.dot_dimension_numbers<[1], [0], [0], [1], [0, 0, 1, 1], [], []>, precision = #tpu.contract_precision<fp32>, transpose_lhs_hint = false} : vector<1000x64xf32>, vector<64x128xf32>, vector<1000x128xf32> -> vector<1000x128xf32>
    %get3A_48 = arith.constant 0 : index
    %get3A_49 = arith.constant 0 : index
    %get3A_50 = vector.load %arg8[%get3A_48, %get3A_49] : memref<1x128xf32, #tpu.memory_space<vmem>>, vector<1x128xf32>
    %add3A_51 = vector.broadcast %get3A_50 : vector<1x128xf32> to vector<1000x128xf32>
    %add3A_52 = arith.addf %dot_general3A_47, %add3A_51 : vector<1000x128xf32>
    %add3A_53 = arith.addf %add3A_52, %get3A_1 : vector<1000x128xf32>
    %swap3A = arith.constant 0 : index
    %swap3A_54 = arith.constant 0 : index
    %swap3A_55 = vector.load %arg9[%swap3A, %swap3A_54] : memref<1000x128xf32, #tpu.memory_space<vmem>>, vector<1000x128xf32>
    tpu.vector_store %arg9[%swap3A, %swap3A_54], %add3A_53 {strides = array<i32>} : memref<1000x128xf32, #tpu.memory_space<vmem>>, vector<1000x128xf32>,
    return
  }
  func.func @transform_0(%arg0: i32) -> (i32, i32) {
    %c0_i32 = arith.constant 0 : i32
    %c0_i32_0 = arith.constant 0 : i32
    return %arg0, %c0_i32 : i32, i32
  }
  func.func @transform_1(%arg0: i32) -> (i32, i32, i32) {
    %c0_i32 = arith.constant 0 : i32
    %c0_i32_0 = arith.constant 0 : i32
    %c0_i32_1 = arith.constant 0 : i32
    return %c0_i32, %arg0, %c0_i32_0 : i32, i32, i32
  }
  func.func @transform_2(%arg0: i32) -> (i32, i32) {
    %c0_i32 = arith.constant 0 : i32
    %c0_i32_0 = arith.constant 0 : i32
    %c0_i32_1 = arith.constant 0 : i32
    return %c0_i32, %c0_i32_0 : i32, i32
  }
  func.func @transform_3(%arg0: i32) -> (i32, i32) {
    %c0_i32 = arith.constant 0 : i32
    %c0_i32_0 = arith.constant 0 : i32
    %c0_i32_1 = arith.constant 0 : i32
    return %c0_i32, %c0_i32_0 : i32, i32
  }
  func.func @transform_4(%arg0: i32) -> (i32, i32) {
    %c0_i32 = arith.constant 0 : i32
    %c0_i32_0 = arith.constant 0 : i32
    %c0_i32_1 = arith.constant 0 : i32
    return %c0_i32, %c0_i32_0 : i32, i32
  }
  func.func @transform_5(%arg0: i32) -> (i32, i32) {
    %c0_i32 = arith.constant 0 : i32
    %c0_i32_0 = arith.constant 0 : i32
    %c0_i32_1 = arith.constant 0 : i32
    return %c0_i32, %c0_i32_0 : i32, i32
  }
  func.func @transform_6(%arg0: i32) -> (i32, i32) {
    %c0_i32 = arith.constant 0 : i32
    %c0_i32_0 = arith.constant 0 : i32
    %c0_i32_1 = arith.constant 0 : i32
    return %c0_i32, %c0_i32_0 : i32, i32
  }
  func.func @transform_7(%arg0: i32) -> (i32, i32) {
    %c0_i32 = arith.constant 0 : i32
    %c0_i32_0 = arith.constant 0 : i32
    %c0_i32_1 = arith.constant 0 : i32
    return %c0_i32, %c0_i32_0 : i32, i32
  }
  func.func @transform_8(%arg0: i32) -> (i32, i32) {
    %c0_i32 = arith.constant 0 : i32
    %c0_i32_0 = arith.constant 0 : i32
    return %arg0, %c0_i32 : i32, i32
  }
}

</mosaic_0001>

<sc_bundles>
// kernel: kernel.10.cloned.1.call-start
scs
__scs_entry_jumppad:
0x0: {  	(pc) =	sbr.rel $0x88, $3  }
0x1: {  	(tag) =	ssettag $0x0;
	lr =	simm.s32 $0x1  }
0x2: {  	[smem:$0x3F90] =	sst lr;
	_ =	strace $0xD0000000  }
0x3: {  	_ = 	snop  }
0x4: {  	_ = 	snop  }
0x5: {  	_ = 	snop  }
0x6: {  	_ = 	snop  }
0x7: {  	_ = 	snop  }
__scs_overlays_trampoline_lowered:
0x8: {  	[smem:$0x3F9F] =	sst s0  }
0x9: {  	[smem:$0x3FA0] =	sst s1  }
0xa: {  	[smem:$0x3FA1] =	sst s2  }
0xb: {  	[smem:$0x3FA2] =	sst s3  }
0xc: {  	[smem:$0x3FA3] =	sst s4  }
0xd: {  	[smem:$0x3FA4] =	sst s5  }
0xe: {  	[smem:$0x3FA5] =	sst s6  }
0xf: {  	[smem:$0x3FA6] =	sst s7  }
0x10: {  	[smem:$0x3FA7] =	sst s8  }
0x11: {  	[smem:$0x3FA8] =	sst s9;
	s0 =	simm.s32 @!p0 $0x0  }
0x12: {  	s1 =	sld [smem:$0x3F8E];
	s0 =	simm.s32 @p0 $0x1  }
0x13: {  	[smem:$0x3FA9] =	sst s0;
	s0 =	simm.s32 @!p1 $0x0  }
0x14: {  	s2 =	sld [smem:$0x3F8D];
	s0 =	simm.s32 @p1 $0x1  }
0x15: {  	[smem:$0x3FAA] =	sst s0;
	s0 =	simm.s32 @!p2 $0x0  }
0x16: {  	s3 =	sld [smem:$0x3FDB];
	s0 =	simm.s32 @p2 $0x1  }
0x17: {  	s4 =	simm.s32 $0x1BF5;
	[smem:$0x3FAC] =	sst s0  }
0x18: {  	s0 =	sld [smem:$0x3F8F];
	_ =	swait.ge [sflag:s4], $0x0  }
0x19: {  	s7 =	sld [smem:$0x3F90]  }
0x1a: {  	s8 =	sadd.s32 $0xFFFFE003, lr  }
0x1b: {  	s9 =	sadd.s32 $0xFFFFFEF7, lr;
	s5 =	simm.s32 $0xFFFFFFFF;
	p2 =	slt.u32 s8, $0xFFFFF086  }
0x1c: {  	p1 =	slt.u32 s9, $0xF7A;
	s5 =	simm.s32 @!p2 $0x0  }
0x1d: {  	s5 =	simm.s32 @p1 $0x1;
	p0 =	seq.s32 s7, s2  }
0x1e: {  	s7 =	smul.u32 @!p0 $0xF7A, s2;
	p2 =	seq.s32 @!p0 s5, $0x0  }
0x1f: {  	s9 =	smul.u32 $0xF7A, s1;
	s8 =	simm.s32 @!p0 $0x1BF5;
	p2 =	por !p2, p0  }
0x20: {  	[sflag:s8] =	ssyncset.s32 @!p0 $0xFFFFF086;
	s6 =	sadd.s32 @!p0 s3, s7;
	s7 =	simm.s32 @!p0 $0x108  }
0x21: {  	s3 =	sadd.s32 s3, s9;
	s6 =	sadd.s32 @!p0 $0x88, s6;
	s7 =	simm.s32 @p2 $0x1082  }
0x22: {  	[simem:s7], [sflag:s8] =	dma.local @!p0 [hbm:s6], $0xF7A  }
0x23: {  	s9 =	sor.u32 $0xD0000000, s2;
	s6 =	simm.s32 $0x108;
	_ =	swait.ge @!p0 [sflag:s8], $0x0  }
0x24: {  	s3 =	sadd.s32 $0x88, s3;
	s6 =	simm.s32 @!p1 $0x1082;
	[sflag:s4] =	ssyncset.s32 $0xFFFFF086  }
0x25: {  	[simem:s6], [sflag:s4] =	dma.local [hbm:s3], $0xF7A  }
0x26: {  	[smem:$0x3F90] =	sst s1;
	(tag) =	ssettag s2;
	_ =	strace s9  }
0x27: {  	s1 =	sld [smem:$0x3FA0]  }
0x28: {  	s2 =	sld [smem:$0x3FA1]  }
0x29: {  	s4 =	sld [smem:$0x3FA3]  }
0x2a: {  	p0 =	seq.s32 s5, $0x0;
	s5 =	sld [smem:$0x3FA4]  }
0x2b: {  	s6 =	sld [smem:$0x3FA5]  }
0x2c: {  	s7 =	sld [smem:$0x3FA6]  }
0x2d: {  	s3 =	simm.s32 $0x108;
	s8 =	sld [smem:$0x3FA7]  }
0x2e: {  	s3 =	simm.s32 @!p0 $0x1082;
	s9 =	sld [smem:$0x3FA8]  }
0x2f: {  	lr =	sadd.s32 s0, s3;
	s0 =	sld [smem:$0x3F9F]  }
0x30: {  	s3 =	sld [smem:$0x3FA2]  }
0x31: {  	[smem:$0x3FAB] =	sst s10  }
0x32: {  	s10 =	sld [smem:$0x3FA9];
	_ =	sdelay $0x3  }
0x33: {  	p0 =	seq.s32 s10, $0x1;
	s10 =	sld [smem:$0x3FAB];
	_ =	sdelay $0x3  }
0x34: {  	[smem:$0x3FAB] =	sst s10  }
0x35: {  	s10 =	sld [smem:$0x3FAA];
	_ =	sdelay $0x3  }
0x36: {  	p1 =	seq.s32 s10, $0x1;
	s10 =	sld [smem:$0x3FAB];
	_ =	sdelay $0x3  }
0x37: {  	[smem:$0x3FAB] =	sst s10  }
0x38: {  	s10 =	sld [smem:$0x3FAC]  }
0x39: {  	_ = 	snop;
	(pc) =	sbr.ind lr, $3  }
0x3a: {  	_ = 	snop  }
0x3b: {  	_ = 	snop  }
0x3c: {  	p2 =	seq.s32 s10, $0x1;
	s10 =	sld [smem:$0x3FAB]  }
0x3d: {  	_ =	shalt  }
0x3e: {  	_ =	shalt  }
0x3f: {  	_ =	shalt  }
0x40: {  	_ =	shalt  }
0x41: {  	_ =	shalt  }
0x42: {  	_ =	shalt  }
0x43: {  	_ =	shalt  }
0x44: {  	_ =	shalt  }
0x45: {  	_ =	shalt  }
0x46: {  	_ =	shalt  }
0x47: {  	_ =	shalt  }
0x48: {  	_ =	shalt  }
0x49: {  	_ =	shalt  }
0x4a: {  	_ =	shalt  }
0x4b: {  	_ =	shalt  }
0x4c: {  	_ =	shalt  }
0x4d: {  	_ =	shalt  }
0x4e: {  	_ =	shalt  }
0x4f: {  	_ =	shalt  }
0x50: {  	_ =	shalt  }
0x51: {  	_ =	shalt  }
0x52: {  	_ =	shalt  }
0x53: {  	_ =	shalt  }
0x54: {  	_ =	shalt  }
0x55: {  	_ =	shalt  }
0x56: {  	_ =	shalt  }
0x57: {  	_ =	shalt  }
0x58: {  	_ =	shalt  }
0x59: {  	_ =	shalt  }
0x5a: {  	_ =	shalt  }
0x5b: {  	_ =	shalt  }
0x5c: {  	_ =	shalt  }
0x5d: {  	_ =	shalt  }
0x5e: {  	_ =	shalt  }
0x5f: {  	_ =	shalt  }
0x60: {  	_ =	shalt  }
0x61: {  	_ =	shalt  }
0x62: {  	_ =	shalt  }
0x63: {  	_ =	shalt  }
0x64: {  	_ =	shalt  }
0x65: {  	_ =	shalt  }
0x66: {  	_ =	shalt  }
0x67: {  	_ =	shalt  }
0x68: {  	_ =	shalt  }
0x69: {  	_ =	shalt  }
0x6a: {  	_ =	shalt  }
0x6b: {  	_ =	shalt  }
0x6c: {  	_ =	shalt  }
0x6d: {  	_ =	shalt  }
0x6e: {  	_ =	shalt  }
0x6f: {  	_ =	shalt  }
0x70: {  	_ =	shalt  }
0x71: {  	_ =	shalt  }
0x72: {  	_ =	shalt  }
0x73: {  	_ =	shalt  }
0x74: {  	_ =	shalt  }
0x75: {  	_ =	shalt  }
0x76: {  	_ =	shalt  }
0x77: {  	_ =	shalt  }
0x78: {  	_ =	shalt  }
0x79: {  	_ =	shalt  }
0x7a: {  	_ =	shalt  }
0x7b: {  	_ =	shalt  }
0x7c: {  	_ =	shalt  }
0x7d: {  	_ =	shalt  }
0x7e: {  	_ =	shalt  }
0x7f: {  	_ =	shalt  }
0x80: {  	_ =	shalt  }
0x81: {  	_ =	shalt  }
0x82: {  	_ =	shalt  }
0x83: {  	_ =	shalt  }
0x84: {  	_ =	shalt  }
0x85: {  	_ =	shalt  }
0x86: {  	_ =	shalt  }
0x87: {  	_ =	shalt  }
.Lfunc_end0:
.L_simem_size_0:
called_computation.1_lowered:
.L_overlay_start_0:
0x88: {  	s2 =	sld [smem:$0x3FD9]  }
0x89: {  	s3 =	sld [smem:$0x3FFE];
	_ =	sdelay $0x1  }
0x8a: {  	s1 =	srdreg.scid  }
0x8b: {  	s0 =	sand.u32 $0x1, s1  }
0x8c: {  	s17 =	sshll.u32 s0, $0xA;
	s2 =	sadd.s32 s3, s2  }
0x8d: {  	s2 =	sadd.s32 s2, s17  }
0x8e: {  	[smem:$0x3FB7] =	sst s2  }
0x8f: {  	_ = 	snop  }
0x90: {  	s2 =	sld [smem:$0x3FD0];
	(tm) =	ssettm $0x1  }
0x91: {  	s18 =	sld [smem:$0x3FFB];
	_ =	sdelay $0x3  }
0x92: {  	_ =	strace s18  }
0x93: {  	s3 =	sld [smem:$0x3FFC];
	_ =	sdelay $0x3  }
0x94: {  	_ =	strace s3  }
0x95: {  	s3 =	sld [smem:$0x3FFD];
	_ =	sdelay $0x3  }
0x96: {  	_ =	strace s3  }
0x97: {  	_ =	strace $0x8FFFFFFF  }
0x98: {  	s19 =	sld [smem:$0x3FDB];
	_ =	sdelay $0x1  }
0x99: {  	s4 =	simm.s32 $_scs_section_size  }
0x9a: {  	s5 =	simm.s32 $_size__tile_overlayer_lowered;
	s6 =	simm.s32 $_tile_overlayer_lowered  }
0x9b: {  	s22 =	simm.s32 $0x1BFF;
	s21 =	sshll.u32 s6, $0x1;
	s3 =	sadd.s32 s4, s19  }
0x9c: {  	s7 =	simm.s32 $0x0;
	s20 =	sshll.u32 s5, $0x1;
	s5 =	sadd.s32 s21, s3  }
0x9d: {  	[timem:s7], [sflag:s22] =	dma.local [hbm:s5], s20  }
0x9e: {  	_ =	swait.ge [sflag:s22], s20  }
0x9f: {  	s4 =	ssub.s32 $0x0, s20;
	[sflag:s22] =	ssyncset.done $0x0  }
0xa0: {  	[sflag:s22] =	ssyncadd.s32 s4;
	_ =	sdelay $0x1  }
0xa1: {  	s23 =	simm.s32 $0x1B8B  }
0xa2: {  	_ =	swait.ge [sflag:s23], $0x1  }
0xa3: {  	[sflag:s23] =	ssyncset.done $0x0  }
0xa4: {  	s25 =	simm.s32 $0x1B8E;
	s24 =	sld [smem:$0x3FFE];
	[sflag:s23] =	ssyncadd.s32 $0xFFFFFFFF  }
0xa5: {  	s26 =	simm.s32 $execute0_lowered;
	[smem:$0x3FD2] =	sst s25  }
0xa6: {  	s5 =	sshll.u32 s26, $0x1;
	_ =	strace $0x80000049;
	[dreg:$0x1] =	wrdreg $0xFFFFFFFF  }
0xa7: {  	s28 =	simm.s32 $_size_execute0_lowered;
	s3 =	sadd.s32 s3, s5;
	[dreg:$0x0] =	wrdreg $0x0  }
0xa8: {  	s5 =	sshll.u32 s28, $0x1;
	[dreg:$0x2] =	wrdreg s3  }
0xa9: {  	[dreg:$0x3] =	wrdreg s5  }
0xaa: {  	[dreg:$0x4] =	wrdreg $0xC0  }
0xab: {  	_ =	task [dreg:s7], $0x5FFFF  }
0xac: {  	[dreg:$0x1] =	wrdreg $0xFFFFFFFF  }
0xad: {  	[dreg:$0x0] =	wrdreg $0x60  }
0xae: {  	[dreg:$0x2] =	wrdreg s24  }
0xaf: {  	[dreg:$0x3] =	wrdreg s2  }
0xb0: {  	[dreg:$0x4] =	wrdreg $0x51400  }
0xb1: {  	[dreg:$0x5] =	wrdreg $0x9  }
0xb2: {  	_ =	task.clear_ibuf [dreg:s7], $0x6FFFF;
	_ =	strace $0x90000049  }
0xb3: {  	s29 =	simm.s32 $0x9;
	_ =	strace $0x8000004B  }
0xb4: {  	_ =	swait.ge [sflag:s29], $0x1  }
0xb5: {  	[sflag:s29] =	ssyncadd.s32 $0xFFFFFFFF  }
0xb6: {  	_ =	strace $0x9000004B  }
0xb7: {  	_ =	sfence  }
0xb8: {  	s30 =	sld [smem:$0x0];
	_ =	sdelay $0x2  }
0xb9: {  	s31 =	sshll.u32 s1, $0xD;
	s1 =	sshrl.u32 s1, $0x2  }
0xba: {  	s3 =	sand.u32 $0x4000, s31;
	s1 =	sadd.s32 s1, s30  }
0xbb: {  	s0 =	sor.u32 s3, s0;
	s1 =	sshll.u32 s1, $0x11  }
0xbc: {  	s0 =	sor.u32 s1, s0  }
0xbd: {  	s0 =	sadd.s32 $0x8F2B, s0  }
0xbe: {  	[sflag:s0] =	ssyncadd.remote.s32 $0x1  }
0xbf: {  	_ =	sfence.sel $0xFFFF  }
0xc0: {  	[dreg:$0x0] =	wrdreg $0xFFFFFFFF;
	(pc) =	sbr.abs _section_cstart, $3  }
0xc1: {  	[dreg:$0x1] =	wrdreg $0xFFFFFFFF  }
0xc2: {  	_ =	task.clear_ibuf [dreg:s7], $0x2FFFF;
	_ =	strace $0x9FFFFFFF  }
0xc3: {  	(tm) =	ssettm $0x7FFFFFFF  }
tec
execute0_lowered:
.L_overlay_start_1:
0x0: {  	(tag) =	ssettag $0x1  }
0x1: {  	s0 =	srdreg.scid  }
0x2: {  	s13 =	stileid.u32;
	s1 =	rddreg [dreg:$0x0]  }
0x3: {  	s4 =	rddreg [dreg:$0x1];
	s3 =	simm.s32 $0x0;
	s16 =	simm.s32 $0xD  }
0x4: {  	s17 =	simm.s32 $0x140;
	s28 =	simm.s32 $0x0;
	s7 =	smul.u32 $0x9E00, s13  }
0x5: {  	s0 =	sand.u32 $0x1, s0;
	s2 =	sshll.u32 s13, $0x1;
	s12 =	smul.u32 $0x4E20, s13  }
0x6: {  	[smem:$0x7FF] =	sst s3;
	s9 =	sadd.s32 $0xD200, s1;
	s8 =	smul.u32 $0x9E000, s0  }
0x7: {  	s6 =	sor.u32 s0, s2;
	s19 =	ssub.s32 $0x2, s0;
	s0 =	smul.u32 $0x2710, s0  }
0x8: {  	s22 =	sshll.u32 s13, $0x6;
	s2 =	rddreg [dreg:$0x2];
	s5 =	smul.u32 $0x2710, s6  }
0x9: {  	_ =	strace $0x8000004A;
	s20 =	sshrl.u32 s19, $0x1;
	s11 =	smul.u32 $0x9C400, s6  }
0xa: {  	s15 =	sadd.s32 s7, s2;
	s21 =	sshrl.u32 s7, $0x3;
	s23 =	smul.u32 $0x13880, s6  }
0xb: {  	s8 =	sadd.s32 s7, s8;
	s4 =	sadd.s32 s4, s21;
	s0 =	sadd.s32 s0, s12  }
0xc: {  	s15 =	sshrl.u32 s15, $0x3;
	s21 =	simm.s32 $0x1;
	s5 =	sshrl.u32 s5, $0x3  }
0xd: {  	s18 =	sshrl.u32 s8, $0x3;
	s8 =	ssub.s32 s19, s20;
	[dreg:$0x4] =	wrdreg s4  }
0xe: {  	s24 =	sshrl.u32 s11, $0x3;
	s4 =	sadd.s32 s9, s23;
	s0 =	sshll.u32 s0, $0x3  }
0xf: {  	s19 =	simm.s32 $0x50;
	s23 =	simm.s32 $0x9;
	s10 =	sadd.s32 s5, s1  }
0x10: {  	s1 =	sadd.s32 s18, s1;
	s5 =	sor.u32 $0x1C0D, s22;
	[dreg:$0x5] =	wrdreg s4  }
0x11: {  	s25 =	sadd.s32 s9, s24;
	s26 =	sadd.s32 s9, s0;
	s29 =	smax.u32 s8, $0x1  }
0x12: {  	s22 =	simm.s32 $0x5;
	s24 =	simm.s32 $0xA;
	s6 =	sadd.s32 $0x3400, s10  }
.Ltmp0:
0x13: {  	s4 =	sadd.s32 $0x280, s25;
	[dreg:$0x8] =	wrdreg s29;
	(pc) =	sbr.rel .LBB2_1-.Ltmp0, $4  }
0x14: {  	s1 =	sadd.s32 $0x27E200, s1;
	s30 =	sadd.s32 $0xC80, s26;
	[dreg:$0x6] =	wrdreg s4  }
0x15: {  	s31 =	sadd.s32 $0xA00, s26;
	s13 =	sadd.s32 $0x780, s26;
	[dreg:$0x7] =	wrdreg s1  }
0x16: {  	s14 =	sadd.s32 $0x500, s26;
	s25 =	simm.s32 $0xB;
	[dreg:$0x9] =	wrdreg s30  }
0x17: {  	s26 =	simm.s32 $0xC;
	[dreg:$0xa] =	wrdreg s31;
	s18 =	sadd.s32 $0xA, s6  }
.LBB2_4:
0x18: {  	_ =	swait.ge [sflag:s24], $0x1400  }
0x19: {  	[sflag:s24] =	ssyncset.done $0x0  }
0x1a: {  	[sflag:s24] =	ssyncadd.s32 $0xFFFFEC00  }
0x1b: {  	_ =	swait.ge [sflag:s25], $0x1400  }
0x1c: {  	[sflag:s25] =	ssyncset.done $0x0  }
0x1d: {  	[sflag:s25] =	ssyncadd.s32 $0xFFFFEC00  }
0x1e: {  	_ =	swait.ge [sflag:s26], $0x1400  }
0x1f: {  	[sflag:s26] =	ssyncset.done $0x0  }
0x20: {  	[sflag:s26] =	ssyncadd.s32 $0xFFFFEC00  }
0x21: {  	[bflag:$0x0] =	sbarrier.arrive $0xFFFF  }
0x22: {  	s0 =	rddreg [dreg:$0x7]  }
0x23: {  	[hbm:s0], [sflag:s5] =	dma.local [spmem:s15], $0x13C0  }
0x24: {  	_ =	swait.ge [sflag:s16], $0x13C0  }
0x25: {  	s28 =	sadd.s32 $0x1, s28;
	s31 =	rddreg [dreg:$0x8]  }
0x26: {  	p0 =	sne.s32 s28, s31  }
.Ltmp1:
0x27: {  	_ = 	snop;
	(pc) =	sbr.rel @!p0 .LBB2_5-.Ltmp1, $3  }
0x28: {  	_ =	sdelay $0x1  }
0x29: {  	[sflag:s16] =	ssyncset.done $0x0  }
0x2a: {  	[sflag:s16] =	ssyncadd.s32 $0xFFFFEC40  }
.LBB2_1:
0x2b: {  	s0 =	rddreg [dreg:$0x4]  }
0x2c: {  	[spmem:s15], [sflag:s5] =	dma.local [hbm:s0], $0x13C0  }
0x2d: {  	_ =	swait.ge [sflag:s16], $0x13C0  }
0x2e: {  	[sflag:s16] =	ssyncset.done $0x0  }
0x2f: {  	[sflag:s16] =	ssyncadd.s32 $0xFFFFEC40  }
0x30: {  	[bflag:$0x0] =	sbarrier.arrive $0xFFFF  }
0x31: {  	[tilespmem:s3], [sflag:$0x1] =	stream.linear.gather [hbm4b:s6+s3], $0x50, $0x38;
	[tilespmem:$0xEF40] =	vst v63  }
0x32: {  	s12 =	rddreg [dreg:$0x5]  }
0x33: {  	[tilespmem:s17], [sflag:$0x5] =	stream.linear.gather [hbm4b:s12+s3], $0x1400, $0x38;
	[tilespmem:$0xEF40] =	vst v63  }
0x34: {  	s1 =	simm.s32 $0x1540;
	s29 =	smov.u32 s14;
	s20 =	rddreg [dreg:$0x6]  }
0x35: {  	[tilespmem:s19], [sflag:$0x2] =	stream.linear.gather [hbm4b:s18+s3], $0x50, $0x38;
	[tilespmem:$0xEF40] =	vst v63  }
0x36: {  	s30 =	smov.u32 s13;
	s4 =	simm.s32 $0x0;
	s31 =	rddreg [dreg:$0xa]  }
0x37: {  	[tilespmem:s1], [sflag:$0x6] =	stream.linear.gather [hbm4b:s20+s3], $0x1400, $0x38;
	[tilespmem:$0xEF40] =	vst v63  }
0x38: {  	s11 =	rddreg [dreg:$0x9];
	s1 =	simm.s32 $0xFFFFFFFE;
	s20 =	simm.s32 $0x0  }
.LBB2_2:
0x39: {  	_ =	swait.ge [sflag:s21], $0x50  }
0x3a: {  	[sflag:s21] =	ssyncset.done $0x0  }
0x3b: {  	[sflag:s21] =	ssyncadd.s32 $0xFFFFFFB0  }
0x3c: {  	_ =	swait.ge [sflag:s22], $0x1400  }
0x3d: {  	p0 =	sgt.u32 s1, $0x78;
	[sflag:s22] =	ssyncset.done $0x0  }
0x3e: {  	s7 =	simm.s32 @!p0 $0xB;
	[sflag:s22] =	ssyncadd.s32 $0xFFFFEC00  }
0x3f: {  	[spmem:s2] =	stream.indirect.scatter.add.f32 [tilespmem:s17], [sflag:$0x9], $0x40, s3, s19, $0xb8;
	[tilespmem:$0xEF40] =	vst v63  }
0x40: {  	s1 =	sadd.s32 $0x4, s1;
	_ =	swait.ge @!p0 [sflag:s7], $0x1400  }
0x41: {  	p1 =	sgt.u32 s1, $0x7C;
	[sflag:s7] =	ssyncset.done @!p0 $0x0  }
0x42: {  	s8 =	simm.s32 @!p1 $0x0;
	[sflag:s7] =	ssyncadd.s32 @!p0 $0xFFFFEC00;
	s7 =	sadd.s32 @!p1 s20, s6  }
0x43: {  	s10 =	simm.s32 @!p1 $0xA0;
	p0 =	sgt.u32 s4, $0x1E;
	s7 =	sadd.s32 @!p1 $0x14, s7  }
0x44: {  	[tilespmem:s10], [sflag:$0x3] =	stream.linear.gather @!p1 [hbm4b:s7+s8], $0x50, $0x38;
	[tilespmem:$0xEF40] =	vst v63  }
0x45: {  	s0 =	simm.s32 @!p1 $0x2940;
	s7 =	simm.s32 @!p0 $0x2  }
0x46: {  	[tilespmem:s0], [sflag:$0x7] =	stream.linear.gather @!p1 [hbm4b:s29+s8], $0x1400, $0x38;
	[tilespmem:$0xEF40] =	vst v63  }
0x47: {  	_ =	swait.ge @!p0 [sflag:s7], $0x50  }
0x48: {  	[sflag:s7] =	ssyncset.done @!p0 $0x0  }
0x49: {  	[sflag:s7] =	ssyncadd.s32 @!p0 $0xFFFFFFB0;
	s7 =	simm.s32 @!p0 $0x6  }
0x4a: {  	p2 =	seq.s32 @!p0 s20, $0x0;
	_ =	swait.ge @!p0 [sflag:s7], $0x1400  }
0x4b: {  	p2 =	por p2, p0;
	[sflag:s7] =	ssyncset.done @!p0 $0x0  }
0x4c: {  	s8 =	simm.s32 @!p0 $0x1540;
	[sflag:s7] =	ssyncadd.s32 @!p0 $0xFFFFEC00;
	s7 =	simm.s32 @!p0 $0x50  }
0x4d: {  	[spmem:s2] =	stream.indirect.scatter.add.f32 @!p0 [tilespmem:s8], [sflag:$0xA], $0x40, s7, s7, $0xb8;
	[tilespmem:$0xEF40] =	vst v63  }
0x4e: {  	s8 =	simm.s32 @!p2 $0xC  }
0x4f: {  	_ =	swait.ge @!p2 [sflag:s8], $0x1400  }
0x50: {  	[sflag:s8] =	ssyncset.done @!p2 $0x0  }
0x51: {  	[sflag:s8] =	ssyncadd.s32 @!p2 $0xFFFFEC00;
	s8 =	sadd.s32 @!p0 s20, s6  }
0x52: {  	s12 =	simm.s32 @!p0 $0x0;
	s9 =	sadd.s32 @!p0 $0x1E, s8;
	s8 =	simm.s32 @!p0 $0xF0  }
0x53: {  	[tilespmem:s8], [sflag:$0x4] =	stream.linear.gather @!p0 [hbm4b:s9+s12], $0x50, $0x38;
	[tilespmem:$0xEF40] =	vst v63  }
0x54: {  	s9 =	simm.s32 @!p0 $0x3D40  }
0x55: {  	[tilespmem:s9], [sflag:$0x8] =	stream.linear.gather @!p0 [hbm4b:s30+s12], $0x1400, $0x38;
	[tilespmem:$0xEF40] =	vst v63  }
0x56: {  	s12 =	simm.s32 @!p1 $0x3  }
0x57: {  	_ =	swait.ge @!p1 [sflag:s12], $0x50  }
0x58: {  	[sflag:s12] =	ssyncset.done @!p1 $0x0  }
0x59: {  	[sflag:s12] =	ssyncadd.s32 @!p1 $0xFFFFFFB0;
	s12 =	simm.s32 @!p1 $0x7  }
0x5a: {  	_ =	swait.ge @!p1 [sflag:s12], $0x1400  }
0x5b: {  	[sflag:s12] =	ssyncset.done @!p1 $0x0  }
0x5c: {  	[sflag:s12] =	ssyncadd.s32 @!p1 $0xFFFFEC00;
	s12 =	simm.s32 @!p1 $0x50  }
0x5d: {  	[spmem:s2] =	stream.indirect.scatter.add.f32 @!p1 [tilespmem:s0], [sflag:$0xB], $0x40, s10, s12, $0xb8;
	[tilespmem:$0xEF40] =	vst v63  }
0x5e: {  	p1 =	seq.s32 s20, $0x4D8  }
.Ltmp2:
0x5f: {  	_ = 	snop;
	(pc) =	sbr.rel @p1 .LBB2_4-.Ltmp2, $4  }
0x60: {  	_ = 	snop  }
0x61: {  	_ =	swait.ge [sflag:s23], $0x1400  }
0x62: {  	[sflag:s23] =	ssyncset.done $0x0  }
0x63: {  	[sflag:s23] =	ssyncadd.s32 $0xFFFFEC00  }
0x64: {  	s0 =	sadd.s32 s20, s6  }
0x65: {  	s0 =	sadd.s32 $0x28, s0  }
0x66: {  	[tilespmem:s3], [sflag:$0x1] =	stream.linear.gather [hbm4b:s0+s3], $0x50, $0x38;
	[tilespmem:$0xEF40] =	vst v63  }
0x67: {  	s0 =	simm.s32 @!p0 $0x4  }
0x68: {  	[tilespmem:s17], [sflag:$0x5] =	stream.linear.gather [hbm4b:s31+s3], $0x1400, $0x38;
	[tilespmem:$0xEF40] =	vst v63  }
0x69: {  	_ =	swait.ge @!p0 [sflag:s0], $0x50  }
0x6a: {  	[sflag:s0] =	ssyncset.done @!p0 $0x0  }
0x6b: {  	[sflag:s0] =	ssyncadd.s32 @!p0 $0xFFFFFFB0;
	s0 =	simm.s32 @!p0 $0x8  }
0x6c: {  	_ =	swait.ge @!p0 [sflag:s0], $0x1400  }
0x6d: {  	[sflag:s0] =	ssyncset.done @!p0 $0x0  }
0x6e: {  	p1 =	seq.s32 @!p0 s20, $0x4B0;
	[sflag:s0] =	ssyncadd.s32 @!p0 $0xFFFFEC00  }
0x6f: {  	[spmem:s2] =	stream.indirect.scatter.add.f32 @!p0 [tilespmem:s9], [sflag:$0xC], $0x40, s8, s7, $0xb8;
	[tilespmem:$0xEF40] =	vst v63  }
0x70: {  	p0 =	por p1, p0  }
0x71: {  	s0 =	simm.s32 @!p0 $0xA  }
0x72: {  	_ =	swait.ge @!p0 [sflag:s0], $0x1400  }
0x73: {  	s4 =	sadd.s32 $0x1, s4;
	[sflag:s0] =	ssyncset.done @!p0 $0x0  }
0x74: {  	s7 =	simm.s32 @!p0 $0x0;
	[sflag:s0] =	ssyncadd.s32 @!p0 $0xFFFFEC00;
	s0 =	sadd.s32 @!p0 s20, s6  }
.Ltmp3:
0x75: {  	s8 =	simm.s32 @!p0 $0x50;
	s0 =	sadd.s32 @!p0 $0x32, s0;
	(pc) =	sbr.rel .LBB2_2-.Ltmp3, $4  }
0x76: {  	[tilespmem:s8], [sflag:$0x2] =	stream.linear.gather @!p0 [hbm4b:s0+s7], $0x50, $0x38;
	[tilespmem:$0xEF40] =	vst v63  }
0x77: {  	s30 =	sadd.s32 $0xA00, s30;
	s29 =	sadd.s32 $0xA00, s29;
	s0 =	simm.s32 @!p0 $0x1540  }
0x78: {  	[tilespmem:s0], [sflag:$0x6] =	stream.linear.gather @!p0 [hbm4b:s11+s7], $0x1400, $0x38;
	[tilespmem:$0xEF40] =	vst v63  }
0x79: {  	s31 =	sadd.s32 $0xA00, s31;
	s20 =	sadd.s32 $0x28, s20;
	s11 =	sadd.s32 $0xA00, s11  }
.LBB2_5:
0x7a: {  	_ =	sfence.sel $0x180000  }
0x7b: {  	[bflag:$0x0] =	sbarrier.arrive $0xFFFF  }
0x7c: {  	_ =	strace $0x9000004A  }
0x7d: {  	s0 =	stileid.u32;
	[bflag:$0x2] =	sbarrier.arrive $0xFFFF  }
0x7e: {  	p0 =	sne.s32 s0, $0x0;
	s0 =	rddreg [dreg:$0x3]  }
0x7f: {  	s0 =	sadd.s32 @!p0 $0x100000, s0  }
0x80: {  	[sflag:s0] =	ssyncadd.tile.s32 @!p0 $0x1;
	_ =	shalt  }
.Lfunc_end2:
_tile_overlayer_lowered:
.L_overlay_start_2:
0x81: {  	(tag) =	ssettag $0x2  }
0x82: {  	s0 =	rddreg [dreg:$0x0];
	s2 =	stileid.u32  }
0x83: {  	s1 =	rddreg [dreg:$0x1];
	p0 =	sne.s32 s2, $0x0  }
0x84: {  	s3 =	rddreg [dreg:$0x2];
	[bflag:$0x3] =	sbarrier.arrive $0xFFFF;
	s2 =	simm.s32 @!p0 $0x1C0D  }
0x85: {  	[timem:s3], [sflag:s2] =	dma.local @!p0 [hbm:s0], s1  }
0x86: {  	s0 =	simm.s32 @!p0 $0xD  }
0x87: {  	_ =	swait.ge @!p0 [sflag:s0], s1  }
0x88: {  	s1 =	ssub.s32 @!p0 $0x0, s1;
	[sflag:s0] =	ssyncset.done @!p0 $0x0  }
0x89: {  	[sflag:s0] =	ssyncadd.s32 @!p0 s1  }
0x8a: {  	[bflag:$0x3] =	sbarrier.arrive $0xFFFF  }
0x8b: {  	_ =	shalt  }

// kernel: kernel.7.cloned.1.call-start
scs
__scs_entry_jumppad:
0x0: {  	(pc) =	sbr.rel $0x88, $3  }
0x1: {  	(tag) =	ssettag $0x0;
	lr =	simm.s32 $0x1  }
0x2: {  	[smem:$0x3F90] =	sst lr;
	_ =	strace $0xD0000000  }
0x3: {  	_ = 	snop  }
0x4: {  	_ = 	snop  }
0x5: {  	_ = 	snop  }
0x6: {  	_ = 	snop  }
0x7: {  	_ = 	snop  }
__scs_overlays_trampoline_lowered:
0x8: {  	[smem:$0x3F9F] =	sst s0  }
0x9: {  	[smem:$0x3FA0] =	sst s1  }
0xa: {  	[smem:$0x3FA1] =	sst s2  }
0xb: {  	[smem:$0x3FA2] =	sst s3  }
0xc: {  	[smem:$0x3FA3] =	sst s4  }
0xd: {  	[smem:$0x3FA4] =	sst s5  }
0xe: {  	[smem:$0x3FA5] =	sst s6  }
0xf: {  	[smem:$0x3FA6] =	sst s7  }
0x10: {  	[smem:$0x3FA7] =	sst s8  }
0x11: {  	[smem:$0x3FA8] =	sst s9;
	s0 =	simm.s32 @!p0 $0x0  }
0x12: {  	s1 =	sld [smem:$0x3F8E];
	s0 =	simm.s32 @p0 $0x1  }
0x13: {  	[smem:$0x3FA9] =	sst s0;
	s0 =	simm.s32 @!p1 $0x0  }
0x14: {  	s2 =	sld [smem:$0x3F8D];
	s0 =	simm.s32 @p1 $0x1  }
0x15: {  	[smem:$0x3FAA] =	sst s0;
	s0 =	simm.s32 @!p2 $0x0  }
0x16: {  	s3 =	sld [smem:$0x3FDB];
	s0 =	simm.s32 @p2 $0x1  }
0x17: {  	s4 =	simm.s32 $0x1BF5;
	[smem:$0x3FAC] =	sst s0  }
0x18: {  	s0 =	sld [smem:$0x3F8F];
	_ =	swait.ge [sflag:s4], $0x0  }
0x19: {  	s7 =	sld [smem:$0x3F90]  }
0x1a: {  	s8 =	sadd.s32 $0xFFFFE003, lr  }
0x1b: {  	s9 =	sadd.s32 $0xFFFFFEF7, lr;
	s5 =	simm.s32 $0xFFFFFFFF;
	p2 =	slt.u32 s8, $0xFFFFF086  }
0x1c: {  	p1 =	slt.u32 s9, $0xF7A;
	s5 =	simm.s32 @!p2 $0x0  }
0x1d: {  	s5 =	simm.s32 @p1 $0x1;
	p0 =	seq.s32 s7, s2  }
0x1e: {  	s7 =	smul.u32 @!p0 $0xF7A, s2;
	p2 =	seq.s32 @!p0 s5, $0x0  }
0x1f: {  	s9 =	smul.u32 $0xF7A, s1;
	s8 =	simm.s32 @!p0 $0x1BF5;
	p2 =	por !p2, p0  }
0x20: {  	[sflag:s8] =	ssyncset.s32 @!p0 $0xFFFFF086;
	s6 =	sadd.s32 @!p0 s3, s7;
	s7 =	simm.s32 @!p0 $0x108  }
0x21: {  	s3 =	sadd.s32 s3, s9;
	s6 =	sadd.s32 @!p0 $0x88, s6;
	s7 =	simm.s32 @p2 $0x1082  }
0x22: {  	[simem:s7], [sflag:s8] =	dma.local @!p0 [hbm:s6], $0xF7A  }
0x23: {  	s9 =	sor.u32 $0xD0000000, s2;
	s6 =	simm.s32 $0x108;
	_ =	swait.ge @!p0 [sflag:s8], $0x0  }
0x24: {  	s3 =	sadd.s32 $0x88, s3;
	s6 =	simm.s32 @!p1 $0x1082;
	[sflag:s4] =	ssyncset.s32 $0xFFFFF086  }
0x25: {  	[simem:s6], [sflag:s4] =	dma.local [hbm:s3], $0xF7A  }
0x26: {  	[smem:$0x3F90] =	sst s1;
	(tag) =	ssettag s2;
	_ =	strace s9  }
0x27: {  	s1 =	sld [smem:$0x3FA0]  }
0x28: {  	s2 =	sld [smem:$0x3FA1]  }
0x29: {  	s4 =	sld [smem:$0x3FA3]  }
0x2a: {  	p0 =	seq.s32 s5, $0x0;
	s5 =	sld [smem:$0x3FA4]  }
0x2b: {  	s6 =	sld [smem:$0x3FA5]  }
0x2c: {  	s7 =	sld [smem:$0x3FA6]  }
0x2d: {  	s3 =	simm.s32 $0x108;
	s8 =	sld [smem:$0x3FA7]  }
0x2e: {  	s3 =	simm.s32 @!p0 $0x1082;
	s9 =	sld [smem:$0x3FA8]  }
0x2f: {  	lr =	sadd.s32 s0, s3;
	s0 =	sld [smem:$0x3F9F]  }
0x30: {  	s3 =	sld [smem:$0x3FA2]  }
0x31: {  	[smem:$0x3FAB] =	sst s10  }
0x32: {  	s10 =	sld [smem:$0x3FA9];
	_ =	sdelay $0x3  }
0x33: {  	p0 =	seq.s32 s10, $0x1;
	s10 =	sld [smem:$0x3FAB];
	_ =	sdelay $0x3  }
0x34: {  	[smem:$0x3FAB] =	sst s10  }
0x35: {  	s10 =	sld [smem:$0x3FAA];
	_ =	sdelay $0x3  }
0x36: {  	p1 =	seq.s32 s10, $0x1;
	s10 =	sld [smem:$0x3FAB];
	_ =	sdelay $0x3  }
0x37: {  	[smem:$0x3FAB] =	sst s10  }
0x38: {  	s10 =	sld [smem:$0x3FAC]  }
0x39: {  	_ = 	snop;
	(pc) =	sbr.ind lr, $3  }
0x3a: {  	_ = 	snop  }
0x3b: {  	_ = 	snop  }
0x3c: {  	p2 =	seq.s32 s10, $0x1;
	s10 =	sld [smem:$0x3FAB]  }
0x3d: {  	_ =	shalt  }
0x3e: {  	_ =	shalt  }
0x3f: {  	_ =	shalt  }
0x40: {  	_ =	shalt  }
0x41: {  	_ =	shalt  }
0x42: {  	_ =	shalt  }
0x43: {  	_ =	shalt  }
0x44: {  	_ =	shalt  }
0x45: {  	_ =	shalt  }
0x46: {  	_ =	shalt  }
0x47: {  	_ =	shalt  }
0x48: {  	_ =	shalt  }
0x49: {  	_ =	shalt  }
0x4a: {  	_ =	shalt  }
0x4b: {  	_ =	shalt  }
0x4c: {  	_ =	shalt  }
0x4d: {  	_ =	shalt  }
0x4e: {  	_ =	shalt  }
0x4f: {  	_ =	shalt  }
0x50: {  	_ =	shalt  }
0x51: {  	_ =	shalt  }
0x52: {  	_ =	shalt  }
0x53: {  	_ =	shalt  }
0x54: {  	_ =	shalt  }
0x55: {  	_ =	shalt  }
0x56: {  	_ =	shalt  }
0x57: {  	_ =	shalt  }
0x58: {  	_ =	shalt  }
0x59: {  	_ =	shalt  }
0x5a: {  	_ =	shalt  }
0x5b: {  	_ =	shalt  }
0x5c: {  	_ =	shalt  }
0x5d: {  	_ =	shalt  }
0x5e: {  	_ =	shalt  }
0x5f: {  	_ =	shalt  }
0x60: {  	_ =	shalt  }
0x61: {  	_ =	shalt  }
0x62: {  	_ =	shalt  }
0x63: {  	_ =	shalt  }
0x64: {  	_ =	shalt  }
0x65: {  	_ =	shalt  }
0x66: {  	_ =	shalt  }
0x67: {  	_ =	shalt  }
0x68: {  	_ =	shalt  }
0x69: {  	_ =	shalt  }
0x6a: {  	_ =	shalt  }
0x6b: {  	_ =	shalt  }
0x6c: {  	_ =	shalt  }
0x6d: {  	_ =	shalt  }
0x6e: {  	_ =	shalt  }
0x6f: {  	_ =	shalt  }
0x70: {  	_ =	shalt  }
0x71: {  	_ =	shalt  }
0x72: {  	_ =	shalt  }
0x73: {  	_ =	shalt  }
0x74: {  	_ =	shalt  }
0x75: {  	_ =	shalt  }
0x76: {  	_ =	shalt  }
0x77: {  	_ =	shalt  }
0x78: {  	_ =	shalt  }
0x79: {  	_ =	shalt  }
0x7a: {  	_ =	shalt  }
0x7b: {  	_ =	shalt  }
0x7c: {  	_ =	shalt  }
0x7d: {  	_ =	shalt  }
0x7e: {  	_ =	shalt  }
0x7f: {  	_ =	shalt  }
0x80: {  	_ =	shalt  }
0x81: {  	_ =	shalt  }
0x82: {  	_ =	shalt  }
0x83: {  	_ =	shalt  }
0x84: {  	_ =	shalt  }
0x85: {  	_ =	shalt  }
0x86: {  	_ =	shalt  }
0x87: {  	_ =	shalt  }
.Lfunc_end0:
.L_simem_size_0:
called_computation_lowered:
.L_overlay_start_0:
0x88: {  	s2 =	sld [smem:$0x3FD9]  }
0x89: {  	s3 =	sld [smem:$0x3FFE];
	_ =	sdelay $0x1  }
0x8a: {  	s1 =	srdreg.scid  }
0x8b: {  	s0 =	sand.u32 $0x1, s1  }
0x8c: {  	s17 =	sshll.u32 s0, $0xA;
	s2 =	sadd.s32 s3, s2  }
0x8d: {  	s2 =	sadd.s32 s2, s17  }
0x8e: {  	[smem:$0x3FB7] =	sst s2  }
0x8f: {  	_ = 	snop  }
0x90: {  	s2 =	sld [smem:$0x3FD0];
	(tm) =	ssettm $0x1  }
0x91: {  	s18 =	sld [smem:$0x3FFB];
	_ =	sdelay $0x3  }
0x92: {  	_ =	strace s18  }
0x93: {  	s3 =	sld [smem:$0x3FFC];
	_ =	sdelay $0x3  }
0x94: {  	_ =	strace s3  }
0x95: {  	s3 =	sld [smem:$0x3FFD];
	_ =	sdelay $0x3  }
0x96: {  	_ =	strace s3  }
0x97: {  	_ =	strace $0x8FFFFFFF  }
0x98: {  	s19 =	sld [smem:$0x3FDB];
	_ =	sdelay $0x1  }
0x99: {  	s4 =	simm.s32 $_scs_section_size  }
0x9a: {  	s5 =	simm.s32 $_size__tile_overlayer_lowered;
	s6 =	simm.s32 $_tile_overlayer_lowered  }
0x9b: {  	s22 =	simm.s32 $0x1BFF;
	s21 =	sshll.u32 s6, $0x1;
	s3 =	sadd.s32 s4, s19  }
0x9c: {  	s7 =	simm.s32 $0x0;
	s20 =	sshll.u32 s5, $0x1;
	s5 =	sadd.s32 s21, s3  }
0x9d: {  	[timem:s7], [sflag:s22] =	dma.local [hbm:s5], s20  }
0x9e: {  	_ =	swait.ge [sflag:s22], s20  }
0x9f: {  	s4 =	ssub.s32 $0x0, s20;
	[sflag:s22] =	ssyncset.done $0x0  }
0xa0: {  	[sflag:s22] =	ssyncadd.s32 s4;
	_ =	sdelay $0x1  }
0xa1: {  	s23 =	simm.s32 $0x1B8B  }
0xa2: {  	_ =	swait.ge [sflag:s23], $0x1  }
0xa3: {  	[sflag:s23] =	ssyncset.done $0x0  }
0xa4: {  	s25 =	simm.s32 $0x1B8E;
	s24 =	sld [smem:$0x3FFE];
	[sflag:s23] =	ssyncadd.s32 $0xFFFFFFFF  }
0xa5: {  	s26 =	simm.s32 $execute0_lowered;
	[smem:$0x3FD2] =	sst s25  }
0xa6: {  	s5 =	sshll.u32 s26, $0x1;
	_ =	strace $0x80000046;
	[dreg:$0x1] =	wrdreg $0xFFFFFFFF  }
0xa7: {  	s28 =	simm.s32 $_size_execute0_lowered;
	s3 =	sadd.s32 s3, s5;
	[dreg:$0x0] =	wrdreg $0x0  }
0xa8: {  	s5 =	sshll.u32 s28, $0x1;
	[dreg:$0x2] =	wrdreg s3  }
0xa9: {  	[dreg:$0x3] =	wrdreg s5  }
0xaa: {  	[dreg:$0x4] =	wrdreg $0xC0  }
0xab: {  	_ =	task [dreg:s7], $0x5FFFF  }
0xac: {  	[dreg:$0x1] =	wrdreg $0xFFFFFFFF  }
0xad: {  	[dreg:$0x0] =	wrdreg $0x60  }
0xae: {  	[dreg:$0x2] =	wrdreg s2  }
0xaf: {  	[dreg:$0x3] =	wrdreg s24  }
0xb0: {  	[dreg:$0x4] =	wrdreg $0x9  }
0xb1: {  	_ =	task.clear_ibuf [dreg:s7], $0x5FFFF;
	_ =	strace $0x90000046  }
0xb2: {  	s29 =	simm.s32 $0x9;
	_ =	strace $0x80000048  }
0xb3: {  	_ =	swait.ge [sflag:s29], $0x1  }
0xb4: {  	[sflag:s29] =	ssyncadd.s32 $0xFFFFFFFF  }
0xb5: {  	_ =	strace $0x90000048  }
0xb6: {  	_ =	sfence  }
0xb7: {  	s30 =	sld [smem:$0x0];
	_ =	sdelay $0x2  }
0xb8: {  	s31 =	sshll.u32 s1, $0xD;
	s1 =	sshrl.u32 s1, $0x2  }
0xb9: {  	s3 =	sand.u32 $0x4000, s31;
	s1 =	sadd.s32 s1, s30  }
0xba: {  	s0 =	sor.u32 s3, s0;
	s1 =	sshll.u32 s1, $0x11  }
0xbb: {  	s0 =	sor.u32 s1, s0  }
0xbc: {  	s0 =	sadd.s32 $0x8F2B, s0  }
0xbd: {  	[sflag:s0] =	ssyncadd.remote.s32 $0x1  }
0xbe: {  	_ =	sfence.sel $0xFFFF  }
0xbf: {  	[dreg:$0x0] =	wrdreg $0xFFFFFFFF;
	(pc) =	sbr.abs _section_cstart, $3  }
0xc0: {  	[dreg:$0x1] =	wrdreg $0xFFFFFFFF  }
0xc1: {  	_ =	task.clear_ibuf [dreg:s7], $0x2FFFF;
	_ =	strace $0x9FFFFFFF  }
0xc2: {  	(tm) =	ssettm $0x7FFFFFFF  }
0xc3: {  	_ =	shalt  }
tec
execute0_lowered:
.L_overlay_start_1:
0x0: {  	(tag) =	ssettag $0x1  }
0x1: {  	s1 =	rddreg [dreg:$0x0]  }
0x2: {  	s0 =	rddreg [dreg:$0x1]  }
0x3: {  	s3 =	simm.s32 $0x0;
	s2 =	srdreg.scid;
	s4 =	stileid.u32  }
0x4: {  	s10 =	simm.s32 $0xD;
	s12 =	simm.s32 $0x50;
	s13 =	simm.s32 $0x8000  }
0x5: {  	s16 =	simm.s32 $0xA800;
	s19 =	simm.s32 $0x1;
	s20 =	simm.s32 $0x5  }
0x6: {  	s21 =	simm.s32 $0x2;
	s22 =	simm.s32 $0x6;
	s23 =	simm.s32 $0xC  }
0x7: {  	s28 =	simm.s32 $0x7;
	s29 =	simm.s32 $0xD000;
	s30 =	simm.s32 $0x4  }
0x8: {  	s31 =	simm.s32 $0x8;
	s14 =	simm.s32 $0xB;
	s15 =	simm.s32 $0x0  }
0x9: {  	[smem:$0x7FF] =	sst s3;
	s2 =	sand.u32 $0x1, s2;
	s4 =	sshll.u32 s4, $0x1  }
0xa: {  	_ =	strace $0x80000047;
	s6 =	sor.u32 s2, s4;
	s4 =	sadd.s32 $0x2D200, s0  }
0xb: {  	s2 =	ssub.s32 $0x2, s2;
	s5 =	sshll.u32 s6, $0xB;
	s6 =	smul.u32 $0x2710, s6  }
.Ltmp0:
0xc: {  	s24 =	sshrl.u32 s2, $0x1;
	s7 =	sadd.s32 s5, s0;
	(pc) =	sbr.rel .LBB2_1-.Ltmp0, $4  }
0xd: {  	s5 =	sadd.s32 $0x54400, s0;
	s0 =	ssub.s32 s2, s24;
	s25 =	sadd.s32 $0xD200, s7  }
0xe: {  	s24 =	simm.s32 $0xF800;
	s26 =	sadd.s32 $0x1D200, s7;
	[dreg:$0x3] =	wrdreg s25  }
0xf: {  	s2 =	simm.s32 $0xA;
	s0 =	smax.u32 s0, $0x1;
	[dreg:$0x4] =	wrdreg s26  }
0x10: {  	[dreg:$0x5] =	wrdreg s0;
	s25 =	simm.s32 $0x19800;
	s26 =	simm.s32 $0x3  }
.LBB2_21:
0x11: {  	s0 =	simm.s32 $0x9  }
0x12: {  	_ =	swait.ge [sflag:s0], $0x2800  }
0x13: {  	[sflag:s0] =	ssyncset.done $0x0  }
0x14: {  	[sflag:s0] =	ssyncadd.s32 $0xFFFFD800  }
0x15: {  	_ =	swait.ge [sflag:s2], $0x2800  }
0x16: {  	[sflag:s2] =	ssyncset.done $0x0  }
0x17: {  	[sflag:s2] =	ssyncadd.s32 $0xFFFFD800  }
0x18: {  	_ =	swait.ge [sflag:s14], $0x2800  }
0x19: {  	[sflag:s14] =	ssyncset.done $0x0  }
0x1a: {  	[sflag:s14] =	ssyncadd.s32 $0xFFFFD800  }
0x1b: {  	_ =	swait.ge [sflag:s23], $0x2800  }
0x1c: {  	s15 =	sadd.s32 $0x1, s15;
	s18 =	rddreg [dreg:$0x5]  }
0x1d: {  	p0 =	sne.s32 s15, s18  }
.Ltmp1:
0x1e: {  	_ = 	snop;
	(pc) =	sbr.rel @!p0 .LBB2_22-.Ltmp1, $3  }
0x1f: {  	_ =	sdelay $0x1  }
0x20: {  	[sflag:s23] =	ssyncset.done $0x0  }
0x21: {  	[sflag:s23] =	ssyncadd.s32 $0xFFFFD800  }
.LBB2_1:
0x22: {  	s0 =	rddreg [dreg:$0x3]  }
0x23: {  	[tilespmem:s3], [sflag:$0xD] =	stream.linear.gather [hbm4b:s0+s3], $0x3E80, $0x38;
	[tilespmem:$0x1C000] =	vst v63  }
0x24: {  	_ =	swait.ge [sflag:s10], $0x3E80  }
0x25: {  	[sflag:s10] =	ssyncset.done $0x0  }
0x26: {  	s7 =	simm.s32 $0x4000;
	s8 =	rddreg [dreg:$0x4];
	[sflag:s10] =	ssyncadd.s32 $0xFFFFC180  }
0x27: {  	[tilespmem:s7], [sflag:$0xD] =	stream.linear.gather [hbm4b:s8+s3], $0x3E80, $0x38;
	[tilespmem:$0x1C000] =	vst v63  }
0x28: {  	_ =	swait.ge [sflag:s10], $0x3E80  }
0x29: {  	[sflag:s10] =	ssyncset.done $0x0  }
0x2a: {  	[sflag:s10] =	ssyncadd.s32 $0xFFFFC180  }
0x2b: {  	[tilespmem:s13], [sflag:$0x1] =	stream.indirect.gather [hbm4b:s1+s12], $0x80, s3, s12, $0xb8;
	[tilespmem:$0x1C000] =	vst v63  }
0x2c: {  	s9 =	simm.s32 $0x12000  }
0x2d: {  	[tilespmem:s9], [sflag:$0x5] =	stream.indirect.gather [hbm4b:s4+s12], $0x80, s7, s12, $0xb8;
	[tilespmem:$0x1C000] =	vst v63  }
.Ltmp2:
0x2e: {  	s11 =	simm.s32 $0x80;
	(pc) =	sbr.rel .LBB2_2-.Ltmp2, $4  }
0x2f: {  	[tilespmem:s16], [sflag:$0x2] =	stream.indirect.gather [hbm4b:s1+s12], $0x80, s11, s12, $0xb8;
	[tilespmem:$0x1C000] =	vst v63  }
0x30: {  	s17 =	simm.s32 $0x4080;
	s18 =	simm.s32 $0x14800  }
0x31: {  	[tilespmem:s18], [sflag:$0x6] =	stream.indirect.gather [hbm4b:s4+s12], $0x80, s17, s12, $0xb8;
	[tilespmem:$0x1C000] =	vst v63  }
0x32: {  	s17 =	simm.s32 $0x0  }
.LBB2_20:
0x33: {  	p0 =	sgt.u32 s17, $0x1D  }
0x34: {  	s0 =	simm.s32 @!p0 $0xA  }
0x35: {  	_ =	swait.ge @!p0 [sflag:s0], $0x2800  }
0x36: {  	[sflag:s0] =	ssyncset.done @!p0 $0x0  }
0x37: {  	[sflag:s0] =	ssyncadd.s32 @!p0 $0xFFFFD800;
	s0 =	sshll.u32 @!p0 s17, $0x9  }
0x38: {  	s8 =	simm.s32 @!p0 $0x50;
	s9 =	simm.s32 @!p0 $0xA800;
	s7 =	sadd.s32 @!p0 $0x280, s0  }
0x39: {  	[tilespmem:s9], [sflag:$0x2] =	stream.indirect.gather @!p0 [hbm4b:s1+s8], $0x80, s7, s8, $0xb8;
	[tilespmem:$0x1C000] =	vst v63  }
0x3a: {  	s17 =	sadd.s32 $0x1, s17;
	s0 =	sadd.s32 @!p0 $0x4280, s0;
	s7 =	simm.s32 @!p0 $0x14800  }
0x3b: {  	[tilespmem:s7], [sflag:$0x6] =	stream.indirect.gather @!p0 [hbm4b:s4+s8], $0x80, s0, s8, $0xb8;
	[tilespmem:$0x1C000] =	vst v63  }
0x3c: {  	p0 =	sne.s32 s17, $0x20  }
.Ltmp3:
0x3d: {  	_ = 	snop;
	(pc) =	sbr.rel @!p0 .LBB2_21-.Ltmp3, $1  }
0x3e: {  	_ =	sdelay $0x3  }
.LBB2_2:
0x3f: {  	_ =	swait.ge [sflag:s19], $0x2800  }
0x40: {  	[sflag:s19] =	ssyncset.done $0x0  }
0x41: {  	[sflag:s19] =	ssyncadd.s32 $0xFFFFD800  }
0x42: {  	_ =	swait.ge [sflag:s20], $0x2800  }
0x43: {  	[sflag:s20] =	ssyncset.done $0x0  }
0x44: {  	s7 =	simm.s32 $0x0;
	[sflag:s20] =	ssyncadd.s32 $0xFFFFD800  }
0x45: {  	v6 =	vld [tilespmem:s7+$0x12000]  }
0x46: {  	v11 =	vld [tilespmem:s7+$0x12010]  }
0x47: {  	v5 =	vld [tilespmem:s7+$0x12020]  }
0x48: {  	v4 =	vld [tilespmem:s7+$0x12030]  }
0x49: {  	v3 =	vld [tilespmem:s7+$0x12040]  }
0x4a: {  	v2 =	vld [tilespmem:s7+$0x12050]  }
0x4b: {  	v1 =	vld [tilespmem:s7+$0x12060]  }
0x4c: {  	v0 =	vld [tilespmem:s7+$0x12070]  }
0x4d: {  	v12 =	vld [tilespmem:s7+$0x8000]  }
0x4e: {  	v13 =	vld [tilespmem:s7+$0x8010]  }
0x4f: {  	v10 =	vld [tilespmem:s7+$0x8020]  }
0x50: {  	v9 =	vld [tilespmem:s7+$0x8030]  }
0x51: {  	v8 =	vld [tilespmem:s7+$0x8040]  }
0x52: {  	v7 =	vld [tilespmem:s7+$0x8050];
	v12 =	vadd.f32 v6, v12  }
0x53: {  	s8 =	simm.s32 $0x200;
	v11 =	vadd.f32 v11, v13;
	v6 =	vld [tilespmem:s7+$0x8060]  }
.LBB2_3:
0x54: {  	s9 =	sshra.s32 s8, $0x2;
	p0 =	sne.s32 s8, $0x9E00;
	[tilespmem:s7+$0x8000] =	vst v12;
	v5 =	vadd.f32 v5, v10;
	v10 =	vld [tilespmem:s7+$0x8070]  }
0x55: {  	v12 =	vld [tilespmem:s9+$0x12000];
	[tilespmem:s7+$0x8010] =	vst v11;
	v4 =	vadd.f32 v4, v9  }
0x56: {  	v11 =	vld [tilespmem:s9+$0x12010];
	[tilespmem:s7+$0x8020] =	vst v5;
	v3 =	vadd.f32 v3, v8  }
0x57: {  	v5 =	vld [tilespmem:s9+$0x12020];
	[tilespmem:s7+$0x8030] =	vst v4;
	v2 =	vadd.f32 v2, v7  }
0x58: {  	v4 =	vld [tilespmem:s9+$0x12030];
	[tilespmem:s7+$0x8040] =	vst v3;
	v1 =	vadd.f32 v1, v6  }
0x59: {  	v3 =	vld [tilespmem:s9+$0x12040];
	[tilespmem:s7+$0x8050] =	vst v2;
	v0 =	vadd.f32 v0, v10  }
0x5a: {  	v2 =	vld [tilespmem:s9+$0x12050];
	[tilespmem:s7+$0x8060] =	vst v1  }
0x5b: {  	v1 =	vld [tilespmem:s9+$0x12060];
	[tilespmem:s7+$0x8070] =	vst v0;
	s7 =	smov.u32 s9  }
0x5c: {  	v0 =	vld [tilespmem:s7+$0x12070]  }
0x5d: {  	v6 =	vld [tilespmem:s7+$0x8000]  }
0x5e: {  	v13 =	vld [tilespmem:s7+$0x8010]  }
.Ltmp4:
0x5f: {  	v10 =	vld [tilespmem:s7+$0x8020];
	(pc) =	sbr.rel @p0 .LBB2_3-.Ltmp4, $4  }
0x60: {  	v9 =	vld [tilespmem:s7+$0x8030]  }
0x61: {  	v8 =	vld [tilespmem:s7+$0x8040]  }
0x62: {  	v12 =	vadd.f32 v12, v6;
	v7 =	vld [tilespmem:s7+$0x8050]  }
0x63: {  	s8 =	sadd.s32 $0x200, s8;
	v11 =	vadd.f32 v11, v13;
	v6 =	vld [tilespmem:s7+$0x8060]  }
0x64: {  	[tilespmem:s7+$0x8000] =	vst v12;
	v5 =	vadd.f32 v5, v10;
	v63 =	vld [tilespmem:s7+$0x8070]  }
0x65: {  	[tilespmem:s7+$0x8010] =	vst v11;
	v4 =	vadd.f32 v4, v9  }
0x66: {  	[tilespmem:s7+$0x8020] =	vst v5;
	v3 =	vadd.f32 v3, v8  }
0x67: {  	s8 =	smul.u32 $0x140, s17;
	[tilespmem:s7+$0x8030] =	vst v4;
	v2 =	vadd.f32 v2, v7  }
0x68: {  	s18 =	sshll.u32 s17, $0x2;
	[tilespmem:s7+$0x8040] =	vst v3;
	v1 =	vadd.f32 v1, v6  }
0x69: {  	s11 =	sadd.s32 $0xFFFFFFFE, s18;
	s8 =	sadd.s32 s6, s8;
	[tilespmem:s7+$0x8050] =	vst v2;
	v0 =	vadd.f32 v0, v63  }
0x6a: {  	p0 =	sgt.u32 s11, $0x78;
	s8 =	sshll.u32 s8, $0x4;
	[tilespmem:s7+$0x8060] =	vst v1  }
0x6b: {  	s9 =	sadd.s32 s5, s8;
	[tilespmem:s7+$0x8070] =	vst v0;
	s7 =	simm.s32 @!p0 $0xB  }
0x6c: {  	[hbm4b:s9+s3] =	stream.linear.scatter [tilespmem:s13], [sflag:$0x9], $0x2800, $0x38;
	[tilespmem:$0x1C000] =	vst v63  }
0x6d: {  	_ =	swait.ge @!p0 [sflag:s7], $0x2800  }
0x6e: {  	s11 =	sor.u32 $0x2, s18;
	[sflag:s7] =	ssyncset.done @!p0 $0x0  }
0x6f: {  	[sflag:s7] =	ssyncadd.s32 @!p0 $0xFFFFD800;
	p0 =	sgt.u32 s11, $0x7C  }
0x70: {  	s7 =	sshll.u32 @!p0 s11, $0x7;
	s8 =	simm.s32 @!p0 $0x50;
	s9 =	simm.s32 @!p0 $0xD000  }
0x71: {  	[tilespmem:s9], [sflag:$0x3] =	stream.indirect.gather @!p0 [hbm4b:s1+s8], $0x80, s7, s8, $0xb8;
	[tilespmem:$0x1C000] =	vst v63  }
0x72: {  	s7 =	sadd.s32 @!p0 $0x4000, s7;
	s9 =	simm.s32 @!p0 $0x17000  }
0x73: {  	[tilespmem:s9], [sflag:$0x7] =	stream.indirect.gather @!p0 [hbm4b:s4+s8], $0x80, s7, s8, $0xb8;
	[tilespmem:$0x1C000] =	vst v63  }
0x74: {  	s7 =	sor.u32 $0x1, s18  }
0x75: {  	p1 =	sgt.u32 s7, $0x7C  }
.Ltmp5:
0x76: {  	_ = 	snop;
	(pc) =	sbr.rel @p1 .LBB2_8-.Ltmp5, $1  }
0x77: {  	_ =	sdelay $0x3  }
0x78: {  	_ =	swait.ge [sflag:s21], $0x2800  }
0x79: {  	[sflag:s21] =	ssyncset.done $0x0  }
0x7a: {  	[sflag:s21] =	ssyncadd.s32 $0xFFFFD800  }
0x7b: {  	_ =	swait.ge [sflag:s22], $0x2800  }
0x7c: {  	[sflag:s22] =	ssyncset.done $0x0  }
0x7d: {  	s8 =	simm.s32 $0x0;
	[sflag:s22] =	ssyncadd.s32 $0xFFFFD800  }
0x7e: {  	v6 =	vld [tilespmem:s8+$0x14800]  }
0x7f: {  	v11 =	vld [tilespmem:s8+$0x14810]  }
0x80: {  	v5 =	vld [tilespmem:s8+$0x14820]  }
0x81: {  	v4 =	vld [tilespmem:s8+$0x14830]  }
0x82: {  	v3 =	vld [tilespmem:s8+$0x14840]  }
0x83: {  	v2 =	vld [tilespmem:s8+$0x14850]  }
0x84: {  	v1 =	vld [tilespmem:s8+$0x14860]  }
0x85: {  	v0 =	vld [tilespmem:s8+$0x14870]  }
0x86: {  	v12 =	vld [tilespmem:s8+$0xA800]  }
0x87: {  	v13 =	vld [tilespmem:s8+$0xA810]  }
0x88: {  	v10 =	vld [tilespmem:s8+$0xA820]  }
0x89: {  	v9 =	vld [tilespmem:s8+$0xA830]  }
0x8a: {  	v8 =	vld [tilespmem:s8+$0xA840]  }
0x8b: {  	v7 =	vld [tilespmem:s8+$0xA850];
	v12 =	vadd.f32 v6, v12  }
0x8c: {  	s9 =	simm.s32 $0x200;
	v11 =	vadd.f32 v11, v13;
	v6 =	vld [tilespmem:s8+$0xA860]  }
.LBB2_6:
0x8d: {  	s0 =	sshra.s32 s9, $0x2;
	p1 =	sne.s32 s9, $0x9E00;
	[tilespmem:s8+$0xA800] =	vst v12;
	v5 =	vadd.f32 v5, v10;
	v10 =	vld [tilespmem:s8+$0xA870]  }
0x8e: {  	v12 =	vld [tilespmem:s0+$0x14800];
	[tilespmem:s8+$0xA810] =	vst v11;
	v4 =	vadd.f32 v4, v9  }
0x8f: {  	v11 =	vld [tilespmem:s0+$0x14810];
	[tilespmem:s8+$0xA820] =	vst v5;
	v3 =	vadd.f32 v3, v8  }
0x90: {  	v5 =	vld [tilespmem:s0+$0x14820];
	[tilespmem:s8+$0xA830] =	vst v4;
	v2 =	vadd.f32 v2, v7  }
0x91: {  	v4 =	vld [tilespmem:s0+$0x14830];
	[tilespmem:s8+$0xA840] =	vst v3;
	v1 =	vadd.f32 v1, v6  }
0x92: {  	v3 =	vld [tilespmem:s0+$0x14840];
	[tilespmem:s8+$0xA850] =	vst v2;
	v0 =	vadd.f32 v0, v10  }
0x93: {  	v2 =	vld [tilespmem:s0+$0x14850];
	[tilespmem:s8+$0xA860] =	vst v1  }
0x94: {  	v1 =	vld [tilespmem:s0+$0x14860];
	[tilespmem:s8+$0xA870] =	vst v0;
	s8 =	smov.u32 s0  }
0x95: {  	v0 =	vld [tilespmem:s8+$0x14870]  }
0x96: {  	v6 =	vld [tilespmem:s8+$0xA800]  }
0x97: {  	v13 =	vld [tilespmem:s8+$0xA810]  }
.Ltmp6:
0x98: {  	v10 =	vld [tilespmem:s8+$0xA820];
	(pc) =	sbr.rel @p1 .LBB2_6-.Ltmp6, $4  }
0x99: {  	v9 =	vld [tilespmem:s8+$0xA830]  }
0x9a: {  	v8 =	vld [tilespmem:s8+$0xA840]  }
0x9b: {  	v12 =	vadd.f32 v12, v6;
	v7 =	vld [tilespmem:s8+$0xA850]  }
0x9c: {  	s9 =	sadd.s32 $0x200, s9;
	v11 =	vadd.f32 v11, v13;
	v6 =	vld [tilespmem:s8+$0xA860]  }
0x9d: {  	[tilespmem:s8+$0xA800] =	vst v12;
	v5 =	vadd.f32 v5, v10;
	v63 =	vld [tilespmem:s8+$0xA870]  }
0x9e: {  	[tilespmem:s8+$0xA810] =	vst v11;
	v4 =	vadd.f32 v4, v9  }
0x9f: {  	[tilespmem:s8+$0xA820] =	vst v5;
	v3 =	vadd.f32 v3, v8  }
0xa0: {  	s0 =	smul.u32 $0x50, s7;
	[tilespmem:s8+$0xA830] =	vst v4;
	v2 =	vadd.f32 v2, v7  }
0xa1: {  	[tilespmem:s8+$0xA840] =	vst v3;
	v1 =	vadd.f32 v1, v6  }
0xa2: {  	s0 =	sadd.s32 s6, s0;
	[tilespmem:s8+$0xA850] =	vst v2;
	v0 =	vadd.f32 v0, v63  }
0xa3: {  	s0 =	sshll.u32 s0, $0x4;
	[tilespmem:s8+$0xA860] =	vst v1  }
0xa4: {  	s0 =	sadd.s32 s5, s0;
	[tilespmem:s8+$0xA870] =	vst v0  }
0xa5: {  	[hbm4b:s0+s3] =	stream.linear.scatter [tilespmem:s16], [sflag:$0xA], $0x2800, $0x38;
	[tilespmem:$0x1C000] =	vst v63  }
.LBB2_8:
0xa6: {  	s18 =	sor.u32 $0x3, s18;
	p1 =	seq.s32 s17, $0x0  }
0xa7: {  	p2 =	sgt.u32 @!p1 s18, $0x7C  }
0xa8: {  	p1 =	por p1, p2  }
.Ltmp7:
0xa9: {  	_ = 	snop;
	(pc) =	sbr.rel @p1 .LBB2_10-.Ltmp7, $1  }
0xaa: {  	_ =	sdelay $0x3  }
0xab: {  	_ =	swait.ge [sflag:s23], $0x2800  }
0xac: {  	[sflag:s23] =	ssyncset.done $0x0  }
0xad: {  	[sflag:s23] =	ssyncadd.s32 $0xFFFFD800  }
.LBB2_11:
0xae: {  	s0 =	sshll.u32 s18, $0x7  }
0xaf: {  	[tilespmem:s24], [sflag:$0x4] =	stream.indirect.gather [hbm4b:s1+s12], $0x80, s0, s12, $0xb8;
	[tilespmem:$0x1C000] =	vst v63  }
0xb0: {  	s0 =	sadd.s32 $0x4000, s0  }
0xb1: {  	[tilespmem:s25], [sflag:$0x8] =	stream.indirect.gather [hbm4b:s4+s12], $0x80, s0, s12, $0xb8;
	[tilespmem:$0x1C000] =	vst v63  }
.LBB2_12:
.Ltmp8:
0xb2: {  	(pc) =	sbr.rel @p0 .LBB2_16-.Ltmp8, $1  }
0xb3: {  	_ =	sdelay $0x3  }
0xb4: {  	_ =	swait.ge [sflag:s26], $0x2800  }
0xb5: {  	[sflag:s26] =	ssyncset.done $0x0  }
0xb6: {  	[sflag:s26] =	ssyncadd.s32 $0xFFFFD800  }
0xb7: {  	_ =	swait.ge [sflag:s28], $0x2800  }
0xb8: {  	[sflag:s28] =	ssyncset.done $0x0  }
0xb9: {  	s7 =	simm.s32 $0x0;
	[sflag:s28] =	ssyncadd.s32 $0xFFFFD800  }
0xba: {  	v6 =	vld [tilespmem:s7+$0x17000]  }
0xbb: {  	v11 =	vld [tilespmem:s7+$0x17010]  }
0xbc: {  	v5 =	vld [tilespmem:s7+$0x17020]  }
0xbd: {  	v4 =	vld [tilespmem:s7+$0x17030]  }
0xbe: {  	v3 =	vld [tilespmem:s7+$0x17040]  }
0xbf: {  	v2 =	vld [tilespmem:s7+$0x17050]  }
0xc0: {  	v1 =	vld [tilespmem:s7+$0x17060]  }
0xc1: {  	v0 =	vld [tilespmem:s7+$0x17070]  }
0xc2: {  	v12 =	vld [tilespmem:s7+$0xD000]  }
0xc3: {  	v13 =	vld [tilespmem:s7+$0xD010]  }
0xc4: {  	v10 =	vld [tilespmem:s7+$0xD020]  }
0xc5: {  	v9 =	vld [tilespmem:s7+$0xD030]  }
0xc6: {  	v8 =	vld [tilespmem:s7+$0xD040]  }
0xc7: {  	v7 =	vld [tilespmem:s7+$0xD050];
	v12 =	vadd.f32 v6, v12  }
0xc8: {  	s8 =	simm.s32 $0x200;
	v11 =	vadd.f32 v11, v13;
	v6 =	vld [tilespmem:s7+$0xD060]  }
.LBB2_14:
0xc9: {  	s0 =	sshra.s32 s8, $0x2;
	p0 =	sne.s32 s8, $0x9E00;
	[tilespmem:s7+$0xD000] =	vst v12;
	v5 =	vadd.f32 v5, v10;
	v10 =	vld [tilespmem:s7+$0xD070]  }
0xca: {  	v12 =	vld [tilespmem:s0+$0x17000];
	[tilespmem:s7+$0xD010] =	vst v11;
	v4 =	vadd.f32 v4, v9  }
0xcb: {  	v11 =	vld [tilespmem:s0+$0x17010];
	[tilespmem:s7+$0xD020] =	vst v5;
	v3 =	vadd.f32 v3, v8  }
0xcc: {  	v5 =	vld [tilespmem:s0+$0x17020];
	[tilespmem:s7+$0xD030] =	vst v4;
	v2 =	vadd.f32 v2, v7  }
0xcd: {  	v4 =	vld [tilespmem:s0+$0x17030];
	[tilespmem:s7+$0xD040] =	vst v3;
	v1 =	vadd.f32 v1, v6  }
0xce: {  	v3 =	vld [tilespmem:s0+$0x17040];
	[tilespmem:s7+$0xD050] =	vst v2;
	v0 =	vadd.f32 v0, v10  }
0xcf: {  	v2 =	vld [tilespmem:s0+$0x17050];
	[tilespmem:s7+$0xD060] =	vst v1  }
0xd0: {  	v1 =	vld [tilespmem:s0+$0x17060];
	[tilespmem:s7+$0xD070] =	vst v0;
	s7 =	smov.u32 s0  }
0xd1: {  	v0 =	vld [tilespmem:s7+$0x17070]  }
0xd2: {  	v6 =	vld [tilespmem:s7+$0xD000]  }
0xd3: {  	v13 =	vld [tilespmem:s7+$0xD010]  }
.Ltmp9:
0xd4: {  	v10 =	vld [tilespmem:s7+$0xD020];
	(pc) =	sbr.rel @p0 .LBB2_14-.Ltmp9, $4  }
0xd5: {  	v9 =	vld [tilespmem:s7+$0xD030]  }
0xd6: {  	v8 =	vld [tilespmem:s7+$0xD040]  }
0xd7: {  	v12 =	vadd.f32 v12, v6;
	v7 =	vld [tilespmem:s7+$0xD050]  }
0xd8: {  	s8 =	sadd.s32 $0x200, s8;
	v11 =	vadd.f32 v11, v13;
	v6 =	vld [tilespmem:s7+$0xD060]  }
0xd9: {  	[tilespmem:s7+$0xD000] =	vst v12;
	v5 =	vadd.f32 v5, v10;
	v63 =	vld [tilespmem:s7+$0xD070]  }
0xda: {  	[tilespmem:s7+$0xD010] =	vst v11;
	v4 =	vadd.f32 v4, v9  }
0xdb: {  	[tilespmem:s7+$0xD020] =	vst v5;
	v3 =	vadd.f32 v3, v8  }
0xdc: {  	s0 =	smul.u32 $0x50, s11;
	[tilespmem:s7+$0xD030] =	vst v4;
	v2 =	vadd.f32 v2, v7  }
0xdd: {  	[tilespmem:s7+$0xD040] =	vst v3;
	v1 =	vadd.f32 v1, v6  }
0xde: {  	s0 =	sadd.s32 s6, s0;
	[tilespmem:s7+$0xD050] =	vst v2;
	v0 =	vadd.f32 v0, v63  }
0xdf: {  	s0 =	sshll.u32 s0, $0x4;
	[tilespmem:s7+$0xD060] =	vst v1  }
0xe0: {  	s0 =	sadd.s32 s5, s0;
	[tilespmem:s7+$0xD070] =	vst v0  }
0xe1: {  	[hbm4b:s0+s3] =	stream.linear.scatter [tilespmem:s29], [sflag:$0xB], $0x2800, $0x38;
	[tilespmem:$0x1C000] =	vst v63  }
.LBB2_16:
0xe2: {  	p0 =	seq.s32 s17, $0x1F  }
0xe3: {  	s0 =	simm.s32 @!p0 $0x9  }
0xe4: {  	_ =	swait.ge @!p0 [sflag:s0], $0x2800  }
0xe5: {  	[sflag:s0] =	ssyncset.done @!p0 $0x0  }
0xe6: {  	[sflag:s0] =	ssyncadd.s32 @!p0 $0xFFFFD800;
	s0 =	sshll.u32 @!p0 s17, $0x9  }
0xe7: {  	s8 =	simm.s32 @!p0 $0x50;
	s9 =	simm.s32 @!p0 $0x8000;
	s7 =	sadd.s32 @!p0 $0x200, s0  }
0xe8: {  	[tilespmem:s9], [sflag:$0x1] =	stream.indirect.gather @!p0 [hbm4b:s1+s8], $0x80, s7, s8, $0xb8;
	[tilespmem:$0x1C000] =	vst v63  }
0xe9: {  	s0 =	sadd.s32 @!p0 $0x4200, s0;
	s7 =	simm.s32 @!p0 $0x12000  }
0xea: {  	[tilespmem:s7], [sflag:$0x5] =	stream.indirect.gather @!p0 [hbm4b:s4+s8], $0x80, s0, s8, $0xb8;
	[tilespmem:$0x1C000] =	vst v63  }
0xeb: {  	p0 =	sgt.u32 s18, $0x7C  }
.Ltmp10:
0xec: {  	_ = 	snop;
	(pc) =	sbr.rel @p0 .LBB2_20-.Ltmp10, $1  }
0xed: {  	_ =	sdelay $0x3  }
0xee: {  	_ =	swait.ge [sflag:s30], $0x2800  }
0xef: {  	[sflag:s30] =	ssyncset.done $0x0  }
0xf0: {  	[sflag:s30] =	ssyncadd.s32 $0xFFFFD800  }
0xf1: {  	_ =	swait.ge [sflag:s31], $0x2800  }
0xf2: {  	[sflag:s31] =	ssyncset.done $0x0  }
0xf3: {  	s7 =	simm.s32 $0x0;
	[sflag:s31] =	ssyncadd.s32 $0xFFFFD800  }
0xf4: {  	v6 =	vld [tilespmem:s7+$0x19800]  }
0xf5: {  	v11 =	vld [tilespmem:s7+$0x19810]  }
0xf6: {  	v5 =	vld [tilespmem:s7+$0x19820]  }
0xf7: {  	v4 =	vld [tilespmem:s7+$0x19830]  }
0xf8: {  	v3 =	vld [tilespmem:s7+$0x19840]  }
0xf9: {  	v2 =	vld [tilespmem:s7+$0x19850]  }
0xfa: {  	v1 =	vld [tilespmem:s7+$0x19860]  }
0xfb: {  	v0 =	vld [tilespmem:s7+$0x19870]  }
0xfc: {  	v12 =	vld [tilespmem:s7+$0xF800]  }
0xfd: {  	v13 =	vld [tilespmem:s7+$0xF810]  }
0xfe: {  	v10 =	vld [tilespmem:s7+$0xF820]  }
0xff: {  	v9 =	vld [tilespmem:s7+$0xF830]  }
0x100: {  	v8 =	vld [tilespmem:s7+$0xF840]  }
0x101: {  	v7 =	vld [tilespmem:s7+$0xF850];
	v12 =	vadd.f32 v6, v12  }
0x102: {  	s8 =	simm.s32 $0x200;
	v11 =	vadd.f32 v11, v13;
	v6 =	vld [tilespmem:s7+$0xF860]  }
.LBB2_18:
0x103: {  	s0 =	sshra.s32 s8, $0x2;
	p0 =	sne.s32 s8, $0x9E00;
	[tilespmem:s7+$0xF800] =	vst v12;
	v5 =	vadd.f32 v5, v10;
	v10 =	vld [tilespmem:s7+$0xF870]  }
0x104: {  	v12 =	vld [tilespmem:s0+$0x19800];
	[tilespmem:s7+$0xF810] =	vst v11;
	v4 =	vadd.f32 v4, v9  }
0x105: {  	v11 =	vld [tilespmem:s0+$0x19810];
	[tilespmem:s7+$0xF820] =	vst v5;
	v3 =	vadd.f32 v3, v8  }
0x106: {  	v5 =	vld [tilespmem:s0+$0x19820];
	[tilespmem:s7+$0xF830] =	vst v4;
	v2 =	vadd.f32 v2, v7  }
0x107: {  	v4 =	vld [tilespmem:s0+$0x19830];
	[tilespmem:s7+$0xF840] =	vst v3;
	v1 =	vadd.f32 v1, v6  }
0x108: {  	v3 =	vld [tilespmem:s0+$0x19840];
	[tilespmem:s7+$0xF850] =	vst v2;
	v0 =	vadd.f32 v0, v10  }
0x109: {  	v2 =	vld [tilespmem:s0+$0x19850];
	[tilespmem:s7+$0xF860] =	vst v1  }
0x10a: {  	v1 =	vld [tilespmem:s0+$0x19860];
	[tilespmem:s7+$0xF870] =	vst v0;
	s7 =	smov.u32 s0  }
0x10b: {  	v0 =	vld [tilespmem:s7+$0x19870]  }
0x10c: {  	v6 =	vld [tilespmem:s7+$0xF800]  }
0x10d: {  	v13 =	vld [tilespmem:s7+$0xF810]  }
.Ltmp11:
0x10e: {  	v10 =	vld [tilespmem:s7+$0xF820];
	(pc) =	sbr.rel @p0 .LBB2_18-.Ltmp11, $4  }
0x10f: {  	v9 =	vld [tilespmem:s7+$0xF830]  }
0x110: {  	v8 =	vld [tilespmem:s7+$0xF840]  }
0x111: {  	v12 =	vadd.f32 v12, v6;
	v7 =	vld [tilespmem:s7+$0xF850]  }
0x112: {  	s8 =	sadd.s32 $0x200, s8;
	v11 =	vadd.f32 v11, v13;
	v6 =	vld [tilespmem:s7+$0xF860]  }
0x113: {  	[tilespmem:s7+$0xF800] =	vst v12;
	v5 =	vadd.f32 v5, v10;
	v63 =	vld [tilespmem:s7+$0xF870]  }
0x114: {  	[tilespmem:s7+$0xF810] =	vst v11;
	v4 =	vadd.f32 v4, v9  }
0x115: {  	[tilespmem:s7+$0xF820] =	vst v5;
	v3 =	vadd.f32 v3, v8  }
0x116: {  	s0 =	smul.u32 $0x50, s18;
	[tilespmem:s7+$0xF830] =	vst v4;
	v2 =	vadd.f32 v2, v7  }
.Ltmp12:
0x117: {  	[tilespmem:s7+$0xF840] =	vst v3;
	v1 =	vadd.f32 v1, v6;
	(pc) =	sbr.rel .LBB2_20-.Ltmp12, $4  }
0x118: {  	s0 =	sadd.s32 s6, s0;
	[tilespmem:s7+$0xF850] =	vst v2;
	v0 =	vadd.f32 v0, v63  }
0x119: {  	s0 =	sshll.u32 s0, $0x4;
	[tilespmem:s7+$0xF860] =	vst v1  }
0x11a: {  	s0 =	sadd.s32 s5, s0;
	[tilespmem:s7+$0xF870] =	vst v0  }
0x11b: {  	[hbm4b:s0+s3] =	stream.linear.scatter [tilespmem:s24], [sflag:$0xC], $0x2800, $0x38;
	[tilespmem:$0x1C000] =	vst v63  }
.LBB2_10:
0x11c: {  	p1 =	sgt.u32 s18, $0x7C  }
.Ltmp13:
0x11d: {  	_ = 	snop;
	(pc) =	sbr.rel @p1 .LBB2_12-.Ltmp13, $4  }
.Ltmp14:
0x11e: {  	_ = 	snop;
	(pc) =	sbr.rel @!p1 .LBB2_11-.Ltmp14, $4  }
0x11f: {  	_ = 	snop  }
0x120: {  	_ = 	snop  }
0x121: {  	_ = 	snop  }
0x122: {  	_ = 	snop  }
.LBB2_22:
0x123: {  	_ =	sfence.sel $0x180000  }
0x124: {  	[bflag:$0x0] =	sbarrier.arrive $0xFFFF  }
0x125: {  	_ =	strace $0x90000047  }
0x126: {  	s0 =	stileid.u32;
	[bflag:$0x2] =	sbarrier.arrive $0xFFFF  }
0x127: {  	p0 =	sne.s32 s0, $0x0;
	s0 =	rddreg [dreg:$0x2]  }
0x128: {  	s0 =	sadd.s32 @!p0 $0x100000, s0  }
0x129: {  	[sflag:s0] =	ssyncadd.tile.s32 @!p0 $0x1;
	_ =	shalt  }
.Lfunc_end2:
_tile_overlayer_lowered:
.L_overlay_start_2:
0x12a: {  	(tag) =	ssettag $0x2  }
0x12b: {  	s0 =	rddreg [dreg:$0x0];
	s2 =	stileid.u32  }
0x12c: {  	s1 =	rddreg [dreg:$0x1];
	p0 =	sne.s32 s2, $0x0  }
0x12d: {  	s3 =	rddreg [dreg:$0x2];
	[bflag:$0x3] =	sbarrier.arrive $0xFFFF;
	s2 =	simm.s32 @!p0 $0x1C0D  }
0x12e: {  	[timem:s3], [sflag:s2] =	dma.local @!p0 [hbm:s0], s1  }
0x12f: {  	s0 =	simm.s32 @!p0 $0xD  }
0x130: {  	_ =	swait.ge @!p0 [sflag:s0], s1  }
0x131: {  	s1 =	ssub.s32 @!p0 $0x0, s1;
	[sflag:s0] =	ssyncset.done @!p0 $0x0  }
0x132: {  	[sflag:s0] =	ssyncadd.s32 @!p0 s1  }
0x133: {  	[bflag:$0x3] =	sbarrier.arrive $0xFFFF  }
0x134: {  	_ =	shalt  }

</sc_bundles>
